<compile_context>
chip_gen: v7x
topology: tpu7x:2x2x1
jax: 0.10.2.dev20260603
libtpu: 0.0.44.dev20260713+nightly
codegen_flags: <defaults>
</compile_context>

<pallas_src>
import functools

import jax
import jax.numpy as jnp
from jax import lax
from jax.experimental import pallas as pl
from jax.experimental.pallas import tpu as pltpu
from jax.experimental.pallas import tpu_sc as plsc

DIM = 32
LANES = 16
CHUNK = 128

try:
    _info = plsc.get_sparse_core_info()
    _NC, _NS = _info.num_cores, _info.num_subcores
except Exception:
    _NC, _NS = 2, 16
NW = _NC * _NS


def _sqrt16(x):
    i = plsc.bitcast(x, jnp.int32)
    y = plsc.bitcast(jnp.int32(0x5F3759DF) - (i >> 1), jnp.float32)
    for _ in range(3):
        y = y * (1.5 - 0.5 * x * y * y)
    return x * y


@functools.lru_cache(maxsize=None)
def _build(batch, n_ent, n_rel, dim):
    assert dim == DIM
    bpw = batch // NW
    idx_rows = bpw // CHUNK
    gpc = CHUNK // LANES
    mesh = plsc.VectorSubcoreMesh(core_axis_name="c", subcore_axis_name="s",
                                  num_cores=_NC)

    @functools.partial(
        pl.kernel,
        out_type=jax.ShapeDtypeStruct((batch,), jnp.float32),
        mesh=mesh,
        compiler_params=pltpu.CompilerParams(needs_layout_passes=False,
                                             use_tc_tiling_on_sc=False),
        scratch_types=[
            pltpu.VMEM((idx_rows, CHUNK), jnp.int32),
            pltpu.VMEM((idx_rows, CHUNK), jnp.int32),
            pltpu.VMEM((idx_rows, CHUNK), jnp.int32),
            pltpu.VMEM((bpw, DIM), jnp.float32),
            pltpu.VMEM((bpw, DIM), jnp.float32),
            pltpu.VMEM((bpw, DIM), jnp.float32),
            pltpu.VMEM((bpw,), jnp.float32),
            pltpu.SemaphoreType.DMA((idx_rows,)),
            pltpu.SemaphoreType.DMA((idx_rows,)),
            pltpu.SemaphoreType.DMA((idx_rows,)),
        ],
    )
    def sc_kernel(h_i, r_i, t_i, ent, rel, out, hi_v, ri_v, ti_v,
                  hr_v, rr_v, tr_v, out_v, sem_h, sem_r, sem_t):
        wid = lax.axis_index("s") * _NC + lax.axis_index("c")
        rowbase = wid * idx_rows
        base = wid * bpw
        pltpu.sync_copy(h_i.at[pl.ds(rowbase, idx_rows)], hi_v)
        pltpu.sync_copy(r_i.at[pl.ds(rowbase, idx_rows)], ri_v)
        pltpu.sync_copy(t_i.at[pl.ds(rowbase, idx_rows)], ti_v)
        copies = []
        for j in range(idx_rows):
            dst = pl.ds(j * CHUNK, CHUNK)
            copies.append((
                pltpu.async_copy(ent.at[hi_v.at[j]], hr_v.at[dst], sem_h.at[j]),
                pltpu.async_copy(rel.at[ri_v.at[j]], rr_v.at[dst], sem_r.at[j]),
                pltpu.async_copy(ent.at[ti_v.at[j]], tr_v.at[dst], sem_t.at[j]),
            ))

        lane = lax.iota(jnp.int32, LANES)

        def group(g, carry):
            rows = g * LANES + lane
            acc = jnp.zeros((LANES,), jnp.float32)
            for d in range(DIM):
                dcol = jnp.full((LANES,), d, jnp.int32)
                vh = plsc.load_gather(hr_v, [rows, dcol])
                vr = plsc.load_gather(rr_v, [rows, dcol])
                vt = plsc.load_gather(tr_v, [rows, dcol])
                dv = vh + vr - vt
                acc = acc + dv * dv
            out_v[pl.ds(g * LANES, LANES)] = _sqrt16(acc)
            return carry

        for j in range(idx_rows):
            for cpy in copies[j]:
                cpy.wait()
            lax.fori_loop(j * gpc, (j + 1) * gpc, group, 0)

        pltpu.sync_copy(out_v, out.at[pl.ds(base, bpw)])

    return sc_kernel


def kernel(h_idx, r_idx, t_idx, entity_emb, relation_emb):
    batch = h_idx.shape[0]
    fn = _build(batch, entity_emb.shape[0], relation_emb.shape[0],
                entity_emb.shape[1])
    h2 = h_idx.astype(jnp.int32).reshape(batch // CHUNK, CHUNK)
    r2 = r_idx.astype(jnp.int32).reshape(batch // CHUNK, CHUNK)
    t2 = t_idx.astype(jnp.int32).reshape(batch // CHUNK, CHUNK)
    return fn(h2, r2, t2, entity_emb, relation_emb)

# --- scband reference (transcript-rebuilt; emitter-appended) ---
"""Pipeline reference for scband-trans-e-39041252720912 (READ-ONLY COPY).

The authoritative reference and input builder live on the scoring server;
editing this copy changes nothing except your own understanding.
"""

import jax, jax.numpy as jnp
import numpy as np

N_ENTITIES = 1000000
N_RELATIONS = 1000
DIM = 32
BATCH = 16384

def setup_inputs(seed: int = 0) -> dict:
    key = jax.random.key(seed)
    k1, k2, k3, k4, k5 = jax.random.split(key, 5)
    h_idx = jax.random.randint(k1, (BATCH,), 0, N_ENTITIES, dtype=jnp.int64 if jax.config.jax_enable_x64 else jnp.int32)
    r_idx = jax.random.randint(k2, (BATCH,), 0, N_RELATIONS, dtype=jnp.int64 if jax.config.jax_enable_x64 else jnp.int32)
    t_idx = jax.random.randint(k3, (BATCH,), 0, N_ENTITIES, dtype=jnp.int64 if jax.config.jax_enable_x64 else jnp.int32)
    entity_emb = jax.random.uniform(k4, (N_ENTITIES, DIM), dtype=jnp.float32, minval=-0.01, maxval=0.01)
    relation_emb = jax.random.uniform(k5, (N_RELATIONS, DIM), dtype=jnp.float32, minval=-0.01, maxval=0.01)
    return {"h_idx": h_idx, "r_idx": r_idx, "t_idx": t_idx, "entity_emb": entity_emb, "relation_emb": relation_emb}

def reference(h_idx, r_idx, t_idx, entity_emb, relation_emb):
    h = jnp.take(entity_emb, h_idx, axis=0)
    r = jnp.take(relation_emb, r_idx, axis=0)
    t = jnp.take(entity_emb, t_idx, axis=0)
    return jnp.sqrt(jnp.sum(jnp.square(h + r - t), axis=1))

if __name__ == "__main__":
    import jax
    _d = setup_inputs()
    print(jax.jit(kernel)(*tuple(_d.values())))

</pallas_src>

<mosaic_0001>
#map = affine_map<(d0, d1) -> (0, 0)>
#map1 = affine_map<(d0, d1) -> (0)>
module attributes {stable_mosaic.version = 14 : i64} {
  func.func @sc_kernel(%arg0: i32, %arg1: i32, %arg2: memref<128x128xi32, #tpu.memory_space<hbm>>, %arg3: memref<128x128xi32, #tpu.memory_space<hbm>>, %arg4: memref<128x128xi32, #tpu.memory_space<hbm>>, %arg5: memref<1000000x32xf32, #tpu.memory_space<hbm>>, %arg6: memref<1000x32xf32, #tpu.memory_space<hbm>>, %arg7: memref<16384xf32, #tpu.memory_space<hbm>>, %arg8: memref<4x128xi32, #tpu.memory_space<vmem>>, %arg9: memref<4x128xi32, #tpu.memory_space<vmem>>, %arg10: memref<4x128xi32, #tpu.memory_space<vmem>>, %arg11: memref<512x32xf32, #tpu.memory_space<vmem>>, %arg12: memref<512x32xf32, #tpu.memory_space<vmem>>, %arg13: memref<512x32xf32, #tpu.memory_space<vmem>>, %arg14: memref<512xf32, #tpu.memory_space<vmem>>, %arg15: memref<4x!tpu.dma_semaphore, #tpu.memory_space<semaphore_mem>>, %arg16: memref<4x!tpu.dma_semaphore, #tpu.memory_space<semaphore_mem>>, %arg17: memref<4x!tpu.dma_semaphore, #tpu.memory_space<semaphore_mem>>) attributes {dimension_semantics = [#tpu.dimension_semantics<core_parallel>, #tpu.dimension_semantics<subcore_parallel>], iteration_bounds = array<i64: 2, 16>, scalar_prefetch = 0 : i64, scratch_operands = 10 : i64, tpu.core_type = #tpu.core_type<sc_vector_subcore>, window_params = [{transform_indices = #map}, {transform_indices = #map}, {transform_indices = #map}, {transform_indices = #map}, {transform_indices = #map}, {transform_indices = #map1}]} {
    %mul3A = arith.constant 2 : i32
    %mul3A_0 = arith.muli %arg1, %mul3A : i32
    %add3A = arith.addi %mul3A_0, %arg0 : i32
    %mul3A_1 = arith.constant 4 : i32
    %mul3A_2 = arith.muli %add3A, %mul3A_1 : i32
    %mul3A_3 = arith.constant 512 : i32
    %mul3A_4 = arith.muli %add3A, %mul3A_3 : i32
    "tpu.region"() ({
      %run_scoped3A = tpu.sem_alloc : memref<!tpu.dma_semaphore, #tpu.memory_space<semaphore_mem>>
      %dma_start3A_338 = arith.constant 0 : i32
      %dma_start3A_339 = tpu.memref_slice %arg2[%mul3A_2, %dma_start3A_338] : memref<128x128xi32, #tpu.memory_space<hbm>> -> memref<4x128xi32, #tpu.memory_space<hbm>>
      %dma_start3A_340 = arith.constant 0 : i32
      %dma_start3A_341 = tpu.memref_slice %arg2[%mul3A_2, %dma_start3A_340] : memref<128x128xi32, #tpu.memory_space<hbm>> -> memref<4x128xi32, #tpu.memory_space<hbm>>
      tpu.enqueue_dma source(%dma_start3A_341 : memref<4x128xi32, #tpu.memory_space<hbm>>) target(%arg8 : memref<4x128xi32, #tpu.memory_space<vmem>>) target_semaphore(%run_scoped3A : memref<!tpu.dma_semaphore, #tpu.memory_space<semaphore_mem>>)
      %dma_wait3A_342 = arith.constant 0 : i32
      %dma_wait3A_343 = tpu.memref_slice %arg2[%mul3A_2, %dma_wait3A_342] : memref<128x128xi32, #tpu.memory_space<hbm>> -> memref<4x128xi32, #tpu.memory_space<hbm>>
      %dma_wait3A_344 = arith.constant 0 : i32
      %dma_wait3A_345 = tpu.memref_slice %arg2[%mul3A_2, %dma_wait3A_344] : memref<128x128xi32, #tpu.memory_space<hbm>> -> memref<4x128xi32, #tpu.memory_space<hbm>>
      tpu.wait_dma2 semaphore(%run_scoped3A : memref<!tpu.dma_semaphore, #tpu.memory_space<semaphore_mem>>) src(%dma_wait3A_345 : memref<4x128xi32, #tpu.memory_space<hbm>>) dst(%arg8 : memref<4x128xi32, #tpu.memory_space<vmem>>)
      tpu.yield
    }) : () -> ()
    "tpu.region"() ({
      %run_scoped3A = tpu.sem_alloc : memref<!tpu.dma_semaphore, #tpu.memory_space<semaphore_mem>>
      %dma_start3A_338 = arith.constant 0 : i32
      %dma_start3A_339 = tpu.memref_slice %arg3[%mul3A_2, %dma_start3A_338] : memref<128x128xi32, #tpu.memory_space<hbm>> -> memref<4x128xi32, #tpu.memory_space<hbm>>
      %dma_start3A_340 = arith.constant 0 : i32
      %dma_start3A_341 = tpu.memref_slice %arg3[%mul3A_2, %dma_start3A_340] : memref<128x128xi32, #tpu.memory_space<hbm>> -> memref<4x128xi32, #tpu.memory_space<hbm>>
      tpu.enqueue_dma source(%dma_start3A_341 : memref<4x128xi32, #tpu.memory_space<hbm>>) target(%arg9 : memref<4x128xi32, #tpu.memory_space<vmem>>) target_semaphore(%run_scoped3A : memref<!tpu.dma_semaphore, #tpu.memory_space<semaphore_mem>>)
      %dma_wait3A_342 = arith.constant 0 : i32
      %dma_wait3A_343 = tpu.memref_slice %arg3[%mul3A_2, %dma_wait3A_342] : memref<128x128xi32, #tpu.memory_space<hbm>> -> memref<4x128xi32, #tpu.memory_space<hbm>>
      %dma_wait3A_344 = arith.constant 0 : i32
      %dma_wait3A_345 = tpu.memref_slice %arg3[%mul3A_2, %dma_wait3A_344] : memref<128x128xi32, #tpu.memory_space<hbm>> -> memref<4x128xi32, #tpu.memory_space<hbm>>
      tpu.wait_dma2 semaphore(%run_scoped3A : memref<!tpu.dma_semaphore, #tpu.memory_space<semaphore_mem>>) src(%dma_wait3A_345 : memref<4x128xi32, #tpu.memory_space<hbm>>) dst(%arg9 : memref<4x128xi32, #tpu.memory_space<vmem>>)
      tpu.yield
    }) : () -> ()
    "tpu.region"() ({
      %run_scoped3A = tpu.sem_alloc : memref<!tpu.dma_semaphore, #tpu.memory_space<semaphore_mem>>
      %dma_start3A_338 = arith.constant 0 : i32
      %dma_start3A_339 = tpu.memref_slice %arg4[%mul3A_2, %dma_start3A_338] : memref<128x128xi32, #tpu.memory_space<hbm>> -> memref<4x128xi32, #tpu.memory_space<hbm>>
      %dma_start3A_340 = arith.constant 0 : i32
      %dma_start3A_341 = tpu.memref_slice %arg4[%mul3A_2, %dma_start3A_340] : memref<128x128xi32, #tpu.memory_space<hbm>> -> memref<4x128xi32, #tpu.memory_space<hbm>>
      tpu.enqueue_dma source(%dma_start3A_341 : memref<4x128xi32, #tpu.memory_space<hbm>>) target(%arg10 : memref<4x128xi32, #tpu.memory_space<vmem>>) target_semaphore(%run_scoped3A : memref<!tpu.dma_semaphore, #tpu.memory_space<semaphore_mem>>)
      %dma_wait3A_342 = arith.constant 0 : i32
      %dma_wait3A_343 = tpu.memref_slice %arg4[%mul3A_2, %dma_wait3A_342] : memref<128x128xi32, #tpu.memory_space<hbm>> -> memref<4x128xi32, #tpu.memory_space<hbm>>
      %dma_wait3A_344 = arith.constant 0 : i32
      %dma_wait3A_345 = tpu.memref_slice %arg4[%mul3A_2, %dma_wait3A_344] : memref<128x128xi32, #tpu.memory_space<hbm>> -> memref<4x128xi32, #tpu.memory_space<hbm>>
      tpu.wait_dma2 semaphore(%run_scoped3A : memref<!tpu.dma_semaphore, #tpu.memory_space<semaphore_mem>>) src(%dma_wait3A_345 : memref<4x128xi32, #tpu.memory_space<hbm>>) dst(%arg10 : memref<4x128xi32, #tpu.memory_space<vmem>>)
      tpu.yield
    }) : () -> ()
    %dma_start3A = arith.constant 0 : i32
    %dma_start3A_5 = arith.constant 0 : i32
    %dma_start3A_6 = arith.constant 0 : i32
    %dma_start3A_7 = arith.constant 0 : i32
    %dma_start3A_8 = tpu.memref_slice %arg11[%dma_start3A_6, %dma_start3A_7] : memref<512x32xf32, #tpu.memory_space<vmem>> -> memref<128x32xf32, #tpu.memory_space<vmem>>
    %dma_start3A_9 = arith.constant 0 : i32
    %dma_start3A_10 = tpu.memref_slice %arg8[%dma_start3A, %dma_start3A_9] : memref<4x128xi32, #tpu.memory_space<vmem>> -> memref<1x128xi32, #tpu.memory_space<vmem>>
    %dma_start3A_11 = tpu.memref_squeeze %dma_start3A_10 : memref<1x128xi32, #tpu.memory_space<vmem>> -> memref<128xi32, #tpu.memory_space<vmem>>
    %dma_start3A_12 = arith.constant 0 : i32
    %dma_start3A_13 = arith.constant 0 : i32
    %dma_start3A_14 = tpu.memref_slice %arg5[%dma_start3A_12, %dma_start3A_13] : memref<1000000x32xf32, #tpu.memory_space<hbm>> -> memref<1000000x32xf32, #tpu.memory_space<hbm>>
    %dma_start3A_15 = tpu.memref_slice %arg15[%dma_start3A_5] : memref<4x!tpu.dma_semaphore, #tpu.memory_space<semaphore_mem>> -> memref<1x!tpu.dma_semaphore, #tpu.memory_space<semaphore_mem>>
    %dma_start3A_16 = tpu.memref_squeeze %dma_start3A_15 : memref<1x!tpu.dma_semaphore, #tpu.memory_space<semaphore_mem>> -> memref<!tpu.dma_semaphore, #tpu.memory_space<semaphore_mem>>
    tpu.enqueue_indirect_dma source(%dma_start3A_14 : memref<1000000x32xf32, #tpu.memory_space<hbm>>) target(%dma_start3A_8 : memref<128x32xf32, #tpu.memory_space<vmem>>) offsets(%dma_start3A_11 : memref<128xi32, #tpu.memory_space<vmem>>) semaphore(%dma_start3A_16 : memref<!tpu.dma_semaphore, #tpu.memory_space<semaphore_mem>>)
    %dma_start3A_17 = arith.constant 0 : i32
    %dma_start3A_18 = arith.constant 0 : i32
    %dma_start3A_19 = arith.constant 0 : i32
    %dma_start3A_20 = arith.constant 0 : i32
    %dma_start3A_21 = tpu.memref_slice %arg12[%dma_start3A_19, %dma_start3A_20] : memref<512x32xf32, #tpu.memory_space<vmem>> -> memref<128x32xf32, #tpu.memory_space<vmem>>
    %dma_start3A_22 = arith.constant 0 : i32
    %dma_start3A_23 = tpu.memref_slice %arg9[%dma_start3A_17, %dma_start3A_22] : memref<4x128xi32, #tpu.memory_space<vmem>> -> memref<1x128xi32, #tpu.memory_space<vmem>>
    %dma_start3A_24 = tpu.memref_squeeze %dma_start3A_23 : memref<1x128xi32, #tpu.memory_space<vmem>> -> memref<128xi32, #tpu.memory_space<vmem>>
    %dma_start3A_25 = arith.constant 0 : i32
    %dma_start3A_26 = arith.constant 0 : i32
    %dma_start3A_27 = tpu.memref_slice %arg6[%dma_start3A_25, %dma_start3A_26] : memref<1000x32xf32, #tpu.memory_space<hbm>> -> memref<1000x32xf32, #tpu.memory_space<hbm>>
    %dma_start3A_28 = tpu.memref_slice %arg16[%dma_start3A_18] : memref<4x!tpu.dma_semaphore, #tpu.memory_space<semaphore_mem>> -> memref<1x!tpu.dma_semaphore, #tpu.memory_space<semaphore_mem>>
    %dma_start3A_29 = tpu.memref_squeeze %dma_start3A_28 : memref<1x!tpu.dma_semaphore, #tpu.memory_space<semaphore_mem>> -> memref<!tpu.dma_semaphore, #tpu.memory_space<semaphore_mem>>
    tpu.enqueue_indirect_dma source(%dma_start3A_27 : memref<1000x32xf32, #tpu.memory_space<hbm>>) target(%dma_start3A_21 : memref<128x32xf32, #tpu.memory_space<vmem>>) offsets(%dma_start3A_24 : memref<128xi32, #tpu.memory_space<vmem>>) semaphore(%dma_start3A_29 : memref<!tpu.dma_semaphore, #tpu.memory_space<semaphore_mem>>)
    %dma_start3A_30 = arith.constant 0 : i32
    %dma_start3A_31 = arith.constant 0 : i32
    %dma_start3A_32 = arith.constant 0 : i32
    %dma_start3A_33 = arith.constant 0 : i32
    %dma_start3A_34 = tpu.memref_slice %arg13[%dma_start3A_32, %dma_start3A_33] : memref<512x32xf32, #tpu.memory_space<vmem>> -> memref<128x32xf32, #tpu.memory_space<vmem>>
    %dma_start3A_35 = arith.constant 0 : i32
    %dma_start3A_36 = tpu.memref_slice %arg10[%dma_start3A_30, %dma_start3A_35] : memref<4x128xi32, #tpu.memory_space<vmem>> -> memref<1x128xi32, #tpu.memory_space<vmem>>
    %dma_start3A_37 = tpu.memref_squeeze %dma_start3A_36 : memref<1x128xi32, #tpu.memory_space<vmem>> -> memref<128xi32, #tpu.memory_space<vmem>>
    %dma_start3A_38 = arith.constant 0 : i32
    %dma_start3A_39 = arith.constant 0 : i32
    %dma_start3A_40 = tpu.memref_slice %arg5[%dma_start3A_38, %dma_start3A_39] : memref<1000000x32xf32, #tpu.memory_space<hbm>> -> memref<1000000x32xf32, #tpu.memory_space<hbm>>
    %dma_start3A_41 = tpu.memref_slice %arg17[%dma_start3A_31] : memref<4x!tpu.dma_semaphore, #tpu.memory_space<semaphore_mem>> -> memref<1x!tpu.dma_semaphore, #tpu.memory_space<semaphore_mem>>
    %dma_start3A_42 = tpu.memref_squeeze %dma_start3A_41 : memref<1x!tpu.dma_semaphore, #tpu.memory_space<semaphore_mem>> -> memref<!tpu.dma_semaphore, #tpu.memory_space<semaphore_mem>>
    tpu.enqueue_indirect_dma source(%dma_start3A_40 : memref<1000000x32xf32, #tpu.memory_space<hbm>>) target(%dma_start3A_34 : memref<128x32xf32, #tpu.memory_space<vmem>>) offsets(%dma_start3A_37 : memref<128xi32, #tpu.memory_space<vmem>>) semaphore(%dma_start3A_42 : memref<!tpu.dma_semaphore, #tpu.memory_space<semaphore_mem>>)
    %dma_start3A_43 = arith.constant 1 : i32
    %dma_start3A_44 = arith.constant 1 : i32
    %dma_start3A_45 = arith.constant 128 : i32
    %dma_start3A_46 = arith.constant 0 : i32
    %dma_start3A_47 = tpu.memref_slice %arg11[%dma_start3A_45, %dma_start3A_46] : memref<512x32xf32, #tpu.memory_space<vmem>> -> memref<128x32xf32, #tpu.memory_space<vmem>>
    %dma_start3A_48 = arith.constant 0 : i32
    %dma_start3A_49 = tpu.memref_slice %arg8[%dma_start3A_43, %dma_start3A_48] : memref<4x128xi32, #tpu.memory_space<vmem>> -> memref<1x128xi32, #tpu.memory_space<vmem>>
    %dma_start3A_50 = tpu.memref_squeeze %dma_start3A_49 : memref<1x128xi32, #tpu.memory_space<vmem>> -> memref<128xi32, #tpu.memory_space<vmem>>
    %dma_start3A_51 = arith.constant 0 : i32
    %dma_start3A_52 = arith.constant 0 : i32
    %dma_start3A_53 = tpu.memref_slice %arg5[%dma_start3A_51, %dma_start3A_52] : memref<1000000x32xf32, #tpu.memory_space<hbm>> -> memref<1000000x32xf32, #tpu.memory_space<hbm>>
    %dma_start3A_54 = tpu.memref_slice %arg15[%dma_start3A_44] : memref<4x!tpu.dma_semaphore, #tpu.memory_space<semaphore_mem>> -> memref<1x!tpu.dma_semaphore, #tpu.memory_space<semaphore_mem>>
    %dma_start3A_55 = tpu.memref_squeeze %dma_start3A_54 : memref<1x!tpu.dma_semaphore, #tpu.memory_space<semaphore_mem>> -> memref<!tpu.dma_semaphore, #tpu.memory_space<semaphore_mem>>
    tpu.enqueue_indirect_dma source(%dma_start3A_53 : memref<1000000x32xf32, #tpu.memory_space<hbm>>) target(%dma_start3A_47 : memref<128x32xf32, #tpu.memory_space<vmem>>) offsets(%dma_start3A_50 : memref<128xi32, #tpu.memory_space<vmem>>) semaphore(%dma_start3A_55 : memref<!tpu.dma_semaphore, #tpu.memory_space<semaphore_mem>>)
    %dma_start3A_56 = arith.constant 1 : i32
    %dma_start3A_57 = arith.constant 1 : i32
    %dma_start3A_58 = arith.constant 128 : i32
    %dma_start3A_59 = arith.constant 0 : i32
    %dma_start3A_60 = tpu.memref_slice %arg12[%dma_start3A_58, %dma_start3A_59] : memref<512x32xf32, #tpu.memory_space<vmem>> -> memref<128x32xf32, #tpu.memory_space<vmem>>
    %dma_start3A_61 = arith.constant 0 : i32
    %dma_start3A_62 = tpu.memref_slice %arg9[%dma_start3A_56, %dma_start3A_61] : memref<4x128xi32, #tpu.memory_space<vmem>> -> memref<1x128xi32, #tpu.memory_space<vmem>>
    %dma_start3A_63 = tpu.memref_squeeze %dma_start3A_62 : memref<1x128xi32, #tpu.memory_space<vmem>> -> memref<128xi32, #tpu.memory_space<vmem>>
    %dma_start3A_64 = arith.constant 0 : i32
    %dma_start3A_65 = arith.constant 0 : i32
    %dma_start3A_66 = tpu.memref_slice %arg6[%dma_start3A_64, %dma_start3A_65] : memref<1000x32xf32, #tpu.memory_space<hbm>> -> memref<1000x32xf32, #tpu.memory_space<hbm>>
    %dma_start3A_67 = tpu.memref_slice %arg16[%dma_start3A_57] : memref<4x!tpu.dma_semaphore, #tpu.memory_space<semaphore_mem>> -> memref<1x!tpu.dma_semaphore, #tpu.memory_space<semaphore_mem>>
    %dma_start3A_68 = tpu.memref_squeeze %dma_start3A_67 : memref<1x!tpu.dma_semaphore, #tpu.memory_space<semaphore_mem>> -> memref<!tpu.dma_semaphore, #tpu.memory_space<semaphore_mem>>
    tpu.enqueue_indirect_dma source(%dma_start3A_66 : memref<1000x32xf32, #tpu.memory_space<hbm>>) target(%dma_start3A_60 : memref<128x32xf32, #tpu.memory_space<vmem>>) offsets(%dma_start3A_63 : memref<128xi32, #tpu.memory_space<vmem>>) semaphore(%dma_start3A_68 : memref<!tpu.dma_semaphore, #tpu.memory_space<semaphore_mem>>)
    %dma_start3A_69 = arith.constant 1 : i32
    %dma_start3A_70 = arith.constant 1 : i32
    %dma_start3A_71 = arith.constant 128 : i32
    %dma_start3A_72 = arith.constant 0 : i32
    %dma_start3A_73 = tpu.memref_slice %arg13[%dma_start3A_71, %dma_start3A_72] : memref<512x32xf32, #tpu.memory_space<vmem>> -> memref<128x32xf32, #tpu.memory_space<vmem>>
    %dma_start3A_74 = arith.constant 0 : i32
    %dma_start3A_75 = tpu.memref_slice %arg10[%dma_start3A_69, %dma_start3A_74] : memref<4x128xi32, #tpu.memory_space<vmem>> -> memref<1x128xi32, #tpu.memory_space<vmem>>
    %dma_start3A_76 = tpu.memref_squeeze %dma_start3A_75 : memref<1x128xi32, #tpu.memory_space<vmem>> -> memref<128xi32, #tpu.memory_space<vmem>>
    %dma_start3A_77 = arith.constant 0 : i32
    %dma_start3A_78 = arith.constant 0 : i32
    %dma_start3A_79 = tpu.memref_slice %arg5[%dma_start3A_77, %dma_start3A_78] : memref<1000000x32xf32, #tpu.memory_space<hbm>> -> memref<1000000x32xf32, #tpu.memory_space<hbm>>
    %dma_start3A_80 = tpu.memref_slice %arg17[%dma_start3A_70] : memref<4x!tpu.dma_semaphore, #tpu.memory_space<semaphore_mem>> -> memref<1x!tpu.dma_semaphore, #tpu.memory_space<semaphore_mem>>
    %dma_start3A_81 = tpu.memref_squeeze %dma_start3A_80 : memref<1x!tpu.dma_semaphore, #tpu.memory_space<semaphore_mem>> -> memref<!tpu.dma_semaphore, #tpu.memory_space<semaphore_mem>>
    tpu.enqueue_indirect_dma source(%dma_start3A_79 : memref<1000000x32xf32, #tpu.memory_space<hbm>>) target(%dma_start3A_73 : memref<128x32xf32, #tpu.memory_space<vmem>>) offsets(%dma_start3A_76 : memref<128xi32, #tpu.memory_space<vmem>>) semaphore(%dma_start3A_81 : memref<!tpu.dma_semaphore, #tpu.memory_space<semaphore_mem>>)
    %dma_start3A_82 = arith.constant 2 : i32
    %dma_start3A_83 = arith.constant 2 : i32
    %dma_start3A_84 = arith.constant 256 : i32
    %dma_start3A_85 = arith.constant 0 : i32
    %dma_start3A_86 = tpu.memref_slice %arg11[%dma_start3A_84, %dma_start3A_85] : memref<512x32xf32, #tpu.memory_space<vmem>> -> memref<128x32xf32, #tpu.memory_space<vmem>>
    %dma_start3A_87 = arith.constant 0 : i32
    %dma_start3A_88 = tpu.memref_slice %arg8[%dma_start3A_82, %dma_start3A_87] : memref<4x128xi32, #tpu.memory_space<vmem>> -> memref<1x128xi32, #tpu.memory_space<vmem>>
    %dma_start3A_89 = tpu.memref_squeeze %dma_start3A_88 : memref<1x128xi32, #tpu.memory_space<vmem>> -> memref<128xi32, #tpu.memory_space<vmem>>
    %dma_start3A_90 = arith.constant 0 : i32
    %dma_start3A_91 = arith.constant 0 : i32
    %dma_start3A_92 = tpu.memref_slice %arg5[%dma_start3A_90, %dma_start3A_91] : memref<1000000x32xf32, #tpu.memory_space<hbm>> -> memref<1000000x32xf32, #tpu.memory_space<hbm>>
    %dma_start3A_93 = tpu.memref_slice %arg15[%dma_start3A_83] : memref<4x!tpu.dma_semaphore, #tpu.memory_space<semaphore_mem>> -> memref<1x!tpu.dma_semaphore, #tpu.memory_space<semaphore_mem>>
    %dma_start3A_94 = tpu.memref_squeeze %dma_start3A_93 : memref<1x!tpu.dma_semaphore, #tpu.memory_space<semaphore_mem>> -> memref<!tpu.dma_semaphore, #tpu.memory_space<semaphore_mem>>
    tpu.enqueue_indirect_dma source(%dma_start3A_92 : memref<1000000x32xf32, #tpu.memory_space<hbm>>) target(%dma_start3A_86 : memref<128x32xf32, #tpu.memory_space<vmem>>) offsets(%dma_start3A_89 : memref<128xi32, #tpu.memory_space<vmem>>) semaphore(%dma_start3A_94 : memref<!tpu.dma_semaphore, #tpu.memory_space<semaphore_mem>>)
    %dma_start3A_95 = arith.constant 2 : i32
    %dma_start3A_96 = arith.constant 2 : i32
    %dma_start3A_97 = arith.constant 256 : i32
    %dma_start3A_98 = arith.constant 0 : i32
    %dma_start3A_99 = tpu.memref_slice %arg12[%dma_start3A_97, %dma_start3A_98] : memref<512x32xf32, #tpu.memory_space<vmem>> -> memref<128x32xf32, #tpu.memory_space<vmem>>
    %dma_start3A_100 = arith.constant 0 : i32
    %dma_start3A_101 = tpu.memref_slice %arg9[%dma_start3A_95, %dma_start3A_100] : memref<4x128xi32, #tpu.memory_space<vmem>> -> memref<1x128xi32, #tpu.memory_space<vmem>>
    %dma_start3A_102 = tpu.memref_squeeze %dma_start3A_101 : memref<1x128xi32, #tpu.memory_space<vmem>> -> memref<128xi32, #tpu.memory_space<vmem>>
    %dma_start3A_103 = arith.constant 0 : i32
    %dma_start3A_104 = arith.constant 0 : i32
    %dma_start3A_105 = tpu.memref_slice %arg6[%dma_start3A_103, %dma_start3A_104] : memref<1000x32xf32, #tpu.memory_space<hbm>> -> memref<1000x32xf32, #tpu.memory_space<hbm>>
    %dma_start3A_106 = tpu.memref_slice %arg16[%dma_start3A_96] : memref<4x!tpu.dma_semaphore, #tpu.memory_space<semaphore_mem>> -> memref<1x!tpu.dma_semaphore, #tpu.memory_space<semaphore_mem>>
    %dma_start3A_107 = tpu.memref_squeeze %dma_start3A_106 : memref<1x!tpu.dma_semaphore, #tpu.memory_space<semaphore_mem>> -> memref<!tpu.dma_semaphore, #tpu.memory_space<semaphore_mem>>
    tpu.enqueue_indirect_dma source(%dma_start3A_105 : memref<1000x32xf32, #tpu.memory_space<hbm>>) target(%dma_start3A_99 : memref<128x32xf32, #tpu.memory_space<vmem>>) offsets(%dma_start3A_102 : memref<128xi32, #tpu.memory_space<vmem>>) semaphore(%dma_start3A_107 : memref<!tpu.dma_semaphore, #tpu.memory_space<semaphore_mem>>)
    %dma_start3A_108 = arith.constant 2 : i32
    %dma_start3A_109 = arith.constant 2 : i32
    %dma_start3A_110 = arith.constant 256 : i32
    %dma_start3A_111 = arith.constant 0 : i32
    %dma_start3A_112 = tpu.memref_slice %arg13[%dma_start3A_110, %dma_start3A_111] : memref<512x32xf32, #tpu.memory_space<vmem>> -> memref<128x32xf32, #tpu.memory_space<vmem>>
    %dma_start3A_113 = arith.constant 0 : i32
    %dma_start3A_114 = tpu.memref_slice %arg10[%dma_start3A_108, %dma_start3A_113] : memref<4x128xi32, #tpu.memory_space<vmem>> -> memref<1x128xi32, #tpu.memory_space<vmem>>
    %dma_start3A_115 = tpu.memref_squeeze %dma_start3A_114 : memref<1x128xi32, #tpu.memory_space<vmem>> -> memref<128xi32, #tpu.memory_space<vmem>>
    %dma_start3A_116 = arith.constant 0 : i32
    %dma_start3A_117 = arith.constant 0 : i32
    %dma_start3A_118 = tpu.memref_slice %arg5[%dma_start3A_116, %dma_start3A_117] : memref<1000000x32xf32, #tpu.memory_space<hbm>> -> memref<1000000x32xf32, #tpu.memory_space<hbm>>
    %dma_start3A_119 = tpu.memref_slice %arg17[%dma_start3A_109] : memref<4x!tpu.dma_semaphore, #tpu.memory_space<semaphore_mem>> -> memref<1x!tpu.dma_semaphore, #tpu.memory_space<semaphore_mem>>
    %dma_start3A_120 = tpu.memref_squeeze %dma_start3A_119 : memref<1x!tpu.dma_semaphore, #tpu.memory_space<semaphore_mem>> -> memref<!tpu.dma_semaphore, #tpu.memory_space<semaphore_mem>>
    tpu.enqueue_indirect_dma source(%dma_start3A_118 : memref<1000000x32xf32, #tpu.memory_space<hbm>>) target(%dma_start3A_112 : memref<128x32xf32, #tpu.memory_space<vmem>>) offsets(%dma_start3A_115 : memref<128xi32, #tpu.memory_space<vmem>>) semaphore(%dma_start3A_120 : memref<!tpu.dma_semaphore, #tpu.memory_space<semaphore_mem>>)
    %dma_start3A_121 = arith.constant 3 : i32
    %dma_start3A_122 = arith.constant 3 : i32
    %dma_start3A_123 = arith.constant 384 : i32
    %dma_start3A_124 = arith.constant 0 : i32
    %dma_start3A_125 = tpu.memref_slice %arg11[%dma_start3A_123, %dma_start3A_124] : memref<512x32xf32, #tpu.memory_space<vmem>> -> memref<128x32xf32, #tpu.memory_space<vmem>>
    %dma_start3A_126 = arith.constant 0 : i32
    %dma_start3A_127 = tpu.memref_slice %arg8[%dma_start3A_121, %dma_start3A_126] : memref<4x128xi32, #tpu.memory_space<vmem>> -> memref<1x128xi32, #tpu.memory_space<vmem>>
    %dma_start3A_128 = tpu.memref_squeeze %dma_start3A_127 : memref<1x128xi32, #tpu.memory_space<vmem>> -> memref<128xi32, #tpu.memory_space<vmem>>
    %dma_start3A_129 = arith.constant 0 : i32
    %dma_start3A_130 = arith.constant 0 : i32
    %dma_start3A_131 = tpu.memref_slice %arg5[%dma_start3A_129, %dma_start3A_130] : memref<1000000x32xf32, #tpu.memory_space<hbm>> -> memref<1000000x32xf32, #tpu.memory_space<hbm>>
    %dma_start3A_132 = tpu.memref_slice %arg15[%dma_start3A_122] : memref<4x!tpu.dma_semaphore, #tpu.memory_space<semaphore_mem>> -> memref<1x!tpu.dma_semaphore, #tpu.memory_space<semaphore_mem>>
    %dma_start3A_133 = tpu.memref_squeeze %dma_start3A_132 : memref<1x!tpu.dma_semaphore, #tpu.memory_space<semaphore_mem>> -> memref<!tpu.dma_semaphore, #tpu.memory_space<semaphore_mem>>
    tpu.enqueue_indirect_dma source(%dma_start3A_131 : memref<1000000x32xf32, #tpu.memory_space<hbm>>) target(%dma_start3A_125 : memref<128x32xf32, #tpu.memory_space<vmem>>) offsets(%dma_start3A_128 : memref<128xi32, #tpu.memory_space<vmem>>) semaphore(%dma_start3A_133 : memref<!tpu.dma_semaphore, #tpu.memory_space<semaphore_mem>>)
    %dma_start3A_134 = arith.constant 3 : i32
    %dma_start3A_135 = arith.constant 3 : i32
    %dma_start3A_136 = arith.constant 384 : i32
    %dma_start3A_137 = arith.constant 0 : i32
    %dma_start3A_138 = tpu.memref_slice %arg12[%dma_start3A_136, %dma_start3A_137] : memref<512x32xf32, #tpu.memory_space<vmem>> -> memref<128x32xf32, #tpu.memory_space<vmem>>
    %dma_start3A_139 = arith.constant 0 : i32
    %dma_start3A_140 = tpu.memref_slice %arg9[%dma_start3A_134, %dma_start3A_139] : memref<4x128xi32, #tpu.memory_space<vmem>> -> memref<1x128xi32, #tpu.memory_space<vmem>>
    %dma_start3A_141 = tpu.memref_squeeze %dma_start3A_140 : memref<1x128xi32, #tpu.memory_space<vmem>> -> memref<128xi32, #tpu.memory_space<vmem>>
    %dma_start3A_142 = arith.constant 0 : i32
    %dma_start3A_143 = arith.constant 0 : i32
    %dma_start3A_144 = tpu.memref_slice %arg6[%dma_start3A_142, %dma_start3A_143] : memref<1000x32xf32, #tpu.memory_space<hbm>> -> memref<1000x32xf32, #tpu.memory_space<hbm>>
    %dma_start3A_145 = tpu.memref_slice %arg16[%dma_start3A_135] : memref<4x!tpu.dma_semaphore, #tpu.memory_space<semaphore_mem>> -> memref<1x!tpu.dma_semaphore, #tpu.memory_space<semaphore_mem>>
    %dma_start3A_146 = tpu.memref_squeeze %dma_start3A_145 : memref<1x!tpu.dma_semaphore, #tpu.memory_space<semaphore_mem>> -> memref<!tpu.dma_semaphore, #tpu.memory_space<semaphore_mem>>
    tpu.enqueue_indirect_dma source(%dma_start3A_144 : memref<1000x32xf32, #tpu.memory_space<hbm>>) target(%dma_start3A_138 : memref<128x32xf32, #tpu.memory_space<vmem>>) offsets(%dma_start3A_141 : memref<128xi32, #tpu.memory_space<vmem>>) semaphore(%dma_start3A_146 : memref<!tpu.dma_semaphore, #tpu.memory_space<semaphore_mem>>)
    %dma_start3A_147 = arith.constant 3 : i32
    %dma_start3A_148 = arith.constant 3 : i32
    %dma_start3A_149 = arith.constant 384 : i32
    %dma_start3A_150 = arith.constant 0 : i32
    %dma_start3A_151 = tpu.memref_slice %arg13[%dma_start3A_149, %dma_start3A_150] : memref<512x32xf32, #tpu.memory_space<vmem>> -> memref<128x32xf32, #tpu.memory_space<vmem>>
    %dma_start3A_152 = arith.constant 0 : i32
    %dma_start3A_153 = tpu.memref_slice %arg10[%dma_start3A_147, %dma_start3A_152] : memref<4x128xi32, #tpu.memory_space<vmem>> -> memref<1x128xi32, #tpu.memory_space<vmem>>
    %dma_start3A_154 = tpu.memref_squeeze %dma_start3A_153 : memref<1x128xi32, #tpu.memory_space<vmem>> -> memref<128xi32, #tpu.memory_space<vmem>>
    %dma_start3A_155 = arith.constant 0 : i32
    %dma_start3A_156 = arith.constant 0 : i32
    %dma_start3A_157 = tpu.memref_slice %arg5[%dma_start3A_155, %dma_start3A_156] : memref<1000000x32xf32, #tpu.memory_space<hbm>> -> memref<1000000x32xf32, #tpu.memory_space<hbm>>
    %dma_start3A_158 = tpu.memref_slice %arg17[%dma_start3A_148] : memref<4x!tpu.dma_semaphore, #tpu.memory_space<semaphore_mem>> -> memref<1x!tpu.dma_semaphore, #tpu.memory_space<semaphore_mem>>
    %dma_start3A_159 = tpu.memref_squeeze %dma_start3A_158 : memref<1x!tpu.dma_semaphore, #tpu.memory_space<semaphore_mem>> -> memref<!tpu.dma_semaphore, #tpu.memory_space<semaphore_mem>>
    tpu.enqueue_indirect_dma source(%dma_start3A_157 : memref<1000000x32xf32, #tpu.memory_space<hbm>>) target(%dma_start3A_151 : memref<128x32xf32, #tpu.memory_space<vmem>>) offsets(%dma_start3A_154 : memref<128xi32, #tpu.memory_space<vmem>>) semaphore(%dma_start3A_159 : memref<!tpu.dma_semaphore, #tpu.memory_space<semaphore_mem>>)
    %iota3A = tpu.iota {dimensions = array<i32: 0>} : vector<16xi32>
    %dma_wait3A = arith.constant 0 : i32
    %dma_wait3A_160 = arith.constant 0 : i32
    %dma_wait3A_161 = arith.constant 0 : i32
    %dma_wait3A_162 = arith.constant 0 : i32
    %dma_wait3A_163 = tpu.memref_slice %arg11[%dma_wait3A_161, %dma_wait3A_162] : memref<512x32xf32, #tpu.memory_space<vmem>> -> memref<128x32xf32, #tpu.memory_space<vmem>>
    %dma_wait3A_164 = arith.constant 0 : i32
    %dma_wait3A_165 = tpu.memref_slice %arg8[%dma_wait3A, %dma_wait3A_164] : memref<4x128xi32, #tpu.memory_space<vmem>> -> memref<1x128xi32, #tpu.memory_space<vmem>>
    %dma_wait3A_166 = tpu.memref_squeeze %dma_wait3A_165 : memref<1x128xi32, #tpu.memory_space<vmem>> -> memref<128xi32, #tpu.memory_space<vmem>>
    %dma_wait3A_167 = arith.constant 0 : i32
    %dma_wait3A_168 = arith.constant 0 : i32
    %dma_wait3A_169 = tpu.memref_slice %arg5[%dma_wait3A_167, %dma_wait3A_168] : memref<1000000x32xf32, #tpu.memory_space<hbm>> -> memref<1000000x32xf32, #tpu.memory_space<hbm>>
    %dma_wait3A_170 = tpu.memref_slice %arg15[%dma_wait3A_160] : memref<4x!tpu.dma_semaphore, #tpu.memory_space<semaphore_mem>> -> memref<1x!tpu.dma_semaphore, #tpu.memory_space<semaphore_mem>>
    %dma_wait3A_171 = tpu.memref_squeeze %dma_wait3A_170 : memref<1x!tpu.dma_semaphore, #tpu.memory_space<semaphore_mem>> -> memref<!tpu.dma_semaphore, #tpu.memory_space<semaphore_mem>>
    tpu.wait_indirect_dma semaphore(%dma_wait3A_171 : memref<!tpu.dma_semaphore, #tpu.memory_space<semaphore_mem>>) src(%dma_wait3A_169 : memref<1000000x32xf32, #tpu.memory_space<hbm>>) dst(%dma_wait3A_163 : memref<128x32xf32, #tpu.memory_space<vmem>>)
    %dma_wait3A_172 = arith.constant 0 : i32
    %dma_wait3A_173 = arith.constant 0 : i32
    %dma_wait3A_174 = arith.constant 0 : i32
    %dma_wait3A_175 = arith.constant 0 : i32
    %dma_wait3A_176 = tpu.memref_slice %arg12[%dma_wait3A_174, %dma_wait3A_175] : memref<512x32xf32, #tpu.memory_space<vmem>> -> memref<128x32xf32, #tpu.memory_space<vmem>>
    %dma_wait3A_177 = arith.constant 0 : i32
    %dma_wait3A_178 = tpu.memref_slice %arg9[%dma_wait3A_172, %dma_wait3A_177] : memref<4x128xi32, #tpu.memory_space<vmem>> -> memref<1x128xi32, #tpu.memory_space<vmem>>
    %dma_wait3A_179 = tpu.memref_squeeze %dma_wait3A_178 : memref<1x128xi32, #tpu.memory_space<vmem>> -> memref<128xi32, #tpu.memory_space<vmem>>
    %dma_wait3A_180 = arith.constant 0 : i32
    %dma_wait3A_181 = arith.constant 0 : i32
    %dma_wait3A_182 = tpu.memref_slice %arg6[%dma_wait3A_180, %dma_wait3A_181] : memref<1000x32xf32, #tpu.memory_space<hbm>> -> memref<1000x32xf32, #tpu.memory_space<hbm>>
    %dma_wait3A_183 = tpu.memref_slice %arg16[%dma_wait3A_173] : memref<4x!tpu.dma_semaphore, #tpu.memory_space<semaphore_mem>> -> memref<1x!tpu.dma_semaphore, #tpu.memory_space<semaphore_mem>>
    %dma_wait3A_184 = tpu.memref_squeeze %dma_wait3A_183 : memref<1x!tpu.dma_semaphore, #tpu.memory_space<semaphore_mem>> -> memref<!tpu.dma_semaphore, #tpu.memory_space<semaphore_mem>>
    tpu.wait_indirect_dma semaphore(%dma_wait3A_184 : memref<!tpu.dma_semaphore, #tpu.memory_space<semaphore_mem>>) src(%dma_wait3A_182 : memref<1000x32xf32, #tpu.memory_space<hbm>>) dst(%dma_wait3A_176 : memref<128x32xf32, #tpu.memory_space<vmem>>)
    %dma_wait3A_185 = arith.constant 0 : i32
    %dma_wait3A_186 = arith.constant 0 : i32
    %dma_wait3A_187 = arith.constant 0 : i32
    %dma_wait3A_188 = arith.constant 0 : i32
    %dma_wait3A_189 = tpu.memref_slice %arg13[%dma_wait3A_187, %dma_wait3A_188] : memref<512x32xf32, #tpu.memory_space<vmem>> -> memref<128x32xf32, #tpu.memory_space<vmem>>
    %dma_wait3A_190 = arith.constant 0 : i32
    %dma_wait3A_191 = tpu.memref_slice %arg10[%dma_wait3A_185, %dma_wait3A_190] : memref<4x128xi32, #tpu.memory_space<vmem>> -> memref<1x128xi32, #tpu.memory_space<vmem>>
    %dma_wait3A_192 = tpu.memref_squeeze %dma_wait3A_191 : memref<1x128xi32, #tpu.memory_space<vmem>> -> memref<128xi32, #tpu.memory_space<vmem>>
    %dma_wait3A_193 = arith.constant 0 : i32
    %dma_wait3A_194 = arith.constant 0 : i32
    %dma_wait3A_195 = tpu.memref_slice %arg5[%dma_wait3A_193, %dma_wait3A_194] : memref<1000000x32xf32, #tpu.memory_space<hbm>> -> memref<1000000x32xf32, #tpu.memory_space<hbm>>
    %dma_wait3A_196 = tpu.memref_slice %arg17[%dma_wait3A_186] : memref<4x!tpu.dma_semaphore, #tpu.memory_space<semaphore_mem>> -> memref<1x!tpu.dma_semaphore, #tpu.memory_space<semaphore_mem>>
    %dma_wait3A_197 = tpu.memref_squeeze %dma_wait3A_196 : memref<1x!tpu.dma_semaphore, #tpu.memory_space<semaphore_mem>> -> memref<!tpu.dma_semaphore, #tpu.memory_space<semaphore_mem>>
    tpu.wait_indirect_dma semaphore(%dma_wait3A_197 : memref<!tpu.dma_semaphore, #tpu.memory_space<semaphore_mem>>) src(%dma_wait3A_195 : memref<1000000x32xf32, #tpu.memory_space<hbm>>) dst(%dma_wait3A_189 : memref<128x32xf32, #tpu.memory_space<vmem>>)
    %scan3A = arith.constant 0 : i32
    %scan3A_198 = arith.constant 0 : i32
    %scan3A_199 = arith.constant 8 : i32
    %scan3A_200 = arith.addi %scan3A_198, %scan3A_199 : i32
    %scan3A_201 = arith.constant 1 : i32
    scf.for %scan3A_338 = %scan3A_198 to %scan3A_200 step %scan3A_201  : i32 {
      %mul3A_339 = arith.constant 16 : i32
      %mul3A_340 = arith.muli %scan3A_338, %mul3A_339 : i32
      %add3A_341 = vector.broadcast %mul3A_340 : i32 to vector<16xi32>
      %add3A_342 = arith.addi %add3A_341, %iota3A : vector<16xi32>
      %broadcast_in_dim3A = arith.constant 0.000000e+00 : f32
      %broadcast_in_dim3A_343 = vector.broadcast %broadcast_in_dim3A : f32 to vector<16xf32>
      %broadcast_in_dim3A_344 = arith.constant 0 : i32
      %broadcast_in_dim3A_345 = vector.broadcast %broadcast_in_dim3A_344 : i32 to vector<16xi32>
      %gather3A = tpu.vector_load_idx %arg11[%add3A_342, %broadcast_in_dim3A_345] : memref<512x32xf32, #tpu.memory_space<vmem>>[vector<16xi32>, vector<16xi32>], vector<16xf32>,
      %gather3A_346 = tpu.vector_load_idx %arg12[%add3A_342, %broadcast_in_dim3A_345] : memref<512x32xf32, #tpu.memory_space<vmem>>[vector<16xi32>, vector<16xi32>], vector<16xf32>,
      %gather3A_347 = tpu.vector_load_idx %arg13[%add3A_342, %broadcast_in_dim3A_345] : memref<512x32xf32, #tpu.memory_space<vmem>>[vector<16xi32>, vector<16xi32>], vector<16xf32>,
      %add3A_348 = arith.addf %gather3A, %gather3A_346 : vector<16xf32>
      %sub3A = arith.subf %add3A_348, %gather3A_347 : vector<16xf32>
      %mul3A_349 = arith.mulf %sub3A, %sub3A : vector<16xf32>
      %add3A_350 = arith.addf %broadcast_in_dim3A_343, %mul3A_349 : vector<16xf32>
      %broadcast_in_dim3A_351 = arith.constant 1 : i32
      %broadcast_in_dim3A_352 = vector.broadcast %broadcast_in_dim3A_351 : i32 to vector<16xi32>
      %gather3A_353 = tpu.vector_load_idx %arg11[%add3A_342, %broadcast_in_dim3A_352] : memref<512x32xf32, #tpu.memory_space<vmem>>[vector<16xi32>, vector<16xi32>], vector<16xf32>,
      %gather3A_354 = tpu.vector_load_idx %arg12[%add3A_342, %broadcast_in_dim3A_352] : memref<512x32xf32, #tpu.memory_space<vmem>>[vector<16xi32>, vector<16xi32>], vector<16xf32>,
      %gather3A_355 = tpu.vector_load_idx %arg13[%add3A_342, %broadcast_in_dim3A_352] : memref<512x32xf32, #tpu.memory_space<vmem>>[vector<16xi32>, vector<16xi32>], vector<16xf32>,
      %add3A_356 = arith.addf %gather3A_353, %gather3A_354 : vector<16xf32>
      %sub3A_357 = arith.subf %add3A_356, %gather3A_355 : vector<16xf32>
      %mul3A_358 = arith.mulf %sub3A_357, %sub3A_357 : vector<16xf32>
      %add3A_359 = arith.addf %add3A_350, %mul3A_358 : vector<16xf32>
      %broadcast_in_dim3A_360 = arith.constant 2 : i32
      %broadcast_in_dim3A_361 = vector.broadcast %broadcast_in_dim3A_360 : i32 to vector<16xi32>
      %gather3A_362 = tpu.vector_load_idx %arg11[%add3A_342, %broadcast_in_dim3A_361] : memref<512x32xf32, #tpu.memory_space<vmem>>[vector<16xi32>, vector<16xi32>], vector<16xf32>,
      %gather3A_363 = tpu.vector_load_idx %arg12[%add3A_342, %broadcast_in_dim3A_361] : memref<512x32xf32, #tpu.memory_space<vmem>>[vector<16xi32>, vector<16xi32>], vector<16xf32>,
      %gather3A_364 = tpu.vector_load_idx %arg13[%add3A_342, %broadcast_in_dim3A_361] : memref<512x32xf32, #tpu.memory_space<vmem>>[vector<16xi32>, vector<16xi32>], vector<16xf32>,
      %add3A_365 = arith.addf %gather3A_362, %gather3A_363 : vector<16xf32>
      %sub3A_366 = arith.subf %add3A_365, %gather3A_364 : vector<16xf32>
      %mul3A_367 = arith.mulf %sub3A_366, %sub3A_366 : vector<16xf32>
      %add3A_368 = arith.addf %add3A_359, %mul3A_367 : vector<16xf32>
      %broadcast_in_dim3A_369 = arith.constant 3 : i32
      %broadcast_in_dim3A_370 = vector.broadcast %broadcast_in_dim3A_369 : i32 to vector<16xi32>
      %gather3A_371 = tpu.vector_load_idx %arg11[%add3A_342, %broadcast_in_dim3A_370] : memref<512x32xf32, #tpu.memory_space<vmem>>[vector<16xi32>, vector<16xi32>], vector<16xf32>,
      %gather3A_372 = tpu.vector_load_idx %arg12[%add3A_342, %broadcast_in_dim3A_370] : memref<512x32xf32, #tpu.memory_space<vmem>>[vector<16xi32>, vector<16xi32>], vector<16xf32>,
      %gather3A_373 = tpu.vector_load_idx %arg13[%add3A_342, %broadcast_in_dim3A_370] : memref<512x32xf32, #tpu.memory_space<vmem>>[vector<16xi32>, vector<16xi32>], vector<16xf32>,
      %add3A_374 = arith.addf %gather3A_371, %gather3A_372 : vector<16xf32>
      %sub3A_375 = arith.subf %add3A_374, %gather3A_373 : vector<16xf32>
      %mul3A_376 = arith.mulf %sub3A_375, %sub3A_375 : vector<16xf32>
      %add3A_377 = arith.addf %add3A_368, %mul3A_376 : vector<16xf32>
      %broadcast_in_dim3A_378 = arith.constant 4 : i32
      %broadcast_in_dim3A_379 = vector.broadcast %broadcast_in_dim3A_378 : i32 to vector<16xi32>
      %gather3A_380 = tpu.vector_load_idx %arg11[%add3A_342, %broadcast_in_dim3A_379] : memref<512x32xf32, #tpu.memory_space<vmem>>[vector<16xi32>, vector<16xi32>], vector<16xf32>,
      %gather3A_381 = tpu.vector_load_idx %arg12[%add3A_342, %broadcast_in_dim3A_379] : memref<512x32xf32, #tpu.memory_space<vmem>>[vector<16xi32>, vector<16xi32>], vector<16xf32>,
      %gather3A_382 = tpu.vector_load_idx %arg13[%add3A_342, %broadcast_in_dim3A_379] : memref<512x32xf32, #tpu.memory_space<vmem>>[vector<16xi32>, vector<16xi32>], vector<16xf32>,
      %add3A_383 = arith.addf %gather3A_380, %gather3A_381 : vector<16xf32>
      %sub3A_384 = arith.subf %add3A_383, %gather3A_382 : vector<16xf32>
      %mul3A_385 = arith.mulf %sub3A_384, %sub3A_384 : vector<16xf32>
      %add3A_386 = arith.addf %add3A_377, %mul3A_385 : vector<16xf32>
      %broadcast_in_dim3A_387 = arith.constant 5 : i32
      %broadcast_in_dim3A_388 = vector.broadcast %broadcast_in_dim3A_387 : i32 to vector<16xi32>
      %gather3A_389 = tpu.vector_load_idx %arg11[%add3A_342, %broadcast_in_dim3A_388] : memref<512x32xf32, #tpu.memory_space<vmem>>[vector<16xi32>, vector<16xi32>], vector<16xf32>,
      %gather3A_390 = tpu.vector_load_idx %arg12[%add3A_342, %broadcast_in_dim3A_388] : memref<512x32xf32, #tpu.memory_space<vmem>>[vector<16xi32>, vector<16xi32>], vector<16xf32>,
      %gather3A_391 = tpu.vector_load_idx %arg13[%add3A_342, %broadcast_in_dim3A_388] : memref<512x32xf32, #tpu.memory_space<vmem>>[vector<16xi32>, vector<16xi32>], vector<16xf32>,
      %add3A_392 = arith.addf %gather3A_389, %gather3A_390 : vector<16xf32>
      %sub3A_393 = arith.subf %add3A_392, %gather3A_391 : vector<16xf32>
      %mul3A_394 = arith.mulf %sub3A_393, %sub3A_393 : vector<16xf32>
      %add3A_395 = arith.addf %add3A_386, %mul3A_394 : vector<16xf32>
      %broadcast_in_dim3A_396 = arith.constant 6 : i32
      %broadcast_in_dim3A_397 = vector.broadcast %broadcast_in_dim3A_396 : i32 to vector<16xi32>
      %gather3A_398 = tpu.vector_load_idx %arg11[%add3A_342, %broadcast_in_dim3A_397] : memref<512x32xf32, #tpu.memory_space<vmem>>[vector<16xi32>, vector<16xi32>], vector<16xf32>,
      %gather3A_399 = tpu.vector_load_idx %arg12[%add3A_342, %broadcast_in_dim3A_397] : memref<512x32xf32, #tpu.memory_space<vmem>>[vector<16xi32>, vector<16xi32>], vector<16xf32>,
      %gather3A_400 = tpu.vector_load_idx %arg13[%add3A_342, %broadcast_in_dim3A_397] : memref<512x32xf32, #tpu.memory_space<vmem>>[vector<16xi32>, vector<16xi32>], vector<16xf32>,
      %add3A_401 = arith.addf %gather3A_398, %gather3A_399 : vector<16xf32>
      %sub3A_402 = arith.subf %add3A_401, %gather3A_400 : vector<16xf32>
      %mul3A_403 = arith.mulf %sub3A_402, %sub3A_402 : vector<16xf32>
      %add3A_404 = arith.addf %add3A_395, %mul3A_403 : vector<16xf32>
      %broadcast_in_dim3A_405 = arith.constant 7 : i32
      %broadcast_in_dim3A_406 = vector.broadcast %broadcast_in_dim3A_405 : i32 to vector<16xi32>
      %gather3A_407 = tpu.vector_load_idx %arg11[%add3A_342, %broadcast_in_dim3A_406] : memref<512x32xf32, #tpu.memory_space<vmem>>[vector<16xi32>, vector<16xi32>], vector<16xf32>,
      %gather3A_408 = tpu.vector_load_idx %arg12[%add3A_342, %broadcast_in_dim3A_406] : memref<512x32xf32, #tpu.memory_space<vmem>>[vector<16xi32>, vector<16xi32>], vector<16xf32>,
      %gather3A_409 = tpu.vector_load_idx %arg13[%add3A_342, %broadcast_in_dim3A_406] : memref<512x32xf32, #tpu.memory_space<vmem>>[vector<16xi32>, vector<16xi32>], vector<16xf32>,
      %add3A_410 = arith.addf %gather3A_407, %gather3A_408 : vector<16xf32>
      %sub3A_411 = arith.subf %add3A_410, %gather3A_409 : vector<16xf32>
      %mul3A_412 = arith.mulf %sub3A_411, %sub3A_411 : vector<16xf32>
      %add3A_413 = arith.addf %add3A_404, %mul3A_412 : vector<16xf32>
      %broadcast_in_dim3A_414 = arith.constant 8 : i32
      %broadcast_in_dim3A_415 = vector.broadcast %broadcast_in_dim3A_414 : i32 to vector<16xi32>
      %gather3A_416 = tpu.vector_load_idx %arg11[%add3A_342, %broadcast_in_dim3A_415] : memref<512x32xf32, #tpu.memory_space<vmem>>[vector<16xi32>, vector<16xi32>], vector<16xf32>,
      %gather3A_417 = tpu.vector_load_idx %arg12[%add3A_342, %broadcast_in_dim3A_415] : memref<512x32xf32, #tpu.memory_space<vmem>>[vector<16xi32>, vector<16xi32>], vector<16xf32>,
      %gather3A_418 = tpu.vector_load_idx %arg13[%add3A_342, %broadcast_in_dim3A_415] : memref<512x32xf32, #tpu.memory_space<vmem>>[vector<16xi32>, vector<16xi32>], vector<16xf32>,
      %add3A_419 = arith.addf %gather3A_416, %gather3A_417 : vector<16xf32>
      %sub3A_420 = arith.subf %add3A_419, %gather3A_418 : vector<16xf32>
      %mul3A_421 = arith.mulf %sub3A_420, %sub3A_420 : vector<16xf32>
      %add3A_422 = arith.addf %add3A_413, %mul3A_421 : vector<16xf32>
      %broadcast_in_dim3A_423 = arith.constant 9 : i32
      %broadcast_in_dim3A_424 = vector.broadcast %broadcast_in_dim3A_423 : i32 to vector<16xi32>
      %gather3A_425 = tpu.vector_load_idx %arg11[%add3A_342, %broadcast_in_dim3A_424] : memref<512x32xf32, #tpu.memory_space<vmem>>[vector<16xi32>, vector<16xi32>], vector<16xf32>,
      %gather3A_426 = tpu.vector_load_idx %arg12[%add3A_342, %broadcast_in_dim3A_424] : memref<512x32xf32, #tpu.memory_space<vmem>>[vector<16xi32>, vector<16xi32>], vector<16xf32>,
      %gather3A_427 = tpu.vector_load_idx %arg13[%add3A_342, %broadcast_in_dim3A_424] : memref<512x32xf32, #tpu.memory_space<vmem>>[vector<16xi32>, vector<16xi32>], vector<16xf32>,
      %add3A_428 = arith.addf %gather3A_425, %gather3A_426 : vector<16xf32>
      %sub3A_429 = arith.subf %add3A_428, %gather3A_427 : vector<16xf32>
      %mul3A_430 = arith.mulf %sub3A_429, %sub3A_429 : vector<16xf32>
      %add3A_431 = arith.addf %add3A_422, %mul3A_430 : vector<16xf32>
      %broadcast_in_dim3A_432 = arith.constant 10 : i32
      %broadcast_in_dim3A_433 = vector.broadcast %broadcast_in_dim3A_432 : i32 to vector<16xi32>
      %gather3A_434 = tpu.vector_load_idx %arg11[%add3A_342, %broadcast_in_dim3A_433] : memref<512x32xf32, #tpu.memory_space<vmem>>[vector<16xi32>, vector<16xi32>], vector<16xf32>,
      %gather3A_435 = tpu.vector_load_idx %arg12[%add3A_342, %broadcast_in_dim3A_433] : memref<512x32xf32, #tpu.memory_space<vmem>>[vector<16xi32>, vector<16xi32>], vector<16xf32>,
      %gather3A_436 = tpu.vector_load_idx %arg13[%add3A_342, %broadcast_in_dim3A_433] : memref<512x32xf32, #tpu.memory_space<vmem>>[vector<16xi32>, vector<16xi32>], vector<16xf32>,
      %add3A_437 = arith.addf %gather3A_434, %gather3A_435 : vector<16xf32>
      %sub3A_438 = arith.subf %add3A_437, %gather3A_436 : vector<16xf32>
      %mul3A_439 = arith.mulf %sub3A_438, %sub3A_438 : vector<16xf32>
      %add3A_440 = arith.addf %add3A_431, %mul3A_439 : vector<16xf32>
      %broadcast_in_dim3A_441 = arith.constant 11 : i32
      %broadcast_in_dim3A_442 = vector.broadcast %broadcast_in_dim3A_441 : i32 to vector<16xi32>
      %gather3A_443 = tpu.vector_load_idx %arg11[%add3A_342, %broadcast_in_dim3A_442] : memref<512x32xf32, #tpu.memory_space<vmem>>[vector<16xi32>, vector<16xi32>], vector<16xf32>,
      %gather3A_444 = tpu.vector_load_idx %arg12[%add3A_342, %broadcast_in_dim3A_442] : memref<512x32xf32, #tpu.memory_space<vmem>>[vector<16xi32>, vector<16xi32>], vector<16xf32>,
      %gather3A_445 = tpu.vector_load_idx %arg13[%add3A_342, %broadcast_in_dim3A_442] : memref<512x32xf32, #tpu.memory_space<vmem>>[vector<16xi32>, vector<16xi32>], vector<16xf32>,
      %add3A_446 = arith.addf %gather3A_443, %gather3A_444 : vector<16xf32>
      %sub3A_447 = arith.subf %add3A_446, %gather3A_445 : vector<16xf32>
      %mul3A_448 = arith.mulf %sub3A_447, %sub3A_447 : vector<16xf32>
      %add3A_449 = arith.addf %add3A_440, %mul3A_448 : vector<16xf32>
      %broadcast_in_dim3A_450 = arith.constant 12 : i32
      %broadcast_in_dim3A_451 = vector.broadcast %broadcast_in_dim3A_450 : i32 to vector<16xi32>
      %gather3A_452 = tpu.vector_load_idx %arg11[%add3A_342, %broadcast_in_dim3A_451] : memref<512x32xf32, #tpu.memory_space<vmem>>[vector<16xi32>, vector<16xi32>], vector<16xf32>,
      %gather3A_453 = tpu.vector_load_idx %arg12[%add3A_342, %broadcast_in_dim3A_451] : memref<512x32xf32, #tpu.memory_space<vmem>>[vector<16xi32>, vector<16xi32>], vector<16xf32>,
      %gather3A_454 = tpu.vector_load_idx %arg13[%add3A_342, %broadcast_in_dim3A_451] : memref<512x32xf32, #tpu.memory_space<vmem>>[vector<16xi32>, vector<16xi32>], vector<16xf32>,
      %add3A_455 = arith.addf %gather3A_452, %gather3A_453 : vector<16xf32>
      %sub3A_456 = arith.subf %add3A_455, %gather3A_454 : vector<16xf32>
      %mul3A_457 = arith.mulf %sub3A_456, %sub3A_456 : vector<16xf32>
      %add3A_458 = arith.addf %add3A_449, %mul3A_457 : vector<16xf32>
      %broadcast_in_dim3A_459 = arith.constant 13 : i32
      %broadcast_in_dim3A_460 = vector.broadcast %broadcast_in_dim3A_459 : i32 to vector<16xi32>
      %gather3A_461 = tpu.vector_load_idx %arg11[%add3A_342, %broadcast_in_dim3A_460] : memref<512x32xf32, #tpu.memory_space<vmem>>[vector<16xi32>, vector<16xi32>], vector<16xf32>,
      %gather3A_462 = tpu.vector_load_idx %arg12[%add3A_342, %broadcast_in_dim3A_460] : memref<512x32xf32, #tpu.memory_space<vmem>>[vector<16xi32>, vector<16xi32>], vector<16xf32>,
      %gather3A_463 = tpu.vector_load_idx %arg13[%add3A_342, %broadcast_in_dim3A_460] : memref<512x32xf32, #tpu.memory_space<vmem>>[vector<16xi32>, vector<16xi32>], vector<16xf32>,
      %add3A_464 = arith.addf %gather3A_461, %gather3A_462 : vector<16xf32>
      %sub3A_465 = arith.subf %add3A_464, %gather3A_463 : vector<16xf32>
      %mul3A_466 = arith.mulf %sub3A_465, %sub3A_465 : vector<16xf32>
      %add3A_467 = arith.addf %add3A_458, %mul3A_466 : vector<16xf32>
      %broadcast_in_dim3A_468 = arith.constant 14 : i32
      %broadcast_in_dim3A_469 = vector.broadcast %broadcast_in_dim3A_468 : i32 to vector<16xi32>
      %gather3A_470 = tpu.vector_load_idx %arg11[%add3A_342, %broadcast_in_dim3A_469] : memref<512x32xf32, #tpu.memory_space<vmem>>[vector<16xi32>, vector<16xi32>], vector<16xf32>,
      %gather3A_471 = tpu.vector_load_idx %arg12[%add3A_342, %broadcast_in_dim3A_469] : memref<512x32xf32, #tpu.memory_space<vmem>>[vector<16xi32>, vector<16xi32>], vector<16xf32>,
      %gather3A_472 = tpu.vector_load_idx %arg13[%add3A_342, %broadcast_in_dim3A_469] : memref<512x32xf32, #tpu.memory_space<vmem>>[vector<16xi32>, vector<16xi32>], vector<16xf32>,
      %add3A_473 = arith.addf %gather3A_470, %gather3A_471 : vector<16xf32>
      %sub3A_474 = arith.subf %add3A_473, %gather3A_472 : vector<16xf32>
      %mul3A_475 = arith.mulf %sub3A_474, %sub3A_474 : vector<16xf32>
      %add3A_476 = arith.addf %add3A_467, %mul3A_475 : vector<16xf32>
      %broadcast_in_dim3A_477 = arith.constant 15 : i32
      %broadcast_in_dim3A_478 = vector.broadcast %broadcast_in_dim3A_477 : i32 to vector<16xi32>
      %gather3A_479 = tpu.vector_load_idx %arg11[%add3A_342, %broadcast_in_dim3A_478] : memref<512x32xf32, #tpu.memory_space<vmem>>[vector<16xi32>, vector<16xi32>], vector<16xf32>,
      %gather3A_480 = tpu.vector_load_idx %arg12[%add3A_342, %broadcast_in_dim3A_478] : memref<512x32xf32, #tpu.memory_space<vmem>>[vector<16xi32>, vector<16xi32>], vector<16xf32>,
      %gather3A_481 = tpu.vector_load_idx %arg13[%add3A_342, %broadcast_in_dim3A_478] : memref<512x32xf32, #tpu.memory_space<vmem>>[vector<16xi32>, vector<16xi32>], vector<16xf32>,
      %add3A_482 = arith.addf %gather3A_479, %gather3A_480 : vector<16xf32>
      %sub3A_483 = arith.subf %add3A_482, %gather3A_481 : vector<16xf32>
      %mul3A_484 = arith.mulf %sub3A_483, %sub3A_483 : vector<16xf32>
      %add3A_485 = arith.addf %add3A_476, %mul3A_484 : vector<16xf32>
      %broadcast_in_dim3A_486 = arith.constant 16 : i32
      %broadcast_in_dim3A_487 = vector.broadcast %broadcast_in_dim3A_486 : i32 to vector<16xi32>
      %gather3A_488 = tpu.vector_load_idx %arg11[%add3A_342, %broadcast_in_dim3A_487] : memref<512x32xf32, #tpu.memory_space<vmem>>[vector<16xi32>, vector<16xi32>], vector<16xf32>,
      %gather3A_489 = tpu.vector_load_idx %arg12[%add3A_342, %broadcast_in_dim3A_487] : memref<512x32xf32, #tpu.memory_space<vmem>>[vector<16xi32>, vector<16xi32>], vector<16xf32>,
      %gather3A_490 = tpu.vector_load_idx %arg13[%add3A_342, %broadcast_in_dim3A_487] : memref<512x32xf32, #tpu.memory_space<vmem>>[vector<16xi32>, vector<16xi32>], vector<16xf32>,
      %add3A_491 = arith.addf %gather3A_488, %gather3A_489 : vector<16xf32>
      %sub3A_492 = arith.subf %add3A_491, %gather3A_490 : vector<16xf32>
      %mul3A_493 = arith.mulf %sub3A_492, %sub3A_492 : vector<16xf32>
      %add3A_494 = arith.addf %add3A_485, %mul3A_493 : vector<16xf32>
      %broadcast_in_dim3A_495 = arith.constant 17 : i32
      %broadcast_in_dim3A_496 = vector.broadcast %broadcast_in_dim3A_495 : i32 to vector<16xi32>
      %gather3A_497 = tpu.vector_load_idx %arg11[%add3A_342, %broadcast_in_dim3A_496] : memref<512x32xf32, #tpu.memory_space<vmem>>[vector<16xi32>, vector<16xi32>], vector<16xf32>,
      %gather3A_498 = tpu.vector_load_idx %arg12[%add3A_342, %broadcast_in_dim3A_496] : memref<512x32xf32, #tpu.memory_space<vmem>>[vector<16xi32>, vector<16xi32>], vector<16xf32>,
      %gather3A_499 = tpu.vector_load_idx %arg13[%add3A_342, %broadcast_in_dim3A_496] : memref<512x32xf32, #tpu.memory_space<vmem>>[vector<16xi32>, vector<16xi32>], vector<16xf32>,
      %add3A_500 = arith.addf %gather3A_497, %gather3A_498 : vector<16xf32>
      %sub3A_501 = arith.subf %add3A_500, %gather3A_499 : vector<16xf32>
      %mul3A_502 = arith.mulf %sub3A_501, %sub3A_501 : vector<16xf32>
      %add3A_503 = arith.addf %add3A_494, %mul3A_502 : vector<16xf32>
      %broadcast_in_dim3A_504 = arith.constant 18 : i32
      %broadcast_in_dim3A_505 = vector.broadcast %broadcast_in_dim3A_504 : i32 to vector<16xi32>
      %gather3A_506 = tpu.vector_load_idx %arg11[%add3A_342, %broadcast_in_dim3A_505] : memref<512x32xf32, #tpu.memory_space<vmem>>[vector<16xi32>, vector<16xi32>], vector<16xf32>,
      %gather3A_507 = tpu.vector_load_idx %arg12[%add3A_342, %broadcast_in_dim3A_505] : memref<512x32xf32, #tpu.memory_space<vmem>>[vector<16xi32>, vector<16xi32>], vector<16xf32>,
      %gather3A_508 = tpu.vector_load_idx %arg13[%add3A_342, %broadcast_in_dim3A_505] : memref<512x32xf32, #tpu.memory_space<vmem>>[vector<16xi32>, vector<16xi32>], vector<16xf32>,
      %add3A_509 = arith.addf %gather3A_506, %gather3A_507 : vector<16xf32>
      %sub3A_510 = arith.subf %add3A_509, %gather3A_508 : vector<16xf32>
      %mul3A_511 = arith.mulf %sub3A_510, %sub3A_510 : vector<16xf32>
      %add3A_512 = arith.addf %add3A_503, %mul3A_511 : vector<16xf32>
      %broadcast_in_dim3A_513 = arith.constant 19 : i32
      %broadcast_in_dim3A_514 = vector.broadcast %broadcast_in_dim3A_513 : i32 to vector<16xi32>
      %gather3A_515 = tpu.vector_load_idx %arg11[%add3A_342, %broadcast_in_dim3A_514] : memref<512x32xf32, #tpu.memory_space<vmem>>[vector<16xi32>, vector<16xi32>], vector<16xf32>,
      %gather3A_516 = tpu.vector_load_idx %arg12[%add3A_342, %broadcast_in_dim3A_514] : memref<512x32xf32, #tpu.memory_space<vmem>>[vector<16xi32>, vector<16xi32>], vector<16xf32>,
      %gather3A_517 = tpu.vector_load_idx %arg13[%add3A_342, %broadcast_in_dim3A_514] : memref<512x32xf32, #tpu.memory_space<vmem>>[vector<16xi32>, vector<16xi32>], vector<16xf32>,
      %add3A_518 = arith.addf %gather3A_515, %gather3A_516 : vector<16xf32>
      %sub3A_519 = arith.subf %add3A_518, %gather3A_517 : vector<16xf32>
      %mul3A_520 = arith.mulf %sub3A_519, %sub3A_519 : vector<16xf32>
      %add3A_521 = arith.addf %add3A_512, %mul3A_520 : vector<16xf32>
      %broadcast_in_dim3A_522 = arith.constant 20 : i32
      %broadcast_in_dim3A_523 = vector.broadcast %broadcast_in_dim3A_522 : i32 to vector<16xi32>
      %gather3A_524 = tpu.vector_load_idx %arg11[%add3A_342, %broadcast_in_dim3A_523] : memref<512x32xf32, #tpu.memory_space<vmem>>[vector<16xi32>, vector<16xi32>], vector<16xf32>,
      %gather3A_525 = tpu.vector_load_idx %arg12[%add3A_342, %broadcast_in_dim3A_523] : memref<512x32xf32, #tpu.memory_space<vmem>>[vector<16xi32>, vector<16xi32>], vector<16xf32>,
      %gather3A_526 = tpu.vector_load_idx %arg13[%add3A_342, %broadcast_in_dim3A_523] : memref<512x32xf32, #tpu.memory_space<vmem>>[vector<16xi32>, vector<16xi32>], vector<16xf32>,
      %add3A_527 = arith.addf %gather3A_524, %gather3A_525 : vector<16xf32>
      %sub3A_528 = arith.subf %add3A_527, %gather3A_526 : vector<16xf32>
      %mul3A_529 = arith.mulf %sub3A_528, %sub3A_528 : vector<16xf32>
      %add3A_530 = arith.addf %add3A_521, %mul3A_529 : vector<16xf32>
      %broadcast_in_dim3A_531 = arith.constant 21 : i32
      %broadcast_in_dim3A_532 = vector.broadcast %broadcast_in_dim3A_531 : i32 to vector<16xi32>
      %gather3A_533 = tpu.vector_load_idx %arg11[%add3A_342, %broadcast_in_dim3A_532] : memref<512x32xf32, #tpu.memory_space<vmem>>[vector<16xi32>, vector<16xi32>], vector<16xf32>,
      %gather3A_534 = tpu.vector_load_idx %arg12[%add3A_342, %broadcast_in_dim3A_532] : memref<512x32xf32, #tpu.memory_space<vmem>>[vector<16xi32>, vector<16xi32>], vector<16xf32>,
      %gather3A_535 = tpu.vector_load_idx %arg13[%add3A_342, %broadcast_in_dim3A_532] : memref<512x32xf32, #tpu.memory_space<vmem>>[vector<16xi32>, vector<16xi32>], vector<16xf32>,
      %add3A_536 = arith.addf %gather3A_533, %gather3A_534 : vector<16xf32>
      %sub3A_537 = arith.subf %add3A_536, %gather3A_535 : vector<16xf32>
      %mul3A_538 = arith.mulf %sub3A_537, %sub3A_537 : vector<16xf32>
      %add3A_539 = arith.addf %add3A_530, %mul3A_538 : vector<16xf32>
      %broadcast_in_dim3A_540 = arith.constant 22 : i32
      %broadcast_in_dim3A_541 = vector.broadcast %broadcast_in_dim3A_540 : i32 to vector<16xi32>
      %gather3A_542 = tpu.vector_load_idx %arg11[%add3A_342, %broadcast_in_dim3A_541] : memref<512x32xf32, #tpu.memory_space<vmem>>[vector<16xi32>, vector<16xi32>], vector<16xf32>,
      %gather3A_543 = tpu.vector_load_idx %arg12[%add3A_342, %broadcast_in_dim3A_541] : memref<512x32xf32, #tpu.memory_space<vmem>>[vector<16xi32>, vector<16xi32>], vector<16xf32>,
      %gather3A_544 = tpu.vector_load_idx %arg13[%add3A_342, %broadcast_in_dim3A_541] : memref<512x32xf32, #tpu.memory_space<vmem>>[vector<16xi32>, vector<16xi32>], vector<16xf32>,
      %add3A_545 = arith.addf %gather3A_542, %gather3A_543 : vector<16xf32>
      %sub3A_546 = arith.subf %add3A_545, %gather3A_544 : vector<16xf32>
      %mul3A_547 = arith.mulf %sub3A_546, %sub3A_546 : vector<16xf32>
      %add3A_548 = arith.addf %add3A_539, %mul3A_547 : vector<16xf32>
      %broadcast_in_dim3A_549 = arith.constant 23 : i32
      %broadcast_in_dim3A_550 = vector.broadcast %broadcast_in_dim3A_549 : i32 to vector<16xi32>
      %gather3A_551 = tpu.vector_load_idx %arg11[%add3A_342, %broadcast_in_dim3A_550] : memref<512x32xf32, #tpu.memory_space<vmem>>[vector<16xi32>, vector<16xi32>], vector<16xf32>,
      %gather3A_552 = tpu.vector_load_idx %arg12[%add3A_342, %broadcast_in_dim3A_550] : memref<512x32xf32, #tpu.memory_space<vmem>>[vector<16xi32>, vector<16xi32>], vector<16xf32>,
      %gather3A_553 = tpu.vector_load_idx %arg13[%add3A_342, %broadcast_in_dim3A_550] : memref<512x32xf32, #tpu.memory_space<vmem>>[vector<16xi32>, vector<16xi32>], vector<16xf32>,
      %add3A_554 = arith.addf %gather3A_551, %gather3A_552 : vector<16xf32>
      %sub3A_555 = arith.subf %add3A_554, %gather3A_553 : vector<16xf32>
      %mul3A_556 = arith.mulf %sub3A_555, %sub3A_555 : vector<16xf32>
      %add3A_557 = arith.addf %add3A_548, %mul3A_556 : vector<16xf32>
      %broadcast_in_dim3A_558 = arith.constant 24 : i32
      %broadcast_in_dim3A_559 = vector.broadcast %broadcast_in_dim3A_558 : i32 to vector<16xi32>
      %gather3A_560 = tpu.vector_load_idx %arg11[%add3A_342, %broadcast_in_dim3A_559] : memref<512x32xf32, #tpu.memory_space<vmem>>[vector<16xi32>, vector<16xi32>], vector<16xf32>,
      %gather3A_561 = tpu.vector_load_idx %arg12[%add3A_342, %broadcast_in_dim3A_559] : memref<512x32xf32, #tpu.memory_space<vmem>>[vector<16xi32>, vector<16xi32>], vector<16xf32>,
      %gather3A_562 = tpu.vector_load_idx %arg13[%add3A_342, %broadcast_in_dim3A_559] : memref<512x32xf32, #tpu.memory_space<vmem>>[vector<16xi32>, vector<16xi32>], vector<16xf32>,
      %add3A_563 = arith.addf %gather3A_560, %gather3A_561 : vector<16xf32>
      %sub3A_564 = arith.subf %add3A_563, %gather3A_562 : vector<16xf32>
      %mul3A_565 = arith.mulf %sub3A_564, %sub3A_564 : vector<16xf32>
      %add3A_566 = arith.addf %add3A_557, %mul3A_565 : vector<16xf32>
      %broadcast_in_dim3A_567 = arith.constant 25 : i32
      %broadcast_in_dim3A_568 = vector.broadcast %broadcast_in_dim3A_567 : i32 to vector<16xi32>
      %gather3A_569 = tpu.vector_load_idx %arg11[%add3A_342, %broadcast_in_dim3A_568] : memref<512x32xf32, #tpu.memory_space<vmem>>[vector<16xi32>, vector<16xi32>], vector<16xf32>,
      %gather3A_570 = tpu.vector_load_idx %arg12[%add3A_342, %broadcast_in_dim3A_568] : memref<512x32xf32, #tpu.memory_space<vmem>>[vector<16xi32>, vector<16xi32>], vector<16xf32>,
      %gather3A_571 = tpu.vector_load_idx %arg13[%add3A_342, %broadcast_in_dim3A_568] : memref<512x32xf32, #tpu.memory_space<vmem>>[vector<16xi32>, vector<16xi32>], vector<16xf32>,
      %add3A_572 = arith.addf %gather3A_569, %gather3A_570 : vector<16xf32>
      %sub3A_573 = arith.subf %add3A_572, %gather3A_571 : vector<16xf32>
      %mul3A_574 = arith.mulf %sub3A_573, %sub3A_573 : vector<16xf32>
      %add3A_575 = arith.addf %add3A_566, %mul3A_574 : vector<16xf32>
      %broadcast_in_dim3A_576 = arith.constant 26 : i32
      %broadcast_in_dim3A_577 = vector.broadcast %broadcast_in_dim3A_576 : i32 to vector<16xi32>
      %gather3A_578 = tpu.vector_load_idx %arg11[%add3A_342, %broadcast_in_dim3A_577] : memref<512x32xf32, #tpu.memory_space<vmem>>[vector<16xi32>, vector<16xi32>], vector<16xf32>,
      %gather3A_579 = tpu.vector_load_idx %arg12[%add3A_342, %broadcast_in_dim3A_577] : memref<512x32xf32, #tpu.memory_space<vmem>>[vector<16xi32>, vector<16xi32>], vector<16xf32>,
      %gather3A_580 = tpu.vector_load_idx %arg13[%add3A_342, %broadcast_in_dim3A_577] : memref<512x32xf32, #tpu.memory_space<vmem>>[vector<16xi32>, vector<16xi32>], vector<16xf32>,
      %add3A_581 = arith.addf %gather3A_578, %gather3A_579 : vector<16xf32>
      %sub3A_582 = arith.subf %add3A_581, %gather3A_580 : vector<16xf32>
      %mul3A_583 = arith.mulf %sub3A_582, %sub3A_582 : vector<16xf32>
      %add3A_584 = arith.addf %add3A_575, %mul3A_583 : vector<16xf32>
      %broadcast_in_dim3A_585 = arith.constant 27 : i32
      %broadcast_in_dim3A_586 = vector.broadcast %broadcast_in_dim3A_585 : i32 to vector<16xi32>
      %gather3A_587 = tpu.vector_load_idx %arg11[%add3A_342, %broadcast_in_dim3A_586] : memref<512x32xf32, #tpu.memory_space<vmem>>[vector<16xi32>, vector<16xi32>], vector<16xf32>,
      %gather3A_588 = tpu.vector_load_idx %arg12[%add3A_342, %broadcast_in_dim3A_586] : memref<512x32xf32, #tpu.memory_space<vmem>>[vector<16xi32>, vector<16xi32>], vector<16xf32>,
      %gather3A_589 = tpu.vector_load_idx %arg13[%add3A_342, %broadcast_in_dim3A_586] : memref<512x32xf32, #tpu.memory_space<vmem>>[vector<16xi32>, vector<16xi32>], vector<16xf32>,
      %add3A_590 = arith.addf %gather3A_587, %gather3A_588 : vector<16xf32>
      %sub3A_591 = arith.subf %add3A_590, %gather3A_589 : vector<16xf32>
      %mul3A_592 = arith.mulf %sub3A_591, %sub3A_591 : vector<16xf32>
      %add3A_593 = arith.addf %add3A_584, %mul3A_592 : vector<16xf32>
      %broadcast_in_dim3A_594 = arith.constant 28 : i32
      %broadcast_in_dim3A_595 = vector.broadcast %broadcast_in_dim3A_594 : i32 to vector<16xi32>
      %gather3A_596 = tpu.vector_load_idx %arg11[%add3A_342, %broadcast_in_dim3A_595] : memref<512x32xf32, #tpu.memory_space<vmem>>[vector<16xi32>, vector<16xi32>], vector<16xf32>,
      %gather3A_597 = tpu.vector_load_idx %arg12[%add3A_342, %broadcast_in_dim3A_595] : memref<512x32xf32, #tpu.memory_space<vmem>>[vector<16xi32>, vector<16xi32>], vector<16xf32>,
      %gather3A_598 = tpu.vector_load_idx %arg13[%add3A_342, %broadcast_in_dim3A_595] : memref<512x32xf32, #tpu.memory_space<vmem>>[vector<16xi32>, vector<16xi32>], vector<16xf32>,
      %add3A_599 = arith.addf %gather3A_596, %gather3A_597 : vector<16xf32>
      %sub3A_600 = arith.subf %add3A_599, %gather3A_598 : vector<16xf32>
      %mul3A_601 = arith.mulf %sub3A_600, %sub3A_600 : vector<16xf32>
      %add3A_602 = arith.addf %add3A_593, %mul3A_601 : vector<16xf32>
      %broadcast_in_dim3A_603 = arith.constant 29 : i32
      %broadcast_in_dim3A_604 = vector.broadcast %broadcast_in_dim3A_603 : i32 to vector<16xi32>
      %gather3A_605 = tpu.vector_load_idx %arg11[%add3A_342, %broadcast_in_dim3A_604] : memref<512x32xf32, #tpu.memory_space<vmem>>[vector<16xi32>, vector<16xi32>], vector<16xf32>,
      %gather3A_606 = tpu.vector_load_idx %arg12[%add3A_342, %broadcast_in_dim3A_604] : memref<512x32xf32, #tpu.memory_space<vmem>>[vector<16xi32>, vector<16xi32>], vector<16xf32>,
      %gather3A_607 = tpu.vector_load_idx %arg13[%add3A_342, %broadcast_in_dim3A_604] : memref<512x32xf32, #tpu.memory_space<vmem>>[vector<16xi32>, vector<16xi32>], vector<16xf32>,
      %add3A_608 = arith.addf %gather3A_605, %gather3A_606 : vector<16xf32>
      %sub3A_609 = arith.subf %add3A_608, %gather3A_607 : vector<16xf32>
      %mul3A_610 = arith.mulf %sub3A_609, %sub3A_609 : vector<16xf32>
      %add3A_611 = arith.addf %add3A_602, %mul3A_610 : vector<16xf32>
      %broadcast_in_dim3A_612 = arith.constant 30 : i32
      %broadcast_in_dim3A_613 = vector.broadcast %broadcast_in_dim3A_612 : i32 to vector<16xi32>
      %gather3A_614 = tpu.vector_load_idx %arg11[%add3A_342, %broadcast_in_dim3A_613] : memref<512x32xf32, #tpu.memory_space<vmem>>[vector<16xi32>, vector<16xi32>], vector<16xf32>,
      %gather3A_615 = tpu.vector_load_idx %arg12[%add3A_342, %broadcast_in_dim3A_613] : memref<512x32xf32, #tpu.memory_space<vmem>>[vector<16xi32>, vector<16xi32>], vector<16xf32>,
      %gather3A_616 = tpu.vector_load_idx %arg13[%add3A_342, %broadcast_in_dim3A_613] : memref<512x32xf32, #tpu.memory_space<vmem>>[vector<16xi32>, vector<16xi32>], vector<16xf32>,
      %add3A_617 = arith.addf %gather3A_614, %gather3A_615 : vector<16xf32>
      %sub3A_618 = arith.subf %add3A_617, %gather3A_616 : vector<16xf32>
      %mul3A_619 = arith.mulf %sub3A_618, %sub3A_618 : vector<16xf32>
      %add3A_620 = arith.addf %add3A_611, %mul3A_619 : vector<16xf32>
      %broadcast_in_dim3A_621 = arith.constant 31 : i32
      %broadcast_in_dim3A_622 = vector.broadcast %broadcast_in_dim3A_621 : i32 to vector<16xi32>
      %gather3A_623 = tpu.vector_load_idx %arg11[%add3A_342, %broadcast_in_dim3A_622] : memref<512x32xf32, #tpu.memory_space<vmem>>[vector<16xi32>, vector<16xi32>], vector<16xf32>,
      %gather3A_624 = tpu.vector_load_idx %arg12[%add3A_342, %broadcast_in_dim3A_622] : memref<512x32xf32, #tpu.memory_space<vmem>>[vector<16xi32>, vector<16xi32>], vector<16xf32>,
      %gather3A_625 = tpu.vector_load_idx %arg13[%add3A_342, %broadcast_in_dim3A_622] : memref<512x32xf32, #tpu.memory_space<vmem>>[vector<16xi32>, vector<16xi32>], vector<16xf32>,
      %add3A_626 = arith.addf %gather3A_623, %gather3A_624 : vector<16xf32>
      %sub3A_627 = arith.subf %add3A_626, %gather3A_625 : vector<16xf32>
      %mul3A_628 = arith.mulf %sub3A_627, %sub3A_627 : vector<16xf32>
      %add3A_629 = arith.addf %add3A_620, %mul3A_628 : vector<16xf32>
      %bitcast3A = vector.bitcast %add3A_629 : vector<16xf32> to vector<16xi32>
      %shift_right_arithmetic3A = arith.constant 1 : i32
      %shift_right_arithmetic3A_630 = vector.broadcast %shift_right_arithmetic3A : i32 to vector<16xi32>
      %shift_right_arithmetic3A_631 = arith.shrsi %bitcast3A, %shift_right_arithmetic3A_630 : vector<16xi32>
      %sub3A_632 = arith.constant 1597463007 : i32
      %sub3A_633 = vector.broadcast %sub3A_632 : i32 to vector<16xi32>
      %sub3A_634 = arith.subi %sub3A_633, %shift_right_arithmetic3A_631 : vector<16xi32>
      %bitcast3A_635 = vector.bitcast %sub3A_634 : vector<16xi32> to vector<16xf32>
      %mul3A_636 = arith.constant 5.000000e-01 : f32
      %mul3A_637 = vector.broadcast %mul3A_636 : f32 to vector<16xf32>
      %mul3A_638 = arith.mulf %mul3A_637, %add3A_629 : vector<16xf32>
      %mul3A_639 = arith.mulf %mul3A_638, %bitcast3A_635 : vector<16xf32>
      %mul3A_640 = arith.mulf %mul3A_639, %bitcast3A_635 : vector<16xf32>
      %sub3A_641 = arith.constant 1.500000e+00 : f32
      %sub3A_642 = vector.broadcast %sub3A_641 : f32 to vector<16xf32>
      %sub3A_643 = arith.subf %sub3A_642, %mul3A_640 : vector<16xf32>
      %mul3A_644 = arith.mulf %bitcast3A_635, %sub3A_643 : vector<16xf32>
      %mul3A_645 = arith.constant 5.000000e-01 : f32
      %mul3A_646 = vector.broadcast %mul3A_645 : f32 to vector<16xf32>
      %mul3A_647 = arith.mulf %mul3A_646, %add3A_629 : vector<16xf32>
      %mul3A_648 = arith.mulf %mul3A_647, %mul3A_644 : vector<16xf32>
      %mul3A_649 = arith.mulf %mul3A_648, %mul3A_644 : vector<16xf32>
      %sub3A_650 = arith.constant 1.500000e+00 : f32
      %sub3A_651 = vector.broadcast %sub3A_650 : f32 to vector<16xf32>
      %sub3A_652 = arith.subf %sub3A_651, %mul3A_649 : vector<16xf32>
      %mul3A_653 = arith.mulf %mul3A_644, %sub3A_652 : vector<16xf32>
      %mul3A_654 = arith.constant 5.000000e-01 : f32
      %mul3A_655 = vector.broadcast %mul3A_654 : f32 to vector<16xf32>
      %mul3A_656 = arith.mulf %mul3A_655, %add3A_629 : vector<16xf32>
      %mul3A_657 = arith.mulf %mul3A_656, %mul3A_653 : vector<16xf32>
      %mul3A_658 = arith.mulf %mul3A_657, %mul3A_653 : vector<16xf32>
      %sub3A_659 = arith.constant 1.500000e+00 : f32
      %sub3A_660 = vector.broadcast %sub3A_659 : f32 to vector<16xf32>
      %sub3A_661 = arith.subf %sub3A_660, %mul3A_658 : vector<16xf32>
      %mul3A_662 = arith.mulf %mul3A_653, %sub3A_661 : vector<16xf32>
      %mul3A_663 = arith.mulf %add3A_629, %mul3A_662 : vector<16xf32>
      %mul3A_664 = arith.constant 16 : i32
      %mul3A_665 = arith.muli %scan3A_338, %mul3A_664 : i32
      %swap3A = arith.index_cast %mul3A_665 : i32 to index
      %swap3A_666 = tpu.vector_load %arg14[%swap3A] {strides = array<i32>} : memref<512xf32, #tpu.memory_space<vmem>>, vector<16xf32>,
      tpu.vector_store %arg14[%swap3A], %mul3A_663 {strides = array<i32>} : memref<512xf32, #tpu.memory_space<vmem>>, vector<16xf32>,
    }
    %scan3A_202 = arith.constant 8 : i32
    %dma_wait3A_203 = arith.constant 1 : i32
    %dma_wait3A_204 = arith.constant 1 : i32
    %dma_wait3A_205 = arith.constant 128 : i32
    %dma_wait3A_206 = arith.constant 0 : i32
    %dma_wait3A_207 = tpu.memref_slice %arg11[%dma_wait3A_205, %dma_wait3A_206] : memref<512x32xf32, #tpu.memory_space<vmem>> -> memref<128x32xf32, #tpu.memory_space<vmem>>
    %dma_wait3A_208 = arith.constant 0 : i32
    %dma_wait3A_209 = tpu.memref_slice %arg8[%dma_wait3A_203, %dma_wait3A_208] : memref<4x128xi32, #tpu.memory_space<vmem>> -> memref<1x128xi32, #tpu.memory_space<vmem>>
    %dma_wait3A_210 = tpu.memref_squeeze %dma_wait3A_209 : memref<1x128xi32, #tpu.memory_space<vmem>> -> memref<128xi32, #tpu.memory_space<vmem>>
    %dma_wait3A_211 = arith.constant 0 : i32
    %dma_wait3A_212 = arith.constant 0 : i32
    %dma_wait3A_213 = tpu.memref_slice %arg5[%dma_wait3A_211, %dma_wait3A_212] : memref<1000000x32xf32, #tpu.memory_space<hbm>> -> memref<1000000x32xf32, #tpu.memory_space<hbm>>
    %dma_wait3A_214 = tpu.memref_slice %arg15[%dma_wait3A_204] : memref<4x!tpu.dma_semaphore, #tpu.memory_space<semaphore_mem>> -> memref<1x!tpu.dma_semaphore, #tpu.memory_space<semaphore_mem>>
    %dma_wait3A_215 = tpu.memref_squeeze %dma_wait3A_214 : memref<1x!tpu.dma_semaphore, #tpu.memory_space<semaphore_mem>> -> memref<!tpu.dma_semaphore, #tpu.memory_space<semaphore_mem>>
    tpu.wait_indirect_dma semaphore(%dma_wait3A_215 : memref<!tpu.dma_semaphore, #tpu.memory_space<semaphore_mem>>) src(%dma_wait3A_213 : memref<1000000x32xf32, #tpu.memory_space<hbm>>) dst(%dma_wait3A_207 : memref<128x32xf32, #tpu.memory_space<vmem>>)
    %dma_wait3A_216 = arith.constant 1 : i32
    %dma_wait3A_217 = arith.constant 1 : i32
    %dma_wait3A_218 = arith.constant 128 : i32
    %dma_wait3A_219 = arith.constant 0 : i32
    %dma_wait3A_220 = tpu.memref_slice %arg12[%dma_wait3A_218, %dma_wait3A_219] : memref<512x32xf32, #tpu.memory_space<vmem>> -> memref<128x32xf32, #tpu.memory_space<vmem>>
    %dma_wait3A_221 = arith.constant 0 : i32
    %dma_wait3A_222 = tpu.memref_slice %arg9[%dma_wait3A_216, %dma_wait3A_221] : memref<4x128xi32, #tpu.memory_space<vmem>> -> memref<1x128xi32, #tpu.memory_space<vmem>>
    %dma_wait3A_223 = tpu.memref_squeeze %dma_wait3A_222 : memref<1x128xi32, #tpu.memory_space<vmem>> -> memref<128xi32, #tpu.memory_space<vmem>>
    %dma_wait3A_224 = arith.constant 0 : i32
    %dma_wait3A_225 = arith.constant 0 : i32
    %dma_wait3A_226 = tpu.memref_slice %arg6[%dma_wait3A_224, %dma_wait3A_225] : memref<1000x32xf32, #tpu.memory_space<hbm>> -> memref<1000x32xf32, #tpu.memory_space<hbm>>
    %dma_wait3A_227 = tpu.memref_slice %arg16[%dma_wait3A_217] : memref<4x!tpu.dma_semaphore, #tpu.memory_space<semaphore_mem>> -> memref<1x!tpu.dma_semaphore, #tpu.memory_space<semaphore_mem>>
    %dma_wait3A_228 = tpu.memref_squeeze %dma_wait3A_227 : memref<1x!tpu.dma_semaphore, #tpu.memory_space<semaphore_mem>> -> memref<!tpu.dma_semaphore, #tpu.memory_space<semaphore_mem>>
    tpu.wait_indirect_dma semaphore(%dma_wait3A_228 : memref<!tpu.dma_semaphore, #tpu.memory_space<semaphore_mem>>) src(%dma_wait3A_226 : memref<1000x32xf32, #tpu.memory_space<hbm>>) dst(%dma_wait3A_220 : memref<128x32xf32, #tpu.memory_space<vmem>>)
    %dma_wait3A_229 = arith.constant 1 : i32
    %dma_wait3A_230 = arith.constant 1 : i32
    %dma_wait3A_231 = arith.constant 128 : i32
    %dma_wait3A_232 = arith.constant 0 : i32
    %dma_wait3A_233 = tpu.memref_slice %arg13[%dma_wait3A_231, %dma_wait3A_232] : memref<512x32xf32, #tpu.memory_space<vmem>> -> memref<128x32xf32, #tpu.memory_space<vmem>>
    %dma_wait3A_234 = arith.constant 0 : i32
    %dma_wait3A_235 = tpu.memref_slice %arg10[%dma_wait3A_229, %dma_wait3A_234] : memref<4x128xi32, #tpu.memory_space<vmem>> -> memref<1x128xi32, #tpu.memory_space<vmem>>
    %dma_wait3A_236 = tpu.memref_squeeze %dma_wait3A_235 : memref<1x128xi32, #tpu.memory_space<vmem>> -> memref<128xi32, #tpu.memory_space<vmem>>
    %dma_wait3A_237 = arith.constant 0 : i32
    %dma_wait3A_238 = arith.constant 0 : i32
    %dma_wait3A_239 = tpu.memref_slice %arg5[%dma_wait3A_237, %dma_wait3A_238] : memref<1000000x32xf32, #tpu.memory_space<hbm>> -> memref<1000000x32xf32, #tpu.memory_space<hbm>>
    %dma_wait3A_240 = tpu.memref_slice %arg17[%dma_wait3A_230] : memref<4x!tpu.dma_semaphore, #tpu.memory_space<semaphore_mem>> -> memref<1x!tpu.dma_semaphore, #tpu.memory_space<semaphore_mem>>
    %dma_wait3A_241 = tpu.memref_squeeze %dma_wait3A_240 : memref<1x!tpu.dma_semaphore, #tpu.memory_space<semaphore_mem>> -> memref<!tpu.dma_semaphore, #tpu.memory_space<semaphore_mem>>
    tpu.wait_indirect_dma semaphore(%dma_wait3A_241 : memref<!tpu.dma_semaphore, #tpu.memory_space<semaphore_mem>>) src(%dma_wait3A_239 : memref<1000000x32xf32, #tpu.memory_space<hbm>>) dst(%dma_wait3A_233 : memref<128x32xf32, #tpu.memory_space<vmem>>)
    %scan3A_242 = arith.constant 0 : i32
    %scan3A_243 = arith.constant 8 : i32
    %scan3A_244 = arith.constant 8 : i32
    %scan3A_245 = arith.addi %scan3A_243, %scan3A_244 : i32
    %scan3A_246 = arith.constant 1 : i32
    scf.for %scan3A_338 = %scan3A_243 to %scan3A_245 step %scan3A_246  : i32 {
      %mul3A_339 = arith.constant 16 : i32
      %mul3A_340 = arith.muli %scan3A_338, %mul3A_339 : i32
      %add3A_341 = vector.broadcast %mul3A_340 : i32 to vector<16xi32>
      %add3A_342 = arith.addi %add3A_341, %iota3A : vector<16xi32>
      %broadcast_in_dim3A = arith.constant 0.000000e+00 : f32
      %broadcast_in_dim3A_343 = vector.broadcast %broadcast_in_dim3A : f32 to vector<16xf32>
      %broadcast_in_dim3A_344 = arith.constant 0 : i32
      %broadcast_in_dim3A_345 = vector.broadcast %broadcast_in_dim3A_344 : i32 to vector<16xi32>
      %gather3A = tpu.vector_load_idx %arg11[%add3A_342, %broadcast_in_dim3A_345] : memref<512x32xf32, #tpu.memory_space<vmem>>[vector<16xi32>, vector<16xi32>], vector<16xf32>,
      %gather3A_346 = tpu.vector_load_idx %arg12[%add3A_342, %broadcast_in_dim3A_345] : memref<512x32xf32, #tpu.memory_space<vmem>>[vector<16xi32>, vector<16xi32>], vector<16xf32>,
      %gather3A_347 = tpu.vector_load_idx %arg13[%add3A_342, %broadcast_in_dim3A_345] : memref<512x32xf32, #tpu.memory_space<vmem>>[vector<16xi32>, vector<16xi32>], vector<16xf32>,
      %add3A_348 = arith.addf %gather3A, %gather3A_346 : vector<16xf32>
      %sub3A = arith.subf %add3A_348, %gather3A_347 : vector<16xf32>
      %mul3A_349 = arith.mulf %sub3A, %sub3A : vector<16xf32>
      %add3A_350 = arith.addf %broadcast_in_dim3A_343, %mul3A_349 : vector<16xf32>
      %broadcast_in_dim3A_351 = arith.constant 1 : i32
      %broadcast_in_dim3A_352 = vector.broadcast %broadcast_in_dim3A_351 : i32 to vector<16xi32>
      %gather3A_353 = tpu.vector_load_idx %arg11[%add3A_342, %broadcast_in_dim3A_352] : memref<512x32xf32, #tpu.memory_space<vmem>>[vector<16xi32>, vector<16xi32>], vector<16xf32>,
      %gather3A_354 = tpu.vector_load_idx %arg12[%add3A_342, %broadcast_in_dim3A_352] : memref<512x32xf32, #tpu.memory_space<vmem>>[vector<16xi32>, vector<16xi32>], vector<16xf32>,
      %gather3A_355 = tpu.vector_load_idx %arg13[%add3A_342, %broadcast_in_dim3A_352] : memref<512x32xf32, #tpu.memory_space<vmem>>[vector<16xi32>, vector<16xi32>], vector<16xf32>,
      %add3A_356 = arith.addf %gather3A_353, %gather3A_354 : vector<16xf32>
      %sub3A_357 = arith.subf %add3A_356, %gather3A_355 : vector<16xf32>
      %mul3A_358 = arith.mulf %sub3A_357, %sub3A_357 : vector<16xf32>
      %add3A_359 = arith.addf %add3A_350, %mul3A_358 : vector<16xf32>
      %broadcast_in_dim3A_360 = arith.constant 2 : i32
      %broadcast_in_dim3A_361 = vector.broadcast %broadcast_in_dim3A_360 : i32 to vector<16xi32>
      %gather3A_362 = tpu.vector_load_idx %arg11[%add3A_342, %broadcast_in_dim3A_361] : memref<512x32xf32, #tpu.memory_space<vmem>>[vector<16xi32>, vector<16xi32>], vector<16xf32>,
      %gather3A_363 = tpu.vector_load_idx %arg12[%add3A_342, %broadcast_in_dim3A_361] : memref<512x32xf32, #tpu.memory_space<vmem>>[vector<16xi32>, vector<16xi32>], vector<16xf32>,
      %gather3A_364 = tpu.vector_load_idx %arg13[%add3A_342, %broadcast_in_dim3A_361] : memref<512x32xf32, #tpu.memory_space<vmem>>[vector<16xi32>, vector<16xi32>], vector<16xf32>,
      %add3A_365 = arith.addf %gather3A_362, %gather3A_363 : vector<16xf32>
      %sub3A_366 = arith.subf %add3A_365, %gather3A_364 : vector<16xf32>
      %mul3A_367 = arith.mulf %sub3A_366, %sub3A_366 : vector<16xf32>
      %add3A_368 = arith.addf %add3A_359, %mul3A_367 : vector<16xf32>
      %broadcast_in_dim3A_369 = arith.constant 3 : i32
      %broadcast_in_dim3A_370 = vector.broadcast %broadcast_in_dim3A_369 : i32 to vector<16xi32>
      %gather3A_371 = tpu.vector_load_idx %arg11[%add3A_342, %broadcast_in_dim3A_370] : memref<512x32xf32, #tpu.memory_space<vmem>>[vector<16xi32>, vector<16xi32>], vector<16xf32>,
      %gather3A_372 = tpu.vector_load_idx %arg12[%add3A_342, %broadcast_in_dim3A_370] : memref<512x32xf32, #tpu.memory_space<vmem>>[vector<16xi32>, vector<16xi32>], vector<16xf32>,
      %gather3A_373 = tpu.vector_load_idx %arg13[%add3A_342, %broadcast_in_dim3A_370] : memref<512x32xf32, #tpu.memory_space<vmem>>[vector<16xi32>, vector<16xi32>], vector<16xf32>,
      %add3A_374 = arith.addf %gather3A_371, %gather3A_372 : vector<16xf32>
      %sub3A_375 = arith.subf %add3A_374, %gather3A_373 : vector<16xf32>
      %mul3A_376 = arith.mulf %sub3A_375, %sub3A_375 : vector<16xf32>
      %add3A_377 = arith.addf %add3A_368, %mul3A_376 : vector<16xf32>
      %broadcast_in_dim3A_378 = arith.constant 4 : i32
      %broadcast_in_dim3A_379 = vector.broadcast %broadcast_in_dim3A_378 : i32 to vector<16xi32>
      %gather3A_380 = tpu.vector_load_idx %arg11[%add3A_342, %broadcast_in_dim3A_379] : memref<512x32xf32, #tpu.memory_space<vmem>>[vector<16xi32>, vector<16xi32>], vector<16xf32>,
      %gather3A_381 = tpu.vector_load_idx %arg12[%add3A_342, %broadcast_in_dim3A_379] : memref<512x32xf32, #tpu.memory_space<vmem>>[vector<16xi32>, vector<16xi32>], vector<16xf32>,
      %gather3A_382 = tpu.vector_load_idx %arg13[%add3A_342, %broadcast_in_dim3A_379] : memref<512x32xf32, #tpu.memory_space<vmem>>[vector<16xi32>, vector<16xi32>], vector<16xf32>,
      %add3A_383 = arith.addf %gather3A_380, %gather3A_381 : vector<16xf32>
      %sub3A_384 = arith.subf %add3A_383, %gather3A_382 : vector<16xf32>
      %mul3A_385 = arith.mulf %sub3A_384, %sub3A_384 : vector<16xf32>
      %add3A_386 = arith.addf %add3A_377, %mul3A_385 : vector<16xf32>
      %broadcast_in_dim3A_387 = arith.constant 5 : i32
      %broadcast_in_dim3A_388 = vector.broadcast %broadcast_in_dim3A_387 : i32 to vector<16xi32>
      %gather3A_389 = tpu.vector_load_idx %arg11[%add3A_342, %broadcast_in_dim3A_388] : memref<512x32xf32, #tpu.memory_space<vmem>>[vector<16xi32>, vector<16xi32>], vector<16xf32>,
      %gather3A_390 = tpu.vector_load_idx %arg12[%add3A_342, %broadcast_in_dim3A_388] : memref<512x32xf32, #tpu.memory_space<vmem>>[vector<16xi32>, vector<16xi32>], vector<16xf32>,
      %gather3A_391 = tpu.vector_load_idx %arg13[%add3A_342, %broadcast_in_dim3A_388] : memref<512x32xf32, #tpu.memory_space<vmem>>[vector<16xi32>, vector<16xi32>], vector<16xf32>,
      %add3A_392 = arith.addf %gather3A_389, %gather3A_390 : vector<16xf32>
      %sub3A_393 = arith.subf %add3A_392, %gather3A_391 : vector<16xf32>
      %mul3A_394 = arith.mulf %sub3A_393, %sub3A_393 : vector<16xf32>
      %add3A_395 = arith.addf %add3A_386, %mul3A_394 : vector<16xf32>
      %broadcast_in_dim3A_396 = arith.constant 6 : i32
      %broadcast_in_dim3A_397 = vector.broadcast %broadcast_in_dim3A_396 : i32 to vector<16xi32>
      %gather3A_398 = tpu.vector_load_idx %arg11[%add3A_342, %broadcast_in_dim3A_397] : memref<512x32xf32, #tpu.memory_space<vmem>>[vector<16xi32>, vector<16xi32>], vector<16xf32>,
      %gather3A_399 = tpu.vector_load_idx %arg12[%add3A_342, %broadcast_in_dim3A_397] : memref<512x32xf32, #tpu.memory_space<vmem>>[vector<16xi32>, vector<16xi32>], vector<16xf32>,
      %gather3A_400 = tpu.vector_load_idx %arg13[%add3A_342, %broadcast_in_dim3A_397] : memref<512x32xf32, #tpu.memory_space<vmem>>[vector<16xi32>, vector<16xi32>], vector<16xf32>,
      %add3A_401 = arith.addf %gather3A_398, %gather3A_399 : vector<16xf32>
      %sub3A_402 = arith.subf %add3A_401, %gather3A_400 : vector<16xf32>
      %mul3A_403 = arith.mulf %sub3A_402, %sub3A_402 : vector<16xf32>
      %add3A_404 = arith.addf %add3A_395, %mul3A_403 : vector<16xf32>
      %broadcast_in_dim3A_405 = arith.constant 7 : i32
      %broadcast_in_dim3A_406 = vector.broadcast %broadcast_in_dim3A_405 : i32 to vector<16xi32>
      %gather3A_407 = tpu.vector_load_idx %arg11[%add3A_342, %broadcast_in_dim3A_406] : memref<512x32xf32, #tpu.memory_space<vmem>>[vector<16xi32>, vector<16xi32>], vector<16xf32>,
      %gather3A_408 = tpu.vector_load_idx %arg12[%add3A_342, %broadcast_in_dim3A_406] : memref<512x32xf32, #tpu.memory_space<vmem>>[vector<16xi32>, vector<16xi32>], vector<16xf32>,
      %gather3A_409 = tpu.vector_load_idx %arg13[%add3A_342, %broadcast_in_dim3A_406] : memref<512x32xf32, #tpu.memory_space<vmem>>[vector<16xi32>, vector<16xi32>], vector<16xf32>,
      %add3A_410 = arith.addf %gather3A_407, %gather3A_408 : vector<16xf32>
      %sub3A_411 = arith.subf %add3A_410, %gather3A_409 : vector<16xf32>
      %mul3A_412 = arith.mulf %sub3A_411, %sub3A_411 : vector<16xf32>
      %add3A_413 = arith.addf %add3A_404, %mul3A_412 : vector<16xf32>
      %broadcast_in_dim3A_414 = arith.constant 8 : i32
      %broadcast_in_dim3A_415 = vector.broadcast %broadcast_in_dim3A_414 : i32 to vector<16xi32>
      %gather3A_416 = tpu.vector_load_idx %arg11[%add3A_342, %broadcast_in_dim3A_415] : memref<512x32xf32, #tpu.memory_space<vmem>>[vector<16xi32>, vector<16xi32>], vector<16xf32>,
      %gather3A_417 = tpu.vector_load_idx %arg12[%add3A_342, %broadcast_in_dim3A_415] : memref<512x32xf32, #tpu.memory_space<vmem>>[vector<16xi32>, vector<16xi32>], vector<16xf32>,
      %gather3A_418 = tpu.vector_load_idx %arg13[%add3A_342, %broadcast_in_dim3A_415] : memref<512x32xf32, #tpu.memory_space<vmem>>[vector<16xi32>, vector<16xi32>], vector<16xf32>,
      %add3A_419 = arith.addf %gather3A_416, %gather3A_417 : vector<16xf32>
      %sub3A_420 = arith.subf %add3A_419, %gather3A_418 : vector<16xf32>
      %mul3A_421 = arith.mulf %sub3A_420, %sub3A_420 : vector<16xf32>
      %add3A_422 = arith.addf %add3A_413, %mul3A_421 : vector<16xf32>
      %broadcast_in_dim3A_423 = arith.constant 9 : i32
      %broadcast_in_dim3A_424 = vector.broadcast %broadcast_in_dim3A_423 : i32 to vector<16xi32>
      %gather3A_425 = tpu.vector_load_idx %arg11[%add3A_342, %broadcast_in_dim3A_424] : memref<512x32xf32, #tpu.memory_space<vmem>>[vector<16xi32>, vector<16xi32>], vector<16xf32>,
      %gather3A_426 = tpu.vector_load_idx %arg12[%add3A_342, %broadcast_in_dim3A_424] : memref<512x32xf32, #tpu.memory_space<vmem>>[vector<16xi32>, vector<16xi32>], vector<16xf32>,
      %gather3A_427 = tpu.vector_load_idx %arg13[%add3A_342, %broadcast_in_dim3A_424] : memref<512x32xf32, #tpu.memory_space<vmem>>[vector<16xi32>, vector<16xi32>], vector<16xf32>,
      %add3A_428 = arith.addf %gather3A_425, %gather3A_426 : vector<16xf32>
      %sub3A_429 = arith.subf %add3A_428, %gather3A_427 : vector<16xf32>
      %mul3A_430 = arith.mulf %sub3A_429, %sub3A_429 : vector<16xf32>
      %add3A_431 = arith.addf %add3A_422, %mul3A_430 : vector<16xf32>
      %broadcast_in_dim3A_432 = arith.constant 10 : i32
      %broadcast_in_dim3A_433 = vector.broadcast %broadcast_in_dim3A_432 : i32 to vector<16xi32>
      %gather3A_434 = tpu.vector_load_idx %arg11[%add3A_342, %broadcast_in_dim3A_433] : memref<512x32xf32, #tpu.memory_space<vmem>>[vector<16xi32>, vector<16xi32>], vector<16xf32>,
      %gather3A_435 = tpu.vector_load_idx %arg12[%add3A_342, %broadcast_in_dim3A_433] : memref<512x32xf32, #tpu.memory_space<vmem>>[vector<16xi32>, vector<16xi32>], vector<16xf32>,
      %gather3A_436 = tpu.vector_load_idx %arg13[%add3A_342, %broadcast_in_dim3A_433] : memref<512x32xf32, #tpu.memory_space<vmem>>[vector<16xi32>, vector<16xi32>], vector<16xf32>,
      %add3A_437 = arith.addf %gather3A_434, %gather3A_435 : vector<16xf32>
      %sub3A_438 = arith.subf %add3A_437, %gather3A_436 : vector<16xf32>
      %mul3A_439 = arith.mulf %sub3A_438, %sub3A_438 : vector<16xf32>
      %add3A_440 = arith.addf %add3A_431, %mul3A_439 : vector<16xf32>
      %broadcast_in_dim3A_441 = arith.constant 11 : i32
      %broadcast_in_dim3A_442 = vector.broadcast %broadcast_in_dim3A_441 : i32 to vector<16xi32>
      %gather3A_443 = tpu.vector_load_idx %arg11[%add3A_342, %broadcast_in_dim3A_442] : memref<512x32xf32, #tpu.memory_space<vmem>>[vector<16xi32>, vector<16xi32>], vector<16xf32>,
      %gather3A_444 = tpu.vector_load_idx %arg12[%add3A_342, %broadcast_in_dim3A_442] : memref<512x32xf32, #tpu.memory_space<vmem>>[vector<16xi32>, vector<16xi32>], vector<16xf32>,
      %gather3A_445 = tpu.vector_load_idx %arg13[%add3A_342, %broadcast_in_dim3A_442] : memref<512x32xf32, #tpu.memory_space<vmem>>[vector<16xi32>, vector<16xi32>], vector<16xf32>,
      %add3A_446 = arith.addf %gather3A_443, %gather3A_444 : vector<16xf32>
      %sub3A_447 = arith.subf %add3A_446, %gather3A_445 : vector<16xf32>
      %mul3A_448 = arith.mulf %sub3A_447, %sub3A_447 : vector<16xf32>
      %add3A_449 = arith.addf %add3A_440, %mul3A_448 : vector<16xf32>
      %broadcast_in_dim3A_450 = arith.constant 12 : i32
      %broadcast_in_dim3A_451 = vector.broadcast %broadcast_in_dim3A_450 : i32 to vector<16xi32>
      %gather3A_452 = tpu.vector_load_idx %arg11[%add3A_342, %broadcast_in_dim3A_451] : memref<512x32xf32, #tpu.memory_space<vmem>>[vector<16xi32>, vector<16xi32>], vector<16xf32>,
      %gather3A_453 = tpu.vector_load_idx %arg12[%add3A_342, %broadcast_in_dim3A_451] : memref<512x32xf32, #tpu.memory_space<vmem>>[vector<16xi32>, vector<16xi32>], vector<16xf32>,
      %gather3A_454 = tpu.vector_load_idx %arg13[%add3A_342, %broadcast_in_dim3A_451] : memref<512x32xf32, #tpu.memory_space<vmem>>[vector<16xi32>, vector<16xi32>], vector<16xf32>,
      %add3A_455 = arith.addf %gather3A_452, %gather3A_453 : vector<16xf32>
      %sub3A_456 = arith.subf %add3A_455, %gather3A_454 : vector<16xf32>
      %mul3A_457 = arith.mulf %sub3A_456, %sub3A_456 : vector<16xf32>
      %add3A_458 = arith.addf %add3A_449, %mul3A_457 : vector<16xf32>
      %broadcast_in_dim3A_459 = arith.constant 13 : i32
      %broadcast_in_dim3A_460 = vector.broadcast %broadcast_in_dim3A_459 : i32 to vector<16xi32>
      %gather3A_461 = tpu.vector_load_idx %arg11[%add3A_342, %broadcast_in_dim3A_460] : memref<512x32xf32, #tpu.memory_space<vmem>>[vector<16xi32>, vector<16xi32>], vector<16xf32>,
      %gather3A_462 = tpu.vector_load_idx %arg12[%add3A_342, %broadcast_in_dim3A_460] : memref<512x32xf32, #tpu.memory_space<vmem>>[vector<16xi32>, vector<16xi32>], vector<16xf32>,
      %gather3A_463 = tpu.vector_load_idx %arg13[%add3A_342, %broadcast_in_dim3A_460] : memref<512x32xf32, #tpu.memory_space<vmem>>[vector<16xi32>, vector<16xi32>], vector<16xf32>,
      %add3A_464 = arith.addf %gather3A_461, %gather3A_462 : vector<16xf32>
      %sub3A_465 = arith.subf %add3A_464, %gather3A_463 : vector<16xf32>
      %mul3A_466 = arith.mulf %sub3A_465, %sub3A_465 : vector<16xf32>
      %add3A_467 = arith.addf %add3A_458, %mul3A_466 : vector<16xf32>
      %broadcast_in_dim3A_468 = arith.constant 14 : i32
      %broadcast_in_dim3A_469 = vector.broadcast %broadcast_in_dim3A_468 : i32 to vector<16xi32>
      %gather3A_470 = tpu.vector_load_idx %arg11[%add3A_342, %broadcast_in_dim3A_469] : memref<512x32xf32, #tpu.memory_space<vmem>>[vector<16xi32>, vector<16xi32>], vector<16xf32>,
      %gather3A_471 = tpu.vector_load_idx %arg12[%add3A_342, %broadcast_in_dim3A_469] : memref<512x32xf32, #tpu.memory_space<vmem>>[vector<16xi32>, vector<16xi32>], vector<16xf32>,
      %gather3A_472 = tpu.vector_load_idx %arg13[%add3A_342, %broadcast_in_dim3A_469] : memref<512x32xf32, #tpu.memory_space<vmem>>[vector<16xi32>, vector<16xi32>], vector<16xf32>,
      %add3A_473 = arith.addf %gather3A_470, %gather3A_471 : vector<16xf32>
      %sub3A_474 = arith.subf %add3A_473, %gather3A_472 : vector<16xf32>
      %mul3A_475 = arith.mulf %sub3A_474, %sub3A_474 : vector<16xf32>
      %add3A_476 = arith.addf %add3A_467, %mul3A_475 : vector<16xf32>
      %broadcast_in_dim3A_477 = arith.constant 15 : i32
      %broadcast_in_dim3A_478 = vector.broadcast %broadcast_in_dim3A_477 : i32 to vector<16xi32>
      %gather3A_479 = tpu.vector_load_idx %arg11[%add3A_342, %broadcast_in_dim3A_478] : memref<512x32xf32, #tpu.memory_space<vmem>>[vector<16xi32>, vector<16xi32>], vector<16xf32>,
      %gather3A_480 = tpu.vector_load_idx %arg12[%add3A_342, %broadcast_in_dim3A_478] : memref<512x32xf32, #tpu.memory_space<vmem>>[vector<16xi32>, vector<16xi32>], vector<16xf32>,
      %gather3A_481 = tpu.vector_load_idx %arg13[%add3A_342, %broadcast_in_dim3A_478] : memref<512x32xf32, #tpu.memory_space<vmem>>[vector<16xi32>, vector<16xi32>], vector<16xf32>,
      %add3A_482 = arith.addf %gather3A_479, %gather3A_480 : vector<16xf32>
      %sub3A_483 = arith.subf %add3A_482, %gather3A_481 : vector<16xf32>
      %mul3A_484 = arith.mulf %sub3A_483, %sub3A_483 : vector<16xf32>
      %add3A_485 = arith.addf %add3A_476, %mul3A_484 : vector<16xf32>
      %broadcast_in_dim3A_486 = arith.constant 16 : i32
      %broadcast_in_dim3A_487 = vector.broadcast %broadcast_in_dim3A_486 : i32 to vector<16xi32>
      %gather3A_488 = tpu.vector_load_idx %arg11[%add3A_342, %broadcast_in_dim3A_487] : memref<512x32xf32, #tpu.memory_space<vmem>>[vector<16xi32>, vector<16xi32>], vector<16xf32>,
      %gather3A_489 = tpu.vector_load_idx %arg12[%add3A_342, %broadcast_in_dim3A_487] : memref<512x32xf32, #tpu.memory_space<vmem>>[vector<16xi32>, vector<16xi32>], vector<16xf32>,
      %gather3A_490 = tpu.vector_load_idx %arg13[%add3A_342, %broadcast_in_dim3A_487] : memref<512x32xf32, #tpu.memory_space<vmem>>[vector<16xi32>, vector<16xi32>], vector<16xf32>,
      %add3A_491 = arith.addf %gather3A_488, %gather3A_489 : vector<16xf32>
      %sub3A_492 = arith.subf %add3A_491, %gather3A_490 : vector<16xf32>
      %mul3A_493 = arith.mulf %sub3A_492, %sub3A_492 : vector<16xf32>
      %add3A_494 = arith.addf %add3A_485, %mul3A_493 : vector<16xf32>
      %broadcast_in_dim3A_495 = arith.constant 17 : i32
      %broadcast_in_dim3A_496 = vector.broadcast %broadcast_in_dim3A_495 : i32 to vector<16xi32>
      %gather3A_497 = tpu.vector_load_idx %arg11[%add3A_342, %broadcast_in_dim3A_496] : memref<512x32xf32, #tpu.memory_space<vmem>>[vector<16xi32>, vector<16xi32>], vector<16xf32>,
      %gather3A_498 = tpu.vector_load_idx %arg12[%add3A_342, %broadcast_in_dim3A_496] : memref<512x32xf32, #tpu.memory_space<vmem>>[vector<16xi32>, vector<16xi32>], vector<16xf32>,
      %gather3A_499 = tpu.vector_load_idx %arg13[%add3A_342, %broadcast_in_dim3A_496] : memref<512x32xf32, #tpu.memory_space<vmem>>[vector<16xi32>, vector<16xi32>], vector<16xf32>,
      %add3A_500 = arith.addf %gather3A_497, %gather3A_498 : vector<16xf32>
      %sub3A_501 = arith.subf %add3A_500, %gather3A_499 : vector<16xf32>
      %mul3A_502 = arith.mulf %sub3A_501, %sub3A_501 : vector<16xf32>
      %add3A_503 = arith.addf %add3A_494, %mul3A_502 : vector<16xf32>
      %broadcast_in_dim3A_504 = arith.constant 18 : i32
      %broadcast_in_dim3A_505 = vector.broadcast %broadcast_in_dim3A_504 : i32 to vector<16xi32>
      %gather3A_506 = tpu.vector_load_idx %arg11[%add3A_342, %broadcast_in_dim3A_505] : memref<512x32xf32, #tpu.memory_space<vmem>>[vector<16xi32>, vector<16xi32>], vector<16xf32>,
      %gather3A_507 = tpu.vector_load_idx %arg12[%add3A_342, %broadcast_in_dim3A_505] : memref<512x32xf32, #tpu.memory_space<vmem>>[vector<16xi32>, vector<16xi32>], vector<16xf32>,
      %gather3A_508 = tpu.vector_load_idx %arg13[%add3A_342, %broadcast_in_dim3A_505] : memref<512x32xf32, #tpu.memory_space<vmem>>[vector<16xi32>, vector<16xi32>], vector<16xf32>,
      %add3A_509 = arith.addf %gather3A_506, %gather3A_507 : vector<16xf32>
      %sub3A_510 = arith.subf %add3A_509, %gather3A_508 : vector<16xf32>
      %mul3A_511 = arith.mulf %sub3A_510, %sub3A_510 : vector<16xf32>
      %add3A_512 = arith.addf %add3A_503, %mul3A_511 : vector<16xf32>
      %broadcast_in_dim3A_513 = arith.constant 19 : i32
      %broadcast_in_dim3A_514 = vector.broadcast %broadcast_in_dim3A_513 : i32 to vector<16xi32>
      %gather3A_515 = tpu.vector_load_idx %arg11[%add3A_342, %broadcast_in_dim3A_514] : memref<512x32xf32, #tpu.memory_space<vmem>>[vector<16xi32>, vector<16xi32>], vector<16xf32>,
      %gather3A_516 = tpu.vector_load_idx %arg12[%add3A_342, %broadcast_in_dim3A_514] : memref<512x32xf32, #tpu.memory_space<vmem>>[vector<16xi32>, vector<16xi32>], vector<16xf32>,
      %gather3A_517 = tpu.vector_load_idx %arg13[%add3A_342, %broadcast_in_dim3A_514] : memref<512x32xf32, #tpu.memory_space<vmem>>[vector<16xi32>, vector<16xi32>], vector<16xf32>,
      %add3A_518 = arith.addf %gather3A_515, %gather3A_516 : vector<16xf32>
      %sub3A_519 = arith.subf %add3A_518, %gather3A_517 : vector<16xf32>
      %mul3A_520 = arith.mulf %sub3A_519, %sub3A_519 : vector<16xf32>
      %add3A_521 = arith.addf %add3A_512, %mul3A_520 : vector<16xf32>
      %broadcast_in_dim3A_522 = arith.constant 20 : i32
      %broadcast_in_dim3A_523 = vector.broadcast %broadcast_in_dim3A_522 : i32 to vector<16xi32>
      %gather3A_524 = tpu.vector_load_idx %arg11[%add3A_342, %broadcast_in_dim3A_523] : memref<512x32xf32, #tpu.memory_space<vmem>>[vector<16xi32>, vector<16xi32>], vector<16xf32>,
      %gather3A_525 = tpu.vector_load_idx %arg12[%add3A_342, %broadcast_in_dim3A_523] : memref<512x32xf32, #tpu.memory_space<vmem>>[vector<16xi32>, vector<16xi32>], vector<16xf32>,
      %gather3A_526 = tpu.vector_load_idx %arg13[%add3A_342, %broadcast_in_dim3A_523] : memref<512x32xf32, #tpu.memory_space<vmem>>[vector<16xi32>, vector<16xi32>], vector<16xf32>,
      %add3A_527 = arith.addf %gather3A_524, %gather3A_525 : vector<16xf32>
      %sub3A_528 = arith.subf %add3A_527, %gather3A_526 : vector<16xf32>
      %mul3A_529 = arith.mulf %sub3A_528, %sub3A_528 : vector<16xf32>
      %add3A_530 = arith.addf %add3A_521, %mul3A_529 : vector<16xf32>
      %broadcast_in_dim3A_531 = arith.constant 21 : i32
      %broadcast_in_dim3A_532 = vector.broadcast %broadcast_in_dim3A_531 : i32 to vector<16xi32>
      %gather3A_533 = tpu.vector_load_idx %arg11[%add3A_342, %broadcast_in_dim3A_532] : memref<512x32xf32, #tpu.memory_space<vmem>>[vector<16xi32>, vector<16xi32>], vector<16xf32>,
      %gather3A_534 = tpu.vector_load_idx %arg12[%add3A_342, %broadcast_in_dim3A_532] : memref<512x32xf32, #tpu.memory_space<vmem>>[vector<16xi32>, vector<16xi32>], vector<16xf32>,
      %gather3A_535 = tpu.vector_load_idx %arg13[%add3A_342, %broadcast_in_dim3A_532] : memref<512x32xf32, #tpu.memory_space<vmem>>[vector<16xi32>, vector<16xi32>], vector<16xf32>,
      %add3A_536 = arith.addf %gather3A_533, %gather3A_534 : vector<16xf32>
      %sub3A_537 = arith.subf %add3A_536, %gather3A_535 : vector<16xf32>
      %mul3A_538 = arith.mulf %sub3A_537, %sub3A_537 : vector<16xf32>
      %add3A_539 = arith.addf %add3A_530, %mul3A_538 : vector<16xf32>
      %broadcast_in_dim3A_540 = arith.constant 22 : i32
      %broadcast_in_dim3A_541 = vector.broadcast %broadcast_in_dim3A_540 : i32 to vector<16xi32>
      %gather3A_542 = tpu.vector_load_idx %arg11[%add3A_342, %broadcast_in_dim3A_541] : memref<512x32xf32, #tpu.memory_space<vmem>>[vector<16xi32>, vector<16xi32>], vector<16xf32>,
      %gather3A_543 = tpu.vector_load_idx %arg12[%add3A_342, %broadcast_in_dim3A_541] : memref<512x32xf32, #tpu.memory_space<vmem>>[vector<16xi32>, vector<16xi32>], vector<16xf32>,
      %gather3A_544 = tpu.vector_load_idx %arg13[%add3A_342, %broadcast_in_dim3A_541] : memref<512x32xf32, #tpu.memory_space<vmem>>[vector<16xi32>, vector<16xi32>], vector<16xf32>,
      %add3A_545 = arith.addf %gather3A_542, %gather3A_543 : vector<16xf32>
      %sub3A_546 = arith.subf %add3A_545, %gather3A_544 : vector<16xf32>
      %mul3A_547 = arith.mulf %sub3A_546, %sub3A_546 : vector<16xf32>
      %add3A_548 = arith.addf %add3A_539, %mul3A_547 : vector<16xf32>
      %broadcast_in_dim3A_549 = arith.constant 23 : i32
      %broadcast_in_dim3A_550 = vector.broadcast %broadcast_in_dim3A_549 : i32 to vector<16xi32>
      %gather3A_551 = tpu.vector_load_idx %arg11[%add3A_342, %broadcast_in_dim3A_550] : memref<512x32xf32, #tpu.memory_space<vmem>>[vector<16xi32>, vector<16xi32>], vector<16xf32>,
      %gather3A_552 = tpu.vector_load_idx %arg12[%add3A_342, %broadcast_in_dim3A_550] : memref<512x32xf32, #tpu.memory_space<vmem>>[vector<16xi32>, vector<16xi32>], vector<16xf32>,
      %gather3A_553 = tpu.vector_load_idx %arg13[%add3A_342, %broadcast_in_dim3A_550] : memref<512x32xf32, #tpu.memory_space<vmem>>[vector<16xi32>, vector<16xi32>], vector<16xf32>,
      %add3A_554 = arith.addf %gather3A_551, %gather3A_552 : vector<16xf32>
      %sub3A_555 = arith.subf %add3A_554, %gather3A_553 : vector<16xf32>
      %mul3A_556 = arith.mulf %sub3A_555, %sub3A_555 : vector<16xf32>
      %add3A_557 = arith.addf %add3A_548, %mul3A_556 : vector<16xf32>
      %broadcast_in_dim3A_558 = arith.constant 24 : i32
      %broadcast_in_dim3A_559 = vector.broadcast %broadcast_in_dim3A_558 : i32 to vector<16xi32>
      %gather3A_560 = tpu.vector_load_idx %arg11[%add3A_342, %broadcast_in_dim3A_559] : memref<512x32xf32, #tpu.memory_space<vmem>>[vector<16xi32>, vector<16xi32>], vector<16xf32>,
      %gather3A_561 = tpu.vector_load_idx %arg12[%add3A_342, %broadcast_in_dim3A_559] : memref<512x32xf32, #tpu.memory_space<vmem>>[vector<16xi32>, vector<16xi32>], vector<16xf32>,
      %gather3A_562 = tpu.vector_load_idx %arg13[%add3A_342, %broadcast_in_dim3A_559] : memref<512x32xf32, #tpu.memory_space<vmem>>[vector<16xi32>, vector<16xi32>], vector<16xf32>,
      %add3A_563 = arith.addf %gather3A_560, %gather3A_561 : vector<16xf32>
      %sub3A_564 = arith.subf %add3A_563, %gather3A_562 : vector<16xf32>
      %mul3A_565 = arith.mulf %sub3A_564, %sub3A_564 : vector<16xf32>
      %add3A_566 = arith.addf %add3A_557, %mul3A_565 : vector<16xf32>
      %broadcast_in_dim3A_567 = arith.constant 25 : i32
      %broadcast_in_dim3A_568 = vector.broadcast %broadcast_in_dim3A_567 : i32 to vector<16xi32>
      %gather3A_569 = tpu.vector_load_idx %arg11[%add3A_342, %broadcast_in_dim3A_568] : memref<512x32xf32, #tpu.memory_space<vmem>>[vector<16xi32>, vector<16xi32>], vector<16xf32>,
      %gather3A_570 = tpu.vector_load_idx %arg12[%add3A_342, %broadcast_in_dim3A_568] : memref<512x32xf32, #tpu.memory_space<vmem>>[vector<16xi32>, vector<16xi32>], vector<16xf32>,
      %gather3A_571 = tpu.vector_load_idx %arg13[%add3A_342, %broadcast_in_dim3A_568] : memref<512x32xf32, #tpu.memory_space<vmem>>[vector<16xi32>, vector<16xi32>], vector<16xf32>,
      %add3A_572 = arith.addf %gather3A_569, %gather3A_570 : vector<16xf32>
      %sub3A_573 = arith.subf %add3A_572, %gather3A_571 : vector<16xf32>
      %mul3A_574 = arith.mulf %sub3A_573, %sub3A_573 : vector<16xf32>
      %add3A_575 = arith.addf %add3A_566, %mul3A_574 : vector<16xf32>
      %broadcast_in_dim3A_576 = arith.constant 26 : i32
      %broadcast_in_dim3A_577 = vector.broadcast %broadcast_in_dim3A_576 : i32 to vector<16xi32>
      %gather3A_578 = tpu.vector_load_idx %arg11[%add3A_342, %broadcast_in_dim3A_577] : memref<512x32xf32, #tpu.memory_space<vmem>>[vector<16xi32>, vector<16xi32>], vector<16xf32>,
      %gather3A_579 = tpu.vector_load_idx %arg12[%add3A_342, %broadcast_in_dim3A_577] : memref<512x32xf32, #tpu.memory_space<vmem>>[vector<16xi32>, vector<16xi32>], vector<16xf32>,
      %gather3A_580 = tpu.vector_load_idx %arg13[%add3A_342, %broadcast_in_dim3A_577] : memref<512x32xf32, #tpu.memory_space<vmem>>[vector<16xi32>, vector<16xi32>], vector<16xf32>,
      %add3A_581 = arith.addf %gather3A_578, %gather3A_579 : vector<16xf32>
      %sub3A_582 = arith.subf %add3A_581, %gather3A_580 : vector<16xf32>
      %mul3A_583 = arith.mulf %sub3A_582, %sub3A_582 : vector<16xf32>
      %add3A_584 = arith.addf %add3A_575, %mul3A_583 : vector<16xf32>
      %broadcast_in_dim3A_585 = arith.constant 27 : i32
      %broadcast_in_dim3A_586 = vector.broadcast %broadcast_in_dim3A_585 : i32 to vector<16xi32>
      %gather3A_587 = tpu.vector_load_idx %arg11[%add3A_342, %broadcast_in_dim3A_586] : memref<512x32xf32, #tpu.memory_space<vmem>>[vector<16xi32>, vector<16xi32>], vector<16xf32>,
      %gather3A_588 = tpu.vector_load_idx %arg12[%add3A_342, %broadcast_in_dim3A_586] : memref<512x32xf32, #tpu.memory_space<vmem>>[vector<16xi32>, vector<16xi32>], vector<16xf32>,
      %gather3A_589 = tpu.vector_load_idx %arg13[%add3A_342, %broadcast_in_dim3A_586] : memref<512x32xf32, #tpu.memory_space<vmem>>[vector<16xi32>, vector<16xi32>], vector<16xf32>,
      %add3A_590 = arith.addf %gather3A_587, %gather3A_588 : vector<16xf32>
      %sub3A_591 = arith.subf %add3A_590, %gather3A_589 : vector<16xf32>
      %mul3A_592 = arith.mulf %sub3A_591, %sub3A_591 : vector<16xf32>
      %add3A_593 = arith.addf %add3A_584, %mul3A_592 : vector<16xf32>
      %broadcast_in_dim3A_594 = arith.constant 28 : i32
      %broadcast_in_dim3A_595 = vector.broadcast %broadcast_in_dim3A_594 : i32 to vector<16xi32>
      %gather3A_596 = tpu.vector_load_idx %arg11[%add3A_342, %broadcast_in_dim3A_595] : memref<512x32xf32, #tpu.memory_space<vmem>>[vector<16xi32>, vector<16xi32>], vector<16xf32>,
      %gather3A_597 = tpu.vector_load_idx %arg12[%add3A_342, %broadcast_in_dim3A_595] : memref<512x32xf32, #tpu.memory_space<vmem>>[vector<16xi32>, vector<16xi32>], vector<16xf32>,
      %gather3A_598 = tpu.vector_load_idx %arg13[%add3A_342, %broadcast_in_dim3A_595] : memref<512x32xf32, #tpu.memory_space<vmem>>[vector<16xi32>, vector<16xi32>], vector<16xf32>,
      %add3A_599 = arith.addf %gather3A_596, %gather3A_597 : vector<16xf32>
      %sub3A_600 = arith.subf %add3A_599, %gather3A_598 : vector<16xf32>
      %mul3A_601 = arith.mulf %sub3A_600, %sub3A_600 : vector<16xf32>
      %add3A_602 = arith.addf %add3A_593, %mul3A_601 : vector<16xf32>
      %broadcast_in_dim3A_603 = arith.constant 29 : i32
      %broadcast_in_dim3A_604 = vector.broadcast %broadcast_in_dim3A_603 : i32 to vector<16xi32>
      %gather3A_605 = tpu.vector_load_idx %arg11[%add3A_342, %broadcast_in_dim3A_604] : memref<512x32xf32, #tpu.memory_space<vmem>>[vector<16xi32>, vector<16xi32>], vector<16xf32>,
      %gather3A_606 = tpu.vector_load_idx %arg12[%add3A_342, %broadcast_in_dim3A_604] : memref<512x32xf32, #tpu.memory_space<vmem>>[vector<16xi32>, vector<16xi32>], vector<16xf32>,
      %gather3A_607 = tpu.vector_load_idx %arg13[%add3A_342, %broadcast_in_dim3A_604] : memref<512x32xf32, #tpu.memory_space<vmem>>[vector<16xi32>, vector<16xi32>], vector<16xf32>,
      %add3A_608 = arith.addf %gather3A_605, %gather3A_606 : vector<16xf32>
      %sub3A_609 = arith.subf %add3A_608, %gather3A_607 : vector<16xf32>
      %mul3A_610 = arith.mulf %sub3A_609, %sub3A_609 : vector<16xf32>
      %add3A_611 = arith.addf %add3A_602, %mul3A_610 : vector<16xf32>
      %broadcast_in_dim3A_612 = arith.constant 30 : i32
      %broadcast_in_dim3A_613 = vector.broadcast %broadcast_in_dim3A_612 : i32 to vector<16xi32>
      %gather3A_614 = tpu.vector_load_idx %arg11[%add3A_342, %broadcast_in_dim3A_613] : memref<512x32xf32, #tpu.memory_space<vmem>>[vector<16xi32>, vector<16xi32>], vector<16xf32>,
      %gather3A_615 = tpu.vector_load_idx %arg12[%add3A_342, %broadcast_in_dim3A_613] : memref<512x32xf32, #tpu.memory_space<vmem>>[vector<16xi32>, vector<16xi32>], vector<16xf32>,
      %gather3A_616 = tpu.vector_load_idx %arg13[%add3A_342, %broadcast_in_dim3A_613] : memref<512x32xf32, #tpu.memory_space<vmem>>[vector<16xi32>, vector<16xi32>], vector<16xf32>,
      %add3A_617 = arith.addf %gather3A_614, %gather3A_615 : vector<16xf32>
      %sub3A_618 = arith.subf %add3A_617, %gather3A_616 : vector<16xf32>
      %mul3A_619 = arith.mulf %sub3A_618, %sub3A_618 : vector<16xf32>
      %add3A_620 = arith.addf %add3A_611, %mul3A_619 : vector<16xf32>
      %broadcast_in_dim3A_621 = arith.constant 31 : i32
      %broadcast_in_dim3A_622 = vector.broadcast %broadcast_in_dim3A_621 : i32 to vector<16xi32>
      %gather3A_623 = tpu.vector_load_idx %arg11[%add3A_342, %broadcast_in_dim3A_622] : memref<512x32xf32, #tpu.memory_space<vmem>>[vector<16xi32>, vector<16xi32>], vector<16xf32>,
      %gather3A_624 = tpu.vector_load_idx %arg12[%add3A_342, %broadcast_in_dim3A_622] : memref<512x32xf32, #tpu.memory_space<vmem>>[vector<16xi32>, vector<16xi32>], vector<16xf32>,
      %gather3A_625 = tpu.vector_load_idx %arg13[%add3A_342, %broadcast_in_dim3A_622] : memref<512x32xf32, #tpu.memory_space<vmem>>[vector<16xi32>, vector<16xi32>], vector<16xf32>,
      %add3A_626 = arith.addf %gather3A_623, %gather3A_624 : vector<16xf32>
      %sub3A_627 = arith.subf %add3A_626, %gather3A_625 : vector<16xf32>
      %mul3A_628 = arith.mulf %sub3A_627, %sub3A_627 : vector<16xf32>
      %add3A_629 = arith.addf %add3A_620, %mul3A_628 : vector<16xf32>
      %bitcast3A = vector.bitcast %add3A_629 : vector<16xf32> to vector<16xi32>
      %shift_right_arithmetic3A = arith.constant 1 : i32
      %shift_right_arithmetic3A_630 = vector.broadcast %shift_right_arithmetic3A : i32 to vector<16xi32>
      %shift_right_arithmetic3A_631 = arith.shrsi %bitcast3A, %shift_right_arithmetic3A_630 : vector<16xi32>
      %sub3A_632 = arith.constant 1597463007 : i32
      %sub3A_633 = vector.broadcast %sub3A_632 : i32 to vector<16xi32>
      %sub3A_634 = arith.subi %sub3A_633, %shift_right_arithmetic3A_631 : vector<16xi32>
      %bitcast3A_635 = vector.bitcast %sub3A_634 : vector<16xi32> to vector<16xf32>
      %mul3A_636 = arith.constant 5.000000e-01 : f32
      %mul3A_637 = vector.broadcast %mul3A_636 : f32 to vector<16xf32>
      %mul3A_638 = arith.mulf %mul3A_637, %add3A_629 : vector<16xf32>
      %mul3A_639 = arith.mulf %mul3A_638, %bitcast3A_635 : vector<16xf32>
      %mul3A_640 = arith.mulf %mul3A_639, %bitcast3A_635 : vector<16xf32>
      %sub3A_641 = arith.constant 1.500000e+00 : f32
      %sub3A_642 = vector.broadcast %sub3A_641 : f32 to vector<16xf32>
      %sub3A_643 = arith.subf %sub3A_642, %mul3A_640 : vector<16xf32>
      %mul3A_644 = arith.mulf %bitcast3A_635, %sub3A_643 : vector<16xf32>
      %mul3A_645 = arith.constant 5.000000e-01 : f32
      %mul3A_646 = vector.broadcast %mul3A_645 : f32 to vector<16xf32>
      %mul3A_647 = arith.mulf %mul3A_646, %add3A_629 : vector<16xf32>
      %mul3A_648 = arith.mulf %mul3A_647, %mul3A_644 : vector<16xf32>
      %mul3A_649 = arith.mulf %mul3A_648, %mul3A_644 : vector<16xf32>
      %sub3A_650 = arith.constant 1.500000e+00 : f32
      %sub3A_651 = vector.broadcast %sub3A_650 : f32 to vector<16xf32>
      %sub3A_652 = arith.subf %sub3A_651, %mul3A_649 : vector<16xf32>
      %mul3A_653 = arith.mulf %mul3A_644, %sub3A_652 : vector<16xf32>
      %mul3A_654 = arith.constant 5.000000e-01 : f32
      %mul3A_655 = vector.broadcast %mul3A_654 : f32 to vector<16xf32>
      %mul3A_656 = arith.mulf %mul3A_655, %add3A_629 : vector<16xf32>
      %mul3A_657 = arith.mulf %mul3A_656, %mul3A_653 : vector<16xf32>
      %mul3A_658 = arith.mulf %mul3A_657, %mul3A_653 : vector<16xf32>
      %sub3A_659 = arith.constant 1.500000e+00 : f32
      %sub3A_660 = vector.broadcast %sub3A_659 : f32 to vector<16xf32>
      %sub3A_661 = arith.subf %sub3A_660, %mul3A_658 : vector<16xf32>
      %mul3A_662 = arith.mulf %mul3A_653, %sub3A_661 : vector<16xf32>
      %mul3A_663 = arith.mulf %add3A_629, %mul3A_662 : vector<16xf32>
      %mul3A_664 = arith.constant 16 : i32
      %mul3A_665 = arith.muli %scan3A_338, %mul3A_664 : i32
      %swap3A = arith.index_cast %mul3A_665 : i32 to index
      %swap3A_666 = tpu.vector_load %arg14[%swap3A] {strides = array<i32>} : memref<512xf32, #tpu.memory_space<vmem>>, vector<16xf32>,
      tpu.vector_store %arg14[%swap3A], %mul3A_663 {strides = array<i32>} : memref<512xf32, #tpu.memory_space<vmem>>, vector<16xf32>,
    }
    %scan3A_247 = arith.constant 8 : i32
    %dma_wait3A_248 = arith.constant 2 : i32
    %dma_wait3A_249 = arith.constant 2 : i32
    %dma_wait3A_250 = arith.constant 256 : i32
    %dma_wait3A_251 = arith.constant 0 : i32
    %dma_wait3A_252 = tpu.memref_slice %arg11[%dma_wait3A_250, %dma_wait3A_251] : memref<512x32xf32, #tpu.memory_space<vmem>> -> memref<128x32xf32, #tpu.memory_space<vmem>>
    %dma_wait3A_253 = arith.constant 0 : i32
    %dma_wait3A_254 = tpu.memref_slice %arg8[%dma_wait3A_248, %dma_wait3A_253] : memref<4x128xi32, #tpu.memory_space<vmem>> -> memref<1x128xi32, #tpu.memory_space<vmem>>
    %dma_wait3A_255 = tpu.memref_squeeze %dma_wait3A_254 : memref<1x128xi32, #tpu.memory_space<vmem>> -> memref<128xi32, #tpu.memory_space<vmem>>
    %dma_wait3A_256 = arith.constant 0 : i32
    %dma_wait3A_257 = arith.constant 0 : i32
    %dma_wait3A_258 = tpu.memref_slice %arg5[%dma_wait3A_256, %dma_wait3A_257] : memref<1000000x32xf32, #tpu.memory_space<hbm>> -> memref<1000000x32xf32, #tpu.memory_space<hbm>>
    %dma_wait3A_259 = tpu.memref_slice %arg15[%dma_wait3A_249] : memref<4x!tpu.dma_semaphore, #tpu.memory_space<semaphore_mem>> -> memref<1x!tpu.dma_semaphore, #tpu.memory_space<semaphore_mem>>
    %dma_wait3A_260 = tpu.memref_squeeze %dma_wait3A_259 : memref<1x!tpu.dma_semaphore, #tpu.memory_space<semaphore_mem>> -> memref<!tpu.dma_semaphore, #tpu.memory_space<semaphore_mem>>
    tpu.wait_indirect_dma semaphore(%dma_wait3A_260 : memref<!tpu.dma_semaphore, #tpu.memory_space<semaphore_mem>>) src(%dma_wait3A_258 : memref<1000000x32xf32, #tpu.memory_space<hbm>>) dst(%dma_wait3A_252 : memref<128x32xf32, #tpu.memory_space<vmem>>)
    %dma_wait3A_261 = arith.constant 2 : i32
    %dma_wait3A_262 = arith.constant 2 : i32
    %dma_wait3A_263 = arith.constant 256 : i32
    %dma_wait3A_264 = arith.constant 0 : i32
    %dma_wait3A_265 = tpu.memref_slice %arg12[%dma_wait3A_263, %dma_wait3A_264] : memref<512x32xf32, #tpu.memory_space<vmem>> -> memref<128x32xf32, #tpu.memory_space<vmem>>
    %dma_wait3A_266 = arith.constant 0 : i32
    %dma_wait3A_267 = tpu.memref_slice %arg9[%dma_wait3A_261, %dma_wait3A_266] : memref<4x128xi32, #tpu.memory_space<vmem>> -> memref<1x128xi32, #tpu.memory_space<vmem>>
    %dma_wait3A_268 = tpu.memref_squeeze %dma_wait3A_267 : memref<1x128xi32, #tpu.memory_space<vmem>> -> memref<128xi32, #tpu.memory_space<vmem>>
    %dma_wait3A_269 = arith.constant 0 : i32
    %dma_wait3A_270 = arith.constant 0 : i32
    %dma_wait3A_271 = tpu.memref_slice %arg6[%dma_wait3A_269, %dma_wait3A_270] : memref<1000x32xf32, #tpu.memory_space<hbm>> -> memref<1000x32xf32, #tpu.memory_space<hbm>>
    %dma_wait3A_272 = tpu.memref_slice %arg16[%dma_wait3A_262] : memref<4x!tpu.dma_semaphore, #tpu.memory_space<semaphore_mem>> -> memref<1x!tpu.dma_semaphore, #tpu.memory_space<semaphore_mem>>
    %dma_wait3A_273 = tpu.memref_squeeze %dma_wait3A_272 : memref<1x!tpu.dma_semaphore, #tpu.memory_space<semaphore_mem>> -> memref<!tpu.dma_semaphore, #tpu.memory_space<semaphore_mem>>
    tpu.wait_indirect_dma semaphore(%dma_wait3A_273 : memref<!tpu.dma_semaphore, #tpu.memory_space<semaphore_mem>>) src(%dma_wait3A_271 : memref<1000x32xf32, #tpu.memory_space<hbm>>) dst(%dma_wait3A_265 : memref<128x32xf32, #tpu.memory_space<vmem>>)
    %dma_wait3A_274 = arith.constant 2 : i32
    %dma_wait3A_275 = arith.constant 2 : i32
    %dma_wait3A_276 = arith.constant 256 : i32
    %dma_wait3A_277 = arith.constant 0 : i32
    %dma_wait3A_278 = tpu.memref_slice %arg13[%dma_wait3A_276, %dma_wait3A_277] : memref<512x32xf32, #tpu.memory_space<vmem>> -> memref<128x32xf32, #tpu.memory_space<vmem>>
    %dma_wait3A_279 = arith.constant 0 : i32
    %dma_wait3A_280 = tpu.memref_slice %arg10[%dma_wait3A_274, %dma_wait3A_279] : memref<4x128xi32, #tpu.memory_space<vmem>> -> memref<1x128xi32, #tpu.memory_space<vmem>>
    %dma_wait3A_281 = tpu.memref_squeeze %dma_wait3A_280 : memref<1x128xi32, #tpu.memory_space<vmem>> -> memref<128xi32, #tpu.memory_space<vmem>>
    %dma_wait3A_282 = arith.constant 0 : i32
    %dma_wait3A_283 = arith.constant 0 : i32
    %dma_wait3A_284 = tpu.memref_slice %arg5[%dma_wait3A_282, %dma_wait3A_283] : memref<1000000x32xf32, #tpu.memory_space<hbm>> -> memref<1000000x32xf32, #tpu.memory_space<hbm>>
    %dma_wait3A_285 = tpu.memref_slice %arg17[%dma_wait3A_275] : memref<4x!tpu.dma_semaphore, #tpu.memory_space<semaphore_mem>> -> memref<1x!tpu.dma_semaphore, #tpu.memory_space<semaphore_mem>>
    %dma_wait3A_286 = tpu.memref_squeeze %dma_wait3A_285 : memref<1x!tpu.dma_semaphore, #tpu.memory_space<semaphore_mem>> -> memref<!tpu.dma_semaphore, #tpu.memory_space<semaphore_mem>>
    tpu.wait_indirect_dma semaphore(%dma_wait3A_286 : memref<!tpu.dma_semaphore, #tpu.memory_space<semaphore_mem>>) src(%dma_wait3A_284 : memref<1000000x32xf32, #tpu.memory_space<hbm>>) dst(%dma_wait3A_278 : memref<128x32xf32, #tpu.memory_space<vmem>>)
    %scan3A_287 = arith.constant 0 : i32
    %scan3A_288 = arith.constant 16 : i32
    %scan3A_289 = arith.constant 8 : i32
    %scan3A_290 = arith.addi %scan3A_288, %scan3A_289 : i32
    %scan3A_291 = arith.constant 1 : i32
    scf.for %scan3A_338 = %scan3A_288 to %scan3A_290 step %scan3A_291  : i32 {
      %mul3A_339 = arith.constant 16 : i32
      %mul3A_340 = arith.muli %scan3A_338, %mul3A_339 : i32
      %add3A_341 = vector.broadcast %mul3A_340 : i32 to vector<16xi32>
      %add3A_342 = arith.addi %add3A_341, %iota3A : vector<16xi32>
      %broadcast_in_dim3A = arith.constant 0.000000e+00 : f32
      %broadcast_in_dim3A_343 = vector.broadcast %broadcast_in_dim3A : f32 to vector<16xf32>
      %broadcast_in_dim3A_344 = arith.constant 0 : i32
      %broadcast_in_dim3A_345 = vector.broadcast %broadcast_in_dim3A_344 : i32 to vector<16xi32>
      %gather3A = tpu.vector_load_idx %arg11[%add3A_342, %broadcast_in_dim3A_345] : memref<512x32xf32, #tpu.memory_space<vmem>>[vector<16xi32>, vector<16xi32>], vector<16xf32>,
      %gather3A_346 = tpu.vector_load_idx %arg12[%add3A_342, %broadcast_in_dim3A_345] : memref<512x32xf32, #tpu.memory_space<vmem>>[vector<16xi32>, vector<16xi32>], vector<16xf32>,
      %gather3A_347 = tpu.vector_load_idx %arg13[%add3A_342, %broadcast_in_dim3A_345] : memref<512x32xf32, #tpu.memory_space<vmem>>[vector<16xi32>, vector<16xi32>], vector<16xf32>,
      %add3A_348 = arith.addf %gather3A, %gather3A_346 : vector<16xf32>
      %sub3A = arith.subf %add3A_348, %gather3A_347 : vector<16xf32>
      %mul3A_349 = arith.mulf %sub3A, %sub3A : vector<16xf32>
      %add3A_350 = arith.addf %broadcast_in_dim3A_343, %mul3A_349 : vector<16xf32>
      %broadcast_in_dim3A_351 = arith.constant 1 : i32
      %broadcast_in_dim3A_352 = vector.broadcast %broadcast_in_dim3A_351 : i32 to vector<16xi32>
      %gather3A_353 = tpu.vector_load_idx %arg11[%add3A_342, %broadcast_in_dim3A_352] : memref<512x32xf32, #tpu.memory_space<vmem>>[vector<16xi32>, vector<16xi32>], vector<16xf32>,
      %gather3A_354 = tpu.vector_load_idx %arg12[%add3A_342, %broadcast_in_dim3A_352] : memref<512x32xf32, #tpu.memory_space<vmem>>[vector<16xi32>, vector<16xi32>], vector<16xf32>,
      %gather3A_355 = tpu.vector_load_idx %arg13[%add3A_342, %broadcast_in_dim3A_352] : memref<512x32xf32, #tpu.memory_space<vmem>>[vector<16xi32>, vector<16xi32>], vector<16xf32>,
      %add3A_356 = arith.addf %gather3A_353, %gather3A_354 : vector<16xf32>
      %sub3A_357 = arith.subf %add3A_356, %gather3A_355 : vector<16xf32>
      %mul3A_358 = arith.mulf %sub3A_357, %sub3A_357 : vector<16xf32>
      %add3A_359 = arith.addf %add3A_350, %mul3A_358 : vector<16xf32>
      %broadcast_in_dim3A_360 = arith.constant 2 : i32
      %broadcast_in_dim3A_361 = vector.broadcast %broadcast_in_dim3A_360 : i32 to vector<16xi32>
      %gather3A_362 = tpu.vector_load_idx %arg11[%add3A_342, %broadcast_in_dim3A_361] : memref<512x32xf32, #tpu.memory_space<vmem>>[vector<16xi32>, vector<16xi32>], vector<16xf32>,
      %gather3A_363 = tpu.vector_load_idx %arg12[%add3A_342, %broadcast_in_dim3A_361] : memref<512x32xf32, #tpu.memory_space<vmem>>[vector<16xi32>, vector<16xi32>], vector<16xf32>,
      %gather3A_364 = tpu.vector_load_idx %arg13[%add3A_342, %broadcast_in_dim3A_361] : memref<512x32xf32, #tpu.memory_space<vmem>>[vector<16xi32>, vector<16xi32>], vector<16xf32>,
      %add3A_365 = arith.addf %gather3A_362, %gather3A_363 : vector<16xf32>
      %sub3A_366 = arith.subf %add3A_365, %gather3A_364 : vector<16xf32>
      %mul3A_367 = arith.mulf %sub3A_366, %sub3A_366 : vector<16xf32>
      %add3A_368 = arith.addf %add3A_359, %mul3A_367 : vector<16xf32>
      %broadcast_in_dim3A_369 = arith.constant 3 : i32
      %broadcast_in_dim3A_370 = vector.broadcast %broadcast_in_dim3A_369 : i32 to vector<16xi32>
      %gather3A_371 = tpu.vector_load_idx %arg11[%add3A_342, %broadcast_in_dim3A_370] : memref<512x32xf32, #tpu.memory_space<vmem>>[vector<16xi32>, vector<16xi32>], vector<16xf32>,
      %gather3A_372 = tpu.vector_load_idx %arg12[%add3A_342, %broadcast_in_dim3A_370] : memref<512x32xf32, #tpu.memory_space<vmem>>[vector<16xi32>, vector<16xi32>], vector<16xf32>,
      %gather3A_373 = tpu.vector_load_idx %arg13[%add3A_342, %broadcast_in_dim3A_370] : memref<512x32xf32, #tpu.memory_space<vmem>>[vector<16xi32>, vector<16xi32>], vector<16xf32>,
      %add3A_374 = arith.addf %gather3A_371, %gather3A_372 : vector<16xf32>
      %sub3A_375 = arith.subf %add3A_374, %gather3A_373 : vector<16xf32>
      %mul3A_376 = arith.mulf %sub3A_375, %sub3A_375 : vector<16xf32>
      %add3A_377 = arith.addf %add3A_368, %mul3A_376 : vector<16xf32>
      %broadcast_in_dim3A_378 = arith.constant 4 : i32
      %broadcast_in_dim3A_379 = vector.broadcast %broadcast_in_dim3A_378 : i32 to vector<16xi32>
      %gather3A_380 = tpu.vector_load_idx %arg11[%add3A_342, %broadcast_in_dim3A_379] : memref<512x32xf32, #tpu.memory_space<vmem>>[vector<16xi32>, vector<16xi32>], vector<16xf32>,
      %gather3A_381 = tpu.vector_load_idx %arg12[%add3A_342, %broadcast_in_dim3A_379] : memref<512x32xf32, #tpu.memory_space<vmem>>[vector<16xi32>, vector<16xi32>], vector<16xf32>,
      %gather3A_382 = tpu.vector_load_idx %arg13[%add3A_342, %broadcast_in_dim3A_379] : memref<512x32xf32, #tpu.memory_space<vmem>>[vector<16xi32>, vector<16xi32>], vector<16xf32>,
      %add3A_383 = arith.addf %gather3A_380, %gather3A_381 : vector<16xf32>
      %sub3A_384 = arith.subf %add3A_383, %gather3A_382 : vector<16xf32>
      %mul3A_385 = arith.mulf %sub3A_384, %sub3A_384 : vector<16xf32>
      %add3A_386 = arith.addf %add3A_377, %mul3A_385 : vector<16xf32>
      %broadcast_in_dim3A_387 = arith.constant 5 : i32
      %broadcast_in_dim3A_388 = vector.broadcast %broadcast_in_dim3A_387 : i32 to vector<16xi32>
      %gather3A_389 = tpu.vector_load_idx %arg11[%add3A_342, %broadcast_in_dim3A_388] : memref<512x32xf32, #tpu.memory_space<vmem>>[vector<16xi32>, vector<16xi32>], vector<16xf32>,
      %gather3A_390 = tpu.vector_load_idx %arg12[%add3A_342, %broadcast_in_dim3A_388] : memref<512x32xf32, #tpu.memory_space<vmem>>[vector<16xi32>, vector<16xi32>], vector<16xf32>,
      %gather3A_391 = tpu.vector_load_idx %arg13[%add3A_342, %broadcast_in_dim3A_388] : memref<512x32xf32, #tpu.memory_space<vmem>>[vector<16xi32>, vector<16xi32>], vector<16xf32>,
      %add3A_392 = arith.addf %gather3A_389, %gather3A_390 : vector<16xf32>
      %sub3A_393 = arith.subf %add3A_392, %gather3A_391 : vector<16xf32>
      %mul3A_394 = arith.mulf %sub3A_393, %sub3A_393 : vector<16xf32>
      %add3A_395 = arith.addf %add3A_386, %mul3A_394 : vector<16xf32>
      %broadcast_in_dim3A_396 = arith.constant 6 : i32
      %broadcast_in_dim3A_397 = vector.broadcast %broadcast_in_dim3A_396 : i32 to vector<16xi32>
      %gather3A_398 = tpu.vector_load_idx %arg11[%add3A_342, %broadcast_in_dim3A_397] : memref<512x32xf32, #tpu.memory_space<vmem>>[vector<16xi32>, vector<16xi32>], vector<16xf32>,
      %gather3A_399 = tpu.vector_load_idx %arg12[%add3A_342, %broadcast_in_dim3A_397] : memref<512x32xf32, #tpu.memory_space<vmem>>[vector<16xi32>, vector<16xi32>], vector<16xf32>,
      %gather3A_400 = tpu.vector_load_idx %arg13[%add3A_342, %broadcast_in_dim3A_397] : memref<512x32xf32, #tpu.memory_space<vmem>>[vector<16xi32>, vector<16xi32>], vector<16xf32>,
      %add3A_401 = arith.addf %gather3A_398, %gather3A_399 : vector<16xf32>
      %sub3A_402 = arith.subf %add3A_401, %gather3A_400 : vector<16xf32>
      %mul3A_403 = arith.mulf %sub3A_402, %sub3A_402 : vector<16xf32>
      %add3A_404 = arith.addf %add3A_395, %mul3A_403 : vector<16xf32>
      %broadcast_in_dim3A_405 = arith.constant 7 : i32
      %broadcast_in_dim3A_406 = vector.broadcast %broadcast_in_dim3A_405 : i32 to vector<16xi32>
      %gather3A_407 = tpu.vector_load_idx %arg11[%add3A_342, %broadcast_in_dim3A_406] : memref<512x32xf32, #tpu.memory_space<vmem>>[vector<16xi32>, vector<16xi32>], vector<16xf32>,
      %gather3A_408 = tpu.vector_load_idx %arg12[%add3A_342, %broadcast_in_dim3A_406] : memref<512x32xf32, #tpu.memory_space<vmem>>[vector<16xi32>, vector<16xi32>], vector<16xf32>,
      %gather3A_409 = tpu.vector_load_idx %arg13[%add3A_342, %broadcast_in_dim3A_406] : memref<512x32xf32, #tpu.memory_space<vmem>>[vector<16xi32>, vector<16xi32>], vector<16xf32>,
      %add3A_410 = arith.addf %gather3A_407, %gather3A_408 : vector<16xf32>
      %sub3A_411 = arith.subf %add3A_410, %gather3A_409 : vector<16xf32>
      %mul3A_412 = arith.mulf %sub3A_411, %sub3A_411 : vector<16xf32>
      %add3A_413 = arith.addf %add3A_404, %mul3A_412 : vector<16xf32>
      %broadcast_in_dim3A_414 = arith.constant 8 : i32
      %broadcast_in_dim3A_415 = vector.broadcast %broadcast_in_dim3A_414 : i32 to vector<16xi32>
      %gather3A_416 = tpu.vector_load_idx %arg11[%add3A_342, %broadcast_in_dim3A_415] : memref<512x32xf32, #tpu.memory_space<vmem>>[vector<16xi32>, vector<16xi32>], vector<16xf32>,
      %gather3A_417 = tpu.vector_load_idx %arg12[%add3A_342, %broadcast_in_dim3A_415] : memref<512x32xf32, #tpu.memory_space<vmem>>[vector<16xi32>, vector<16xi32>], vector<16xf32>,
      %gather3A_418 = tpu.vector_load_idx %arg13[%add3A_342, %broadcast_in_dim3A_415] : memref<512x32xf32, #tpu.memory_space<vmem>>[vector<16xi32>, vector<16xi32>], vector<16xf32>,
      %add3A_419 = arith.addf %gather3A_416, %gather3A_417 : vector<16xf32>
      %sub3A_420 = arith.subf %add3A_419, %gather3A_418 : vector<16xf32>
      %mul3A_421 = arith.mulf %sub3A_420, %sub3A_420 : vector<16xf32>
      %add3A_422 = arith.addf %add3A_413, %mul3A_421 : vector<16xf32>
      %broadcast_in_dim3A_423 = arith.constant 9 : i32
      %broadcast_in_dim3A_424 = vector.broadcast %broadcast_in_dim3A_423 : i32 to vector<16xi32>
      %gather3A_425 = tpu.vector_load_idx %arg11[%add3A_342, %broadcast_in_dim3A_424] : memref<512x32xf32, #tpu.memory_space<vmem>>[vector<16xi32>, vector<16xi32>], vector<16xf32>,
      %gather3A_426 = tpu.vector_load_idx %arg12[%add3A_342, %broadcast_in_dim3A_424] : memref<512x32xf32, #tpu.memory_space<vmem>>[vector<16xi32>, vector<16xi32>], vector<16xf32>,
      %gather3A_427 = tpu.vector_load_idx %arg13[%add3A_342, %broadcast_in_dim3A_424] : memref<512x32xf32, #tpu.memory_space<vmem>>[vector<16xi32>, vector<16xi32>], vector<16xf32>,
      %add3A_428 = arith.addf %gather3A_425, %gather3A_426 : vector<16xf32>
      %sub3A_429 = arith.subf %add3A_428, %gather3A_427 : vector<16xf32>
      %mul3A_430 = arith.mulf %sub3A_429, %sub3A_429 : vector<16xf32>
      %add3A_431 = arith.addf %add3A_422, %mul3A_430 : vector<16xf32>
      %broadcast_in_dim3A_432 = arith.constant 10 : i32
      %broadcast_in_dim3A_433 = vector.broadcast %broadcast_in_dim3A_432 : i32 to vector<16xi32>
      %gather3A_434 = tpu.vector_load_idx %arg11[%add3A_342, %broadcast_in_dim3A_433] : memref<512x32xf32, #tpu.memory_space<vmem>>[vector<16xi32>, vector<16xi32>], vector<16xf32>,
      %gather3A_435 = tpu.vector_load_idx %arg12[%add3A_342, %broadcast_in_dim3A_433] : memref<512x32xf32, #tpu.memory_space<vmem>>[vector<16xi32>, vector<16xi32>], vector<16xf32>,
      %gather3A_436 = tpu.vector_load_idx %arg13[%add3A_342, %broadcast_in_dim3A_433] : memref<512x32xf32, #tpu.memory_space<vmem>>[vector<16xi32>, vector<16xi32>], vector<16xf32>,
      %add3A_437 = arith.addf %gather3A_434, %gather3A_435 : vector<16xf32>
      %sub3A_438 = arith.subf %add3A_437, %gather3A_436 : vector<16xf32>
      %mul3A_439 = arith.mulf %sub3A_438, %sub3A_438 : vector<16xf32>
      %add3A_440 = arith.addf %add3A_431, %mul3A_439 : vector<16xf32>
      %broadcast_in_dim3A_441 = arith.constant 11 : i32
      %broadcast_in_dim3A_442 = vector.broadcast %broadcast_in_dim3A_441 : i32 to vector<16xi32>
      %gather3A_443 = tpu.vector_load_idx %arg11[%add3A_342, %broadcast_in_dim3A_442] : memref<512x32xf32, #tpu.memory_space<vmem>>[vector<16xi32>, vector<16xi32>], vector<16xf32>,
      %gather3A_444 = tpu.vector_load_idx %arg12[%add3A_342, %broadcast_in_dim3A_442] : memref<512x32xf32, #tpu.memory_space<vmem>>[vector<16xi32>, vector<16xi32>], vector<16xf32>,
      %gather3A_445 = tpu.vector_load_idx %arg13[%add3A_342, %broadcast_in_dim3A_442] : memref<512x32xf32, #tpu.memory_space<vmem>>[vector<16xi32>, vector<16xi32>], vector<16xf32>,
      %add3A_446 = arith.addf %gather3A_443, %gather3A_444 : vector<16xf32>
      %sub3A_447 = arith.subf %add3A_446, %gather3A_445 : vector<16xf32>
      %mul3A_448 = arith.mulf %sub3A_447, %sub3A_447 : vector<16xf32>
      %add3A_449 = arith.addf %add3A_440, %mul3A_448 : vector<16xf32>
      %broadcast_in_dim3A_450 = arith.constant 12 : i32
      %broadcast_in_dim3A_451 = vector.broadcast %broadcast_in_dim3A_450 : i32 to vector<16xi32>
      %gather3A_452 = tpu.vector_load_idx %arg11[%add3A_342, %broadcast_in_dim3A_451] : memref<512x32xf32, #tpu.memory_space<vmem>>[vector<16xi32>, vector<16xi32>], vector<16xf32>,
      %gather3A_453 = tpu.vector_load_idx %arg12[%add3A_342, %broadcast_in_dim3A_451] : memref<512x32xf32, #tpu.memory_space<vmem>>[vector<16xi32>, vector<16xi32>], vector<16xf32>,
      %gather3A_454 = tpu.vector_load_idx %arg13[%add3A_342, %broadcast_in_dim3A_451] : memref<512x32xf32, #tpu.memory_space<vmem>>[vector<16xi32>, vector<16xi32>], vector<16xf32>,
      %add3A_455 = arith.addf %gather3A_452, %gather3A_453 : vector<16xf32>
      %sub3A_456 = arith.subf %add3A_455, %gather3A_454 : vector<16xf32>
      %mul3A_457 = arith.mulf %sub3A_456, %sub3A_456 : vector<16xf32>
      %add3A_458 = arith.addf %add3A_449, %mul3A_457 : vector<16xf32>
      %broadcast_in_dim3A_459 = arith.constant 13 : i32
      %broadcast_in_dim3A_460 = vector.broadcast %broadcast_in_dim3A_459 : i32 to vector<16xi32>
      %gather3A_461 = tpu.vector_load_idx %arg11[%add3A_342, %broadcast_in_dim3A_460] : memref<512x32xf32, #tpu.memory_space<vmem>>[vector<16xi32>, vector<16xi32>], vector<16xf32>,
      %gather3A_462 = tpu.vector_load_idx %arg12[%add3A_342, %broadcast_in_dim3A_460] : memref<512x32xf32, #tpu.memory_space<vmem>>[vector<16xi32>, vector<16xi32>], vector<16xf32>,
      %gather3A_463 = tpu.vector_load_idx %arg13[%add3A_342, %broadcast_in_dim3A_460] : memref<512x32xf32, #tpu.memory_space<vmem>>[vector<16xi32>, vector<16xi32>], vector<16xf32>,
      %add3A_464 = arith.addf %gather3A_461, %gather3A_462 : vector<16xf32>
      %sub3A_465 = arith.subf %add3A_464, %gather3A_463 : vector<16xf32>
      %mul3A_466 = arith.mulf %sub3A_465, %sub3A_465 : vector<16xf32>
      %add3A_467 = arith.addf %add3A_458, %mul3A_466 : vector<16xf32>
      %broadcast_in_dim3A_468 = arith.constant 14 : i32
      %broadcast_in_dim3A_469 = vector.broadcast %broadcast_in_dim3A_468 : i32 to vector<16xi32>
      %gather3A_470 = tpu.vector_load_idx %arg11[%add3A_342, %broadcast_in_dim3A_469] : memref<512x32xf32, #tpu.memory_space<vmem>>[vector<16xi32>, vector<16xi32>], vector<16xf32>,
      %gather3A_471 = tpu.vector_load_idx %arg12[%add3A_342, %broadcast_in_dim3A_469] : memref<512x32xf32, #tpu.memory_space<vmem>>[vector<16xi32>, vector<16xi32>], vector<16xf32>,
      %gather3A_472 = tpu.vector_load_idx %arg13[%add3A_342, %broadcast_in_dim3A_469] : memref<512x32xf32, #tpu.memory_space<vmem>>[vector<16xi32>, vector<16xi32>], vector<16xf32>,
      %add3A_473 = arith.addf %gather3A_470, %gather3A_471 : vector<16xf32>
      %sub3A_474 = arith.subf %add3A_473, %gather3A_472 : vector<16xf32>
      %mul3A_475 = arith.mulf %sub3A_474, %sub3A_474 : vector<16xf32>
      %add3A_476 = arith.addf %add3A_467, %mul3A_475 : vector<16xf32>
      %broadcast_in_dim3A_477 = arith.constant 15 : i32
      %broadcast_in_dim3A_478 = vector.broadcast %broadcast_in_dim3A_477 : i32 to vector<16xi32>
      %gather3A_479 = tpu.vector_load_idx %arg11[%add3A_342, %broadcast_in_dim3A_478] : memref<512x32xf32, #tpu.memory_space<vmem>>[vector<16xi32>, vector<16xi32>], vector<16xf32>,
      %gather3A_480 = tpu.vector_load_idx %arg12[%add3A_342, %broadcast_in_dim3A_478] : memref<512x32xf32, #tpu.memory_space<vmem>>[vector<16xi32>, vector<16xi32>], vector<16xf32>,
      %gather3A_481 = tpu.vector_load_idx %arg13[%add3A_342, %broadcast_in_dim3A_478] : memref<512x32xf32, #tpu.memory_space<vmem>>[vector<16xi32>, vector<16xi32>], vector<16xf32>,
      %add3A_482 = arith.addf %gather3A_479, %gather3A_480 : vector<16xf32>
      %sub3A_483 = arith.subf %add3A_482, %gather3A_481 : vector<16xf32>
      %mul3A_484 = arith.mulf %sub3A_483, %sub3A_483 : vector<16xf32>
      %add3A_485 = arith.addf %add3A_476, %mul3A_484 : vector<16xf32>
      %broadcast_in_dim3A_486 = arith.constant 16 : i32
      %broadcast_in_dim3A_487 = vector.broadcast %broadcast_in_dim3A_486 : i32 to vector<16xi32>
      %gather3A_488 = tpu.vector_load_idx %arg11[%add3A_342, %broadcast_in_dim3A_487] : memref<512x32xf32, #tpu.memory_space<vmem>>[vector<16xi32>, vector<16xi32>], vector<16xf32>,
      %gather3A_489 = tpu.vector_load_idx %arg12[%add3A_342, %broadcast_in_dim3A_487] : memref<512x32xf32, #tpu.memory_space<vmem>>[vector<16xi32>, vector<16xi32>], vector<16xf32>,
      %gather3A_490 = tpu.vector_load_idx %arg13[%add3A_342, %broadcast_in_dim3A_487] : memref<512x32xf32, #tpu.memory_space<vmem>>[vector<16xi32>, vector<16xi32>], vector<16xf32>,
      %add3A_491 = arith.addf %gather3A_488, %gather3A_489 : vector<16xf32>
      %sub3A_492 = arith.subf %add3A_491, %gather3A_490 : vector<16xf32>
      %mul3A_493 = arith.mulf %sub3A_492, %sub3A_492 : vector<16xf32>
      %add3A_494 = arith.addf %add3A_485, %mul3A_493 : vector<16xf32>
      %broadcast_in_dim3A_495 = arith.constant 17 : i32
      %broadcast_in_dim3A_496 = vector.broadcast %broadcast_in_dim3A_495 : i32 to vector<16xi32>
      %gather3A_497 = tpu.vector_load_idx %arg11[%add3A_342, %broadcast_in_dim3A_496] : memref<512x32xf32, #tpu.memory_space<vmem>>[vector<16xi32>, vector<16xi32>], vector<16xf32>,
      %gather3A_498 = tpu.vector_load_idx %arg12[%add3A_342, %broadcast_in_dim3A_496] : memref<512x32xf32, #tpu.memory_space<vmem>>[vector<16xi32>, vector<16xi32>], vector<16xf32>,
      %gather3A_499 = tpu.vector_load_idx %arg13[%add3A_342, %broadcast_in_dim3A_496] : memref<512x32xf32, #tpu.memory_space<vmem>>[vector<16xi32>, vector<16xi32>], vector<16xf32>,
      %add3A_500 = arith.addf %gather3A_497, %gather3A_498 : vector<16xf32>
      %sub3A_501 = arith.subf %add3A_500, %gather3A_499 : vector<16xf32>
      %mul3A_502 = arith.mulf %sub3A_501, %sub3A_501 : vector<16xf32>
      %add3A_503 = arith.addf %add3A_494, %mul3A_502 : vector<16xf32>
      %broadcast_in_dim3A_504 = arith.constant 18 : i32
      %broadcast_in_dim3A_505 = vector.broadcast %broadcast_in_dim3A_504 : i32 to vector<16xi32>
      %gather3A_506 = tpu.vector_load_idx %arg11[%add3A_342, %broadcast_in_dim3A_505] : memref<512x32xf32, #tpu.memory_space<vmem>>[vector<16xi32>, vector<16xi32>], vector<16xf32>,
      %gather3A_507 = tpu.vector_load_idx %arg12[%add3A_342, %broadcast_in_dim3A_505] : memref<512x32xf32, #tpu.memory_space<vmem>>[vector<16xi32>, vector<16xi32>], vector<16xf32>,
      %gather3A_508 = tpu.vector_load_idx %arg13[%add3A_342, %broadcast_in_dim3A_505] : memref<512x32xf32, #tpu.memory_space<vmem>>[vector<16xi32>, vector<16xi32>], vector<16xf32>,
      %add3A_509 = arith.addf %gather3A_506, %gather3A_507 : vector<16xf32>
      %sub3A_510 = arith.subf %add3A_509, %gather3A_508 : vector<16xf32>
      %mul3A_511 = arith.mulf %sub3A_510, %sub3A_510 : vector<16xf32>
      %add3A_512 = arith.addf %add3A_503, %mul3A_511 : vector<16xf32>
      %broadcast_in_dim3A_513 = arith.constant 19 : i32
      %broadcast_in_dim3A_514 = vector.broadcast %broadcast_in_dim3A_513 : i32 to vector<16xi32>
      %gather3A_515 = tpu.vector_load_idx %arg11[%add3A_342, %broadcast_in_dim3A_514] : memref<512x32xf32, #tpu.memory_space<vmem>>[vector<16xi32>, vector<16xi32>], vector<16xf32>,
      %gather3A_516 = tpu.vector_load_idx %arg12[%add3A_342, %broadcast_in_dim3A_514] : memref<512x32xf32, #tpu.memory_space<vmem>>[vector<16xi32>, vector<16xi32>], vector<16xf32>,
      %gather3A_517 = tpu.vector_load_idx %arg13[%add3A_342, %broadcast_in_dim3A_514] : memref<512x32xf32, #tpu.memory_space<vmem>>[vector<16xi32>, vector<16xi32>], vector<16xf32>,
      %add3A_518 = arith.addf %gather3A_515, %gather3A_516 : vector<16xf32>
      %sub3A_519 = arith.subf %add3A_518, %gather3A_517 : vector<16xf32>
      %mul3A_520 = arith.mulf %sub3A_519, %sub3A_519 : vector<16xf32>
      %add3A_521 = arith.addf %add3A_512, %mul3A_520 : vector<16xf32>
      %broadcast_in_dim3A_522 = arith.constant 20 : i32
      %broadcast_in_dim3A_523 = vector.broadcast %broadcast_in_dim3A_522 : i32 to vector<16xi32>
      %gather3A_524 = tpu.vector_load_idx %arg11[%add3A_342, %broadcast_in_dim3A_523] : memref<512x32xf32, #tpu.memory_space<vmem>>[vector<16xi32>, vector<16xi32>], vector<16xf32>,
      %gather3A_525 = tpu.vector_load_idx %arg12[%add3A_342, %broadcast_in_dim3A_523] : memref<512x32xf32, #tpu.memory_space<vmem>>[vector<16xi32>, vector<16xi32>], vector<16xf32>,
      %gather3A_526 = tpu.vector_load_idx %arg13[%add3A_342, %broadcast_in_dim3A_523] : memref<512x32xf32, #tpu.memory_space<vmem>>[vector<16xi32>, vector<16xi32>], vector<16xf32>,
      %add3A_527 = arith.addf %gather3A_524, %gather3A_525 : vector<16xf32>
      %sub3A_528 = arith.subf %add3A_527, %gather3A_526 : vector<16xf32>
      %mul3A_529 = arith.mulf %sub3A_528, %sub3A_528 : vector<16xf32>
      %add3A_530 = arith.addf %add3A_521, %mul3A_529 : vector<16xf32>
      %broadcast_in_dim3A_531 = arith.constant 21 : i32
      %broadcast_in_dim3A_532 = vector.broadcast %broadcast_in_dim3A_531 : i32 to vector<16xi32>
      %gather3A_533 = tpu.vector_load_idx %arg11[%add3A_342, %broadcast_in_dim3A_532] : memref<512x32xf32, #tpu.memory_space<vmem>>[vector<16xi32>, vector<16xi32>], vector<16xf32>,
      %gather3A_534 = tpu.vector_load_idx %arg12[%add3A_342, %broadcast_in_dim3A_532] : memref<512x32xf32, #tpu.memory_space<vmem>>[vector<16xi32>, vector<16xi32>], vector<16xf32>,
      %gather3A_535 = tpu.vector_load_idx %arg13[%add3A_342, %broadcast_in_dim3A_532] : memref<512x32xf32, #tpu.memory_space<vmem>>[vector<16xi32>, vector<16xi32>], vector<16xf32>,
      %add3A_536 = arith.addf %gather3A_533, %gather3A_534 : vector<16xf32>
      %sub3A_537 = arith.subf %add3A_536, %gather3A_535 : vector<16xf32>
      %mul3A_538 = arith.mulf %sub3A_537, %sub3A_537 : vector<16xf32>
      %add3A_539 = arith.addf %add3A_530, %mul3A_538 : vector<16xf32>
      %broadcast_in_dim3A_540 = arith.constant 22 : i32
      %broadcast_in_dim3A_541 = vector.broadcast %broadcast_in_dim3A_540 : i32 to vector<16xi32>
      %gather3A_542 = tpu.vector_load_idx %arg11[%add3A_342, %broadcast_in_dim3A_541] : memref<512x32xf32, #tpu.memory_space<vmem>>[vector<16xi32>, vector<16xi32>], vector<16xf32>,
      %gather3A_543 = tpu.vector_load_idx %arg12[%add3A_342, %broadcast_in_dim3A_541] : memref<512x32xf32, #tpu.memory_space<vmem>>[vector<16xi32>, vector<16xi32>], vector<16xf32>,
      %gather3A_544 = tpu.vector_load_idx %arg13[%add3A_342, %broadcast_in_dim3A_541] : memref<512x32xf32, #tpu.memory_space<vmem>>[vector<16xi32>, vector<16xi32>], vector<16xf32>,
      %add3A_545 = arith.addf %gather3A_542, %gather3A_543 : vector<16xf32>
      %sub3A_546 = arith.subf %add3A_545, %gather3A_544 : vector<16xf32>
      %mul3A_547 = arith.mulf %sub3A_546, %sub3A_546 : vector<16xf32>
      %add3A_548 = arith.addf %add3A_539, %mul3A_547 : vector<16xf32>
      %broadcast_in_dim3A_549 = arith.constant 23 : i32
      %broadcast_in_dim3A_550 = vector.broadcast %broadcast_in_dim3A_549 : i32 to vector<16xi32>
      %gather3A_551 = tpu.vector_load_idx %arg11[%add3A_342, %broadcast_in_dim3A_550] : memref<512x32xf32, #tpu.memory_space<vmem>>[vector<16xi32>, vector<16xi32>], vector<16xf32>,
      %gather3A_552 = tpu.vector_load_idx %arg12[%add3A_342, %broadcast_in_dim3A_550] : memref<512x32xf32, #tpu.memory_space<vmem>>[vector<16xi32>, vector<16xi32>], vector<16xf32>,
      %gather3A_553 = tpu.vector_load_idx %arg13[%add3A_342, %broadcast_in_dim3A_550] : memref<512x32xf32, #tpu.memory_space<vmem>>[vector<16xi32>, vector<16xi32>], vector<16xf32>,
      %add3A_554 = arith.addf %gather3A_551, %gather3A_552 : vector<16xf32>
      %sub3A_555 = arith.subf %add3A_554, %gather3A_553 : vector<16xf32>
      %mul3A_556 = arith.mulf %sub3A_555, %sub3A_555 : vector<16xf32>
      %add3A_557 = arith.addf %add3A_548, %mul3A_556 : vector<16xf32>
      %broadcast_in_dim3A_558 = arith.constant 24 : i32
      %broadcast_in_dim3A_559 = vector.broadcast %broadcast_in_dim3A_558 : i32 to vector<16xi32>
      %gather3A_560 = tpu.vector_load_idx %arg11[%add3A_342, %broadcast_in_dim3A_559] : memref<512x32xf32, #tpu.memory_space<vmem>>[vector<16xi32>, vector<16xi32>], vector<16xf32>,
      %gather3A_561 = tpu.vector_load_idx %arg12[%add3A_342, %broadcast_in_dim3A_559] : memref<512x32xf32, #tpu.memory_space<vmem>>[vector<16xi32>, vector<16xi32>], vector<16xf32>,
      %gather3A_562 = tpu.vector_load_idx %arg13[%add3A_342, %broadcast_in_dim3A_559] : memref<512x32xf32, #tpu.memory_space<vmem>>[vector<16xi32>, vector<16xi32>], vector<16xf32>,
      %add3A_563 = arith.addf %gather3A_560, %gather3A_561 : vector<16xf32>
      %sub3A_564 = arith.subf %add3A_563, %gather3A_562 : vector<16xf32>
      %mul3A_565 = arith.mulf %sub3A_564, %sub3A_564 : vector<16xf32>
      %add3A_566 = arith.addf %add3A_557, %mul3A_565 : vector<16xf32>
      %broadcast_in_dim3A_567 = arith.constant 25 : i32
      %broadcast_in_dim3A_568 = vector.broadcast %broadcast_in_dim3A_567 : i32 to vector<16xi32>
      %gather3A_569 = tpu.vector_load_idx %arg11[%add3A_342, %broadcast_in_dim3A_568] : memref<512x32xf32, #tpu.memory_space<vmem>>[vector<16xi32>, vector<16xi32>], vector<16xf32>,
      %gather3A_570 = tpu.vector_load_idx %arg12[%add3A_342, %broadcast_in_dim3A_568] : memref<512x32xf32, #tpu.memory_space<vmem>>[vector<16xi32>, vector<16xi32>], vector<16xf32>,
      %gather3A_571 = tpu.vector_load_idx %arg13[%add3A_342, %broadcast_in_dim3A_568] : memref<512x32xf32, #tpu.memory_space<vmem>>[vector<16xi32>, vector<16xi32>], vector<16xf32>,
      %add3A_572 = arith.addf %gather3A_569, %gather3A_570 : vector<16xf32>
      %sub3A_573 = arith.subf %add3A_572, %gather3A_571 : vector<16xf32>
      %mul3A_574 = arith.mulf %sub3A_573, %sub3A_573 : vector<16xf32>
      %add3A_575 = arith.addf %add3A_566, %mul3A_574 : vector<16xf32>
      %broadcast_in_dim3A_576 = arith.constant 26 : i32
      %broadcast_in_dim3A_577 = vector.broadcast %broadcast_in_dim3A_576 : i32 to vector<16xi32>
      %gather3A_578 = tpu.vector_load_idx %arg11[%add3A_342, %broadcast_in_dim3A_577] : memref<512x32xf32, #tpu.memory_space<vmem>>[vector<16xi32>, vector<16xi32>], vector<16xf32>,
      %gather3A_579 = tpu.vector_load_idx %arg12[%add3A_342, %broadcast_in_dim3A_577] : memref<512x32xf32, #tpu.memory_space<vmem>>[vector<16xi32>, vector<16xi32>], vector<16xf32>,
      %gather3A_580 = tpu.vector_load_idx %arg13[%add3A_342, %broadcast_in_dim3A_577] : memref<512x32xf32, #tpu.memory_space<vmem>>[vector<16xi32>, vector<16xi32>], vector<16xf32>,
      %add3A_581 = arith.addf %gather3A_578, %gather3A_579 : vector<16xf32>
      %sub3A_582 = arith.subf %add3A_581, %gather3A_580 : vector<16xf32>
      %mul3A_583 = arith.mulf %sub3A_582, %sub3A_582 : vector<16xf32>
      %add3A_584 = arith.addf %add3A_575, %mul3A_583 : vector<16xf32>
      %broadcast_in_dim3A_585 = arith.constant 27 : i32
      %broadcast_in_dim3A_586 = vector.broadcast %broadcast_in_dim3A_585 : i32 to vector<16xi32>
      %gather3A_587 = tpu.vector_load_idx %arg11[%add3A_342, %broadcast_in_dim3A_586] : memref<512x32xf32, #tpu.memory_space<vmem>>[vector<16xi32>, vector<16xi32>], vector<16xf32>,
      %gather3A_588 = tpu.vector_load_idx %arg12[%add3A_342, %broadcast_in_dim3A_586] : memref<512x32xf32, #tpu.memory_space<vmem>>[vector<16xi32>, vector<16xi32>], vector<16xf32>,
      %gather3A_589 = tpu.vector_load_idx %arg13[%add3A_342, %broadcast_in_dim3A_586] : memref<512x32xf32, #tpu.memory_space<vmem>>[vector<16xi32>, vector<16xi32>], vector<16xf32>,
      %add3A_590 = arith.addf %gather3A_587, %gather3A_588 : vector<16xf32>
      %sub3A_591 = arith.subf %add3A_590, %gather3A_589 : vector<16xf32>
      %mul3A_592 = arith.mulf %sub3A_591, %sub3A_591 : vector<16xf32>
      %add3A_593 = arith.addf %add3A_584, %mul3A_592 : vector<16xf32>
      %broadcast_in_dim3A_594 = arith.constant 28 : i32
      %broadcast_in_dim3A_595 = vector.broadcast %broadcast_in_dim3A_594 : i32 to vector<16xi32>
      %gather3A_596 = tpu.vector_load_idx %arg11[%add3A_342, %broadcast_in_dim3A_595] : memref<512x32xf32, #tpu.memory_space<vmem>>[vector<16xi32>, vector<16xi32>], vector<16xf32>,
      %gather3A_597 = tpu.vector_load_idx %arg12[%add3A_342, %broadcast_in_dim3A_595] : memref<512x32xf32, #tpu.memory_space<vmem>>[vector<16xi32>, vector<16xi32>], vector<16xf32>,
      %gather3A_598 = tpu.vector_load_idx %arg13[%add3A_342, %broadcast_in_dim3A_595] : memref<512x32xf32, #tpu.memory_space<vmem>>[vector<16xi32>, vector<16xi32>], vector<16xf32>,
      %add3A_599 = arith.addf %gather3A_596, %gather3A_597 : vector<16xf32>
      %sub3A_600 = arith.subf %add3A_599, %gather3A_598 : vector<16xf32>
      %mul3A_601 = arith.mulf %sub3A_600, %sub3A_600 : vector<16xf32>
      %add3A_602 = arith.addf %add3A_593, %mul3A_601 : vector<16xf32>
      %broadcast_in_dim3A_603 = arith.constant 29 : i32
      %broadcast_in_dim3A_604 = vector.broadcast %broadcast_in_dim3A_603 : i32 to vector<16xi32>
      %gather3A_605 = tpu.vector_load_idx %arg11[%add3A_342, %broadcast_in_dim3A_604] : memref<512x32xf32, #tpu.memory_space<vmem>>[vector<16xi32>, vector<16xi32>], vector<16xf32>,
      %gather3A_606 = tpu.vector_load_idx %arg12[%add3A_342, %broadcast_in_dim3A_604] : memref<512x32xf32, #tpu.memory_space<vmem>>[vector<16xi32>, vector<16xi32>], vector<16xf32>,
      %gather3A_607 = tpu.vector_load_idx %arg13[%add3A_342, %broadcast_in_dim3A_604] : memref<512x32xf32, #tpu.memory_space<vmem>>[vector<16xi32>, vector<16xi32>], vector<16xf32>,
      %add3A_608 = arith.addf %gather3A_605, %gather3A_606 : vector<16xf32>
      %sub3A_609 = arith.subf %add3A_608, %gather3A_607 : vector<16xf32>
      %mul3A_610 = arith.mulf %sub3A_609, %sub3A_609 : vector<16xf32>
      %add3A_611 = arith.addf %add3A_602, %mul3A_610 : vector<16xf32>
      %broadcast_in_dim3A_612 = arith.constant 30 : i32
      %broadcast_in_dim3A_613 = vector.broadcast %broadcast_in_dim3A_612 : i32 to vector<16xi32>
      %gather3A_614 = tpu.vector_load_idx %arg11[%add3A_342, %broadcast_in_dim3A_613] : memref<512x32xf32, #tpu.memory_space<vmem>>[vector<16xi32>, vector<16xi32>], vector<16xf32>,
      %gather3A_615 = tpu.vector_load_idx %arg12[%add3A_342, %broadcast_in_dim3A_613] : memref<512x32xf32, #tpu.memory_space<vmem>>[vector<16xi32>, vector<16xi32>], vector<16xf32>,
      %gather3A_616 = tpu.vector_load_idx %arg13[%add3A_342, %broadcast_in_dim3A_613] : memref<512x32xf32, #tpu.memory_space<vmem>>[vector<16xi32>, vector<16xi32>], vector<16xf32>,
      %add3A_617 = arith.addf %gather3A_614, %gather3A_615 : vector<16xf32>
      %sub3A_618 = arith.subf %add3A_617, %gather3A_616 : vector<16xf32>
      %mul3A_619 = arith.mulf %sub3A_618, %sub3A_618 : vector<16xf32>
      %add3A_620 = arith.addf %add3A_611, %mul3A_619 : vector<16xf32>
      %broadcast_in_dim3A_621 = arith.constant 31 : i32
      %broadcast_in_dim3A_622 = vector.broadcast %broadcast_in_dim3A_621 : i32 to vector<16xi32>
      %gather3A_623 = tpu.vector_load_idx %arg11[%add3A_342, %broadcast_in_dim3A_622] : memref<512x32xf32, #tpu.memory_space<vmem>>[vector<16xi32>, vector<16xi32>], vector<16xf32>,
      %gather3A_624 = tpu.vector_load_idx %arg12[%add3A_342, %broadcast_in_dim3A_622] : memref<512x32xf32, #tpu.memory_space<vmem>>[vector<16xi32>, vector<16xi32>], vector<16xf32>,
      %gather3A_625 = tpu.vector_load_idx %arg13[%add3A_342, %broadcast_in_dim3A_622] : memref<512x32xf32, #tpu.memory_space<vmem>>[vector<16xi32>, vector<16xi32>], vector<16xf32>,
      %add3A_626 = arith.addf %gather3A_623, %gather3A_624 : vector<16xf32>
      %sub3A_627 = arith.subf %add3A_626, %gather3A_625 : vector<16xf32>
      %mul3A_628 = arith.mulf %sub3A_627, %sub3A_627 : vector<16xf32>
      %add3A_629 = arith.addf %add3A_620, %mul3A_628 : vector<16xf32>
      %bitcast3A = vector.bitcast %add3A_629 : vector<16xf32> to vector<16xi32>
      %shift_right_arithmetic3A = arith.constant 1 : i32
      %shift_right_arithmetic3A_630 = vector.broadcast %shift_right_arithmetic3A : i32 to vector<16xi32>
      %shift_right_arithmetic3A_631 = arith.shrsi %bitcast3A, %shift_right_arithmetic3A_630 : vector<16xi32>
      %sub3A_632 = arith.constant 1597463007 : i32
      %sub3A_633 = vector.broadcast %sub3A_632 : i32 to vector<16xi32>
      %sub3A_634 = arith.subi %sub3A_633, %shift_right_arithmetic3A_631 : vector<16xi32>
      %bitcast3A_635 = vector.bitcast %sub3A_634 : vector<16xi32> to vector<16xf32>
      %mul3A_636 = arith.constant 5.000000e-01 : f32
      %mul3A_637 = vector.broadcast %mul3A_636 : f32 to vector<16xf32>
      %mul3A_638 = arith.mulf %mul3A_637, %add3A_629 : vector<16xf32>
      %mul3A_639 = arith.mulf %mul3A_638, %bitcast3A_635 : vector<16xf32>
      %mul3A_640 = arith.mulf %mul3A_639, %bitcast3A_635 : vector<16xf32>
      %sub3A_641 = arith.constant 1.500000e+00 : f32
      %sub3A_642 = vector.broadcast %sub3A_641 : f32 to vector<16xf32>
      %sub3A_643 = arith.subf %sub3A_642, %mul3A_640 : vector<16xf32>
      %mul3A_644 = arith.mulf %bitcast3A_635, %sub3A_643 : vector<16xf32>
      %mul3A_645 = arith.constant 5.000000e-01 : f32
      %mul3A_646 = vector.broadcast %mul3A_645 : f32 to vector<16xf32>
      %mul3A_647 = arith.mulf %mul3A_646, %add3A_629 : vector<16xf32>
      %mul3A_648 = arith.mulf %mul3A_647, %mul3A_644 : vector<16xf32>
      %mul3A_649 = arith.mulf %mul3A_648, %mul3A_644 : vector<16xf32>
      %sub3A_650 = arith.constant 1.500000e+00 : f32
      %sub3A_651 = vector.broadcast %sub3A_650 : f32 to vector<16xf32>
      %sub3A_652 = arith.subf %sub3A_651, %mul3A_649 : vector<16xf32>
      %mul3A_653 = arith.mulf %mul3A_644, %sub3A_652 : vector<16xf32>
      %mul3A_654 = arith.constant 5.000000e-01 : f32
      %mul3A_655 = vector.broadcast %mul3A_654 : f32 to vector<16xf32>
      %mul3A_656 = arith.mulf %mul3A_655, %add3A_629 : vector<16xf32>
      %mul3A_657 = arith.mulf %mul3A_656, %mul3A_653 : vector<16xf32>
      %mul3A_658 = arith.mulf %mul3A_657, %mul3A_653 : vector<16xf32>
      %sub3A_659 = arith.constant 1.500000e+00 : f32
      %sub3A_660 = vector.broadcast %sub3A_659 : f32 to vector<16xf32>
      %sub3A_661 = arith.subf %sub3A_660, %mul3A_658 : vector<16xf32>
      %mul3A_662 = arith.mulf %mul3A_653, %sub3A_661 : vector<16xf32>
      %mul3A_663 = arith.mulf %add3A_629, %mul3A_662 : vector<16xf32>
      %mul3A_664 = arith.constant 16 : i32
      %mul3A_665 = arith.muli %scan3A_338, %mul3A_664 : i32
      %swap3A = arith.index_cast %mul3A_665 : i32 to index
      %swap3A_666 = tpu.vector_load %arg14[%swap3A] {strides = array<i32>} : memref<512xf32, #tpu.memory_space<vmem>>, vector<16xf32>,
      tpu.vector_store %arg14[%swap3A], %mul3A_663 {strides = array<i32>} : memref<512xf32, #tpu.memory_space<vmem>>, vector<16xf32>,
    }
    %scan3A_292 = arith.constant 8 : i32
    %dma_wait3A_293 = arith.constant 3 : i32
    %dma_wait3A_294 = arith.constant 3 : i32
    %dma_wait3A_295 = arith.constant 384 : i32
    %dma_wait3A_296 = arith.constant 0 : i32
    %dma_wait3A_297 = tpu.memref_slice %arg11[%dma_wait3A_295, %dma_wait3A_296] : memref<512x32xf32, #tpu.memory_space<vmem>> -> memref<128x32xf32, #tpu.memory_space<vmem>>
    %dma_wait3A_298 = arith.constant 0 : i32
    %dma_wait3A_299 = tpu.memref_slice %arg8[%dma_wait3A_293, %dma_wait3A_298] : memref<4x128xi32, #tpu.memory_space<vmem>> -> memref<1x128xi32, #tpu.memory_space<vmem>>
    %dma_wait3A_300 = tpu.memref_squeeze %dma_wait3A_299 : memref<1x128xi32, #tpu.memory_space<vmem>> -> memref<128xi32, #tpu.memory_space<vmem>>
    %dma_wait3A_301 = arith.constant 0 : i32
    %dma_wait3A_302 = arith.constant 0 : i32
    %dma_wait3A_303 = tpu.memref_slice %arg5[%dma_wait3A_301, %dma_wait3A_302] : memref<1000000x32xf32, #tpu.memory_space<hbm>> -> memref<1000000x32xf32, #tpu.memory_space<hbm>>
    %dma_wait3A_304 = tpu.memref_slice %arg15[%dma_wait3A_294] : memref<4x!tpu.dma_semaphore, #tpu.memory_space<semaphore_mem>> -> memref<1x!tpu.dma_semaphore, #tpu.memory_space<semaphore_mem>>
    %dma_wait3A_305 = tpu.memref_squeeze %dma_wait3A_304 : memref<1x!tpu.dma_semaphore, #tpu.memory_space<semaphore_mem>> -> memref<!tpu.dma_semaphore, #tpu.memory_space<semaphore_mem>>
    tpu.wait_indirect_dma semaphore(%dma_wait3A_305 : memref<!tpu.dma_semaphore, #tpu.memory_space<semaphore_mem>>) src(%dma_wait3A_303 : memref<1000000x32xf32, #tpu.memory_space<hbm>>) dst(%dma_wait3A_297 : memref<128x32xf32, #tpu.memory_space<vmem>>)
    %dma_wait3A_306 = arith.constant 3 : i32
    %dma_wait3A_307 = arith.constant 3 : i32
    %dma_wait3A_308 = arith.constant 384 : i32
    %dma_wait3A_309 = arith.constant 0 : i32
    %dma_wait3A_310 = tpu.memref_slice %arg12[%dma_wait3A_308, %dma_wait3A_309] : memref<512x32xf32, #tpu.memory_space<vmem>> -> memref<128x32xf32, #tpu.memory_space<vmem>>
    %dma_wait3A_311 = arith.constant 0 : i32
    %dma_wait3A_312 = tpu.memref_slice %arg9[%dma_wait3A_306, %dma_wait3A_311] : memref<4x128xi32, #tpu.memory_space<vmem>> -> memref<1x128xi32, #tpu.memory_space<vmem>>
    %dma_wait3A_313 = tpu.memref_squeeze %dma_wait3A_312 : memref<1x128xi32, #tpu.memory_space<vmem>> -> memref<128xi32, #tpu.memory_space<vmem>>
    %dma_wait3A_314 = arith.constant 0 : i32
    %dma_wait3A_315 = arith.constant 0 : i32
    %dma_wait3A_316 = tpu.memref_slice %arg6[%dma_wait3A_314, %dma_wait3A_315] : memref<1000x32xf32, #tpu.memory_space<hbm>> -> memref<1000x32xf32, #tpu.memory_space<hbm>>
    %dma_wait3A_317 = tpu.memref_slice %arg16[%dma_wait3A_307] : memref<4x!tpu.dma_semaphore, #tpu.memory_space<semaphore_mem>> -> memref<1x!tpu.dma_semaphore, #tpu.memory_space<semaphore_mem>>
    %dma_wait3A_318 = tpu.memref_squeeze %dma_wait3A_317 : memref<1x!tpu.dma_semaphore, #tpu.memory_space<semaphore_mem>> -> memref<!tpu.dma_semaphore, #tpu.memory_space<semaphore_mem>>
    tpu.wait_indirect_dma semaphore(%dma_wait3A_318 : memref<!tpu.dma_semaphore, #tpu.memory_space<semaphore_mem>>) src(%dma_wait3A_316 : memref<1000x32xf32, #tpu.memory_space<hbm>>) dst(%dma_wait3A_310 : memref<128x32xf32, #tpu.memory_space<vmem>>)
    %dma_wait3A_319 = arith.constant 3 : i32
    %dma_wait3A_320 = arith.constant 3 : i32
    %dma_wait3A_321 = arith.constant 384 : i32
    %dma_wait3A_322 = arith.constant 0 : i32
    %dma_wait3A_323 = tpu.memref_slice %arg13[%dma_wait3A_321, %dma_wait3A_322] : memref<512x32xf32, #tpu.memory_space<vmem>> -> memref<128x32xf32, #tpu.memory_space<vmem>>
    %dma_wait3A_324 = arith.constant 0 : i32
    %dma_wait3A_325 = tpu.memref_slice %arg10[%dma_wait3A_319, %dma_wait3A_324] : memref<4x128xi32, #tpu.memory_space<vmem>> -> memref<1x128xi32, #tpu.memory_space<vmem>>
    %dma_wait3A_326 = tpu.memref_squeeze %dma_wait3A_325 : memref<1x128xi32, #tpu.memory_space<vmem>> -> memref<128xi32, #tpu.memory_space<vmem>>
    %dma_wait3A_327 = arith.constant 0 : i32
    %dma_wait3A_328 = arith.constant 0 : i32
    %dma_wait3A_329 = tpu.memref_slice %arg5[%dma_wait3A_327, %dma_wait3A_328] : memref<1000000x32xf32, #tpu.memory_space<hbm>> -> memref<1000000x32xf32, #tpu.memory_space<hbm>>
    %dma_wait3A_330 = tpu.memref_slice %arg17[%dma_wait3A_320] : memref<4x!tpu.dma_semaphore, #tpu.memory_space<semaphore_mem>> -> memref<1x!tpu.dma_semaphore, #tpu.memory_space<semaphore_mem>>
    %dma_wait3A_331 = tpu.memref_squeeze %dma_wait3A_330 : memref<1x!tpu.dma_semaphore, #tpu.memory_space<semaphore_mem>> -> memref<!tpu.dma_semaphore, #tpu.memory_space<semaphore_mem>>
    tpu.wait_indirect_dma semaphore(%dma_wait3A_331 : memref<!tpu.dma_semaphore, #tpu.memory_space<semaphore_mem>>) src(%dma_wait3A_329 : memref<1000000x32xf32, #tpu.memory_space<hbm>>) dst(%dma_wait3A_323 : memref<128x32xf32, #tpu.memory_space<vmem>>)
    %scan3A_332 = arith.constant 0 : i32
    %scan3A_333 = arith.constant 24 : i32
    %scan3A_334 = arith.constant 8 : i32
    %scan3A_335 = arith.addi %scan3A_333, %scan3A_334 : i32
    %scan3A_336 = arith.constant 1 : i32
    scf.for %scan3A_338 = %scan3A_333 to %scan3A_335 step %scan3A_336  : i32 {
      %mul3A_339 = arith.constant 16 : i32
      %mul3A_340 = arith.muli %scan3A_338, %mul3A_339 : i32
      %add3A_341 = vector.broadcast %mul3A_340 : i32 to vector<16xi32>
      %add3A_342 = arith.addi %add3A_341, %iota3A : vector<16xi32>
      %broadcast_in_dim3A = arith.constant 0.000000e+00 : f32
      %broadcast_in_dim3A_343 = vector.broadcast %broadcast_in_dim3A : f32 to vector<16xf32>
      %broadcast_in_dim3A_344 = arith.constant 0 : i32
      %broadcast_in_dim3A_345 = vector.broadcast %broadcast_in_dim3A_344 : i32 to vector<16xi32>
      %gather3A = tpu.vector_load_idx %arg11[%add3A_342, %broadcast_in_dim3A_345] : memref<512x32xf32, #tpu.memory_space<vmem>>[vector<16xi32>, vector<16xi32>], vector<16xf32>,
      %gather3A_346 = tpu.vector_load_idx %arg12[%add3A_342, %broadcast_in_dim3A_345] : memref<512x32xf32, #tpu.memory_space<vmem>>[vector<16xi32>, vector<16xi32>], vector<16xf32>,
      %gather3A_347 = tpu.vector_load_idx %arg13[%add3A_342, %broadcast_in_dim3A_345] : memref<512x32xf32, #tpu.memory_space<vmem>>[vector<16xi32>, vector<16xi32>], vector<16xf32>,
      %add3A_348 = arith.addf %gather3A, %gather3A_346 : vector<16xf32>
      %sub3A = arith.subf %add3A_348, %gather3A_347 : vector<16xf32>
      %mul3A_349 = arith.mulf %sub3A, %sub3A : vector<16xf32>
      %add3A_350 = arith.addf %broadcast_in_dim3A_343, %mul3A_349 : vector<16xf32>
      %broadcast_in_dim3A_351 = arith.constant 1 : i32
      %broadcast_in_dim3A_352 = vector.broadcast %broadcast_in_dim3A_351 : i32 to vector<16xi32>
      %gather3A_353 = tpu.vector_load_idx %arg11[%add3A_342, %broadcast_in_dim3A_352] : memref<512x32xf32, #tpu.memory_space<vmem>>[vector<16xi32>, vector<16xi32>], vector<16xf32>,
      %gather3A_354 = tpu.vector_load_idx %arg12[%add3A_342, %broadcast_in_dim3A_352] : memref<512x32xf32, #tpu.memory_space<vmem>>[vector<16xi32>, vector<16xi32>], vector<16xf32>,
      %gather3A_355 = tpu.vector_load_idx %arg13[%add3A_342, %broadcast_in_dim3A_352] : memref<512x32xf32, #tpu.memory_space<vmem>>[vector<16xi32>, vector<16xi32>], vector<16xf32>,
      %add3A_356 = arith.addf %gather3A_353, %gather3A_354 : vector<16xf32>
      %sub3A_357 = arith.subf %add3A_356, %gather3A_355 : vector<16xf32>
      %mul3A_358 = arith.mulf %sub3A_357, %sub3A_357 : vector<16xf32>
      %add3A_359 = arith.addf %add3A_350, %mul3A_358 : vector<16xf32>
      %broadcast_in_dim3A_360 = arith.constant 2 : i32
      %broadcast_in_dim3A_361 = vector.broadcast %broadcast_in_dim3A_360 : i32 to vector<16xi32>
      %gather3A_362 = tpu.vector_load_idx %arg11[%add3A_342, %broadcast_in_dim3A_361] : memref<512x32xf32, #tpu.memory_space<vmem>>[vector<16xi32>, vector<16xi32>], vector<16xf32>,
      %gather3A_363 = tpu.vector_load_idx %arg12[%add3A_342, %broadcast_in_dim3A_361] : memref<512x32xf32, #tpu.memory_space<vmem>>[vector<16xi32>, vector<16xi32>], vector<16xf32>,
      %gather3A_364 = tpu.vector_load_idx %arg13[%add3A_342, %broadcast_in_dim3A_361] : memref<512x32xf32, #tpu.memory_space<vmem>>[vector<16xi32>, vector<16xi32>], vector<16xf32>,
      %add3A_365 = arith.addf %gather3A_362, %gather3A_363 : vector<16xf32>
      %sub3A_366 = arith.subf %add3A_365, %gather3A_364 : vector<16xf32>
      %mul3A_367 = arith.mulf %sub3A_366, %sub3A_366 : vector<16xf32>
      %add3A_368 = arith.addf %add3A_359, %mul3A_367 : vector<16xf32>
      %broadcast_in_dim3A_369 = arith.constant 3 : i32
      %broadcast_in_dim3A_370 = vector.broadcast %broadcast_in_dim3A_369 : i32 to vector<16xi32>
      %gather3A_371 = tpu.vector_load_idx %arg11[%add3A_342, %broadcast_in_dim3A_370] : memref<512x32xf32, #tpu.memory_space<vmem>>[vector<16xi32>, vector<16xi32>], vector<16xf32>,
      %gather3A_372 = tpu.vector_load_idx %arg12[%add3A_342, %broadcast_in_dim3A_370] : memref<512x32xf32, #tpu.memory_space<vmem>>[vector<16xi32>, vector<16xi32>], vector<16xf32>,
      %gather3A_373 = tpu.vector_load_idx %arg13[%add3A_342, %broadcast_in_dim3A_370] : memref<512x32xf32, #tpu.memory_space<vmem>>[vector<16xi32>, vector<16xi32>], vector<16xf32>,
      %add3A_374 = arith.addf %gather3A_371, %gather3A_372 : vector<16xf32>
      %sub3A_375 = arith.subf %add3A_374, %gather3A_373 : vector<16xf32>
      %mul3A_376 = arith.mulf %sub3A_375, %sub3A_375 : vector<16xf32>
      %add3A_377 = arith.addf %add3A_368, %mul3A_376 : vector<16xf32>
      %broadcast_in_dim3A_378 = arith.constant 4 : i32
      %broadcast_in_dim3A_379 = vector.broadcast %broadcast_in_dim3A_378 : i32 to vector<16xi32>
      %gather3A_380 = tpu.vector_load_idx %arg11[%add3A_342, %broadcast_in_dim3A_379] : memref<512x32xf32, #tpu.memory_space<vmem>>[vector<16xi32>, vector<16xi32>], vector<16xf32>,
      %gather3A_381 = tpu.vector_load_idx %arg12[%add3A_342, %broadcast_in_dim3A_379] : memref<512x32xf32, #tpu.memory_space<vmem>>[vector<16xi32>, vector<16xi32>], vector<16xf32>,
      %gather3A_382 = tpu.vector_load_idx %arg13[%add3A_342, %broadcast_in_dim3A_379] : memref<512x32xf32, #tpu.memory_space<vmem>>[vector<16xi32>, vector<16xi32>], vector<16xf32>,
      %add3A_383 = arith.addf %gather3A_380, %gather3A_381 : vector<16xf32>
      %sub3A_384 = arith.subf %add3A_383, %gather3A_382 : vector<16xf32>
      %mul3A_385 = arith.mulf %sub3A_384, %sub3A_384 : vector<16xf32>
      %add3A_386 = arith.addf %add3A_377, %mul3A_385 : vector<16xf32>
      %broadcast_in_dim3A_387 = arith.constant 5 : i32
      %broadcast_in_dim3A_388 = vector.broadcast %broadcast_in_dim3A_387 : i32 to vector<16xi32>
      %gather3A_389 = tpu.vector_load_idx %arg11[%add3A_342, %broadcast_in_dim3A_388] : memref<512x32xf32, #tpu.memory_space<vmem>>[vector<16xi32>, vector<16xi32>], vector<16xf32>,
      %gather3A_390 = tpu.vector_load_idx %arg12[%add3A_342, %broadcast_in_dim3A_388] : memref<512x32xf32, #tpu.memory_space<vmem>>[vector<16xi32>, vector<16xi32>], vector<16xf32>,
      %gather3A_391 = tpu.vector_load_idx %arg13[%add3A_342, %broadcast_in_dim3A_388] : memref<512x32xf32, #tpu.memory_space<vmem>>[vector<16xi32>, vector<16xi32>], vector<16xf32>,
      %add3A_392 = arith.addf %gather3A_389, %gather3A_390 : vector<16xf32>
      %sub3A_393 = arith.subf %add3A_392, %gather3A_391 : vector<16xf32>
      %mul3A_394 = arith.mulf %sub3A_393, %sub3A_393 : vector<16xf32>
      %add3A_395 = arith.addf %add3A_386, %mul3A_394 : vector<16xf32>
      %broadcast_in_dim3A_396 = arith.constant 6 : i32
      %broadcast_in_dim3A_397 = vector.broadcast %broadcast_in_dim3A_396 : i32 to vector<16xi32>
      %gather3A_398 = tpu.vector_load_idx %arg11[%add3A_342, %broadcast_in_dim3A_397] : memref<512x32xf32, #tpu.memory_space<vmem>>[vector<16xi32>, vector<16xi32>], vector<16xf32>,
      %gather3A_399 = tpu.vector_load_idx %arg12[%add3A_342, %broadcast_in_dim3A_397] : memref<512x32xf32, #tpu.memory_space<vmem>>[vector<16xi32>, vector<16xi32>], vector<16xf32>,
      %gather3A_400 = tpu.vector_load_idx %arg13[%add3A_342, %broadcast_in_dim3A_397] : memref<512x32xf32, #tpu.memory_space<vmem>>[vector<16xi32>, vector<16xi32>], vector<16xf32>,
      %add3A_401 = arith.addf %gather3A_398, %gather3A_399 : vector<16xf32>
      %sub3A_402 = arith.subf %add3A_401, %gather3A_400 : vector<16xf32>
      %mul3A_403 = arith.mulf %sub3A_402, %sub3A_402 : vector<16xf32>
      %add3A_404 = arith.addf %add3A_395, %mul3A_403 : vector<16xf32>
      %broadcast_in_dim3A_405 = arith.constant 7 : i32
      %broadcast_in_dim3A_406 = vector.broadcast %broadcast_in_dim3A_405 : i32 to vector<16xi32>
      %gather3A_407 = tpu.vector_load_idx %arg11[%add3A_342, %broadcast_in_dim3A_406] : memref<512x32xf32, #tpu.memory_space<vmem>>[vector<16xi32>, vector<16xi32>], vector<16xf32>,
      %gather3A_408 = tpu.vector_load_idx %arg12[%add3A_342, %broadcast_in_dim3A_406] : memref<512x32xf32, #tpu.memory_space<vmem>>[vector<16xi32>, vector<16xi32>], vector<16xf32>,
      %gather3A_409 = tpu.vector_load_idx %arg13[%add3A_342, %broadcast_in_dim3A_406] : memref<512x32xf32, #tpu.memory_space<vmem>>[vector<16xi32>, vector<16xi32>], vector<16xf32>,
      %add3A_410 = arith.addf %gather3A_407, %gather3A_408 : vector<16xf32>
      %sub3A_411 = arith.subf %add3A_410, %gather3A_409 : vector<16xf32>
      %mul3A_412 = arith.mulf %sub3A_411, %sub3A_411 : vector<16xf32>
      %add3A_413 = arith.addf %add3A_404, %mul3A_412 : vector<16xf32>
      %broadcast_in_dim3A_414 = arith.constant 8 : i32
      %broadcast_in_dim3A_415 = vector.broadcast %broadcast_in_dim3A_414 : i32 to vector<16xi32>
      %gather3A_416 = tpu.vector_load_idx %arg11[%add3A_342, %broadcast_in_dim3A_415] : memref<512x32xf32, #tpu.memory_space<vmem>>[vector<16xi32>, vector<16xi32>], vector<16xf32>,
      %gather3A_417 = tpu.vector_load_idx %arg12[%add3A_342, %broadcast_in_dim3A_415] : memref<512x32xf32, #tpu.memory_space<vmem>>[vector<16xi32>, vector<16xi32>], vector<16xf32>,
      %gather3A_418 = tpu.vector_load_idx %arg13[%add3A_342, %broadcast_in_dim3A_415] : memref<512x32xf32, #tpu.memory_space<vmem>>[vector<16xi32>, vector<16xi32>], vector<16xf32>,
      %add3A_419 = arith.addf %gather3A_416, %gather3A_417 : vector<16xf32>
      %sub3A_420 = arith.subf %add3A_419, %gather3A_418 : vector<16xf32>
      %mul3A_421 = arith.mulf %sub3A_420, %sub3A_420 : vector<16xf32>
      %add3A_422 = arith.addf %add3A_413, %mul3A_421 : vector<16xf32>
      %broadcast_in_dim3A_423 = arith.constant 9 : i32
      %broadcast_in_dim3A_424 = vector.broadcast %broadcast_in_dim3A_423 : i32 to vector<16xi32>
      %gather3A_425 = tpu.vector_load_idx %arg11[%add3A_342, %broadcast_in_dim3A_424] : memref<512x32xf32, #tpu.memory_space<vmem>>[vector<16xi32>, vector<16xi32>], vector<16xf32>,
      %gather3A_426 = tpu.vector_load_idx %arg12[%add3A_342, %broadcast_in_dim3A_424] : memref<512x32xf32, #tpu.memory_space<vmem>>[vector<16xi32>, vector<16xi32>], vector<16xf32>,
      %gather3A_427 = tpu.vector_load_idx %arg13[%add3A_342, %broadcast_in_dim3A_424] : memref<512x32xf32, #tpu.memory_space<vmem>>[vector<16xi32>, vector<16xi32>], vector<16xf32>,
      %add3A_428 = arith.addf %gather3A_425, %gather3A_426 : vector<16xf32>
      %sub3A_429 = arith.subf %add3A_428, %gather3A_427 : vector<16xf32>
      %mul3A_430 = arith.mulf %sub3A_429, %sub3A_429 : vector<16xf32>
      %add3A_431 = arith.addf %add3A_422, %mul3A_430 : vector<16xf32>
      %broadcast_in_dim3A_432 = arith.constant 10 : i32
      %broadcast_in_dim3A_433 = vector.broadcast %broadcast_in_dim3A_432 : i32 to vector<16xi32>
      %gather3A_434 = tpu.vector_load_idx %arg11[%add3A_342, %broadcast_in_dim3A_433] : memref<512x32xf32, #tpu.memory_space<vmem>>[vector<16xi32>, vector<16xi32>], vector<16xf32>,
      %gather3A_435 = tpu.vector_load_idx %arg12[%add3A_342, %broadcast_in_dim3A_433] : memref<512x32xf32, #tpu.memory_space<vmem>>[vector<16xi32>, vector<16xi32>], vector<16xf32>,
      %gather3A_436 = tpu.vector_load_idx %arg13[%add3A_342, %broadcast_in_dim3A_433] : memref<512x32xf32, #tpu.memory_space<vmem>>[vector<16xi32>, vector<16xi32>], vector<16xf32>,
      %add3A_437 = arith.addf %gather3A_434, %gather3A_435 : vector<16xf32>
      %sub3A_438 = arith.subf %add3A_437, %gather3A_436 : vector<16xf32>
      %mul3A_439 = arith.mulf %sub3A_438, %sub3A_438 : vector<16xf32>
      %add3A_440 = arith.addf %add3A_431, %mul3A_439 : vector<16xf32>
      %broadcast_in_dim3A_441 = arith.constant 11 : i32
      %broadcast_in_dim3A_442 = vector.broadcast %broadcast_in_dim3A_441 : i32 to vector<16xi32>
      %gather3A_443 = tpu.vector_load_idx %arg11[%add3A_342, %broadcast_in_dim3A_442] : memref<512x32xf32, #tpu.memory_space<vmem>>[vector<16xi32>, vector<16xi32>], vector<16xf32>,
      %gather3A_444 = tpu.vector_load_idx %arg12[%add3A_342, %broadcast_in_dim3A_442] : memref<512x32xf32, #tpu.memory_space<vmem>>[vector<16xi32>, vector<16xi32>], vector<16xf32>,
      %gather3A_445 = tpu.vector_load_idx %arg13[%add3A_342, %broadcast_in_dim3A_442] : memref<512x32xf32, #tpu.memory_space<vmem>>[vector<16xi32>, vector<16xi32>], vector<16xf32>,
      %add3A_446 = arith.addf %gather3A_443, %gather3A_444 : vector<16xf32>
      %sub3A_447 = arith.subf %add3A_446, %gather3A_445 : vector<16xf32>
      %mul3A_448 = arith.mulf %sub3A_447, %sub3A_447 : vector<16xf32>
      %add3A_449 = arith.addf %add3A_440, %mul3A_448 : vector<16xf32>
      %broadcast_in_dim3A_450 = arith.constant 12 : i32
      %broadcast_in_dim3A_451 = vector.broadcast %broadcast_in_dim3A_450 : i32 to vector<16xi32>
      %gather3A_452 = tpu.vector_load_idx %arg11[%add3A_342, %broadcast_in_dim3A_451] : memref<512x32xf32, #tpu.memory_space<vmem>>[vector<16xi32>, vector<16xi32>], vector<16xf32>,
      %gather3A_453 = tpu.vector_load_idx %arg12[%add3A_342, %broadcast_in_dim3A_451] : memref<512x32xf32, #tpu.memory_space<vmem>>[vector<16xi32>, vector<16xi32>], vector<16xf32>,
      %gather3A_454 = tpu.vector_load_idx %arg13[%add3A_342, %broadcast_in_dim3A_451] : memref<512x32xf32, #tpu.memory_space<vmem>>[vector<16xi32>, vector<16xi32>], vector<16xf32>,
      %add3A_455 = arith.addf %gather3A_452, %gather3A_453 : vector<16xf32>
      %sub3A_456 = arith.subf %add3A_455, %gather3A_454 : vector<16xf32>
      %mul3A_457 = arith.mulf %sub3A_456, %sub3A_456 : vector<16xf32>
      %add3A_458 = arith.addf %add3A_449, %mul3A_457 : vector<16xf32>
      %broadcast_in_dim3A_459 = arith.constant 13 : i32
      %broadcast_in_dim3A_460 = vector.broadcast %broadcast_in_dim3A_459 : i32 to vector<16xi32>
      %gather3A_461 = tpu.vector_load_idx %arg11[%add3A_342, %broadcast_in_dim3A_460] : memref<512x32xf32, #tpu.memory_space<vmem>>[vector<16xi32>, vector<16xi32>], vector<16xf32>,
      %gather3A_462 = tpu.vector_load_idx %arg12[%add3A_342, %broadcast_in_dim3A_460] : memref<512x32xf32, #tpu.memory_space<vmem>>[vector<16xi32>, vector<16xi32>], vector<16xf32>,
      %gather3A_463 = tpu.vector_load_idx %arg13[%add3A_342, %broadcast_in_dim3A_460] : memref<512x32xf32, #tpu.memory_space<vmem>>[vector<16xi32>, vector<16xi32>], vector<16xf32>,
      %add3A_464 = arith.addf %gather3A_461, %gather3A_462 : vector<16xf32>
      %sub3A_465 = arith.subf %add3A_464, %gather3A_463 : vector<16xf32>
      %mul3A_466 = arith.mulf %sub3A_465, %sub3A_465 : vector<16xf32>
      %add3A_467 = arith.addf %add3A_458, %mul3A_466 : vector<16xf32>
      %broadcast_in_dim3A_468 = arith.constant 14 : i32
      %broadcast_in_dim3A_469 = vector.broadcast %broadcast_in_dim3A_468 : i32 to vector<16xi32>
      %gather3A_470 = tpu.vector_load_idx %arg11[%add3A_342, %broadcast_in_dim3A_469] : memref<512x32xf32, #tpu.memory_space<vmem>>[vector<16xi32>, vector<16xi32>], vector<16xf32>,
      %gather3A_471 = tpu.vector_load_idx %arg12[%add3A_342, %broadcast_in_dim3A_469] : memref<512x32xf32, #tpu.memory_space<vmem>>[vector<16xi32>, vector<16xi32>], vector<16xf32>,
      %gather3A_472 = tpu.vector_load_idx %arg13[%add3A_342, %broadcast_in_dim3A_469] : memref<512x32xf32, #tpu.memory_space<vmem>>[vector<16xi32>, vector<16xi32>], vector<16xf32>,
      %add3A_473 = arith.addf %gather3A_470, %gather3A_471 : vector<16xf32>
      %sub3A_474 = arith.subf %add3A_473, %gather3A_472 : vector<16xf32>
      %mul3A_475 = arith.mulf %sub3A_474, %sub3A_474 : vector<16xf32>
      %add3A_476 = arith.addf %add3A_467, %mul3A_475 : vector<16xf32>
      %broadcast_in_dim3A_477 = arith.constant 15 : i32
      %broadcast_in_dim3A_478 = vector.broadcast %broadcast_in_dim3A_477 : i32 to vector<16xi32>
      %gather3A_479 = tpu.vector_load_idx %arg11[%add3A_342, %broadcast_in_dim3A_478] : memref<512x32xf32, #tpu.memory_space<vmem>>[vector<16xi32>, vector<16xi32>], vector<16xf32>,
      %gather3A_480 = tpu.vector_load_idx %arg12[%add3A_342, %broadcast_in_dim3A_478] : memref<512x32xf32, #tpu.memory_space<vmem>>[vector<16xi32>, vector<16xi32>], vector<16xf32>,
      %gather3A_481 = tpu.vector_load_idx %arg13[%add3A_342, %broadcast_in_dim3A_478] : memref<512x32xf32, #tpu.memory_space<vmem>>[vector<16xi32>, vector<16xi32>], vector<16xf32>,
      %add3A_482 = arith.addf %gather3A_479, %gather3A_480 : vector<16xf32>
      %sub3A_483 = arith.subf %add3A_482, %gather3A_481 : vector<16xf32>
      %mul3A_484 = arith.mulf %sub3A_483, %sub3A_483 : vector<16xf32>
      %add3A_485 = arith.addf %add3A_476, %mul3A_484 : vector<16xf32>
      %broadcast_in_dim3A_486 = arith.constant 16 : i32
      %broadcast_in_dim3A_487 = vector.broadcast %broadcast_in_dim3A_486 : i32 to vector<16xi32>
      %gather3A_488 = tpu.vector_load_idx %arg11[%add3A_342, %broadcast_in_dim3A_487] : memref<512x32xf32, #tpu.memory_space<vmem>>[vector<16xi32>, vector<16xi32>], vector<16xf32>,
      %gather3A_489 = tpu.vector_load_idx %arg12[%add3A_342, %broadcast_in_dim3A_487] : memref<512x32xf32, #tpu.memory_space<vmem>>[vector<16xi32>, vector<16xi32>], vector<16xf32>,
      %gather3A_490 = tpu.vector_load_idx %arg13[%add3A_342, %broadcast_in_dim3A_487] : memref<512x32xf32, #tpu.memory_space<vmem>>[vector<16xi32>, vector<16xi32>], vector<16xf32>,
      %add3A_491 = arith.addf %gather3A_488, %gather3A_489 : vector<16xf32>
      %sub3A_492 = arith.subf %add3A_491, %gather3A_490 : vector<16xf32>
      %mul3A_493 = arith.mulf %sub3A_492, %sub3A_492 : vector<16xf32>
      %add3A_494 = arith.addf %add3A_485, %mul3A_493 : vector<16xf32>
      %broadcast_in_dim3A_495 = arith.constant 17 : i32
      %broadcast_in_dim3A_496 = vector.broadcast %broadcast_in_dim3A_495 : i32 to vector<16xi32>
      %gather3A_497 = tpu.vector_load_idx %arg11[%add3A_342, %broadcast_in_dim3A_496] : memref<512x32xf32, #tpu.memory_space<vmem>>[vector<16xi32>, vector<16xi32>], vector<16xf32>,
      %gather3A_498 = tpu.vector_load_idx %arg12[%add3A_342, %broadcast_in_dim3A_496] : memref<512x32xf32, #tpu.memory_space<vmem>>[vector<16xi32>, vector<16xi32>], vector<16xf32>,
      %gather3A_499 = tpu.vector_load_idx %arg13[%add3A_342, %broadcast_in_dim3A_496] : memref<512x32xf32, #tpu.memory_space<vmem>>[vector<16xi32>, vector<16xi32>], vector<16xf32>,
      %add3A_500 = arith.addf %gather3A_497, %gather3A_498 : vector<16xf32>
      %sub3A_501 = arith.subf %add3A_500, %gather3A_499 : vector<16xf32>
      %mul3A_502 = arith.mulf %sub3A_501, %sub3A_501 : vector<16xf32>
      %add3A_503 = arith.addf %add3A_494, %mul3A_502 : vector<16xf32>
      %broadcast_in_dim3A_504 = arith.constant 18 : i32
      %broadcast_in_dim3A_505 = vector.broadcast %broadcast_in_dim3A_504 : i32 to vector<16xi32>
      %gather3A_506 = tpu.vector_load_idx %arg11[%add3A_342, %broadcast_in_dim3A_505] : memref<512x32xf32, #tpu.memory_space<vmem>>[vector<16xi32>, vector<16xi32>], vector<16xf32>,
      %gather3A_507 = tpu.vector_load_idx %arg12[%add3A_342, %broadcast_in_dim3A_505] : memref<512x32xf32, #tpu.memory_space<vmem>>[vector<16xi32>, vector<16xi32>], vector<16xf32>,
      %gather3A_508 = tpu.vector_load_idx %arg13[%add3A_342, %broadcast_in_dim3A_505] : memref<512x32xf32, #tpu.memory_space<vmem>>[vector<16xi32>, vector<16xi32>], vector<16xf32>,
      %add3A_509 = arith.addf %gather3A_506, %gather3A_507 : vector<16xf32>
      %sub3A_510 = arith.subf %add3A_509, %gather3A_508 : vector<16xf32>
      %mul3A_511 = arith.mulf %sub3A_510, %sub3A_510 : vector<16xf32>
      %add3A_512 = arith.addf %add3A_503, %mul3A_511 : vector<16xf32>
      %broadcast_in_dim3A_513 = arith.constant 19 : i32
      %broadcast_in_dim3A_514 = vector.broadcast %broadcast_in_dim3A_513 : i32 to vector<16xi32>
      %gather3A_515 = tpu.vector_load_idx %arg11[%add3A_342, %broadcast_in_dim3A_514] : memref<512x32xf32, #tpu.memory_space<vmem>>[vector<16xi32>, vector<16xi32>], vector<16xf32>,
      %gather3A_516 = tpu.vector_load_idx %arg12[%add3A_342, %broadcast_in_dim3A_514] : memref<512x32xf32, #tpu.memory_space<vmem>>[vector<16xi32>, vector<16xi32>], vector<16xf32>,
      %gather3A_517 = tpu.vector_load_idx %arg13[%add3A_342, %broadcast_in_dim3A_514] : memref<512x32xf32, #tpu.memory_space<vmem>>[vector<16xi32>, vector<16xi32>], vector<16xf32>,
      %add3A_518 = arith.addf %gather3A_515, %gather3A_516 : vector<16xf32>
      %sub3A_519 = arith.subf %add3A_518, %gather3A_517 : vector<16xf32>
      %mul3A_520 = arith.mulf %sub3A_519, %sub3A_519 : vector<16xf32>
      %add3A_521 = arith.addf %add3A_512, %mul3A_520 : vector<16xf32>
      %broadcast_in_dim3A_522 = arith.constant 20 : i32
      %broadcast_in_dim3A_523 = vector.broadcast %broadcast_in_dim3A_522 : i32 to vector<16xi32>
      %gather3A_524 = tpu.vector_load_idx %arg11[%add3A_342, %broadcast_in_dim3A_523] : memref<512x32xf32, #tpu.memory_space<vmem>>[vector<16xi32>, vector<16xi32>], vector<16xf32>,
      %gather3A_525 = tpu.vector_load_idx %arg12[%add3A_342, %broadcast_in_dim3A_523] : memref<512x32xf32, #tpu.memory_space<vmem>>[vector<16xi32>, vector<16xi32>], vector<16xf32>,
      %gather3A_526 = tpu.vector_load_idx %arg13[%add3A_342, %broadcast_in_dim3A_523] : memref<512x32xf32, #tpu.memory_space<vmem>>[vector<16xi32>, vector<16xi32>], vector<16xf32>,
      %add3A_527 = arith.addf %gather3A_524, %gather3A_525 : vector<16xf32>
      %sub3A_528 = arith.subf %add3A_527, %gather3A_526 : vector<16xf32>
      %mul3A_529 = arith.mulf %sub3A_528, %sub3A_528 : vector<16xf32>
      %add3A_530 = arith.addf %add3A_521, %mul3A_529 : vector<16xf32>
      %broadcast_in_dim3A_531 = arith.constant 21 : i32
      %broadcast_in_dim3A_532 = vector.broadcast %broadcast_in_dim3A_531 : i32 to vector<16xi32>
      %gather3A_533 = tpu.vector_load_idx %arg11[%add3A_342, %broadcast_in_dim3A_532] : memref<512x32xf32, #tpu.memory_space<vmem>>[vector<16xi32>, vector<16xi32>], vector<16xf32>,
      %gather3A_534 = tpu.vector_load_idx %arg12[%add3A_342, %broadcast_in_dim3A_532] : memref<512x32xf32, #tpu.memory_space<vmem>>[vector<16xi32>, vector<16xi32>], vector<16xf32>,
      %gather3A_535 = tpu.vector_load_idx %arg13[%add3A_342, %broadcast_in_dim3A_532] : memref<512x32xf32, #tpu.memory_space<vmem>>[vector<16xi32>, vector<16xi32>], vector<16xf32>,
      %add3A_536 = arith.addf %gather3A_533, %gather3A_534 : vector<16xf32>
      %sub3A_537 = arith.subf %add3A_536, %gather3A_535 : vector<16xf32>
      %mul3A_538 = arith.mulf %sub3A_537, %sub3A_537 : vector<16xf32>
      %add3A_539 = arith.addf %add3A_530, %mul3A_538 : vector<16xf32>
      %broadcast_in_dim3A_540 = arith.constant 22 : i32
      %broadcast_in_dim3A_541 = vector.broadcast %broadcast_in_dim3A_540 : i32 to vector<16xi32>
      %gather3A_542 = tpu.vector_load_idx %arg11[%add3A_342, %broadcast_in_dim3A_541] : memref<512x32xf32, #tpu.memory_space<vmem>>[vector<16xi32>, vector<16xi32>], vector<16xf32>,
      %gather3A_543 = tpu.vector_load_idx %arg12[%add3A_342, %broadcast_in_dim3A_541] : memref<512x32xf32, #tpu.memory_space<vmem>>[vector<16xi32>, vector<16xi32>], vector<16xf32>,
      %gather3A_544 = tpu.vector_load_idx %arg13[%add3A_342, %broadcast_in_dim3A_541] : memref<512x32xf32, #tpu.memory_space<vmem>>[vector<16xi32>, vector<16xi32>], vector<16xf32>,
      %add3A_545 = arith.addf %gather3A_542, %gather3A_543 : vector<16xf32>
      %sub3A_546 = arith.subf %add3A_545, %gather3A_544 : vector<16xf32>
      %mul3A_547 = arith.mulf %sub3A_546, %sub3A_546 : vector<16xf32>
      %add3A_548 = arith.addf %add3A_539, %mul3A_547 : vector<16xf32>
      %broadcast_in_dim3A_549 = arith.constant 23 : i32
      %broadcast_in_dim3A_550 = vector.broadcast %broadcast_in_dim3A_549 : i32 to vector<16xi32>
      %gather3A_551 = tpu.vector_load_idx %arg11[%add3A_342, %broadcast_in_dim3A_550] : memref<512x32xf32, #tpu.memory_space<vmem>>[vector<16xi32>, vector<16xi32>], vector<16xf32>,
      %gather3A_552 = tpu.vector_load_idx %arg12[%add3A_342, %broadcast_in_dim3A_550] : memref<512x32xf32, #tpu.memory_space<vmem>>[vector<16xi32>, vector<16xi32>], vector<16xf32>,
      %gather3A_553 = tpu.vector_load_idx %arg13[%add3A_342, %broadcast_in_dim3A_550] : memref<512x32xf32, #tpu.memory_space<vmem>>[vector<16xi32>, vector<16xi32>], vector<16xf32>,
      %add3A_554 = arith.addf %gather3A_551, %gather3A_552 : vector<16xf32>
      %sub3A_555 = arith.subf %add3A_554, %gather3A_553 : vector<16xf32>
      %mul3A_556 = arith.mulf %sub3A_555, %sub3A_555 : vector<16xf32>
      %add3A_557 = arith.addf %add3A_548, %mul3A_556 : vector<16xf32>
      %broadcast_in_dim3A_558 = arith.constant 24 : i32
      %broadcast_in_dim3A_559 = vector.broadcast %broadcast_in_dim3A_558 : i32 to vector<16xi32>
      %gather3A_560 = tpu.vector_load_idx %arg11[%add3A_342, %broadcast_in_dim3A_559] : memref<512x32xf32, #tpu.memory_space<vmem>>[vector<16xi32>, vector<16xi32>], vector<16xf32>,
      %gather3A_561 = tpu.vector_load_idx %arg12[%add3A_342, %broadcast_in_dim3A_559] : memref<512x32xf32, #tpu.memory_space<vmem>>[vector<16xi32>, vector<16xi32>], vector<16xf32>,
      %gather3A_562 = tpu.vector_load_idx %arg13[%add3A_342, %broadcast_in_dim3A_559] : memref<512x32xf32, #tpu.memory_space<vmem>>[vector<16xi32>, vector<16xi32>], vector<16xf32>,
      %add3A_563 = arith.addf %gather3A_560, %gather3A_561 : vector<16xf32>
      %sub3A_564 = arith.subf %add3A_563, %gather3A_562 : vector<16xf32>
      %mul3A_565 = arith.mulf %sub3A_564, %sub3A_564 : vector<16xf32>
      %add3A_566 = arith.addf %add3A_557, %mul3A_565 : vector<16xf32>
      %broadcast_in_dim3A_567 = arith.constant 25 : i32
      %broadcast_in_dim3A_568 = vector.broadcast %broadcast_in_dim3A_567 : i32 to vector<16xi32>
      %gather3A_569 = tpu.vector_load_idx %arg11[%add3A_342, %broadcast_in_dim3A_568] : memref<512x32xf32, #tpu.memory_space<vmem>>[vector<16xi32>, vector<16xi32>], vector<16xf32>,
      %gather3A_570 = tpu.vector_load_idx %arg12[%add3A_342, %broadcast_in_dim3A_568] : memref<512x32xf32, #tpu.memory_space<vmem>>[vector<16xi32>, vector<16xi32>], vector<16xf32>,
      %gather3A_571 = tpu.vector_load_idx %arg13[%add3A_342, %broadcast_in_dim3A_568] : memref<512x32xf32, #tpu.memory_space<vmem>>[vector<16xi32>, vector<16xi32>], vector<16xf32>,
      %add3A_572 = arith.addf %gather3A_569, %gather3A_570 : vector<16xf32>
      %sub3A_573 = arith.subf %add3A_572, %gather3A_571 : vector<16xf32>
      %mul3A_574 = arith.mulf %sub3A_573, %sub3A_573 : vector<16xf32>
      %add3A_575 = arith.addf %add3A_566, %mul3A_574 : vector<16xf32>
      %broadcast_in_dim3A_576 = arith.constant 26 : i32
      %broadcast_in_dim3A_577 = vector.broadcast %broadcast_in_dim3A_576 : i32 to vector<16xi32>
      %gather3A_578 = tpu.vector_load_idx %arg11[%add3A_342, %broadcast_in_dim3A_577] : memref<512x32xf32, #tpu.memory_space<vmem>>[vector<16xi32>, vector<16xi32>], vector<16xf32>,
      %gather3A_579 = tpu.vector_load_idx %arg12[%add3A_342, %broadcast_in_dim3A_577] : memref<512x32xf32, #tpu.memory_space<vmem>>[vector<16xi32>, vector<16xi32>], vector<16xf32>,
      %gather3A_580 = tpu.vector_load_idx %arg13[%add3A_342, %broadcast_in_dim3A_577] : memref<512x32xf32, #tpu.memory_space<vmem>>[vector<16xi32>, vector<16xi32>], vector<16xf32>,
      %add3A_581 = arith.addf %gather3A_578, %gather3A_579 : vector<16xf32>
      %sub3A_582 = arith.subf %add3A_581, %gather3A_580 : vector<16xf32>
      %mul3A_583 = arith.mulf %sub3A_582, %sub3A_582 : vector<16xf32>
      %add3A_584 = arith.addf %add3A_575, %mul3A_583 : vector<16xf32>
      %broadcast_in_dim3A_585 = arith.constant 27 : i32
      %broadcast_in_dim3A_586 = vector.broadcast %broadcast_in_dim3A_585 : i32 to vector<16xi32>
      %gather3A_587 = tpu.vector_load_idx %arg11[%add3A_342, %broadcast_in_dim3A_586] : memref<512x32xf32, #tpu.memory_space<vmem>>[vector<16xi32>, vector<16xi32>], vector<16xf32>,
      %gather3A_588 = tpu.vector_load_idx %arg12[%add3A_342, %broadcast_in_dim3A_586] : memref<512x32xf32, #tpu.memory_space<vmem>>[vector<16xi32>, vector<16xi32>], vector<16xf32>,
      %gather3A_589 = tpu.vector_load_idx %arg13[%add3A_342, %broadcast_in_dim3A_586] : memref<512x32xf32, #tpu.memory_space<vmem>>[vector<16xi32>, vector<16xi32>], vector<16xf32>,
      %add3A_590 = arith.addf %gather3A_587, %gather3A_588 : vector<16xf32>
      %sub3A_591 = arith.subf %add3A_590, %gather3A_589 : vector<16xf32>
      %mul3A_592 = arith.mulf %sub3A_591, %sub3A_591 : vector<16xf32>
      %add3A_593 = arith.addf %add3A_584, %mul3A_592 : vector<16xf32>
      %broadcast_in_dim3A_594 = arith.constant 28 : i32
      %broadcast_in_dim3A_595 = vector.broadcast %broadcast_in_dim3A_594 : i32 to vector<16xi32>
      %gather3A_596 = tpu.vector_load_idx %arg11[%add3A_342, %broadcast_in_dim3A_595] : memref<512x32xf32, #tpu.memory_space<vmem>>[vector<16xi32>, vector<16xi32>], vector<16xf32>,
      %gather3A_597 = tpu.vector_load_idx %arg12[%add3A_342, %broadcast_in_dim3A_595] : memref<512x32xf32, #tpu.memory_space<vmem>>[vector<16xi32>, vector<16xi32>], vector<16xf32>,
      %gather3A_598 = tpu.vector_load_idx %arg13[%add3A_342, %broadcast_in_dim3A_595] : memref<512x32xf32, #tpu.memory_space<vmem>>[vector<16xi32>, vector<16xi32>], vector<16xf32>,
      %add3A_599 = arith.addf %gather3A_596, %gather3A_597 : vector<16xf32>
      %sub3A_600 = arith.subf %add3A_599, %gather3A_598 : vector<16xf32>
      %mul3A_601 = arith.mulf %sub3A_600, %sub3A_600 : vector<16xf32>
      %add3A_602 = arith.addf %add3A_593, %mul3A_601 : vector<16xf32>
      %broadcast_in_dim3A_603 = arith.constant 29 : i32
      %broadcast_in_dim3A_604 = vector.broadcast %broadcast_in_dim3A_603 : i32 to vector<16xi32>
      %gather3A_605 = tpu.vector_load_idx %arg11[%add3A_342, %broadcast_in_dim3A_604] : memref<512x32xf32, #tpu.memory_space<vmem>>[vector<16xi32>, vector<16xi32>], vector<16xf32>,
      %gather3A_606 = tpu.vector_load_idx %arg12[%add3A_342, %broadcast_in_dim3A_604] : memref<512x32xf32, #tpu.memory_space<vmem>>[vector<16xi32>, vector<16xi32>], vector<16xf32>,
      %gather3A_607 = tpu.vector_load_idx %arg13[%add3A_342, %broadcast_in_dim3A_604] : memref<512x32xf32, #tpu.memory_space<vmem>>[vector<16xi32>, vector<16xi32>], vector<16xf32>,
      %add3A_608 = arith.addf %gather3A_605, %gather3A_606 : vector<16xf32>
      %sub3A_609 = arith.subf %add3A_608, %gather3A_607 : vector<16xf32>
      %mul3A_610 = arith.mulf %sub3A_609, %sub3A_609 : vector<16xf32>
      %add3A_611 = arith.addf %add3A_602, %mul3A_610 : vector<16xf32>
      %broadcast_in_dim3A_612 = arith.constant 30 : i32
      %broadcast_in_dim3A_613 = vector.broadcast %broadcast_in_dim3A_612 : i32 to vector<16xi32>
      %gather3A_614 = tpu.vector_load_idx %arg11[%add3A_342, %broadcast_in_dim3A_613] : memref<512x32xf32, #tpu.memory_space<vmem>>[vector<16xi32>, vector<16xi32>], vector<16xf32>,
      %gather3A_615 = tpu.vector_load_idx %arg12[%add3A_342, %broadcast_in_dim3A_613] : memref<512x32xf32, #tpu.memory_space<vmem>>[vector<16xi32>, vector<16xi32>], vector<16xf32>,
      %gather3A_616 = tpu.vector_load_idx %arg13[%add3A_342, %broadcast_in_dim3A_613] : memref<512x32xf32, #tpu.memory_space<vmem>>[vector<16xi32>, vector<16xi32>], vector<16xf32>,
      %add3A_617 = arith.addf %gather3A_614, %gather3A_615 : vector<16xf32>
      %sub3A_618 = arith.subf %add3A_617, %gather3A_616 : vector<16xf32>
      %mul3A_619 = arith.mulf %sub3A_618, %sub3A_618 : vector<16xf32>
      %add3A_620 = arith.addf %add3A_611, %mul3A_619 : vector<16xf32>
      %broadcast_in_dim3A_621 = arith.constant 31 : i32
      %broadcast_in_dim3A_622 = vector.broadcast %broadcast_in_dim3A_621 : i32 to vector<16xi32>
      %gather3A_623 = tpu.vector_load_idx %arg11[%add3A_342, %broadcast_in_dim3A_622] : memref<512x32xf32, #tpu.memory_space<vmem>>[vector<16xi32>, vector<16xi32>], vector<16xf32>,
      %gather3A_624 = tpu.vector_load_idx %arg12[%add3A_342, %broadcast_in_dim3A_622] : memref<512x32xf32, #tpu.memory_space<vmem>>[vector<16xi32>, vector<16xi32>], vector<16xf32>,
      %gather3A_625 = tpu.vector_load_idx %arg13[%add3A_342, %broadcast_in_dim3A_622] : memref<512x32xf32, #tpu.memory_space<vmem>>[vector<16xi32>, vector<16xi32>], vector<16xf32>,
      %add3A_626 = arith.addf %gather3A_623, %gather3A_624 : vector<16xf32>
      %sub3A_627 = arith.subf %add3A_626, %gather3A_625 : vector<16xf32>
      %mul3A_628 = arith.mulf %sub3A_627, %sub3A_627 : vector<16xf32>
      %add3A_629 = arith.addf %add3A_620, %mul3A_628 : vector<16xf32>
      %bitcast3A = vector.bitcast %add3A_629 : vector<16xf32> to vector<16xi32>
      %shift_right_arithmetic3A = arith.constant 1 : i32
      %shift_right_arithmetic3A_630 = vector.broadcast %shift_right_arithmetic3A : i32 to vector<16xi32>
      %shift_right_arithmetic3A_631 = arith.shrsi %bitcast3A, %shift_right_arithmetic3A_630 : vector<16xi32>
      %sub3A_632 = arith.constant 1597463007 : i32
      %sub3A_633 = vector.broadcast %sub3A_632 : i32 to vector<16xi32>
      %sub3A_634 = arith.subi %sub3A_633, %shift_right_arithmetic3A_631 : vector<16xi32>
      %bitcast3A_635 = vector.bitcast %sub3A_634 : vector<16xi32> to vector<16xf32>
      %mul3A_636 = arith.constant 5.000000e-01 : f32
      %mul3A_637 = vector.broadcast %mul3A_636 : f32 to vector<16xf32>
      %mul3A_638 = arith.mulf %mul3A_637, %add3A_629 : vector<16xf32>
      %mul3A_639 = arith.mulf %mul3A_638, %bitcast3A_635 : vector<16xf32>
      %mul3A_640 = arith.mulf %mul3A_639, %bitcast3A_635 : vector<16xf32>
      %sub3A_641 = arith.constant 1.500000e+00 : f32
      %sub3A_642 = vector.broadcast %sub3A_641 : f32 to vector<16xf32>
      %sub3A_643 = arith.subf %sub3A_642, %mul3A_640 : vector<16xf32>
      %mul3A_644 = arith.mulf %bitcast3A_635, %sub3A_643 : vector<16xf32>
      %mul3A_645 = arith.constant 5.000000e-01 : f32
      %mul3A_646 = vector.broadcast %mul3A_645 : f32 to vector<16xf32>
      %mul3A_647 = arith.mulf %mul3A_646, %add3A_629 : vector<16xf32>
      %mul3A_648 = arith.mulf %mul3A_647, %mul3A_644 : vector<16xf32>
      %mul3A_649 = arith.mulf %mul3A_648, %mul3A_644 : vector<16xf32>
      %sub3A_650 = arith.constant 1.500000e+00 : f32
      %sub3A_651 = vector.broadcast %sub3A_650 : f32 to vector<16xf32>
      %sub3A_652 = arith.subf %sub3A_651, %mul3A_649 : vector<16xf32>
      %mul3A_653 = arith.mulf %mul3A_644, %sub3A_652 : vector<16xf32>
      %mul3A_654 = arith.constant 5.000000e-01 : f32
      %mul3A_655 = vector.broadcast %mul3A_654 : f32 to vector<16xf32>
      %mul3A_656 = arith.mulf %mul3A_655, %add3A_629 : vector<16xf32>
      %mul3A_657 = arith.mulf %mul3A_656, %mul3A_653 : vector<16xf32>
      %mul3A_658 = arith.mulf %mul3A_657, %mul3A_653 : vector<16xf32>
      %sub3A_659 = arith.constant 1.500000e+00 : f32
      %sub3A_660 = vector.broadcast %sub3A_659 : f32 to vector<16xf32>
      %sub3A_661 = arith.subf %sub3A_660, %mul3A_658 : vector<16xf32>
      %mul3A_662 = arith.mulf %mul3A_653, %sub3A_661 : vector<16xf32>
      %mul3A_663 = arith.mulf %add3A_629, %mul3A_662 : vector<16xf32>
      %mul3A_664 = arith.constant 16 : i32
      %mul3A_665 = arith.muli %scan3A_338, %mul3A_664 : i32
      %swap3A = arith.index_cast %mul3A_665 : i32 to index
      %swap3A_666 = tpu.vector_load %arg14[%swap3A] {strides = array<i32>} : memref<512xf32, #tpu.memory_space<vmem>>, vector<16xf32>,
      tpu.vector_store %arg14[%swap3A], %mul3A_663 {strides = array<i32>} : memref<512xf32, #tpu.memory_space<vmem>>, vector<16xf32>,
    }
    %scan3A_337 = arith.constant 8 : i32
    "tpu.region"() ({
      %run_scoped3A = tpu.sem_alloc : memref<!tpu.dma_semaphore, #tpu.memory_space<semaphore_mem>>
      %dma_start3A_338 = tpu.memref_slice %arg7[%mul3A_4] : memref<16384xf32, #tpu.memory_space<hbm>> -> memref<512xf32, #tpu.memory_space<hbm>>
      %dma_start3A_339 = tpu.memref_slice %arg7[%mul3A_4] : memref<16384xf32, #tpu.memory_space<hbm>> -> memref<512xf32, #tpu.memory_space<hbm>>
      tpu.enqueue_dma source(%arg14 : memref<512xf32, #tpu.memory_space<vmem>>) target(%dma_start3A_339 : memref<512xf32, #tpu.memory_space<hbm>>) target_semaphore(%run_scoped3A : memref<!tpu.dma_semaphore, #tpu.memory_space<semaphore_mem>>)
      %dma_wait3A_340 = tpu.memref_slice %arg7[%mul3A_4] : memref<16384xf32, #tpu.memory_space<hbm>> -> memref<512xf32, #tpu.memory_space<hbm>>
      %dma_wait3A_341 = tpu.memref_slice %arg7[%mul3A_4] : memref<16384xf32, #tpu.memory_space<hbm>> -> memref<512xf32, #tpu.memory_space<hbm>>
      tpu.wait_dma2 semaphore(%run_scoped3A : memref<!tpu.dma_semaphore, #tpu.memory_space<semaphore_mem>>) src(%arg14 : memref<512xf32, #tpu.memory_space<vmem>>) dst(%dma_wait3A_341 : memref<512xf32, #tpu.memory_space<hbm>>)
      tpu.yield
    }) : () -> ()
    return
  }
}

</mosaic_0001>

<sc_bundles>
// kernel: kernel.3.cloned.1.call-start
scs
__scs_entry_jumppad:
0x0: {  	(pc) =	sbr.rel $0x88, $3  }
0x1: {  	(tag) =	ssettag $0x0;
	lr =	simm.s32 $0x1  }
0x2: {  	[smem:$0x3F9C] =	sst lr;
	_ =	strace $0xD0000000  }
0x3: {  	_ = 	snop  }
0x4: {  	_ = 	snop  }
0x5: {  	_ = 	snop  }
0x6: {  	_ = 	snop  }
0x7: {  	_ = 	snop  }
__scs_overlays_trampoline_lowered:
0x8: {  	[smem:$0x3FAB] =	sst s0  }
0x9: {  	[smem:$0x3FAC] =	sst s1  }
0xa: {  	[smem:$0x3FAD] =	sst s2  }
0xb: {  	[smem:$0x3FAE] =	sst s3  }
0xc: {  	[smem:$0x3FAF] =	sst s4  }
0xd: {  	[smem:$0x3FB0] =	sst s5  }
0xe: {  	[smem:$0x3FB1] =	sst s6  }
0xf: {  	[smem:$0x3FB2] =	sst s7  }
0x10: {  	[smem:$0x3FB3] =	sst s8  }
0x11: {  	[smem:$0x3FB4] =	sst s9;
	s0 =	simm.s32 @!p0 $0x0  }
0x12: {  	s1 =	sld [smem:$0x3F9A];
	s0 =	simm.s32 @p0 $0x1  }
0x13: {  	[smem:$0x3FB5] =	sst s0;
	s0 =	simm.s32 @!p1 $0x0  }
0x14: {  	s2 =	sld [smem:$0x3F99];
	s0 =	simm.s32 @p1 $0x1  }
0x15: {  	[smem:$0x3FB6] =	sst s0;
	s0 =	simm.s32 @!p2 $0x0  }
0x16: {  	s3 =	sld [smem:$0x3FDB];
	s0 =	simm.s32 @p2 $0x1  }
0x17: {  	s4 =	simm.s32 $0x1BF5;
	[smem:$0x3FB8] =	sst s0  }
0x18: {  	s0 =	sld [smem:$0x3F9B];
	_ =	swait.ge [sflag:s4], $0x0  }
0x19: {  	s7 =	sld [smem:$0x3F9C]  }
0x1a: {  	s8 =	sadd.s32 $0xFFFFE003, lr  }
0x1b: {  	s9 =	sadd.s32 $0xFFFFFEF7, lr;
	s5 =	simm.s32 $0xFFFFFFFF;
	p2 =	slt.u32 s8, $0xFFFFF086  }
0x1c: {  	p1 =	slt.u32 s9, $0xF7A;
	s5 =	simm.s32 @!p2 $0x0  }
0x1d: {  	s5 =	simm.s32 @p1 $0x1;
	p0 =	seq.s32 s7, s2  }
0x1e: {  	s7 =	smul.u32 @!p0 $0xF7A, s2;
	p2 =	seq.s32 @!p0 s5, $0x0  }
0x1f: {  	s9 =	smul.u32 $0xF7A, s1;
	s8 =	simm.s32 @!p0 $0x1BF5;
	p2 =	por !p2, p0  }
0x20: {  	[sflag:s8] =	ssyncset.s32 @!p0 $0xFFFFF086;
	s6 =	sadd.s32 @!p0 s3, s7;
	s7 =	simm.s32 @!p0 $0x108  }
0x21: {  	s3 =	sadd.s32 s3, s9;
	s6 =	sadd.s32 @!p0 $0x88, s6;
	s7 =	simm.s32 @p2 $0x1082  }
0x22: {  	[simem:s7], [sflag:s8] =	dma.local @!p0 [hbm:s6], $0xF7A  }
0x23: {  	s9 =	sor.u32 $0xD0000000, s2;
	s6 =	simm.s32 $0x108;
	_ =	swait.ge @!p0 [sflag:s8], $0x0  }
0x24: {  	s3 =	sadd.s32 $0x88, s3;
	s6 =	simm.s32 @!p1 $0x1082;
	[sflag:s4] =	ssyncset.s32 $0xFFFFF086  }
0x25: {  	[simem:s6], [sflag:s4] =	dma.local [hbm:s3], $0xF7A  }
0x26: {  	[smem:$0x3F9C] =	sst s1;
	(tag) =	ssettag s2;
	_ =	strace s9  }
0x27: {  	s1 =	sld [smem:$0x3FAC]  }
0x28: {  	s2 =	sld [smem:$0x3FAD]  }
0x29: {  	s4 =	sld [smem:$0x3FAF]  }
0x2a: {  	p0 =	seq.s32 s5, $0x0;
	s5 =	sld [smem:$0x3FB0]  }
0x2b: {  	s6 =	sld [smem:$0x3FB1]  }
0x2c: {  	s7 =	sld [smem:$0x3FB2]  }
0x2d: {  	s3 =	simm.s32 $0x108;
	s8 =	sld [smem:$0x3FB3]  }
0x2e: {  	s3 =	simm.s32 @!p0 $0x1082;
	s9 =	sld [smem:$0x3FB4]  }
0x2f: {  	lr =	sadd.s32 s0, s3;
	s0 =	sld [smem:$0x3FAB]  }
0x30: {  	s3 =	sld [smem:$0x3FAE]  }
0x31: {  	[smem:$0x3FB7] =	sst s10  }
0x32: {  	s10 =	sld [smem:$0x3FB5];
	_ =	sdelay $0x3  }
0x33: {  	p0 =	seq.s32 s10, $0x1;
	s10 =	sld [smem:$0x3FB7];
	_ =	sdelay $0x3  }
0x34: {  	[smem:$0x3FB7] =	sst s10  }
0x35: {  	s10 =	sld [smem:$0x3FB6];
	_ =	sdelay $0x3  }
0x36: {  	p1 =	seq.s32 s10, $0x1;
	s10 =	sld [smem:$0x3FB7];
	_ =	sdelay $0x3  }
0x37: {  	[smem:$0x3FB7] =	sst s10  }
0x38: {  	s10 =	sld [smem:$0x3FB8]  }
0x39: {  	_ = 	snop;
	(pc) =	sbr.ind lr, $3  }
0x3a: {  	_ = 	snop  }
0x3b: {  	_ = 	snop  }
0x3c: {  	p2 =	seq.s32 s10, $0x1;
	s10 =	sld [smem:$0x3FB7]  }
0x3d: {  	_ =	shalt  }
0x3e: {  	_ =	shalt  }
0x3f: {  	_ =	shalt  }
0x40: {  	_ =	shalt  }
0x41: {  	_ =	shalt  }
0x42: {  	_ =	shalt  }
0x43: {  	_ =	shalt  }
0x44: {  	_ =	shalt  }
0x45: {  	_ =	shalt  }
0x46: {  	_ =	shalt  }
0x47: {  	_ =	shalt  }
0x48: {  	_ =	shalt  }
0x49: {  	_ =	shalt  }
0x4a: {  	_ =	shalt  }
0x4b: {  	_ =	shalt  }
0x4c: {  	_ =	shalt  }
0x4d: {  	_ =	shalt  }
0x4e: {  	_ =	shalt  }
0x4f: {  	_ =	shalt  }
0x50: {  	_ =	shalt  }
0x51: {  	_ =	shalt  }
0x52: {  	_ =	shalt  }
0x53: {  	_ =	shalt  }
0x54: {  	_ =	shalt  }
0x55: {  	_ =	shalt  }
0x56: {  	_ =	shalt  }
0x57: {  	_ =	shalt  }
0x58: {  	_ =	shalt  }
0x59: {  	_ =	shalt  }
0x5a: {  	_ =	shalt  }
0x5b: {  	_ =	shalt  }
0x5c: {  	_ =	shalt  }
0x5d: {  	_ =	shalt  }
0x5e: {  	_ =	shalt  }
0x5f: {  	_ =	shalt  }
0x60: {  	_ =	shalt  }
0x61: {  	_ =	shalt  }
0x62: {  	_ =	shalt  }
0x63: {  	_ =	shalt  }
0x64: {  	_ =	shalt  }
0x65: {  	_ =	shalt  }
0x66: {  	_ =	shalt  }
0x67: {  	_ =	shalt  }
0x68: {  	_ =	shalt  }
0x69: {  	_ =	shalt  }
0x6a: {  	_ =	shalt  }
0x6b: {  	_ =	shalt  }
0x6c: {  	_ =	shalt  }
0x6d: {  	_ =	shalt  }
0x6e: {  	_ =	shalt  }
0x6f: {  	_ =	shalt  }
0x70: {  	_ =	shalt  }
0x71: {  	_ =	shalt  }
0x72: {  	_ =	shalt  }
0x73: {  	_ =	shalt  }
0x74: {  	_ =	shalt  }
0x75: {  	_ =	shalt  }
0x76: {  	_ =	shalt  }
0x77: {  	_ =	shalt  }
0x78: {  	_ =	shalt  }
0x79: {  	_ =	shalt  }
0x7a: {  	_ =	shalt  }
0x7b: {  	_ =	shalt  }
0x7c: {  	_ =	shalt  }
0x7d: {  	_ =	shalt  }
0x7e: {  	_ =	shalt  }
0x7f: {  	_ =	shalt  }
0x80: {  	_ =	shalt  }
0x81: {  	_ =	shalt  }
0x82: {  	_ =	shalt  }
0x83: {  	_ =	shalt  }
0x84: {  	_ =	shalt  }
0x85: {  	_ =	shalt  }
0x86: {  	_ =	shalt  }
0x87: {  	_ =	shalt  }
.Lfunc_end0:
.L_simem_size_0:
called_computation_lowered:
.L_overlay_start_0:
0x88: {  	s2 =	sld [smem:$0x3FD9]  }
0x89: {  	s3 =	sld [smem:$0x3FFE];
	_ =	sdelay $0x1  }
0x8a: {  	s1 =	srdreg.scid  }
0x8b: {  	s0 =	sand.u32 $0x1, s1  }
0x8c: {  	s17 =	sshll.u32 s0, $0xA;
	s2 =	sadd.s32 s3, s2  }
0x8d: {  	s2 =	sadd.s32 s2, s17  }
0x8e: {  	[smem:$0x3FC3] =	sst s2  }
0x8f: {  	_ = 	snop  }
0x90: {  	s2 =	sld [smem:$0x3FC9]  }
0x91: {  	s18 =	sld [smem:$0x3FC8]  }
0x92: {  	s4 =	sld [smem:$0x3FC7]  }
0x93: {  	s5 =	sld [smem:$0x3FD0];
	(tm) =	ssettm $0x1  }
0x94: {  	s6 =	sld [smem:$0x3FFB];
	_ =	sdelay $0x3  }
0x95: {  	_ =	strace s6  }
0x96: {  	s6 =	sld [smem:$0x3FFC];
	_ =	sdelay $0x3  }
0x97: {  	_ =	strace s6  }
0x98: {  	s6 =	sld [smem:$0x3FFD];
	_ =	sdelay $0x3  }
0x99: {  	_ =	strace s6  }
0x9a: {  	_ =	strace $0x8FFFFFFF  }
0x9b: {  	s19 =	sld [smem:$0x3FDB];
	_ =	sdelay $0x1  }
0x9c: {  	s7 =	simm.s32 $_scs_section_size  }
0x9d: {  	s8 =	simm.s32 $_size__tile_overlayer_lowered;
	s9 =	simm.s32 $_tile_overlayer_lowered  }
0x9e: {  	s22 =	simm.s32 $0x1BFF;
	s21 =	sshll.u32 s9, $0x1;
	s6 =	sadd.s32 s7, s19  }
0x9f: {  	s10 =	simm.s32 $0x0;
	s20 =	sshll.u32 s8, $0x1;
	s8 =	sadd.s32 s21, s6  }
0xa0: {  	[timem:s10], [sflag:s22] =	dma.local [hbm:s8], s20  }
0xa1: {  	_ =	swait.ge [sflag:s22], s20  }
0xa2: {  	s7 =	ssub.s32 $0x0, s20;
	[sflag:s22] =	ssyncset.done $0x0  }
0xa3: {  	[sflag:s22] =	ssyncadd.s32 s7;
	_ =	sdelay $0x1  }
0xa4: {  	s23 =	simm.s32 $0x1B8B  }
0xa5: {  	_ =	swait.ge [sflag:s23], $0x1  }
0xa6: {  	[sflag:s23] =	ssyncset.done $0x0  }
0xa7: {  	s25 =	simm.s32 $0x1B8E;
	s24 =	sld [smem:$0x3FFE];
	[sflag:s23] =	ssyncadd.s32 $0xFFFFFFFF  }
0xa8: {  	s26 =	simm.s32 $execute0_lowered;
	[smem:$0x3FD2] =	sst s25  }
0xa9: {  	s8 =	sshll.u32 s26, $0x1;
	_ =	strace $0x80000046;
	[dreg:$0x1] =	wrdreg $0xFFFFFFFF  }
0xaa: {  	s28 =	simm.s32 $_size_execute0_lowered;
	s6 =	sadd.s32 s6, s8;
	[dreg:$0x0] =	wrdreg $0x0  }
0xab: {  	s8 =	sshll.u32 s28, $0x1;
	[dreg:$0x2] =	wrdreg s6  }
0xac: {  	[dreg:$0x3] =	wrdreg s8  }
0xad: {  	[dreg:$0x4] =	wrdreg $0xC0  }
0xae: {  	_ =	task [dreg:s10], $0x5FFFF  }
0xaf: {  	[dreg:$0x1] =	wrdreg $0xFFFFFFFF  }
0xb0: {  	[dreg:$0x0] =	wrdreg $0x60  }
0xb1: {  	[dreg:$0x2] =	wrdreg s2  }
0xb2: {  	[dreg:$0x3] =	wrdreg s18  }
0xb3: {  	[dreg:$0x4] =	wrdreg s4  }
0xb4: {  	[dreg:$0x5] =	wrdreg s24  }
0xb5: {  	[dreg:$0x6] =	wrdreg s5  }
0xb6: {  	[dreg:$0x7] =	wrdreg $0x9  }
0xb7: {  	_ =	task.clear_ibuf [dreg:s10], $0x8FFFF;
	_ =	strace $0x90000046  }
0xb8: {  	s29 =	simm.s32 $0x9;
	_ =	strace $0x80000048  }
0xb9: {  	_ =	swait.ge [sflag:s29], $0x1  }
0xba: {  	[sflag:s29] =	ssyncadd.s32 $0xFFFFFFFF  }
0xbb: {  	_ =	strace $0x90000048  }
0xbc: {  	_ =	sfence  }
0xbd: {  	s30 =	sld [smem:$0x0];
	_ =	sdelay $0x2  }
0xbe: {  	s31 =	sshll.u32 s1, $0xD;
	s1 =	sshrl.u32 s1, $0x2  }
0xbf: {  	s3 =	sand.u32 $0x4000, s31;
	s1 =	sadd.s32 s1, s30  }
0xc0: {  	s0 =	sor.u32 s3, s0;
	s1 =	sshll.u32 s1, $0x11  }
0xc1: {  	s0 =	sor.u32 s1, s0  }
0xc2: {  	s0 =	sadd.s32 $0x8F2B, s0  }
0xc3: {  	[sflag:s0] =	ssyncadd.remote.s32 $0x1  }
0xc4: {  	_ =	sfence.sel $0xFFFF  }
0xc5: {  	[dreg:$0x0] =	wrdreg $0xFFFFFFFF;
	(pc) =	sbr.abs _section_cstart, $3  }
0xc6: {  	[dreg:$0x1] =	wrdreg $0xFFFFFFFF  }
0xc7: {  	_ =	task.clear_ibuf [dreg:s10], $0x2FFFF;
	_ =	strace $0x9FFFFFFF  }
0xc8: {  	(tm) =	ssettm $0x7FFFFFFF  }
0xc9: {  	_ =	shalt  }
tec
execute0_lowered:
.L_overlay_start_1:
0x0: {  	(tag) =	ssettag $0x1  }
0x1: {  	s0 =	rddreg [dreg:$0x0]  }
0x2: {  	s1 =	rddreg [dreg:$0x1]  }
0x3: {  	s7 =	rddreg [dreg:$0x2]  }
0x4: {  	s4 =	rddreg [dreg:$0x3]  }
0x5: {  	s8 =	rddreg [dreg:$0x4];
	s2 =	simm.s32 $0x0  }
0x6: {  	s3 =	srdreg.scid;
	s6 =	stileid.u32;
	s11 =	simm.s32 $0x200  }
0x7: {  	s12 =	simm.s32 $0x400;
	s13 =	simm.s32 $0x80;
	s14 =	simm.s32 $0x600  }
0x8: {  	s15 =	simm.s32 $0x4600;
	s16 =	simm.s32 $0x8600;
	s18 =	simm.s32 $0x1  }
0x9: {  	s19 =	simm.s32 $0x5;
	s20 =	simm.s32 $0x9;
	s21 =	simm.s32 $0x2  }
0xa: {  	s22 =	simm.s32 $0x6;
	s23 =	simm.s32 $0xA;
	s24 =	simm.s32 $0x3  }
0xb: {  	s25 =	simm.s32 $0x7;
	s26 =	simm.s32 $0xB;
	s28 =	simm.s32 $0x4  }
0xc: {  	s29 =	simm.s32 $0x8;
	s30 =	simm.s32 $0xC;
	s31 =	simm.s32 $0xC600  }
0xd: {  	[smem:$0x7FF] =	sst s2;
	s3 =	sand.u32 $0x1, s3;
	s6 =	sshll.u32 s6, $0x7  }
0xe: {  	_ =	strace $0x80000047;
	s5 =	ssub.s32 $0x2, s3;
	s9 =	sshll.u32 s3, $0x6  }
0xf: {  	v0 =	vlaneseq.u32;
	s3 =	sadd.s32 $0xF42A00, s4;
	s10 =	sshrl.u32 s5, $0x1;
	s9 =	sor.u32 s9, s6  }
0x10: {  	v0 =	vmul.u32 $0x20, v0;
	s4 =	sadd.s32 $0x600, s4;
	s10 =	ssub.s32 s5, s10;
	s5 =	sadd.s32 s0, s9  }
0x11: {  	s6 =	sadd.s32 s1, s9;
	s7 =	sadd.s32 s7, s9;
	s8 =	sadd.s32 s8, s9  }
0x12: {  	[tilespmem:$0x1FFF0] =	vst v0;
	s0 =	simm.s32 $0x0;
	s9 =	smax.u32 s10, $0x1;
	s10 =	simm.s32 $0xD  }
.LBB2_1:
0x13: {  	[tilespmem:s2], [sflag:$0xD] =	stream.linear.gather [hbm4b:s5+s2], $0x200, $0x38;
	[tilespmem:$0xC800] =	vst v63  }
0x14: {  	_ =	swait.ge [sflag:s10], $0x200  }
0x15: {  	[sflag:s10] =	ssyncset.done $0x0  }
0x16: {  	[sflag:s10] =	ssyncadd.s32 $0xFFFFFE00  }
0x17: {  	[tilespmem:s11], [sflag:$0xD] =	stream.linear.gather [hbm4b:s6+s2], $0x200, $0x38;
	[tilespmem:$0xC800] =	vst v63  }
0x18: {  	_ =	swait.ge [sflag:s10], $0x200  }
0x19: {  	[sflag:s10] =	ssyncset.done $0x0  }
0x1a: {  	[sflag:s10] =	ssyncadd.s32 $0xFFFFFE00  }
0x1b: {  	[tilespmem:s12], [sflag:$0xD] =	stream.linear.gather [hbm4b:s7+s2], $0x200, $0x38;
	[tilespmem:$0xC800] =	vst v63  }
0x1c: {  	_ =	swait.ge [sflag:s10], $0x200  }
0x1d: {  	[sflag:s10] =	ssyncset.done $0x0  }
0x1e: {  	[sflag:s10] =	ssyncadd.s32 $0xFFFFFE00  }
0x1f: {  	[tilespmem:s14], [sflag:$0x1] =	stream.indirect.gather [hbm4b:s3+s13], $0x20, s2, s13, $0xb8;
	[tilespmem:$0xC800] =	vst v63  }
0x20: {  	_ = 	snop  }
0x21: {  	[tilespmem:s15], [sflag:$0x5] =	stream.indirect.gather [hbm4b:s4+s13], $0x20, s11, s13, $0xb8;
	[tilespmem:$0xC800] =	vst v63  }
0x22: {  	_ = 	snop  }
0x23: {  	[tilespmem:s16], [sflag:$0x9] =	stream.indirect.gather [hbm4b:s3+s13], $0x20, s12, s13, $0xb8;
	[tilespmem:$0xC800] =	vst v63  }
0x24: {  	s1 =	simm.s32 $0x1600  }
0x25: {  	[tilespmem:s1], [sflag:$0x2] =	stream.indirect.gather [hbm4b:s3+s13], $0x20, s13, s13, $0xb8;
	[tilespmem:$0xC800] =	vst v63  }
0x26: {  	s17 =	simm.s32 $0x5600;
	s1 =	simm.s32 $0x280  }
0x27: {  	[tilespmem:s17], [sflag:$0x6] =	stream.indirect.gather [hbm4b:s4+s13], $0x20, s1, s13, $0xb8;
	[tilespmem:$0xC800] =	vst v63  }
0x28: {  	s1 =	simm.s32 $0x480;
	s17 =	simm.s32 $0x9600  }
0x29: {  	[tilespmem:s17], [sflag:$0xA] =	stream.indirect.gather [hbm4b:s3+s13], $0x20, s1, s13, $0xb8;
	[tilespmem:$0xC800] =	vst v63  }
0x2a: {  	s1 =	simm.s32 $0x100;
	s17 =	simm.s32 $0x2600  }
0x2b: {  	[tilespmem:s17], [sflag:$0x3] =	stream.indirect.gather [hbm4b:s3+s13], $0x20, s1, s13, $0xb8;
	[tilespmem:$0xC800] =	vst v63  }
0x2c: {  	s1 =	simm.s32 $0x300;
	s17 =	simm.s32 $0x6600  }
0x2d: {  	[tilespmem:s17], [sflag:$0x7] =	stream.indirect.gather [hbm4b:s4+s13], $0x20, s1, s13, $0xb8;
	[tilespmem:$0xC800] =	vst v63  }
0x2e: {  	s1 =	simm.s32 $0x500;
	s17 =	simm.s32 $0xA600  }
0x2f: {  	[tilespmem:s17], [sflag:$0xB] =	stream.indirect.gather [hbm4b:s3+s13], $0x20, s1, s13, $0xb8;
	[tilespmem:$0xC800] =	vst v63  }
0x30: {  	s1 =	simm.s32 $0x180;
	s17 =	simm.s32 $0x3600  }
0x31: {  	[tilespmem:s17], [sflag:$0x4] =	stream.indirect.gather [hbm4b:s3+s13], $0x20, s1, s13, $0xb8;
	[tilespmem:$0xC800] =	vst v63  }
0x32: {  	s1 =	simm.s32 $0x380;
	s17 =	simm.s32 $0x7600  }
0x33: {  	[tilespmem:s17], [sflag:$0x8] =	stream.indirect.gather [hbm4b:s4+s13], $0x20, s1, s13, $0xb8;
	[tilespmem:$0xC800] =	vst v63  }
0x34: {  	s1 =	simm.s32 $0x580;
	s17 =	simm.s32 $0xB600  }
0x35: {  	[tilespmem:s17], [sflag:$0xC] =	stream.indirect.gather [hbm4b:s3+s13], $0x20, s1, s13, $0xb8;
	[tilespmem:$0xC800] =	vst v63  }
0x36: {  	_ =	swait.ge [sflag:s18], $0x1000  }
0x37: {  	v1 =	vmov s2;
	[sflag:s18] =	ssyncset.done $0x0  }
0x38: {  	v1 =	vshll.u32 v1, $0x5;
	[sflag:s18] =	ssyncadd.s32 $0xFFFFF000  }
0x39: {  	v31 =	vor.u32 v0, v1;
	_ =	swait.ge [sflag:s19], $0x1000  }
0x3a: {  	v8 =	vor.u32 $0x1F, v31;
	[sflag:s19] =	ssyncset.done $0x0  }
0x3b: {  	v11 =	vor.u32 $0x1A, v31;
	[sflag:s19] =	ssyncadd.s32 $0xFFFFF000  }
0x3c: {  	v13 =	vor.u32 $0x19, v31;
	_ =	swait.ge [sflag:s20], $0x1000  }
0x3d: {  	v15 =	vor.u32 $0x18, v31;
	[sflag:s20] =	ssyncset.done $0x0  }
0x3e: {  	v17 =	vor.u32 $0x17, v31;
	[sflag:s20] =	ssyncadd.s32 $0xFFFFF000  }
0x3f: {  	v19 =	vor.u32 $0x16, v31;
	v1 =	vld.idx.msk [tilespmem:v8+s15+$0x0], $0xffff  }
0x40: {  	v21 =	vor.u32 $0x15, v31;
	v12 =	vld.idx.msk [tilespmem:v11+s15+$0x0], $0xffff  }
0x41: {  	v23 =	vor.u32 $0x14, v31;
	v14 =	vld.idx.msk [tilespmem:v13+s15+$0x0], $0xffff  }
0x42: {  	v25 =	vor.u32 $0x13, v31;
	v16 =	vld.idx.msk [tilespmem:v15+s15+$0x0], $0xffff  }
0x43: {  	v27 =	vor.u32 $0x12, v31;
	v18 =	vld.idx.msk [tilespmem:v17+s15+$0x0], $0xffff  }
0x44: {  	v29 =	vor.u32 $0x11, v31;
	v20 =	vld.idx.msk [tilespmem:v19+s15+$0x0], $0xffff  }
0x45: {  	v32 =	vor.u32 $0x10, v31;
	v22 =	vld.idx.msk [tilespmem:v21+s15+$0x0], $0xffff  }
0x46: {  	v33 =	vor.u32 $0xF, v31;
	v24 =	vld.idx.msk [tilespmem:v23+s15+$0x0], $0xffff  }
0x47: {  	v34 =	vor.u32 $0xE, v31;
	v26 =	vld.idx.msk [tilespmem:v25+s15+$0x0], $0xffff  }
0x48: {  	v35 =	vor.u32 $0xD, v31;
	v28 =	vld.idx.msk [tilespmem:v27+s15+$0x0], $0xffff  }
0x49: {  	v36 =	vor.u32 $0xC, v31;
	v30 =	vld.idx.msk [tilespmem:v29+s15+$0x0], $0xffff  }
0x4a: {  	v37 =	vor.u32 $0xB, v31;
	v38 =	vld.idx.msk [tilespmem:v32+s15+$0x0], $0xffff  }
0x4b: {  	v39 =	vor.u32 $0xA, v31;
	v40 =	vld.idx.msk [tilespmem:v33+s15+$0x0], $0xffff  }
0x4c: {  	v41 =	vor.u32 $0x9, v31;
	v42 =	vld.idx.msk [tilespmem:v34+s15+$0x0], $0xffff  }
0x4d: {  	v43 =	vor.u32 $0x8, v31;
	v44 =	vld.idx.msk [tilespmem:v35+s15+$0x0], $0xffff  }
0x4e: {  	v46 =	vor.u32 $0x3, v31;
	v45 =	vld.idx.msk [tilespmem:v36+s15+$0x0], $0xffff  }
0x4f: {  	v48 =	vor.u32 $0x2, v31;
	v47 =	vld.idx.msk [tilespmem:v37+s15+$0x0], $0xffff  }
0x50: {  	v6 =	vor.u32 $0x1E, v31;
	v49 =	vld.idx.msk [tilespmem:v39+s15+$0x0], $0xffff  }
0x51: {  	v50 =	vld.idx.msk [tilespmem:v41+s15+$0x0], $0xffff  }
0x52: {  	v51 =	vor.u32 $0x1, v31;
	v52 =	vld.idx.msk [tilespmem:v43+s15+$0x0], $0xffff  }
0x53: {  	v53 =	vld.idx.msk [tilespmem:v46+s15+$0x0], $0xffff  }
0x54: {  	v54 =	vld.idx.msk [tilespmem:v48+s15+$0x0], $0xffff  }
0x55: {  	v5 =	vor.u32 $0x1D, v31;
	[tilespmem:$0x1FFA0] =	vst v1;
	v1 =	vld.idx.msk [tilespmem:v6+s15+$0x0], $0xffff  }
0x56: {  	v55 =	vld.idx.msk [tilespmem:v48+s14+$0x0], $0xffff  }
0x57: {  	v56 =	vld.idx.msk [tilespmem:v51+s15+$0x0], $0xffff  }
0x58: {  	v57 =	vld.idx.msk [tilespmem:v51+s14+$0x0], $0xffff  }
0x59: {  	v58 =	vld.idx.msk [tilespmem:v31+s15+$0x0], $0xffff  }
0x5a: {  	v7 =	vor.u32 $0x1C, v31;
	[tilespmem:$0x1FF90] =	vst v1;
	v1 =	vld.idx.msk [tilespmem:v5+s15+$0x0], $0xffff  }
0x5b: {  	v60 =	vor.u32 $0x7, v31;
	v59 =	vld.idx.msk [tilespmem:v31+s14+$0x0], $0xffff  }
0x5c: {  	v63 =	vor.u32 $0x4, v31;
	v51 =	vld.idx.msk [tilespmem:v51+s16+$0x0], $0xffff  }
0x5d: {  	v62 =	vld.idx.msk [tilespmem:v31+s16+$0x0], $0xffff  }
0x5e: {  	v9 =	vor.u32 $0x1B, v31;
	v61 =	vor.u32 $0x6, v31;
	v48 =	vld.idx.msk [tilespmem:v48+s16+$0x0], $0xffff;
	v31 =	vor.u32 $0x5, v31  }
0x5f: {  	[tilespmem:$0x1FF80] =	vst v1;
	v1 =	vld.idx.msk [tilespmem:v7+s15+$0x0], $0xffff  }
0x60: {  	v4 =	vld.idx.msk [tilespmem:v60+s15+$0x0], $0xffff  }
0x61: {  	v2 =	vld.idx.msk [tilespmem:v63+s15+$0x0], $0xffff  }
0x62: {  	v56 =	vadd.f32 v56, v57;
	v57 =	vld.idx.msk [tilespmem:v63+s14+$0x0], $0xffff  }
0x63: {  	v58 =	vadd.f32 v58, v59;
	v54 =	vadd.f32 v54, v55;
	v55 =	vld.idx.msk [tilespmem:v31+s15+$0x0], $0xffff  }
0x64: {  	[tilespmem:$0x1FF70] =	vst v1;
	v1 =	vld.idx.msk [tilespmem:v46+s14+$0x0], $0xffff  }
0x65: {  	v58 =	vsub.f32 v58, v62;
	v62 =	vld.idx.msk [tilespmem:v31+s14+$0x0], $0xffff  }
0x66: {  	v51 =	vsub.f32 v56, v51;
	v46 =	vld.idx.msk [tilespmem:v46+s16+$0x0], $0xffff  }
0x67: {  	v3 =	vld.idx.msk [tilespmem:v61+s15+$0x0], $0xffff  }
0x68: {  	v63 =	vld.idx.msk [tilespmem:v63+s16+$0x0], $0xffff;
	v58 =	vmul.f32 v58, v58;
	v51 =	vmul.f32 v51, v51  }
0x69: {  	v48 =	vsub.f32 v54, v48;
	v54 =	vld.idx.msk [tilespmem:v61+s14+$0x0], $0xffff;
	v1 =	vadd.f32 v53, v1  }
0x6a: {  	v31 =	vld.idx.msk [tilespmem:v31+s16+$0x0], $0xffff;
	v2 =	vadd.f32 v2, v57;
	v51 =	vadd.f32 v51, v58  }
0x6b: {  	v48 =	vmul.f32 v48, v48;
	v55 =	vadd.f32 v55, v62;
	v62 =	vld.idx.msk [tilespmem:v61+s16+$0x0], $0xffff;
	v1 =	vsub.f32 v1, v46  }
0x6c: {  	v46 =	vld.idx.msk [tilespmem:v60+s14+$0x0], $0xffff  }
0x6d: {  	v2 =	vsub.f32 v2, v63;
	v63 =	vld.idx.msk [tilespmem:v43+s14+$0x0], $0xffff;
	v48 =	vadd.f32 v48, v51;
	v1 =	vmul.f32 v1, v1  }
0x6e: {  	v57 =	vld.idx.msk [tilespmem:v60+s16+$0x0], $0xffff;
	v3 =	vadd.f32 v3, v54  }
0x6f: {  	v58 =	vld.idx.msk [tilespmem:v41+s14+$0x0], $0xffff;
	v2 =	vmul.f32 v2, v2;
	v31 =	vsub.f32 v55, v31;
	v1 =	vadd.f32 v1, v48  }
0x70: {  	v43 =	vld.idx.msk [tilespmem:v43+s16+$0x0], $0xffff;
	v3 =	vsub.f32 v3, v62  }
0x71: {  	v59 =	vld.idx.msk [tilespmem:v39+s14+$0x0], $0xffff;
	v4 =	vadd.f32 v4, v46;
	v1 =	vadd.f32 v2, v1;
	v2 =	vmul.f32 v31, v31  }
0x72: {  	v60 =	vadd.f32 v52, v63;
	v31 =	vld.idx.msk [tilespmem:v41+s16+$0x0], $0xffff  }
0x73: {  	v61 =	vld.idx.msk [tilespmem:v37+s14+$0x0], $0xffff;
	v1 =	vadd.f32 v2, v1;
	v2 =	vmul.f32 v3, v3;
	v3 =	vsub.f32 v4, v57  }
0x74: {  	v62 =	vadd.f32 v50, v58;
	v4 =	vld.idx.msk [tilespmem:v39+s16+$0x0], $0xffff  }
0x75: {  	v63 =	vld.idx.msk [tilespmem:v36+s14+$0x0], $0xffff;
	v1 =	vadd.f32 v2, v1;
	v2 =	vmul.f32 v3, v3;
	v3 =	vsub.f32 v60, v43  }
0x76: {  	v49 =	vadd.f32 v49, v59;
	v37 =	vld.idx.msk [tilespmem:v37+s16+$0x0], $0xffff  }
0x77: {  	v50 =	vld.idx.msk [tilespmem:v35+s14+$0x0], $0xffff;
	v1 =	vadd.f32 v2, v1;
	v2 =	vmul.f32 v3, v3;
	v3 =	vsub.f32 v62, v31  }
0x78: {  	v52 =	vadd.f32 v47, v61;
	v31 =	vld.idx.msk [tilespmem:v36+s16+$0x0], $0xffff  }
0x79: {  	v53 =	vld.idx.msk [tilespmem:v34+s14+$0x0], $0xffff;
	v1 =	vadd.f32 v2, v1;
	v2 =	vmul.f32 v3, v3;
	v3 =	vsub.f32 v49, v4  }
0x7a: {  	v54 =	vadd.f32 v45, v63;
	v4 =	vld.idx.msk [tilespmem:v35+s16+$0x0], $0xffff  }
0x7b: {  	v55 =	vld.idx.msk [tilespmem:v33+s14+$0x0], $0xffff;
	v1 =	vadd.f32 v2, v1;
	v2 =	vmul.f32 v3, v3;
	v3 =	vsub.f32 v52, v37  }
0x7c: {  	v56 =	vadd.f32 v44, v50;
	v34 =	vld.idx.msk [tilespmem:v34+s16+$0x0], $0xffff  }
0x7d: {  	v57 =	vld.idx.msk [tilespmem:v32+s14+$0x0], $0xffff;
	v1 =	vadd.f32 v2, v1;
	v2 =	vmul.f32 v3, v3;
	v3 =	vsub.f32 v54, v31  }
0x7e: {  	v58 =	vadd.f32 v42, v53;
	v31 =	vld.idx.msk [tilespmem:v33+s16+$0x0], $0xffff  }
0x7f: {  	v59 =	vld.idx.msk [tilespmem:v29+s14+$0x0], $0xffff;
	v1 =	vadd.f32 v2, v1;
	v2 =	vmul.f32 v3, v3;
	v3 =	vsub.f32 v56, v4  }
0x80: {  	v60 =	vadd.f32 v40, v55;
	v4 =	vld.idx.msk [tilespmem:v32+s16+$0x0], $0xffff  }
0x81: {  	v61 =	vld.idx.msk [tilespmem:v27+s14+$0x0], $0xffff;
	v1 =	vadd.f32 v2, v1;
	v2 =	vmul.f32 v3, v3;
	v3 =	vsub.f32 v58, v34  }
0x82: {  	v29 =	vld.idx.msk [tilespmem:v29+s16+$0x0], $0xffff;
	v62 =	vadd.f32 v38, v57  }
0x83: {  	v63 =	vld.idx.msk [tilespmem:v25+s14+$0x0], $0xffff;
	v1 =	vadd.f32 v2, v1;
	v2 =	vmul.f32 v3, v3;
	v3 =	vsub.f32 v60, v31  }
0x84: {  	v30 =	vadd.f32 v30, v59;
	v27 =	vld.idx.msk [tilespmem:v27+s16+$0x0], $0xffff  }
0x85: {  	v31 =	vld.idx.msk [tilespmem:v23+s14+$0x0], $0xffff;
	v1 =	vadd.f32 v2, v1;
	v2 =	vmul.f32 v3, v3;
	v3 =	vsub.f32 v62, v4  }
0x86: {  	v4 =	vld.idx.msk [tilespmem:v25+s16+$0x0], $0xffff;
	v25 =	vadd.f32 v28, v61  }
0x87: {  	v28 =	vld.idx.msk [tilespmem:v21+s14+$0x0], $0xffff;
	v1 =	vadd.f32 v2, v1;
	v2 =	vmul.f32 v3, v3;
	v3 =	vsub.f32 v30, v29  }
0x88: {  	v26 =	vadd.f32 v26, v63;
	v23 =	vld.idx.msk [tilespmem:v23+s16+$0x0], $0xffff  }
0x89: {  	v29 =	vld.idx.msk [tilespmem:v19+s14+$0x0], $0xffff;
	v1 =	vadd.f32 v2, v1;
	v2 =	vmul.f32 v3, v3;
	v3 =	vsub.f32 v25, v27  }
0x8a: {  	v21 =	vld.idx.msk [tilespmem:v21+s16+$0x0], $0xffff;
	v24 =	vadd.f32 v24, v31  }
0x8b: {  	v25 =	vld.idx.msk [tilespmem:v17+s14+$0x0], $0xffff;
	v1 =	vadd.f32 v2, v1;
	v2 =	vmul.f32 v3, v3;
	v3 =	vsub.f32 v26, v4  }
0x8c: {  	v4 =	vld.idx.msk [tilespmem:v19+s16+$0x0], $0xffff;
	v19 =	vadd.f32 v22, v28  }
0x8d: {  	v22 =	vld.idx.msk [tilespmem:v15+s14+$0x0], $0xffff;
	v1 =	vadd.f32 v2, v1;
	v2 =	vmul.f32 v3, v3;
	v3 =	vsub.f32 v24, v23  }
0x8e: {  	v17 =	vld.idx.msk [tilespmem:v17+s16+$0x0], $0xffff;
	v20 =	vadd.f32 v20, v29  }
0x8f: {  	v23 =	vld.idx.msk [tilespmem:v13+s14+$0x0], $0xffff;
	v1 =	vadd.f32 v2, v1;
	v2 =	vmul.f32 v3, v3;
	v3 =	vsub.f32 v19, v21  }
0x90: {  	v15 =	vld.idx.msk [tilespmem:v15+s16+$0x0], $0xffff;
	v18 =	vadd.f32 v18, v25  }
0x91: {  	v19 =	vld.idx.msk [tilespmem:v11+s14+$0x0], $0xffff;
	v1 =	vadd.f32 v2, v1;
	v2 =	vmul.f32 v3, v3;
	v3 =	vsub.f32 v20, v4  }
0x92: {  	v4 =	vld.idx.msk [tilespmem:v13+s16+$0x0], $0xffff;
	v13 =	vadd.f32 v16, v22  }
0x93: {  	v10 =	vld.idx.msk [tilespmem:v9+s15+$0x0], $0xffff;
	v1 =	vadd.f32 v2, v1;
	v2 =	vmul.f32 v3, v3;
	v3 =	vsub.f32 v18, v17  }
0x94: {  	v11 =	vld.idx.msk [tilespmem:v11+s16+$0x0], $0xffff;
	v14 =	vadd.f32 v14, v23  }
0x95: {  	v16 =	vld.idx.msk [tilespmem:v9+s14+$0x0], $0xffff;
	v1 =	vadd.f32 v2, v1;
	v2 =	vmul.f32 v3, v3;
	v3 =	vsub.f32 v13, v15  }
0x96: {  	v12 =	vadd.f32 v12, v19  }
0x97: {  	v9 =	vld.idx.msk [tilespmem:v9+s16+$0x0], $0xffff;
	v1 =	vadd.f32 v2, v1;
	v2 =	vmul.f32 v3, v3;
	v3 =	vsub.f32 v14, v4  }
0x98: {  	v17 =	vld.idx.msk [tilespmem:v7+s14+$0x0], $0xffff  }
0x99: {  	v1 =	vadd.f32 v2, v1;
	v2 =	vmul.f32 v3, v3;
	v3 =	vsub.f32 v12, v11;
	v11 =	vld [tilespmem:$0x1FF70]  }
0x9a: {  	v4 =	vld.idx.msk [tilespmem:v7+s16+$0x0], $0xffff;
	v7 =	vadd.f32 v10, v16  }
0x9b: {  	v13 =	vld.idx.msk [tilespmem:v5+s14+$0x0], $0xffff  }
0x9c: {  	v1 =	vadd.f32 v2, v1;
	v2 =	vmul.f32 v3, v3;
	v3 =	vsub.f32 v7, v9;
	v7 =	vld [tilespmem:$0x1FF80]  }
0x9d: {  	v5 =	vld.idx.msk [tilespmem:v5+s16+$0x0], $0xffff  }
0x9e: {  	v10 =	vld.idx.msk [tilespmem:v6+s14+$0x0], $0xffff;
	v11 =	vadd.f32 v11, v17  }
0x9f: {  	v12 =	vld.idx.msk [tilespmem:v8+s14+$0x0], $0xffff  }
0xa0: {  	v1 =	vadd.f32 v2, v1;
	v2 =	vmul.f32 v3, v3;
	v3 =	vsub.f32 v11, v4;
	v4 =	vld.idx.msk [tilespmem:v8+s16+$0x0], $0xffff  }
0xa1: {  	v7 =	vadd.f32 v7, v13;
	v8 =	vld [tilespmem:$0x1FF90]  }
0xa2: {  	v6 =	vld.idx.msk [tilespmem:v6+s16+$0x0], $0xffff  }
0xa3: {  	v1 =	vadd.f32 v2, v1;
	v2 =	vmul.f32 v3, v3;
	v3 =	vsub.f32 v7, v5;
	v5 =	vld [tilespmem:$0x1FFA0];
	_ =	sdelay $0x2  }
0xa4: {  	v8 =	vadd.f32 v8, v10  }
0xa5: {  	v1 =	vadd.f32 v2, v1  }
0xa6: {  	v2 =	vmul.f32 v3, v3;
	v5 =	vadd.f32 v5, v12;
	v3 =	vsub.f32 v8, v6;
	_ =	sdelay $0x1  }
0xa7: {  	v1 =	vadd.f32 v2, v1;
	v2 =	vmul.f32 v3, v3;
	v3 =	vsub.f32 v5, v4;
	_ =	sdelay $0x1  }
0xa8: {  	v1 =	vadd.f32 v2, v1;
	v2 =	vmul.f32 v3, v3;
	_ =	sdelay $0x1  }
0xa9: {  	v2 =	vadd.f32 v2, v1;
	_ =	sdelay $0x1  }
0xaa: {  	v1 =	vshra.s32 v2, $0x1;
	v3 =	vmul.f32 $5.000000000e-01, v2  }
0xab: {  	v1 =	vsub.s32 $0x5F3759DF, v1  }
0xac: {  	v4 =	vmul.f32 v1, v3;
	_ =	sdelay $0x1  }
0xad: {  	v4 =	vmul.f32 v1, v4;
	_ =	sdelay $0x1  }
0xae: {  	v4 =	vsub.f32 $1.500000000e+00, v4;
	_ =	sdelay $0x1  }
0xaf: {  	v1 =	vmul.f32 v1, v4;
	_ =	sdelay $0x1  }
0xb0: {  	v4 =	vmul.f32 v1, v3;
	_ =	sdelay $0x1  }
0xb1: {  	v4 =	vmul.f32 v4, v1;
	_ =	sdelay $0x1  }
0xb2: {  	v4 =	vsub.f32 $1.500000000e+00, v4;
	_ =	sdelay $0x1  }
0xb3: {  	v4 =	vmul.f32 v4, v1;
	_ =	sdelay $0x1  }
0xb4: {  	v1 =	vmul.f32 v4, v3;
	_ =	sdelay $0x1  }
0xb5: {  	s17 =	simm.s32 $0x10;
	v1 =	vmul.f32 v1, v4  }
0xb6: {  	v3 =	vmov s17  }
0xb7: {  	v3 =	vshll.u32 v3, $0x5;
	v5 =	vsub.f32 $1.500000000e+00, v1  }
0xb8: {  	v44 =	vor.u32 v0, v3  }
0xb9: {  	v1 =	vor.u32 $0x1F, v44;
	v4 =	vmul.f32 v5, v4  }
0xba: {  	v3 =	vor.u32 $0x1E, v44  }
0xbb: {  	v11 =	vor.u32 $0x1A, v44;
	v2 =	vmul.f32 v4, v2  }
0xbc: {  	v13 =	vor.u32 $0x19, v44  }
0xbd: {  	v15 =	vor.u32 $0x18, v44;
	[tilespmem:s31+$0x0] =	vst v2  }
0xbe: {  	v17 =	vor.u32 $0x17, v44;
	v63 =	vld.idx.msk [tilespmem:v1+s15+$0x0], $0xffff  }
0xbf: {  	v19 =	vor.u32 $0x16, v44;
	v0 =	vld.idx.msk [tilespmem:v3+s15+$0x0], $0xffff  }
0xc0: {  	v21 =	vor.u32 $0x15, v44;
	v12 =	vld.idx.msk [tilespmem:v11+s15+$0x0], $0xffff  }
0xc1: {  	v23 =	vor.u32 $0x14, v44;
	v14 =	vld.idx.msk [tilespmem:v13+s15+$0x0], $0xffff  }
0xc2: {  	v25 =	vor.u32 $0x13, v44;
	v16 =	vld.idx.msk [tilespmem:v15+s15+$0x0], $0xffff  }
0xc3: {  	v27 =	vor.u32 $0x12, v44;
	v18 =	vld.idx.msk [tilespmem:v17+s15+$0x0], $0xffff  }
0xc4: {  	v5 =	vor.u32 $0x1D, v44;
	v20 =	vld.idx.msk [tilespmem:v19+s15+$0x0], $0xffff  }
0xc5: {  	v29 =	vor.u32 $0x11, v44;
	v22 =	vld.idx.msk [tilespmem:v21+s15+$0x0], $0xffff  }
0xc6: {  	v31 =	vor.u32 $0x10, v44;
	v24 =	vld.idx.msk [tilespmem:v23+s15+$0x0], $0xffff  }
0xc7: {  	v33 =	vor.u32 $0xF, v44;
	v26 =	vld.idx.msk [tilespmem:v25+s15+$0x0], $0xffff  }
0xc8: {  	v35 =	vor.u32 $0xE, v44;
	v28 =	vld.idx.msk [tilespmem:v27+s15+$0x0], $0xffff  }
0xc9: {  	v7 =	vor.u32 $0x1C, v44;
	[tilespmem:$0x1FFB0] =	vst v0;
	v0 =	vld.idx.msk [tilespmem:v5+s15+$0x0], $0xffff  }
0xca: {  	v37 =	vor.u32 $0xD, v44;
	v30 =	vld.idx.msk [tilespmem:v29+s15+$0x0], $0xffff  }
0xcb: {  	v39 =	vor.u32 $0xC, v44;
	v32 =	vld.idx.msk [tilespmem:v31+s15+$0x0], $0xffff  }
0xcc: {  	v41 =	vor.u32 $0xB, v44;
	v34 =	vld.idx.msk [tilespmem:v33+s15+$0x0], $0xffff  }
0xcd: {  	v43 =	vor.u32 $0xA, v44;
	v36 =	vld.idx.msk [tilespmem:v35+s15+$0x0], $0xffff  }
0xce: {  	v9 =	vor.u32 $0x1B, v44;
	[tilespmem:$0x1FFC0] =	vst v0;
	v0 =	vld.idx.msk [tilespmem:v7+s15+$0x0], $0xffff  }
0xcf: {  	v46 =	vor.u32 $0x9, v44;
	v38 =	vld.idx.msk [tilespmem:v37+s15+$0x0], $0xffff  }
0xd0: {  	v48 =	vor.u32 $0x8, v44;
	v40 =	vld.idx.msk [tilespmem:v39+s15+$0x0], $0xffff  }
0xd1: {  	v50 =	vor.u32 $0x7, v44;
	v42 =	vld.idx.msk [tilespmem:v41+s15+$0x0], $0xffff  }
0xd2: {  	v52 =	vor.u32 $0x6, v44;
	v45 =	vld.idx.msk [tilespmem:v43+s15+$0x0], $0xffff  }
0xd3: {  	v54 =	vor.u32 $0x5, v44;
	[tilespmem:$0x1FFD0] =	vst v0;
	v0 =	vld.idx.msk [tilespmem:v9+s15+$0x0], $0xffff  }
0xd4: {  	v47 =	vld.idx.msk [tilespmem:v46+s15+$0x0], $0xffff  }
0xd5: {  	v49 =	vld.idx.msk [tilespmem:v48+s15+$0x0], $0xffff  }
0xd6: {  	v51 =	vld.idx.msk [tilespmem:v50+s15+$0x0], $0xffff  }
0xd7: {  	v56 =	vor.u32 $0x4, v44;
	v53 =	vld.idx.msk [tilespmem:v52+s15+$0x0], $0xffff  }
0xd8: {  	s1 =	simm.s32 $0xC600;
	s17 =	simm.s32 $0x20;
	v57 =	vor.u32 $0x3, v44;
	v58 =	vor.u32 $0x2, v44;
	v59 =	vor.u32 $0x1, v44;
	v55 =	vld.idx.msk [tilespmem:v54+s15+$0x0], $0xffff;
	[tilespmem:$0x1FFE0] =	vst v0  }
.LBB2_2:
0xd9: {  	_ =	sdelay $0x2  }
0xda: {  	v60 =	vld.idx.msk [tilespmem:v56+s15+$0x0], $0xffff  }
0xdb: {  	v61 =	vld.idx.msk [tilespmem:v57+s15+$0x0], $0xffff  }
0xdc: {  	v62 =	vld.idx.msk [tilespmem:v58+s15+$0x0], $0xffff  }
0xdd: {  	v0 =	vld.idx.msk [tilespmem:v59+s15+$0x0], $0xffff  }
0xde: {  	v2 =	vld.idx.msk [tilespmem:v59+s14+$0x0], $0xffff  }
0xdf: {  	v4 =	vld.idx.msk [tilespmem:v44+s15+$0x0], $0xffff  }
0xe0: {  	v6 =	vld.idx.msk [tilespmem:v44+s14+$0x0], $0xffff  }
0xe1: {  	v59 =	vld.idx.msk [tilespmem:v59+s16+$0x0], $0xffff  }
0xe2: {  	v44 =	vld.idx.msk [tilespmem:v44+s16+$0x0], $0xffff  }
0xe3: {  	[tilespmem:$0x1FF60] =	vst v63;
	v63 =	vld.idx.msk [tilespmem:v58+s14+$0x0], $0xffff  }
0xe4: {  	v8 =	vld.idx.msk [tilespmem:v57+s14+$0x0], $0xffff  }
0xe5: {  	v58 =	vld.idx.msk [tilespmem:v58+s16+$0x0], $0xffff;
	v4 =	vadd.f32 v4, v6  }
0xe6: {  	v10 =	vld.idx.msk [tilespmem:v56+s14+$0x0], $0xffff;
	v0 =	vadd.f32 v0, v2  }
0xe7: {  	v2 =	vld.idx.msk [tilespmem:v57+s16+$0x0], $0xffff;
	v4 =	vsub.f32 v4, v44  }
0xe8: {  	v0 =	vsub.f32 v0, v59;
	v6 =	vadd.f32 v62, v63;
	v63 =	vld.idx.msk [tilespmem:v54+s14+$0x0], $0xffff  }
0xe9: {  	v8 =	vadd.f32 v61, v8;
	v44 =	vld.idx.msk [tilespmem:v56+s16+$0x0], $0xffff  }
0xea: {  	v56 =	vld.idx.msk [tilespmem:v52+s14+$0x0], $0xffff;
	v4 =	vmul.f32 v4, v4;
	v0 =	vmul.f32 v0, v0;
	v6 =	vsub.f32 v6, v58  }
0xeb: {  	v61 =	vld.idx.msk [tilespmem:v54+s16+$0x0], $0xffff;
	v10 =	vadd.f32 v60, v10  }
0xec: {  	v62 =	vld.idx.msk [tilespmem:v50+s14+$0x0], $0xffff;
	v2 =	vsub.f32 v8, v2;
	v0 =	vadd.f32 v0, v4;
	v4 =	vmul.f32 v6, v6  }
0xed: {  	v6 =	vld.idx.msk [tilespmem:v52+s16+$0x0], $0xffff;
	v8 =	vadd.f32 v55, v63  }
0xee: {  	v2 =	vmul.f32 v2, v2;
	v63 =	vld.idx.msk [tilespmem:v48+s14+$0x0], $0xffff;
	v0 =	vadd.f32 v4, v0;
	v4 =	vsub.f32 v10, v44  }
0xef: {  	v57 =	vadd.f32 v53, v56;
	v10 =	vld.idx.msk [tilespmem:v50+s16+$0x0], $0xffff  }
0xf0: {  	v59 =	vld.idx.msk [tilespmem:v46+s14+$0x0], $0xffff;
	v0 =	vadd.f32 v2, v0;
	v2 =	vmul.f32 v4, v4;
	v4 =	vsub.f32 v8, v61  }
0xf1: {  	v60 =	vadd.f32 v51, v62;
	v8 =	vld.idx.msk [tilespmem:v48+s16+$0x0], $0xffff  }
0xf2: {  	v61 =	vld.idx.msk [tilespmem:v43+s14+$0x0], $0xffff;
	v0 =	vadd.f32 v2, v0;
	v2 =	vmul.f32 v4, v4;
	v4 =	vsub.f32 v57, v6  }
0xf3: {  	v6 =	vld.idx.msk [tilespmem:v46+s16+$0x0], $0xffff;
	v62 =	vadd.f32 v49, v63  }
0xf4: {  	v63 =	vld.idx.msk [tilespmem:v41+s14+$0x0], $0xffff;
	v0 =	vadd.f32 v2, v0;
	v2 =	vmul.f32 v4, v4;
	v4 =	vsub.f32 v60, v10  }
0xf5: {  	v49 =	vadd.f32 v47, v59;
	v10 =	vld.idx.msk [tilespmem:v43+s16+$0x0], $0xffff  }
0xf6: {  	v50 =	vld.idx.msk [tilespmem:v39+s14+$0x0], $0xffff;
	v0 =	vadd.f32 v2, v0;
	v2 =	vmul.f32 v4, v4;
	v4 =	vsub.f32 v62, v8  }
0xf7: {  	v52 =	vadd.f32 v45, v61;
	v8 =	vld.idx.msk [tilespmem:v41+s16+$0x0], $0xffff  }
0xf8: {  	v53 =	vld.idx.msk [tilespmem:v37+s14+$0x0], $0xffff;
	v0 =	vadd.f32 v2, v0;
	v2 =	vmul.f32 v4, v4;
	v4 =	vsub.f32 v49, v6  }
0xf9: {  	v54 =	vadd.f32 v42, v63;
	v6 =	vld.idx.msk [tilespmem:v39+s16+$0x0], $0xffff  }
0xfa: {  	v55 =	vld.idx.msk [tilespmem:v35+s14+$0x0], $0xffff;
	v0 =	vadd.f32 v2, v0;
	v2 =	vmul.f32 v4, v4;
	v4 =	vsub.f32 v52, v10  }
0xfb: {  	v56 =	vadd.f32 v40, v50;
	v10 =	vld.idx.msk [tilespmem:v37+s16+$0x0], $0xffff  }
0xfc: {  	v57 =	vld.idx.msk [tilespmem:v33+s14+$0x0], $0xffff;
	v0 =	vadd.f32 v2, v0;
	v2 =	vmul.f32 v4, v4;
	v4 =	vsub.f32 v54, v8  }
0xfd: {  	v58 =	vadd.f32 v38, v53;
	v8 =	vld.idx.msk [tilespmem:v35+s16+$0x0], $0xffff  }
0xfe: {  	v59 =	vld.idx.msk [tilespmem:v31+s14+$0x0], $0xffff;
	v0 =	vadd.f32 v2, v0;
	v2 =	vmul.f32 v4, v4;
	v4 =	vsub.f32 v56, v6  }
0xff: {  	v60 =	vadd.f32 v36, v55;
	v6 =	vld.idx.msk [tilespmem:v33+s16+$0x0], $0xffff  }
0x100: {  	v61 =	vld.idx.msk [tilespmem:v29+s14+$0x0], $0xffff;
	v0 =	vadd.f32 v2, v0;
	v2 =	vmul.f32 v4, v4;
	v4 =	vsub.f32 v58, v10  }
0x101: {  	v10 =	vld.idx.msk [tilespmem:v31+s16+$0x0], $0xffff;
	v31 =	vadd.f32 v34, v57  }
0x102: {  	v62 =	vld.idx.msk [tilespmem:v27+s14+$0x0], $0xffff;
	v0 =	vadd.f32 v2, v0;
	v2 =	vmul.f32 v4, v4;
	v4 =	vsub.f32 v60, v8  }
0x103: {  	v8 =	vld.idx.msk [tilespmem:v29+s16+$0x0], $0xffff;
	v29 =	vadd.f32 v32, v59  }
0x104: {  	v63 =	vld.idx.msk [tilespmem:v25+s14+$0x0], $0xffff;
	v0 =	vadd.f32 v2, v0;
	v2 =	vmul.f32 v4, v4;
	v4 =	vsub.f32 v31, v6  }
0x105: {  	v6 =	vld.idx.msk [tilespmem:v27+s16+$0x0], $0xffff;
	v27 =	vadd.f32 v30, v61  }
0x106: {  	v30 =	vld.idx.msk [tilespmem:v23+s14+$0x0], $0xffff;
	v0 =	vadd.f32 v2, v0;
	v2 =	vmul.f32 v4, v4;
	v4 =	vsub.f32 v29, v10  }
0x107: {  	v10 =	vld.idx.msk [tilespmem:v25+s16+$0x0], $0xffff;
	v25 =	vadd.f32 v28, v62  }
0x108: {  	v28 =	vld.idx.msk [tilespmem:v21+s14+$0x0], $0xffff;
	v0 =	vadd.f32 v2, v0;
	v2 =	vmul.f32 v4, v4;
	v4 =	vsub.f32 v27, v8  }
0x109: {  	v8 =	vld.idx.msk [tilespmem:v23+s16+$0x0], $0xffff;
	v23 =	vadd.f32 v26, v63  }
0x10a: {  	v26 =	vld.idx.msk [tilespmem:v19+s14+$0x0], $0xffff;
	v0 =	vadd.f32 v2, v0;
	v2 =	vmul.f32 v4, v4;
	v4 =	vsub.f32 v25, v6  }
0x10b: {  	v6 =	vld.idx.msk [tilespmem:v21+s16+$0x0], $0xffff;
	v21 =	vadd.f32 v24, v30  }
0x10c: {  	v24 =	vld.idx.msk [tilespmem:v17+s14+$0x0], $0xffff;
	v0 =	vadd.f32 v2, v0;
	v2 =	vmul.f32 v4, v4;
	v4 =	vsub.f32 v23, v10  }
0x10d: {  	v10 =	vld.idx.msk [tilespmem:v19+s16+$0x0], $0xffff;
	v19 =	vadd.f32 v22, v28  }
0x10e: {  	v22 =	vld.idx.msk [tilespmem:v15+s14+$0x0], $0xffff;
	v0 =	vadd.f32 v2, v0;
	v2 =	vmul.f32 v4, v4;
	v4 =	vsub.f32 v21, v8  }
0x10f: {  	v8 =	vld.idx.msk [tilespmem:v17+s16+$0x0], $0xffff;
	v17 =	vadd.f32 v20, v26  }
0x110: {  	v20 =	vld.idx.msk [tilespmem:v13+s14+$0x0], $0xffff;
	v0 =	vadd.f32 v2, v0;
	v2 =	vmul.f32 v4, v4;
	v4 =	vsub.f32 v19, v6  }
0x111: {  	v6 =	vld.idx.msk [tilespmem:v15+s16+$0x0], $0xffff;
	v15 =	vadd.f32 v18, v24  }
0x112: {  	v0 =	vadd.f32 v2, v0;
	v2 =	vmul.f32 v4, v4;
	v4 =	vsub.f32 v17, v10  }
0x113: {  	v10 =	vld.idx.msk [tilespmem:v13+s16+$0x0], $0xffff;
	v13 =	vadd.f32 v16, v22  }
0x114: {  	v18 =	vld.idx.msk [tilespmem:v11+s14+$0x0], $0xffff;
	v0 =	vadd.f32 v2, v0;
	v2 =	vmul.f32 v4, v4;
	v4 =	vsub.f32 v15, v8  }
0x115: {  	v8 =	vld.idx.msk [tilespmem:v11+s16+$0x0], $0xffff;
	v11 =	vadd.f32 v14, v20  }
0x116: {  	v0 =	vadd.f32 v2, v0;
	v2 =	vmul.f32 v4, v4;
	v4 =	vsub.f32 v13, v6  }
0x117: {  	v16 =	vld.idx.msk [tilespmem:v9+s14+$0x0], $0xffff  }
0x118: {  	v0 =	vadd.f32 v2, v0;
	v2 =	vmul.f32 v4, v4;
	v4 =	vsub.f32 v11, v10;
	v10 =	vld [tilespmem:$0x1FFE0];
	_ =	sdelay $0x1  }
0x119: {  	v6 =	vld.idx.msk [tilespmem:v9+s16+$0x0], $0xffff  }
0x11a: {  	v14 =	vld.idx.msk [tilespmem:v7+s14+$0x0], $0xffff;
	v9 =	vadd.f32 v12, v18  }
0x11b: {  	v7 =	vld.idx.msk [tilespmem:v7+s16+$0x0], $0xffff;
	v0 =	vadd.f32 v2, v0  }
0x11c: {  	v2 =	vmul.f32 v4, v4;
	v4 =	vsub.f32 v9, v8;
	v8 =	vld [tilespmem:$0x1FFD0];
	v10 =	vadd.f32 v10, v16  }
0x11d: {  	v12 =	vld.idx.msk [tilespmem:v5+s14+$0x0], $0xffff  }
0x11e: {  	v0 =	vadd.f32 v2, v0;
	v2 =	vmul.f32 v4, v4;
	v4 =	vsub.f32 v10, v6;
	v6 =	vld [tilespmem:$0x1FFC0];
	_ =	sdelay $0x1  }
0x11f: {  	v5 =	vld.idx.msk [tilespmem:v5+s16+$0x0], $0xffff  }
0x120: {  	v11 =	vld.idx.msk [tilespmem:v3+s14+$0x0], $0xffff;
	v8 =	vadd.f32 v8, v14  }
0x121: {  	v3 =	vld.idx.msk [tilespmem:v3+s16+$0x0], $0xffff;
	v0 =	vadd.f32 v2, v0  }
0x122: {  	v2 =	vmul.f32 v4, v4;
	v4 =	vsub.f32 v8, v7;
	v7 =	vld [tilespmem:$0x1FFB0];
	v6 =	vadd.f32 v6, v12  }
0x123: {  	v9 =	vld.idx.msk [tilespmem:v1+s14+$0x0], $0xffff  }
0x124: {  	v0 =	vadd.f32 v2, v0;
	v2 =	vmul.f32 v4, v4;
	v4 =	vsub.f32 v6, v5;
	v5 =	vld [tilespmem:$0x1FF60];
	_ =	sdelay $0x1  }
0x125: {  	v1 =	vld.idx.msk [tilespmem:v1+s16+$0x0], $0xffff  }
0x126: {  	v7 =	vadd.f32 v7, v11  }
0x127: {  	v0 =	vadd.f32 v2, v0  }
0x128: {  	v2 =	vmul.f32 v4, v4;
	v3 =	vsub.f32 v7, v3;
	v5 =	vadd.f32 v5, v9;
	_ =	sdelay $0x1  }
0x129: {  	v0 =	vadd.f32 v2, v0;
	v2 =	vmul.f32 v3, v3;
	v1 =	vsub.f32 v5, v1;
	_ =	sdelay $0x1  }
0x12a: {  	v0 =	vadd.f32 v2, v0;
	v1 =	vmul.f32 v1, v1;
	_ =	sdelay $0x1  }
0x12b: {  	v0 =	vadd.f32 v1, v0;
	_ =	sdelay $0x1  }
0x12c: {  	v1 =	vshra.s32 v0, $0x1;
	v2 =	vmul.f32 $5.000000000e-01, v0  }
0x12d: {  	v1 =	vsub.s32 $0x5F3759DF, v1  }
0x12e: {  	v3 =	vmul.f32 v1, v2;
	_ =	sdelay $0x1  }
0x12f: {  	v3 =	vmul.f32 v1, v3;
	_ =	sdelay $0x1  }
0x130: {  	v3 =	vsub.f32 $1.500000000e+00, v3;
	_ =	sdelay $0x1  }
0x131: {  	v1 =	vmul.f32 v1, v3;
	_ =	sdelay $0x1  }
0x132: {  	v3 =	vmul.f32 v1, v2;
	_ =	sdelay $0x1  }
0x133: {  	v3 =	vmul.f32 v3, v1;
	_ =	sdelay $0x1  }
0x134: {  	v3 =	vsub.f32 $1.500000000e+00, v3;
	_ =	sdelay $0x1  }
0x135: {  	v3 =	vmul.f32 v3, v1;
	_ =	sdelay $0x1  }
0x136: {  	v1 =	vmul.f32 v3, v2;
	_ =	sdelay $0x1  }
0x137: {  	v1 =	vmul.f32 v1, v3;
	_ =	sdelay $0x1  }
0x138: {  	v4 =	vsub.f32 $1.500000000e+00, v1;
	v1 =	vld [tilespmem:$0x1FFF0];
	_ =	sdelay $0x2  }
0x139: {  	v2 =	vmov s17  }
0x13a: {  	v2 =	vshll.u32 v2, $0x5  }
0x13b: {  	v44 =	vor.u32 v1, v2  }
0x13c: {  	v2 =	vmul.f32 v4, v3;
	v1 =	vor.u32 $0x1F, v44  }
0x13d: {  	v3 =	vor.u32 $0x1E, v44  }
0x13e: {  	v11 =	vor.u32 $0x1A, v44;
	v0 =	vmul.f32 v2, v0  }
0x13f: {  	s1 =	sadd.s32 $0x10, s1;
	v13 =	vor.u32 $0x19, v44  }
0x140: {  	v15 =	vor.u32 $0x18, v44;
	[tilespmem:s1+$0x0] =	vst v0  }
0x141: {  	v17 =	vor.u32 $0x17, v44;
	v63 =	vld.idx.msk [tilespmem:v1+s15+$0x0], $0xffff  }
0x142: {  	v19 =	vor.u32 $0x16, v44;
	v0 =	vld.idx.msk [tilespmem:v3+s15+$0x0], $0xffff  }
0x143: {  	v21 =	vor.u32 $0x15, v44;
	v12 =	vld.idx.msk [tilespmem:v11+s15+$0x0], $0xffff  }
0x144: {  	v23 =	vor.u32 $0x14, v44;
	v14 =	vld.idx.msk [tilespmem:v13+s15+$0x0], $0xffff  }
0x145: {  	v25 =	vor.u32 $0x13, v44;
	v16 =	vld.idx.msk [tilespmem:v15+s15+$0x0], $0xffff  }
0x146: {  	v27 =	vor.u32 $0x12, v44;
	v18 =	vld.idx.msk [tilespmem:v17+s15+$0x0], $0xffff  }
0x147: {  	v5 =	vor.u32 $0x1D, v44;
	v20 =	vld.idx.msk [tilespmem:v19+s15+$0x0], $0xffff  }
0x148: {  	v29 =	vor.u32 $0x11, v44;
	v22 =	vld.idx.msk [tilespmem:v21+s15+$0x0], $0xffff  }
0x149: {  	v31 =	vor.u32 $0x10, v44;
	v24 =	vld.idx.msk [tilespmem:v23+s15+$0x0], $0xffff  }
0x14a: {  	v33 =	vor.u32 $0xF, v44;
	v26 =	vld.idx.msk [tilespmem:v25+s15+$0x0], $0xffff  }
0x14b: {  	v35 =	vor.u32 $0xE, v44;
	v28 =	vld.idx.msk [tilespmem:v27+s15+$0x0], $0xffff  }
0x14c: {  	v7 =	vor.u32 $0x1C, v44;
	[tilespmem:$0x1FFB0] =	vst v0;
	v0 =	vld.idx.msk [tilespmem:v5+s15+$0x0], $0xffff  }
0x14d: {  	v37 =	vor.u32 $0xD, v44;
	v30 =	vld.idx.msk [tilespmem:v29+s15+$0x0], $0xffff  }
0x14e: {  	v39 =	vor.u32 $0xC, v44;
	v32 =	vld.idx.msk [tilespmem:v31+s15+$0x0], $0xffff  }
0x14f: {  	v41 =	vor.u32 $0xB, v44;
	v34 =	vld.idx.msk [tilespmem:v33+s15+$0x0], $0xffff  }
0x150: {  	v43 =	vor.u32 $0xA, v44;
	v36 =	vld.idx.msk [tilespmem:v35+s15+$0x0], $0xffff  }
0x151: {  	v9 =	vor.u32 $0x1B, v44;
	[tilespmem:$0x1FFC0] =	vst v0;
	v0 =	vld.idx.msk [tilespmem:v7+s15+$0x0], $0xffff  }
0x152: {  	v46 =	vor.u32 $0x9, v44;
	v38 =	vld.idx.msk [tilespmem:v37+s15+$0x0], $0xffff  }
0x153: {  	v48 =	vor.u32 $0x8, v44;
	v40 =	vld.idx.msk [tilespmem:v39+s15+$0x0], $0xffff  }
0x154: {  	v50 =	vor.u32 $0x7, v44;
	v42 =	vld.idx.msk [tilespmem:v41+s15+$0x0], $0xffff  }
0x155: {  	v52 =	vor.u32 $0x6, v44;
	v45 =	vld.idx.msk [tilespmem:v43+s15+$0x0], $0xffff  }
0x156: {  	p0 =	sne.s32 s17, $0x70;
	v54 =	vor.u32 $0x5, v44;
	[tilespmem:$0x1FFD0] =	vst v0;
	v0 =	vld.idx.msk [tilespmem:v9+s15+$0x0], $0xffff  }
.Ltmp0:
0x157: {  	v47 =	vld.idx.msk [tilespmem:v46+s15+$0x0], $0xffff;
	(pc) =	sbr.rel @p0 .LBB2_2-.Ltmp0, $4  }
0x158: {  	v49 =	vld.idx.msk [tilespmem:v48+s15+$0x0], $0xffff  }
0x159: {  	v51 =	vld.idx.msk [tilespmem:v50+s15+$0x0], $0xffff  }
0x15a: {  	v56 =	vor.u32 $0x4, v44;
	v53 =	vld.idx.msk [tilespmem:v52+s15+$0x0], $0xffff  }
0x15b: {  	s17 =	sadd.s32 $0x10, s17;
	v57 =	vor.u32 $0x3, v44;
	v58 =	vor.u32 $0x2, v44;
	v59 =	vor.u32 $0x1, v44;
	v55 =	vld.idx.msk [tilespmem:v54+s15+$0x0], $0xffff;
	[tilespmem:$0x1FFE0] =	vst v0  }
0x15c: {  	_ =	sdelay $0x3  }
0x15d: {  	v0 =	vld.idx.msk [tilespmem:v58+s15+$0x0], $0xffff  }
0x15e: {  	v2 =	vld.idx.msk [tilespmem:v59+s15+$0x0], $0xffff  }
0x15f: {  	v4 =	vld.idx.msk [tilespmem:v59+s14+$0x0], $0xffff  }
0x160: {  	v6 =	vld.idx.msk [tilespmem:v44+s15+$0x0], $0xffff  }
0x161: {  	v8 =	vld.idx.msk [tilespmem:v44+s14+$0x0], $0xffff  }
0x162: {  	v10 =	vld.idx.msk [tilespmem:v59+s16+$0x0], $0xffff  }
0x163: {  	v44 =	vld.idx.msk [tilespmem:v44+s16+$0x0], $0xffff  }
0x164: {  	v59 =	vld.idx.msk [tilespmem:v58+s14+$0x0], $0xffff  }
0x165: {  	v58 =	vld.idx.msk [tilespmem:v58+s16+$0x0], $0xffff  }
0x166: {  	v60 =	vld.idx.msk [tilespmem:v57+s15+$0x0], $0xffff  }
0x167: {  	v61 =	vld.idx.msk [tilespmem:v57+s14+$0x0], $0xffff  }
0x168: {  	v62 =	vld.idx.msk [tilespmem:v56+s15+$0x0], $0xffff  }
0x169: {  	v6 =	vadd.f32 v6, v8;
	v2 =	vadd.f32 v2, v4;
	v4 =	vld.idx.msk [tilespmem:v56+s14+$0x0], $0xffff  }
0x16a: {  	v0 =	vadd.f32 v0, v59;
	v8 =	vld.idx.msk [tilespmem:v57+s16+$0x0], $0xffff  }
0x16b: {  	v6 =	vsub.f32 v6, v44;
	v2 =	vsub.f32 v2, v10;
	v10 =	vld.idx.msk [tilespmem:v54+s14+$0x0], $0xffff  }
0x16c: {  	v56 =	vld.idx.msk [tilespmem:v56+s16+$0x0], $0xffff;
	v44 =	vadd.f32 v60, v61  }
0x16d: {  	v57 =	vld.idx.msk [tilespmem:v52+s14+$0x0], $0xffff;
	v0 =	vsub.f32 v0, v58;
	v6 =	vmul.f32 v6, v6;
	v2 =	vmul.f32 v2, v2  }
0x16e: {  	v60 =	vld.idx.msk [tilespmem:v54+s16+$0x0], $0xffff;
	v4 =	vadd.f32 v62, v4  }
0x16f: {  	v61 =	vld.idx.msk [tilespmem:v50+s14+$0x0], $0xffff;
	v0 =	vmul.f32 v0, v0;
	v2 =	vadd.f32 v2, v6;
	v6 =	vsub.f32 v44, v8  }
0x170: {  	v8 =	vld.idx.msk [tilespmem:v52+s16+$0x0], $0xffff;
	v10 =	vadd.f32 v55, v10  }
0x171: {  	v62 =	vld.idx.msk [tilespmem:v48+s14+$0x0], $0xffff;
	v4 =	vsub.f32 v4, v56;
	v0 =	vadd.f32 v0, v2;
	v2 =	vmul.f32 v6, v6  }
0x172: {  	v56 =	vadd.f32 v53, v57;
	v6 =	vld.idx.msk [tilespmem:v50+s16+$0x0], $0xffff  }
0x173: {  	v57 =	vld.idx.msk [tilespmem:v46+s14+$0x0], $0xffff;
	v0 =	vadd.f32 v2, v0;
	v2 =	vmul.f32 v4, v4;
	v4 =	vsub.f32 v10, v60  }
0x174: {  	v58 =	vadd.f32 v51, v61;
	v10 =	vld.idx.msk [tilespmem:v48+s16+$0x0], $0xffff  }
0x175: {  	v59 =	vld.idx.msk [tilespmem:v43+s14+$0x0], $0xffff;
	v0 =	vadd.f32 v2, v0;
	v2 =	vmul.f32 v4, v4;
	v4 =	vsub.f32 v56, v8  }
0x176: {  	v44 =	vadd.f32 v49, v62;
	v8 =	vld.idx.msk [tilespmem:v46+s16+$0x0], $0xffff  }
0x177: {  	v60 =	vld.idx.msk [tilespmem:v41+s14+$0x0], $0xffff;
	v0 =	vadd.f32 v2, v0;
	v2 =	vmul.f32 v4, v4;
	v4 =	vsub.f32 v58, v6  }
0x178: {  	v61 =	vadd.f32 v47, v57;
	v6 =	vld.idx.msk [tilespmem:v43+s16+$0x0], $0xffff  }
0x179: {  	v62 =	vld.idx.msk [tilespmem:v39+s14+$0x0], $0xffff;
	v0 =	vadd.f32 v2, v0;
	v2 =	vmul.f32 v4, v4;
	v4 =	vsub.f32 v44, v10  }
0x17a: {  	v48 =	vadd.f32 v45, v59;
	v10 =	vld.idx.msk [tilespmem:v41+s16+$0x0], $0xffff  }
0x17b: {  	v49 =	vld.idx.msk [tilespmem:v37+s14+$0x0], $0xffff;
	v0 =	vadd.f32 v2, v0;
	v2 =	vmul.f32 v4, v4;
	v4 =	vsub.f32 v61, v8  }
0x17c: {  	v50 =	vadd.f32 v42, v60;
	v8 =	vld.idx.msk [tilespmem:v39+s16+$0x0], $0xffff  }
0x17d: {  	v51 =	vld.idx.msk [tilespmem:v35+s14+$0x0], $0xffff;
	v0 =	vadd.f32 v2, v0;
	v2 =	vmul.f32 v4, v4;
	v4 =	vsub.f32 v48, v6  }
0x17e: {  	v52 =	vadd.f32 v40, v62;
	v6 =	vld.idx.msk [tilespmem:v37+s16+$0x0], $0xffff  }
0x17f: {  	v53 =	vld.idx.msk [tilespmem:v33+s14+$0x0], $0xffff;
	v0 =	vadd.f32 v2, v0;
	v2 =	vmul.f32 v4, v4;
	v4 =	vsub.f32 v50, v10  }
0x180: {  	v54 =	vadd.f32 v38, v49;
	v10 =	vld.idx.msk [tilespmem:v35+s16+$0x0], $0xffff  }
0x181: {  	v55 =	vld.idx.msk [tilespmem:v31+s14+$0x0], $0xffff;
	v0 =	vadd.f32 v2, v0;
	v2 =	vmul.f32 v4, v4;
	v4 =	vsub.f32 v52, v8  }
0x182: {  	v56 =	vadd.f32 v36, v51;
	v8 =	vld.idx.msk [tilespmem:v33+s16+$0x0], $0xffff  }
0x183: {  	v57 =	vld.idx.msk [tilespmem:v29+s14+$0x0], $0xffff;
	v0 =	vadd.f32 v2, v0;
	v2 =	vmul.f32 v4, v4;
	v4 =	vsub.f32 v54, v6  }
0x184: {  	v6 =	vld.idx.msk [tilespmem:v31+s16+$0x0], $0xffff;
	v31 =	vadd.f32 v34, v53  }
0x185: {  	v58 =	vld.idx.msk [tilespmem:v27+s14+$0x0], $0xffff;
	v0 =	vadd.f32 v2, v0;
	v2 =	vmul.f32 v4, v4;
	v4 =	vsub.f32 v56, v10  }
0x186: {  	v10 =	vld.idx.msk [tilespmem:v29+s16+$0x0], $0xffff;
	v29 =	vadd.f32 v32, v55  }
0x187: {  	v59 =	vld.idx.msk [tilespmem:v25+s14+$0x0], $0xffff;
	v0 =	vadd.f32 v2, v0;
	v2 =	vmul.f32 v4, v4;
	v4 =	vsub.f32 v31, v8  }
0x188: {  	v8 =	vld.idx.msk [tilespmem:v27+s16+$0x0], $0xffff;
	v27 =	vadd.f32 v30, v57  }
0x189: {  	v30 =	vld.idx.msk [tilespmem:v23+s14+$0x0], $0xffff;
	v0 =	vadd.f32 v2, v0;
	v2 =	vmul.f32 v4, v4;
	v4 =	vsub.f32 v29, v6  }
0x18a: {  	v6 =	vld.idx.msk [tilespmem:v25+s16+$0x0], $0xffff;
	v25 =	vadd.f32 v28, v58  }
0x18b: {  	v28 =	vld.idx.msk [tilespmem:v21+s14+$0x0], $0xffff;
	v0 =	vadd.f32 v2, v0;
	v2 =	vmul.f32 v4, v4;
	v4 =	vsub.f32 v27, v10  }
0x18c: {  	v10 =	vld.idx.msk [tilespmem:v23+s16+$0x0], $0xffff;
	v23 =	vadd.f32 v26, v59  }
0x18d: {  	v26 =	vld.idx.msk [tilespmem:v19+s14+$0x0], $0xffff;
	v0 =	vadd.f32 v2, v0;
	v2 =	vmul.f32 v4, v4;
	v4 =	vsub.f32 v25, v8  }
0x18e: {  	v8 =	vld.idx.msk [tilespmem:v21+s16+$0x0], $0xffff;
	v21 =	vadd.f32 v24, v30  }
0x18f: {  	v24 =	vld.idx.msk [tilespmem:v17+s14+$0x0], $0xffff;
	v0 =	vadd.f32 v2, v0;
	v2 =	vmul.f32 v4, v4;
	v4 =	vsub.f32 v23, v6  }
0x190: {  	v6 =	vld.idx.msk [tilespmem:v19+s16+$0x0], $0xffff;
	v19 =	vadd.f32 v22, v28  }
0x191: {  	v22 =	vld.idx.msk [tilespmem:v15+s14+$0x0], $0xffff;
	v0 =	vadd.f32 v2, v0;
	v2 =	vmul.f32 v4, v4;
	v4 =	vsub.f32 v21, v10  }
0x192: {  	v10 =	vld.idx.msk [tilespmem:v17+s16+$0x0], $0xffff;
	v17 =	vadd.f32 v20, v26  }
0x193: {  	v20 =	vld.idx.msk [tilespmem:v13+s14+$0x0], $0xffff;
	v0 =	vadd.f32 v2, v0;
	v2 =	vmul.f32 v4, v4;
	v4 =	vsub.f32 v19, v8  }
0x194: {  	v8 =	vld.idx.msk [tilespmem:v15+s16+$0x0], $0xffff;
	v15 =	vadd.f32 v18, v24  }
0x195: {  	v18 =	vld.idx.msk [tilespmem:v11+s14+$0x0], $0xffff;
	v0 =	vadd.f32 v2, v0;
	v2 =	vmul.f32 v4, v4;
	v4 =	vsub.f32 v17, v6  }
0x196: {  	v6 =	vld.idx.msk [tilespmem:v13+s16+$0x0], $0xffff;
	v13 =	vadd.f32 v16, v22  }
0x197: {  	v16 =	vld.idx.msk [tilespmem:v9+s14+$0x0], $0xffff;
	v0 =	vadd.f32 v2, v0;
	v2 =	vmul.f32 v4, v4;
	v4 =	vsub.f32 v15, v10  }
0x198: {  	v10 =	vld.idx.msk [tilespmem:v11+s16+$0x0], $0xffff;
	v11 =	vadd.f32 v14, v20  }
0x199: {  	v14 =	vld.idx.msk [tilespmem:v7+s14+$0x0], $0xffff;
	v0 =	vadd.f32 v2, v0;
	v2 =	vmul.f32 v4, v4;
	v4 =	vsub.f32 v13, v8  }
0x19a: {  	v8 =	vld.idx.msk [tilespmem:v9+s16+$0x0], $0xffff  }
0x19b: {  	v0 =	vadd.f32 v2, v0;
	v2 =	vmul.f32 v4, v4;
	v4 =	vsub.f32 v11, v6;
	v6 =	vld.idx.msk [tilespmem:v7+s16+$0x0], $0xffff  }
0x19c: {  	v9 =	vadd.f32 v12, v18;
	v7 =	vld [tilespmem:$0x1FFE0];
	_ =	sdelay $0x1  }
0x19d: {  	v0 =	vadd.f32 v2, v0;
	v2 =	vmul.f32 v4, v4;
	v4 =	vsub.f32 v9, v10;
	v9 =	vld [tilespmem:$0x1FFD0];
	_ =	sdelay $0x2  }
0x19e: {  	v12 =	vld.idx.msk [tilespmem:v5+s14+$0x0], $0xffff;
	v7 =	vadd.f32 v7, v16  }
0x19f: {  	v5 =	vld.idx.msk [tilespmem:v5+s16+$0x0], $0xffff;
	v0 =	vadd.f32 v2, v0  }
0x1a0: {  	v2 =	vmul.f32 v4, v4;
	v9 =	vadd.f32 v9, v14;
	v4 =	vsub.f32 v7, v8;
	v7 =	vld [tilespmem:$0x1FFC0]  }
0x1a1: {  	v11 =	vld.idx.msk [tilespmem:v3+s14+$0x0], $0xffff  }
0x1a2: {  	v0 =	vadd.f32 v2, v0;
	v2 =	vmul.f32 v4, v4;
	v4 =	vsub.f32 v9, v6;
	v6 =	vld [tilespmem:$0x1FFB0]  }
0x1a3: {  	v3 =	vld.idx.msk [tilespmem:v3+s16+$0x0], $0xffff  }
0x1a4: {  	v10 =	vld.idx.msk [tilespmem:v1+s14+$0x0], $0xffff  }
0x1a5: {  	v7 =	vadd.f32 v7, v12  }
0x1a6: {  	v1 =	vld.idx.msk [tilespmem:v1+s16+$0x0], $0xffff;
	v0 =	vadd.f32 v2, v0;
	v2 =	vmul.f32 v4, v4  }
0x1a7: {  	v6 =	vadd.f32 v6, v11;
	v4 =	vsub.f32 v7, v5  }
0x1a8: {  	v0 =	vadd.f32 v2, v0  }
0x1a9: {  	v5 =	vadd.f32 v63, v10;
	v2 =	vmul.f32 v4, v4;
	v3 =	vsub.f32 v6, v3;
	_ =	sdelay $0x1  }
0x1aa: {  	v1 =	vsub.f32 v5, v1;
	v0 =	vadd.f32 v2, v0;
	v2 =	vmul.f32 v3, v3;
	_ =	sdelay $0x1  }
0x1ab: {  	v1 =	vmul.f32 v1, v1;
	v0 =	vadd.f32 v2, v0;
	_ =	sdelay $0x1  }
0x1ac: {  	v0 =	vadd.f32 v1, v0;
	_ =	sdelay $0x1  }
0x1ad: {  	v1 =	vshra.s32 v0, $0x1;
	v2 =	vmul.f32 $5.000000000e-01, v0  }
0x1ae: {  	v1 =	vsub.s32 $0x5F3759DF, v1  }
0x1af: {  	v3 =	vmul.f32 v1, v2;
	_ =	sdelay $0x1  }
0x1b0: {  	v3 =	vmul.f32 v1, v3;
	_ =	sdelay $0x1  }
0x1b1: {  	v3 =	vsub.f32 $1.500000000e+00, v3;
	_ =	sdelay $0x1  }
0x1b2: {  	v1 =	vmul.f32 v1, v3;
	_ =	sdelay $0x1  }
0x1b3: {  	v3 =	vmul.f32 v1, v2;
	_ =	sdelay $0x1  }
0x1b4: {  	v3 =	vmul.f32 v3, v1;
	_ =	sdelay $0x1  }
0x1b5: {  	v3 =	vsub.f32 $1.500000000e+00, v3;
	_ =	sdelay $0x1  }
0x1b6: {  	v1 =	vmul.f32 v3, v1;
	_ =	sdelay $0x1  }
0x1b7: {  	v2 =	vmul.f32 v1, v2;
	_ =	sdelay $0x1  }
0x1b8: {  	v2 =	vmul.f32 v2, v1;
	_ =	sdelay $0x1  }
0x1b9: {  	v2 =	vsub.f32 $1.500000000e+00, v2;
	_ =	sdelay $0x1  }
0x1ba: {  	v1 =	vmul.f32 v2, v1;
	_ =	sdelay $0x1  }
0x1bb: {  	v0 =	vmul.f32 v1, v0  }
0x1bc: {  	s1 =	sadd.s32 $0x10, s1  }
0x1bd: {  	[tilespmem:s1+$0x0] =	vst v0  }
0x1be: {  	_ =	swait.ge [sflag:s21], $0x1000  }
0x1bf: {  	[sflag:s21] =	ssyncset.done $0x0  }
0x1c0: {  	[sflag:s21] =	ssyncadd.s32 $0xFFFFF000  }
0x1c1: {  	_ =	swait.ge [sflag:s22], $0x1000  }
0x1c2: {  	v1 =	vld [tilespmem:$0x1FFF0];
	_ =	sdelay $0x1  }
0x1c3: {  	s17 =	simm.s32 $0x80  }
0x1c4: {  	v0 =	vmov s17  }
0x1c5: {  	v0 =	vshll.u32 v0, $0x5  }
0x1c6: {  	[sflag:s22] =	ssyncset.done $0x0;
	v0 =	vor.u32 v1, v0  }
0x1c7: {  	[sflag:s22] =	ssyncadd.s32 $0xFFFFF000  }
0x1c8: {  	_ =	swait.ge [sflag:s23], $0x1000  }
0x1c9: {  	[sflag:s23] =	ssyncset.done $0x0;
	v6 =	vor.u32 $0x1F, v0  }
0x1ca: {  	[sflag:s23] =	ssyncadd.s32 $0xFFFFF000;
	v9 =	vor.u32 $0x1B, v0  }
0x1cb: {  	v11 =	vor.u32 $0x1A, v0;
	v57 =	vld.idx.msk [tilespmem:v0+s15+$0x0], $0xffff  }
0x1cc: {  	v13 =	vor.u32 $0x19, v0;
	v58 =	vld.idx.msk [tilespmem:v0+s14+$0x0], $0xffff  }
0x1cd: {  	v15 =	vor.u32 $0x18, v0;
	v61 =	vld.idx.msk [tilespmem:v0+s16+$0x0], $0xffff  }
0x1ce: {  	v17 =	vor.u32 $0x17, v0;
	v1 =	vld.idx.msk [tilespmem:v6+s15+$0x0], $0xffff  }
0x1cf: {  	v19 =	vor.u32 $0x16, v0;
	v10 =	vld.idx.msk [tilespmem:v9+s15+$0x0], $0xffff  }
0x1d0: {  	v21 =	vor.u32 $0x15, v0;
	v12 =	vld.idx.msk [tilespmem:v11+s15+$0x0], $0xffff  }
0x1d1: {  	v23 =	vor.u32 $0x14, v0;
	v14 =	vld.idx.msk [tilespmem:v13+s15+$0x0], $0xffff  }
0x1d2: {  	v25 =	vor.u32 $0x13, v0;
	v16 =	vld.idx.msk [tilespmem:v15+s15+$0x0], $0xffff  }
0x1d3: {  	v27 =	vor.u32 $0x12, v0;
	v18 =	vld.idx.msk [tilespmem:v17+s15+$0x0], $0xffff  }
0x1d4: {  	v29 =	vor.u32 $0x11, v0;
	v20 =	vld.idx.msk [tilespmem:v19+s15+$0x0], $0xffff  }
0x1d5: {  	v31 =	vor.u32 $0x10, v0;
	v22 =	vld.idx.msk [tilespmem:v21+s15+$0x0], $0xffff  }
0x1d6: {  	v32 =	vor.u32 $0xF, v0;
	v24 =	vld.idx.msk [tilespmem:v23+s15+$0x0], $0xffff  }
0x1d7: {  	v33 =	vor.u32 $0xE, v0;
	v26 =	vld.idx.msk [tilespmem:v25+s15+$0x0], $0xffff  }
0x1d8: {  	v34 =	vor.u32 $0xD, v0;
	v28 =	vld.idx.msk [tilespmem:v27+s15+$0x0], $0xffff  }
0x1d9: {  	v35 =	vor.u32 $0xC, v0;
	v30 =	vld.idx.msk [tilespmem:v29+s15+$0x0], $0xffff  }
0x1da: {  	v36 =	vor.u32 $0xB, v0;
	v37 =	vld.idx.msk [tilespmem:v31+s15+$0x0], $0xffff  }
0x1db: {  	v38 =	vor.u32 $0xA, v0;
	v39 =	vld.idx.msk [tilespmem:v32+s15+$0x0], $0xffff  }
0x1dc: {  	v40 =	vor.u32 $0x9, v0;
	v41 =	vld.idx.msk [tilespmem:v33+s15+$0x0], $0xffff  }
0x1dd: {  	v42 =	vor.u32 $0x8, v0;
	v43 =	vld.idx.msk [tilespmem:v34+s15+$0x0], $0xffff  }
0x1de: {  	v45 =	vor.u32 $0x3, v0;
	v44 =	vld.idx.msk [tilespmem:v35+s15+$0x0], $0xffff  }
0x1df: {  	v47 =	vor.u32 $0x2, v0;
	v46 =	vld.idx.msk [tilespmem:v36+s15+$0x0], $0xffff  }
0x1e0: {  	v48 =	vld.idx.msk [tilespmem:v38+s15+$0x0], $0xffff  }
0x1e1: {  	v60 =	vor.u32 $0x1, v0;
	v49 =	vld.idx.msk [tilespmem:v40+s15+$0x0], $0xffff  }
0x1e2: {  	v51 =	vld.idx.msk [tilespmem:v42+s15+$0x0], $0xffff  }
0x1e3: {  	v4 =	vor.u32 $0x1E, v0;
	v52 =	vld.idx.msk [tilespmem:v45+s15+$0x0], $0xffff  }
0x1e4: {  	v53 =	vld.idx.msk [tilespmem:v47+s15+$0x0], $0xffff  }
0x1e5: {  	v54 =	vld.idx.msk [tilespmem:v47+s14+$0x0], $0xffff  }
0x1e6: {  	v55 =	vld.idx.msk [tilespmem:v60+s15+$0x0], $0xffff  }
0x1e7: {  	v56 =	vld.idx.msk [tilespmem:v60+s14+$0x0], $0xffff  }
0x1e8: {  	v5 =	vor.u32 $0x1D, v0;
	[tilespmem:$0x1FF10] =	vst v1;
	v1 =	vld.idx.msk [tilespmem:v4+s15+$0x0], $0xffff  }
0x1e9: {  	v59 =	vor.u32 $0x7, v0;
	v50 =	vld.idx.msk [tilespmem:v60+s16+$0x0], $0xffff  }
0x1ea: {  	v62 =	vor.u32 $0x4, v0;
	v63 =	vld.idx.msk [tilespmem:v45+s14+$0x0], $0xffff  }
0x1eb: {  	v47 =	vld.idx.msk [tilespmem:v47+s16+$0x0], $0xffff  }
0x1ec: {  	v7 =	vor.u32 $0x1C, v0;
	v60 =	vor.u32 $0x6, v0;
	v0 =	vor.u32 $0x5, v0;
	v45 =	vld.idx.msk [tilespmem:v45+s16+$0x0], $0xffff  }
0x1ed: {  	[tilespmem:$0x1FF00] =	vst v1;
	v1 =	vld.idx.msk [tilespmem:v5+s15+$0x0], $0xffff  }
0x1ee: {  	v3 =	vld.idx.msk [tilespmem:v59+s15+$0x0], $0xffff  }
0x1ef: {  	v57 =	vadd.f32 v57, v58;
	v58 =	vld.idx.msk [tilespmem:v62+s16+$0x0], $0xffff  }
0x1f0: {  	v55 =	vadd.f32 v55, v56;
	v56 =	vld.idx.msk [tilespmem:v62+s14+$0x0], $0xffff  }
0x1f1: {  	v53 =	vadd.f32 v53, v54;
	v54 =	vld.idx.msk [tilespmem:v0+s15+$0x0], $0xffff  }
0x1f2: {  	[tilespmem:$0x1FEF0] =	vst v1;
	v1 =	vld.idx.msk [tilespmem:v62+s15+$0x0], $0xffff  }
0x1f3: {  	v57 =	vsub.f32 v57, v61;
	v50 =	vsub.f32 v55, v50;
	v55 =	vld.idx.msk [tilespmem:v0+s14+$0x0], $0xffff  }
0x1f4: {  	v2 =	vld.idx.msk [tilespmem:v60+s15+$0x0], $0xffff;
	v52 =	vadd.f32 v52, v63  }
0x1f5: {  	v61 =	vld.idx.msk [tilespmem:v60+s14+$0x0], $0xffff;
	v47 =	vsub.f32 v53, v47;
	v57 =	vmul.f32 v57, v57;
	v50 =	vmul.f32 v50, v50  }
0x1f6: {  	v0 =	vld.idx.msk [tilespmem:v0+s16+$0x0], $0xffff;
	v45 =	vsub.f32 v52, v45  }
0x1f7: {  	v63 =	vld.idx.msk [tilespmem:v60+s16+$0x0], $0xffff;
	v47 =	vmul.f32 v47, v47;
	v50 =	vadd.f32 v50, v57;
	v1 =	vadd.f32 v1, v56  }
0x1f8: {  	v54 =	vadd.f32 v54, v55;
	v62 =	vld.idx.msk [tilespmem:v59+s14+$0x0], $0xffff  }
0x1f9: {  	v45 =	vmul.f32 v45, v45;
	v57 =	vld.idx.msk [tilespmem:v42+s14+$0x0], $0xffff;
	v47 =	vadd.f32 v47, v50;
	v1 =	vsub.f32 v1, v58  }
0x1fa: {  	v2 =	vadd.f32 v2, v61;
	v58 =	vld.idx.msk [tilespmem:v59+s16+$0x0], $0xffff  }
0x1fb: {  	v0 =	vsub.f32 v54, v0;
	v45 =	vadd.f32 v45, v47;
	v59 =	vld.idx.msk [tilespmem:v40+s14+$0x0], $0xffff;
	v1 =	vmul.f32 v1, v1  }
0x1fc: {  	v42 =	vld.idx.msk [tilespmem:v42+s16+$0x0], $0xffff;
	v2 =	vsub.f32 v2, v63  }
0x1fd: {  	v60 =	vld.idx.msk [tilespmem:v38+s14+$0x0], $0xffff;
	v0 =	vmul.f32 v0, v0;
	v3 =	vadd.f32 v3, v62;
	v1 =	vadd.f32 v1, v45  }
0x1fe: {  	v61 =	vadd.f32 v51, v57;
	v40 =	vld.idx.msk [tilespmem:v40+s16+$0x0], $0xffff  }
0x1ff: {  	v62 =	vld.idx.msk [tilespmem:v36+s14+$0x0], $0xffff;
	v0 =	vadd.f32 v0, v1;
	v1 =	vmul.f32 v2, v2;
	v2 =	vsub.f32 v3, v58  }
0x200: {  	v63 =	vadd.f32 v49, v59;
	v3 =	vld.idx.msk [tilespmem:v38+s16+$0x0], $0xffff  }
0x201: {  	v49 =	vld.idx.msk [tilespmem:v35+s14+$0x0], $0xffff;
	v0 =	vadd.f32 v1, v0;
	v1 =	vmul.f32 v2, v2;
	v2 =	vsub.f32 v61, v42  }
0x202: {  	v51 =	vadd.f32 v48, v60;
	v36 =	vld.idx.msk [tilespmem:v36+s16+$0x0], $0xffff  }
0x203: {  	v52 =	vld.idx.msk [tilespmem:v34+s14+$0x0], $0xffff;
	v0 =	vadd.f32 v1, v0;
	v1 =	vmul.f32 v2, v2;
	v2 =	vsub.f32 v63, v40  }
0x204: {  	v53 =	vadd.f32 v46, v62;
	v35 =	vld.idx.msk [tilespmem:v35+s16+$0x0], $0xffff  }
0x205: {  	v54 =	vld.idx.msk [tilespmem:v33+s14+$0x0], $0xffff;
	v0 =	vadd.f32 v1, v0;
	v1 =	vmul.f32 v2, v2;
	v2 =	vsub.f32 v51, v3  }
0x206: {  	v55 =	vadd.f32 v44, v49;
	v3 =	vld.idx.msk [tilespmem:v34+s16+$0x0], $0xffff  }
0x207: {  	v56 =	vld.idx.msk [tilespmem:v32+s14+$0x0], $0xffff;
	v0 =	vadd.f32 v1, v0;
	v1 =	vmul.f32 v2, v2;
	v2 =	vsub.f32 v53, v36  }
0x208: {  	v33 =	vld.idx.msk [tilespmem:v33+s16+$0x0], $0xffff;
	v57 =	vadd.f32 v43, v52  }
0x209: {  	v58 =	vld.idx.msk [tilespmem:v31+s14+$0x0], $0xffff;
	v0 =	vadd.f32 v1, v0;
	v1 =	vmul.f32 v2, v2;
	v2 =	vsub.f32 v55, v35  }
0x20a: {  	v32 =	vld.idx.msk [tilespmem:v32+s16+$0x0], $0xffff;
	v59 =	vadd.f32 v41, v54  }
0x20b: {  	v60 =	vld.idx.msk [tilespmem:v29+s14+$0x0], $0xffff;
	v0 =	vadd.f32 v1, v0;
	v1 =	vmul.f32 v2, v2;
	v2 =	vsub.f32 v57, v3  }
0x20c: {  	v3 =	vld.idx.msk [tilespmem:v31+s16+$0x0], $0xffff;
	v31 =	vadd.f32 v39, v56  }
0x20d: {  	v61 =	vld.idx.msk [tilespmem:v27+s14+$0x0], $0xffff;
	v0 =	vadd.f32 v1, v0;
	v1 =	vmul.f32 v2, v2;
	v2 =	vsub.f32 v59, v33  }
0x20e: {  	v29 =	vld.idx.msk [tilespmem:v29+s16+$0x0], $0xffff;
	v62 =	vadd.f32 v37, v58  }
0x20f: {  	v63 =	vld.idx.msk [tilespmem:v25+s14+$0x0], $0xffff;
	v0 =	vadd.f32 v1, v0;
	v1 =	vmul.f32 v2, v2;
	v2 =	vsub.f32 v31, v32  }
0x210: {  	v30 =	vadd.f32 v30, v60;
	v27 =	vld.idx.msk [tilespmem:v27+s16+$0x0], $0xffff  }
0x211: {  	v31 =	vld.idx.msk [tilespmem:v23+s14+$0x0], $0xffff;
	v0 =	vadd.f32 v1, v0;
	v1 =	vmul.f32 v2, v2;
	v2 =	vsub.f32 v62, v3  }
0x212: {  	v3 =	vld.idx.msk [tilespmem:v25+s16+$0x0], $0xffff;
	v25 =	vadd.f32 v28, v61  }
0x213: {  	v28 =	vld.idx.msk [tilespmem:v21+s14+$0x0], $0xffff;
	v0 =	vadd.f32 v1, v0;
	v1 =	vmul.f32 v2, v2;
	v2 =	vsub.f32 v30, v29  }
0x214: {  	v26 =	vadd.f32 v26, v63;
	v23 =	vld.idx.msk [tilespmem:v23+s16+$0x0], $0xffff  }
0x215: {  	v29 =	vld.idx.msk [tilespmem:v19+s14+$0x0], $0xffff;
	v0 =	vadd.f32 v1, v0;
	v1 =	vmul.f32 v2, v2;
	v2 =	vsub.f32 v25, v27  }
0x216: {  	v21 =	vld.idx.msk [tilespmem:v21+s16+$0x0], $0xffff;
	v24 =	vadd.f32 v24, v31  }
0x217: {  	v25 =	vld.idx.msk [tilespmem:v17+s14+$0x0], $0xffff;
	v0 =	vadd.f32 v1, v0;
	v1 =	vmul.f32 v2, v2;
	v2 =	vsub.f32 v26, v3  }
0x218: {  	v3 =	vld.idx.msk [tilespmem:v19+s16+$0x0], $0xffff;
	v19 =	vadd.f32 v22, v28  }
0x219: {  	v22 =	vld.idx.msk [tilespmem:v15+s14+$0x0], $0xffff;
	v0 =	vadd.f32 v1, v0;
	v1 =	vmul.f32 v2, v2;
	v2 =	vsub.f32 v24, v23  }
0x21a: {  	v17 =	vld.idx.msk [tilespmem:v17+s16+$0x0], $0xffff;
	v20 =	vadd.f32 v20, v29  }
0x21b: {  	v23 =	vld.idx.msk [tilespmem:v13+s14+$0x0], $0xffff;
	v0 =	vadd.f32 v1, v0;
	v1 =	vmul.f32 v2, v2;
	v2 =	vsub.f32 v19, v21  }
0x21c: {  	v15 =	vld.idx.msk [tilespmem:v15+s16+$0x0], $0xffff;
	v18 =	vadd.f32 v18, v25  }
0x21d: {  	v19 =	vld.idx.msk [tilespmem:v11+s14+$0x0], $0xffff;
	v0 =	vadd.f32 v1, v0;
	v1 =	vmul.f32 v2, v2;
	v2 =	vsub.f32 v20, v3  }
0x21e: {  	v3 =	vld.idx.msk [tilespmem:v13+s16+$0x0], $0xffff;
	v13 =	vadd.f32 v16, v22  }
0x21f: {  	v16 =	vld.idx.msk [tilespmem:v9+s14+$0x0], $0xffff;
	v0 =	vadd.f32 v1, v0;
	v1 =	vmul.f32 v2, v2;
	v2 =	vsub.f32 v18, v17  }
0x220: {  	v11 =	vld.idx.msk [tilespmem:v11+s16+$0x0], $0xffff;
	v14 =	vadd.f32 v14, v23  }
0x221: {  	v8 =	vld.idx.msk [tilespmem:v7+s15+$0x0], $0xffff;
	v0 =	vadd.f32 v1, v0;
	v1 =	vmul.f32 v2, v2;
	v2 =	vsub.f32 v13, v15  }
0x222: {  	v9 =	vld.idx.msk [tilespmem:v9+s16+$0x0], $0xffff;
	v12 =	vadd.f32 v12, v19  }
0x223: {  	v17 =	vld.idx.msk [tilespmem:v7+s14+$0x0], $0xffff;
	v0 =	vadd.f32 v1, v0;
	v1 =	vmul.f32 v2, v2;
	v2 =	vsub.f32 v14, v3  }
0x224: {  	v3 =	vld.idx.msk [tilespmem:v7+s16+$0x0], $0xffff;
	v7 =	vadd.f32 v10, v16  }
0x225: {  	v0 =	vadd.f32 v1, v0;
	v1 =	vmul.f32 v2, v2;
	v2 =	vsub.f32 v12, v11  }
0x226: {  	v13 =	vld.idx.msk [tilespmem:v5+s14+$0x0], $0xffff  }
0x227: {  	v0 =	vadd.f32 v1, v0;
	v1 =	vmul.f32 v2, v2;
	v2 =	vsub.f32 v7, v9;
	v7 =	vld [tilespmem:$0x1FEF0]  }
0x228: {  	v5 =	vld.idx.msk [tilespmem:v5+s16+$0x0], $0xffff  }
0x229: {  	v10 =	vld.idx.msk [tilespmem:v4+s14+$0x0], $0xffff;
	v8 =	vadd.f32 v8, v17  }
0x22a: {  	v11 =	vld.idx.msk [tilespmem:v6+s14+$0x0], $0xffff  }
0x22b: {  	v0 =	vadd.f32 v1, v0;
	v1 =	vmul.f32 v2, v2;
	v2 =	vsub.f32 v8, v3;
	v3 =	vld.idx.msk [tilespmem:v6+s16+$0x0], $0xffff  }
0x22c: {  	v6 =	vld [tilespmem:$0x1FF00];
	v7 =	vadd.f32 v7, v13  }
0x22d: {  	v4 =	vld.idx.msk [tilespmem:v4+s16+$0x0], $0xffff  }
0x22e: {  	v0 =	vadd.f32 v1, v0;
	v1 =	vmul.f32 v2, v2;
	v2 =	vsub.f32 v7, v5;
	v5 =	vld [tilespmem:$0x1FF10];
	_ =	sdelay $0x2  }
0x22f: {  	v6 =	vadd.f32 v6, v10  }
0x230: {  	v0 =	vadd.f32 v1, v0  }
0x231: {  	v1 =	vmul.f32 v2, v2;
	v2 =	vsub.f32 v6, v4;
	v5 =	vadd.f32 v5, v11;
	_ =	sdelay $0x1  }
0x232: {  	v0 =	vadd.f32 v1, v0;
	v1 =	vmul.f32 v2, v2;
	v2 =	vsub.f32 v5, v3;
	_ =	sdelay $0x1  }
0x233: {  	v0 =	vadd.f32 v1, v0;
	v1 =	vmul.f32 v2, v2;
	_ =	sdelay $0x1  }
0x234: {  	v0 =	vadd.f32 v1, v0;
	_ =	sdelay $0x1  }
0x235: {  	v1 =	vshra.s32 v0, $0x1;
	v2 =	vmul.f32 $5.000000000e-01, v0  }
0x236: {  	v1 =	vsub.s32 $0x5F3759DF, v1  }
0x237: {  	v3 =	vmul.f32 v1, v2;
	_ =	sdelay $0x1  }
0x238: {  	v3 =	vmul.f32 v1, v3;
	_ =	sdelay $0x1  }
0x239: {  	v3 =	vsub.f32 $1.500000000e+00, v3;
	_ =	sdelay $0x1  }
0x23a: {  	v1 =	vmul.f32 v1, v3;
	_ =	sdelay $0x1  }
0x23b: {  	v3 =	vmul.f32 v1, v2;
	_ =	sdelay $0x1  }
0x23c: {  	v3 =	vmul.f32 v3, v1;
	_ =	sdelay $0x1  }
0x23d: {  	v3 =	vsub.f32 $1.500000000e+00, v3;
	_ =	sdelay $0x1  }
0x23e: {  	v3 =	vmul.f32 v3, v1;
	_ =	sdelay $0x1  }
0x23f: {  	v1 =	vmul.f32 v3, v2;
	_ =	sdelay $0x1  }
0x240: {  	v1 =	vmul.f32 v1, v3;
	_ =	sdelay $0x1  }
0x241: {  	v4 =	vsub.f32 $1.500000000e+00, v1;
	v1 =	vld [tilespmem:$0x1FFF0];
	_ =	sdelay $0x1  }
0x242: {  	s17 =	simm.s32 $0x90  }
0x243: {  	v2 =	vmov s17  }
0x244: {  	v2 =	vshll.u32 v2, $0x5  }
0x245: {  	v44 =	vor.u32 v1, v2  }
0x246: {  	v2 =	vmul.f32 v4, v3;
	v1 =	vor.u32 $0x1F, v44  }
0x247: {  	v3 =	vor.u32 $0x1E, v44  }
0x248: {  	v11 =	vor.u32 $0x1A, v44;
	v0 =	vmul.f32 v2, v0  }
0x249: {  	s1 =	simm.s32 $0xC680;
	v13 =	vor.u32 $0x19, v44  }
0x24a: {  	v15 =	vor.u32 $0x18, v44;
	[tilespmem:s1+$0x0] =	vst v0  }
0x24b: {  	v17 =	vor.u32 $0x17, v44;
	v63 =	vld.idx.msk [tilespmem:v1+s15+$0x0], $0xffff  }
0x24c: {  	v19 =	vor.u32 $0x16, v44;
	v0 =	vld.idx.msk [tilespmem:v3+s15+$0x0], $0xffff  }
0x24d: {  	v21 =	vor.u32 $0x15, v44;
	v12 =	vld.idx.msk [tilespmem:v11+s15+$0x0], $0xffff  }
0x24e: {  	v23 =	vor.u32 $0x14, v44;
	v14 =	vld.idx.msk [tilespmem:v13+s15+$0x0], $0xffff  }
0x24f: {  	v25 =	vor.u32 $0x13, v44;
	v16 =	vld.idx.msk [tilespmem:v15+s15+$0x0], $0xffff  }
0x250: {  	v27 =	vor.u32 $0x12, v44;
	v18 =	vld.idx.msk [tilespmem:v17+s15+$0x0], $0xffff  }
0x251: {  	v5 =	vor.u32 $0x1D, v44;
	v20 =	vld.idx.msk [tilespmem:v19+s15+$0x0], $0xffff  }
0x252: {  	v29 =	vor.u32 $0x11, v44;
	v22 =	vld.idx.msk [tilespmem:v21+s15+$0x0], $0xffff  }
0x253: {  	v31 =	vor.u32 $0x10, v44;
	v24 =	vld.idx.msk [tilespmem:v23+s15+$0x0], $0xffff  }
0x254: {  	v33 =	vor.u32 $0xF, v44;
	v26 =	vld.idx.msk [tilespmem:v25+s15+$0x0], $0xffff  }
0x255: {  	v35 =	vor.u32 $0xE, v44;
	v28 =	vld.idx.msk [tilespmem:v27+s15+$0x0], $0xffff  }
0x256: {  	v7 =	vor.u32 $0x1C, v44;
	[tilespmem:$0x1FF20] =	vst v0;
	v0 =	vld.idx.msk [tilespmem:v5+s15+$0x0], $0xffff  }
0x257: {  	v37 =	vor.u32 $0xD, v44;
	v30 =	vld.idx.msk [tilespmem:v29+s15+$0x0], $0xffff  }
0x258: {  	v39 =	vor.u32 $0xC, v44;
	v32 =	vld.idx.msk [tilespmem:v31+s15+$0x0], $0xffff  }
0x259: {  	v41 =	vor.u32 $0xB, v44;
	v34 =	vld.idx.msk [tilespmem:v33+s15+$0x0], $0xffff  }
0x25a: {  	v43 =	vor.u32 $0xA, v44;
	v36 =	vld.idx.msk [tilespmem:v35+s15+$0x0], $0xffff  }
0x25b: {  	v9 =	vor.u32 $0x1B, v44;
	[tilespmem:$0x1FF30] =	vst v0;
	v0 =	vld.idx.msk [tilespmem:v7+s15+$0x0], $0xffff  }
0x25c: {  	v46 =	vor.u32 $0x9, v44;
	v38 =	vld.idx.msk [tilespmem:v37+s15+$0x0], $0xffff  }
0x25d: {  	v48 =	vor.u32 $0x8, v44;
	v40 =	vld.idx.msk [tilespmem:v39+s15+$0x0], $0xffff  }
0x25e: {  	v50 =	vor.u32 $0x7, v44;
	v42 =	vld.idx.msk [tilespmem:v41+s15+$0x0], $0xffff  }
0x25f: {  	v52 =	vor.u32 $0x6, v44;
	v45 =	vld.idx.msk [tilespmem:v43+s15+$0x0], $0xffff  }
0x260: {  	v54 =	vor.u32 $0x5, v44;
	[tilespmem:$0x1FF40] =	vst v0;
	v0 =	vld.idx.msk [tilespmem:v9+s15+$0x0], $0xffff  }
0x261: {  	v47 =	vld.idx.msk [tilespmem:v46+s15+$0x0], $0xffff  }
0x262: {  	v49 =	vld.idx.msk [tilespmem:v48+s15+$0x0], $0xffff  }
0x263: {  	v51 =	vld.idx.msk [tilespmem:v50+s15+$0x0], $0xffff  }
0x264: {  	v56 =	vor.u32 $0x4, v44;
	v53 =	vld.idx.msk [tilespmem:v52+s15+$0x0], $0xffff  }
0x265: {  	s17 =	simm.s32 $0xA0;
	v57 =	vor.u32 $0x3, v44;
	v58 =	vor.u32 $0x2, v44;
	v59 =	vor.u32 $0x1, v44;
	v55 =	vld.idx.msk [tilespmem:v54+s15+$0x0], $0xffff;
	[tilespmem:$0x1FF50] =	vst v0  }
.LBB2_4:
0x266: {  	_ =	sdelay $0x2  }
0x267: {  	v0 =	vld.idx.msk [tilespmem:v56+s15+$0x0], $0xffff  }
0x268: {  	v60 =	vld.idx.msk [tilespmem:v57+s15+$0x0], $0xffff  }
0x269: {  	v61 =	vld.idx.msk [tilespmem:v58+s15+$0x0], $0xffff  }
0x26a: {  	v62 =	vld.idx.msk [tilespmem:v58+s14+$0x0], $0xffff  }
0x26b: {  	v2 =	vld.idx.msk [tilespmem:v59+s14+$0x0], $0xffff  }
0x26c: {  	v4 =	vld.idx.msk [tilespmem:v44+s15+$0x0], $0xffff  }
0x26d: {  	v6 =	vld.idx.msk [tilespmem:v44+s14+$0x0], $0xffff  }
0x26e: {  	[tilespmem:$0x1FEE0] =	vst v63;
	v63 =	vld.idx.msk [tilespmem:v59+s15+$0x0], $0xffff  }
0x26f: {  	v44 =	vld.idx.msk [tilespmem:v44+s16+$0x0], $0xffff  }
0x270: {  	v59 =	vld.idx.msk [tilespmem:v59+s16+$0x0], $0xffff  }
0x271: {  	v8 =	vld.idx.msk [tilespmem:v57+s14+$0x0], $0xffff  }
0x272: {  	v58 =	vld.idx.msk [tilespmem:v58+s16+$0x0], $0xffff  }
0x273: {  	v10 =	vld.idx.msk [tilespmem:v56+s14+$0x0], $0xffff;
	v4 =	vadd.f32 v4, v6;
	v2 =	vadd.f32 v63, v2  }
0x274: {  	v6 =	vld.idx.msk [tilespmem:v57+s16+$0x0], $0xffff;
	v57 =	vadd.f32 v61, v62  }
0x275: {  	v4 =	vsub.f32 v4, v44;
	v44 =	vld.idx.msk [tilespmem:v56+s16+$0x0], $0xffff;
	v2 =	vsub.f32 v2, v59  }
0x276: {  	v61 =	vld.idx.msk [tilespmem:v54+s14+$0x0], $0xffff;
	v8 =	vadd.f32 v60, v8  }
0x277: {  	v62 =	vld.idx.msk [tilespmem:v52+s14+$0x0], $0xffff;
	v57 =	vsub.f32 v57, v58;
	v4 =	vmul.f32 v4, v4;
	v2 =	vmul.f32 v2, v2  }
0x278: {  	v0 =	vadd.f32 v0, v10;
	v63 =	vld.idx.msk [tilespmem:v54+s16+$0x0], $0xffff  }
0x279: {  	v10 =	vld.idx.msk [tilespmem:v50+s14+$0x0], $0xffff;
	v6 =	vsub.f32 v8, v6;
	v2 =	vadd.f32 v2, v4;
	v4 =	vmul.f32 v57, v57  }
0x27a: {  	v8 =	vld.idx.msk [tilespmem:v52+s16+$0x0], $0xffff;
	v0 =	vsub.f32 v0, v44  }
0x27b: {  	v58 =	vld.idx.msk [tilespmem:v48+s14+$0x0], $0xffff;
	v57 =	vadd.f32 v55, v61;
	v2 =	vadd.f32 v4, v2;
	v4 =	vmul.f32 v6, v6  }
0x27c: {  	v59 =	vadd.f32 v53, v62;
	v6 =	vld.idx.msk [tilespmem:v50+s16+$0x0], $0xffff  }
0x27d: {  	v60 =	vld.idx.msk [tilespmem:v46+s14+$0x0], $0xffff;
	v0 =	vmul.f32 v0, v0;
	v2 =	vadd.f32 v4, v2;
	v4 =	vsub.f32 v57, v63  }
0x27e: {  	v10 =	vadd.f32 v51, v10;
	v61 =	vld.idx.msk [tilespmem:v48+s16+$0x0], $0xffff  }
0x27f: {  	v62 =	vld.idx.msk [tilespmem:v43+s14+$0x0], $0xffff;
	v0 =	vadd.f32 v0, v2;
	v2 =	vmul.f32 v4, v4;
	v4 =	vsub.f32 v59, v8  }
0x280: {  	v63 =	vadd.f32 v49, v58;
	v8 =	vld.idx.msk [tilespmem:v46+s16+$0x0], $0xffff  }
0x281: {  	v49 =	vld.idx.msk [tilespmem:v41+s14+$0x0], $0xffff;
	v0 =	vadd.f32 v2, v0;
	v2 =	vmul.f32 v4, v4;
	v4 =	vsub.f32 v10, v6  }
0x282: {  	v6 =	vld.idx.msk [tilespmem:v43+s16+$0x0], $0xffff;
	v10 =	vadd.f32 v47, v60  }
0x283: {  	v50 =	vld.idx.msk [tilespmem:v39+s14+$0x0], $0xffff;
	v0 =	vadd.f32 v2, v0;
	v2 =	vmul.f32 v4, v4;
	v4 =	vsub.f32 v63, v61  }
0x284: {  	v52 =	vld.idx.msk [tilespmem:v41+s16+$0x0], $0xffff;
	v53 =	vadd.f32 v45, v62  }
0x285: {  	v54 =	vld.idx.msk [tilespmem:v37+s14+$0x0], $0xffff;
	v0 =	vadd.f32 v2, v0;
	v2 =	vmul.f32 v4, v4;
	v4 =	vsub.f32 v10, v8  }
0x286: {  	v8 =	vld.idx.msk [tilespmem:v39+s16+$0x0], $0xffff;
	v10 =	vadd.f32 v42, v49  }
0x287: {  	v55 =	vld.idx.msk [tilespmem:v35+s14+$0x0], $0xffff;
	v0 =	vadd.f32 v2, v0;
	v2 =	vmul.f32 v4, v4;
	v4 =	vsub.f32 v53, v6  }
0x288: {  	v56 =	vadd.f32 v40, v50;
	v6 =	vld.idx.msk [tilespmem:v37+s16+$0x0], $0xffff  }
0x289: {  	v57 =	vld.idx.msk [tilespmem:v33+s14+$0x0], $0xffff;
	v0 =	vadd.f32 v2, v0;
	v2 =	vmul.f32 v4, v4;
	v4 =	vsub.f32 v10, v52  }
0x28a: {  	v58 =	vadd.f32 v38, v54;
	v10 =	vld.idx.msk [tilespmem:v35+s16+$0x0], $0xffff  }
0x28b: {  	v59 =	vld.idx.msk [tilespmem:v31+s14+$0x0], $0xffff;
	v0 =	vadd.f32 v2, v0;
	v2 =	vmul.f32 v4, v4;
	v4 =	vsub.f32 v56, v8  }
0x28c: {  	v60 =	vadd.f32 v36, v55;
	v8 =	vld.idx.msk [tilespmem:v33+s16+$0x0], $0xffff  }
0x28d: {  	v61 =	vld.idx.msk [tilespmem:v29+s14+$0x0], $0xffff;
	v0 =	vadd.f32 v2, v0;
	v2 =	vmul.f32 v4, v4;
	v4 =	vsub.f32 v58, v6  }
0x28e: {  	v6 =	vld.idx.msk [tilespmem:v31+s16+$0x0], $0xffff;
	v31 =	vadd.f32 v34, v57  }
0x28f: {  	v62 =	vld.idx.msk [tilespmem:v27+s14+$0x0], $0xffff;
	v0 =	vadd.f32 v2, v0;
	v2 =	vmul.f32 v4, v4;
	v4 =	vsub.f32 v60, v10  }
0x290: {  	v10 =	vld.idx.msk [tilespmem:v29+s16+$0x0], $0xffff;
	v29 =	vadd.f32 v32, v59  }
0x291: {  	v63 =	vld.idx.msk [tilespmem:v25+s14+$0x0], $0xffff;
	v0 =	vadd.f32 v2, v0;
	v2 =	vmul.f32 v4, v4;
	v4 =	vsub.f32 v31, v8  }
0x292: {  	v8 =	vld.idx.msk [tilespmem:v27+s16+$0x0], $0xffff;
	v27 =	vadd.f32 v30, v61  }
0x293: {  	v30 =	vld.idx.msk [tilespmem:v23+s14+$0x0], $0xffff;
	v0 =	vadd.f32 v2, v0;
	v2 =	vmul.f32 v4, v4;
	v4 =	vsub.f32 v29, v6  }
0x294: {  	v6 =	vld.idx.msk [tilespmem:v25+s16+$0x0], $0xffff;
	v25 =	vadd.f32 v28, v62  }
0x295: {  	v28 =	vld.idx.msk [tilespmem:v21+s14+$0x0], $0xffff;
	v0 =	vadd.f32 v2, v0;
	v2 =	vmul.f32 v4, v4;
	v4 =	vsub.f32 v27, v10  }
0x296: {  	v10 =	vld.idx.msk [tilespmem:v23+s16+$0x0], $0xffff;
	v23 =	vadd.f32 v26, v63  }
0x297: {  	v26 =	vld.idx.msk [tilespmem:v19+s14+$0x0], $0xffff;
	v0 =	vadd.f32 v2, v0;
	v2 =	vmul.f32 v4, v4;
	v4 =	vsub.f32 v25, v8  }
0x298: {  	v8 =	vld.idx.msk [tilespmem:v21+s16+$0x0], $0xffff;
	v21 =	vadd.f32 v24, v30  }
0x299: {  	v24 =	vld.idx.msk [tilespmem:v17+s14+$0x0], $0xffff;
	v0 =	vadd.f32 v2, v0;
	v2 =	vmul.f32 v4, v4;
	v4 =	vsub.f32 v23, v6  }
0x29a: {  	v6 =	vld.idx.msk [tilespmem:v19+s16+$0x0], $0xffff;
	v19 =	vadd.f32 v22, v28  }
0x29b: {  	v22 =	vld.idx.msk [tilespmem:v15+s14+$0x0], $0xffff;
	v0 =	vadd.f32 v2, v0;
	v2 =	vmul.f32 v4, v4;
	v4 =	vsub.f32 v21, v10  }
0x29c: {  	v10 =	vld.idx.msk [tilespmem:v17+s16+$0x0], $0xffff;
	v17 =	vadd.f32 v20, v26  }
0x29d: {  	v20 =	vld.idx.msk [tilespmem:v13+s14+$0x0], $0xffff;
	v0 =	vadd.f32 v2, v0;
	v2 =	vmul.f32 v4, v4;
	v4 =	vsub.f32 v19, v8  }
0x29e: {  	v8 =	vld.idx.msk [tilespmem:v15+s16+$0x0], $0xffff;
	v15 =	vadd.f32 v18, v24  }
0x29f: {  	v0 =	vadd.f32 v2, v0;
	v2 =	vmul.f32 v4, v4;
	v4 =	vsub.f32 v17, v6  }
0x2a0: {  	v6 =	vld.idx.msk [tilespmem:v13+s16+$0x0], $0xffff;
	v13 =	vadd.f32 v16, v22  }
0x2a1: {  	v18 =	vld.idx.msk [tilespmem:v11+s14+$0x0], $0xffff;
	v0 =	vadd.f32 v2, v0;
	v2 =	vmul.f32 v4, v4;
	v4 =	vsub.f32 v15, v10  }
0x2a2: {  	v10 =	vld.idx.msk [tilespmem:v11+s16+$0x0], $0xffff;
	v11 =	vadd.f32 v14, v20  }
0x2a3: {  	v16 =	vld.idx.msk [tilespmem:v9+s14+$0x0], $0xffff;
	v0 =	vadd.f32 v2, v0;
	v2 =	vmul.f32 v4, v4;
	v4 =	vsub.f32 v13, v8  }
0x2a4: {  	v14 =	vld.idx.msk [tilespmem:v7+s14+$0x0], $0xffff  }
0x2a5: {  	v0 =	vadd.f32 v2, v0;
	v2 =	vmul.f32 v4, v4;
	v4 =	vsub.f32 v11, v6;
	v6 =	vld.idx.msk [tilespmem:v7+s16+$0x0], $0xffff  }
0x2a6: {  	v7 =	vld [tilespmem:$0x1FF50];
	_ =	sdelay $0x1  }
0x2a7: {  	v8 =	vld.idx.msk [tilespmem:v9+s16+$0x0], $0xffff  }
0x2a8: {  	v9 =	vadd.f32 v12, v18  }
0x2a9: {  	v0 =	vadd.f32 v2, v0  }
0x2aa: {  	v2 =	vmul.f32 v4, v4;
	v4 =	vsub.f32 v9, v10;
	v9 =	vld [tilespmem:$0x1FF40];
	v7 =	vadd.f32 v7, v16  }
0x2ab: {  	v12 =	vld.idx.msk [tilespmem:v5+s14+$0x0], $0xffff  }
0x2ac: {  	v0 =	vadd.f32 v2, v0;
	v2 =	vmul.f32 v4, v4;
	v4 =	vsub.f32 v7, v8;
	v7 =	vld [tilespmem:$0x1FF30];
	_ =	sdelay $0x1  }
0x2ad: {  	v5 =	vld.idx.msk [tilespmem:v5+s16+$0x0], $0xffff  }
0x2ae: {  	v11 =	vld.idx.msk [tilespmem:v3+s14+$0x0], $0xffff;
	v9 =	vadd.f32 v9, v14  }
0x2af: {  	v3 =	vld.idx.msk [tilespmem:v3+s16+$0x0], $0xffff;
	v0 =	vadd.f32 v2, v0  }
0x2b0: {  	v2 =	vmul.f32 v4, v4;
	v4 =	vsub.f32 v9, v6;
	v6 =	vld [tilespmem:$0x1FF20];
	v7 =	vadd.f32 v7, v12  }
0x2b1: {  	v10 =	vld.idx.msk [tilespmem:v1+s14+$0x0], $0xffff  }
0x2b2: {  	v0 =	vadd.f32 v2, v0;
	v2 =	vmul.f32 v4, v4;
	v4 =	vsub.f32 v7, v5;
	v5 =	vld [tilespmem:$0x1FEE0];
	_ =	sdelay $0x1  }
0x2b3: {  	v1 =	vld.idx.msk [tilespmem:v1+s16+$0x0], $0xffff  }
0x2b4: {  	v6 =	vadd.f32 v6, v11  }
0x2b5: {  	v0 =	vadd.f32 v2, v0  }
0x2b6: {  	v2 =	vmul.f32 v4, v4;
	v3 =	vsub.f32 v6, v3;
	v5 =	vadd.f32 v5, v10;
	_ =	sdelay $0x1  }
0x2b7: {  	v0 =	vadd.f32 v2, v0;
	v2 =	vmul.f32 v3, v3;
	v1 =	vsub.f32 v5, v1;
	_ =	sdelay $0x1  }
0x2b8: {  	v0 =	vadd.f32 v2, v0;
	v1 =	vmul.f32 v1, v1;
	_ =	sdelay $0x1  }
0x2b9: {  	v0 =	vadd.f32 v1, v0;
	_ =	sdelay $0x1  }
0x2ba: {  	v1 =	vshra.s32 v0, $0x1;
	v2 =	vmul.f32 $5.000000000e-01, v0  }
0x2bb: {  	v1 =	vsub.s32 $0x5F3759DF, v1  }
0x2bc: {  	v3 =	vmul.f32 v1, v2;
	_ =	sdelay $0x1  }
0x2bd: {  	v3 =	vmul.f32 v1, v3;
	_ =	sdelay $0x1  }
0x2be: {  	v3 =	vsub.f32 $1.500000000e+00, v3;
	_ =	sdelay $0x1  }
0x2bf: {  	v1 =	vmul.f32 v1, v3;
	_ =	sdelay $0x1  }
0x2c0: {  	v3 =	vmul.f32 v1, v2;
	_ =	sdelay $0x1  }
0x2c1: {  	v3 =	vmul.f32 v3, v1;
	_ =	sdelay $0x1  }
0x2c2: {  	v3 =	vsub.f32 $1.500000000e+00, v3;
	_ =	sdelay $0x1  }
0x2c3: {  	v3 =	vmul.f32 v3, v1;
	_ =	sdelay $0x1  }
0x2c4: {  	v1 =	vmul.f32 v3, v2;
	_ =	sdelay $0x1  }
0x2c5: {  	v1 =	vmul.f32 v1, v3;
	_ =	sdelay $0x1  }
0x2c6: {  	v4 =	vsub.f32 $1.500000000e+00, v1;
	v1 =	vld [tilespmem:$0x1FFF0];
	_ =	sdelay $0x2  }
0x2c7: {  	v2 =	vmov s17  }
0x2c8: {  	v2 =	vshll.u32 v2, $0x5  }
0x2c9: {  	v44 =	vor.u32 v1, v2  }
0x2ca: {  	v2 =	vmul.f32 v4, v3;
	v1 =	vor.u32 $0x1F, v44  }
0x2cb: {  	v3 =	vor.u32 $0x1E, v44  }
0x2cc: {  	v11 =	vor.u32 $0x1A, v44;
	v0 =	vmul.f32 v2, v0  }
0x2cd: {  	s1 =	sadd.s32 $0x10, s1;
	v13 =	vor.u32 $0x19, v44  }
0x2ce: {  	v15 =	vor.u32 $0x18, v44;
	[tilespmem:s1+$0x0] =	vst v0  }
0x2cf: {  	v17 =	vor.u32 $0x17, v44;
	v63 =	vld.idx.msk [tilespmem:v1+s15+$0x0], $0xffff  }
0x2d0: {  	v19 =	vor.u32 $0x16, v44;
	v0 =	vld.idx.msk [tilespmem:v3+s15+$0x0], $0xffff  }
0x2d1: {  	v21 =	vor.u32 $0x15, v44;
	v12 =	vld.idx.msk [tilespmem:v11+s15+$0x0], $0xffff  }
0x2d2: {  	v23 =	vor.u32 $0x14, v44;
	v14 =	vld.idx.msk [tilespmem:v13+s15+$0x0], $0xffff  }
0x2d3: {  	v25 =	vor.u32 $0x13, v44;
	v16 =	vld.idx.msk [tilespmem:v15+s15+$0x0], $0xffff  }
0x2d4: {  	v27 =	vor.u32 $0x12, v44;
	v18 =	vld.idx.msk [tilespmem:v17+s15+$0x0], $0xffff  }
0x2d5: {  	v5 =	vor.u32 $0x1D, v44;
	v20 =	vld.idx.msk [tilespmem:v19+s15+$0x0], $0xffff  }
0x2d6: {  	v29 =	vor.u32 $0x11, v44;
	v22 =	vld.idx.msk [tilespmem:v21+s15+$0x0], $0xffff  }
0x2d7: {  	v31 =	vor.u32 $0x10, v44;
	v24 =	vld.idx.msk [tilespmem:v23+s15+$0x0], $0xffff  }
0x2d8: {  	v33 =	vor.u32 $0xF, v44;
	v26 =	vld.idx.msk [tilespmem:v25+s15+$0x0], $0xffff  }
0x2d9: {  	v35 =	vor.u32 $0xE, v44;
	v28 =	vld.idx.msk [tilespmem:v27+s15+$0x0], $0xffff  }
0x2da: {  	v7 =	vor.u32 $0x1C, v44;
	[tilespmem:$0x1FF20] =	vst v0;
	v0 =	vld.idx.msk [tilespmem:v5+s15+$0x0], $0xffff  }
0x2db: {  	v37 =	vor.u32 $0xD, v44;
	v30 =	vld.idx.msk [tilespmem:v29+s15+$0x0], $0xffff  }
0x2dc: {  	v39 =	vor.u32 $0xC, v44;
	v32 =	vld.idx.msk [tilespmem:v31+s15+$0x0], $0xffff  }
0x2dd: {  	v41 =	vor.u32 $0xB, v44;
	v34 =	vld.idx.msk [tilespmem:v33+s15+$0x0], $0xffff  }
0x2de: {  	v43 =	vor.u32 $0xA, v44;
	v36 =	vld.idx.msk [tilespmem:v35+s15+$0x0], $0xffff  }
0x2df: {  	v9 =	vor.u32 $0x1B, v44;
	[tilespmem:$0x1FF30] =	vst v0;
	v0 =	vld.idx.msk [tilespmem:v7+s15+$0x0], $0xffff  }
0x2e0: {  	v46 =	vor.u32 $0x9, v44;
	v38 =	vld.idx.msk [tilespmem:v37+s15+$0x0], $0xffff  }
0x2e1: {  	v48 =	vor.u32 $0x8, v44;
	v40 =	vld.idx.msk [tilespmem:v39+s15+$0x0], $0xffff  }
0x2e2: {  	v50 =	vor.u32 $0x7, v44;
	v42 =	vld.idx.msk [tilespmem:v41+s15+$0x0], $0xffff  }
0x2e3: {  	v52 =	vor.u32 $0x6, v44;
	v45 =	vld.idx.msk [tilespmem:v43+s15+$0x0], $0xffff  }
0x2e4: {  	p0 =	sne.s32 s17, $0xF0;
	v54 =	vor.u32 $0x5, v44;
	[tilespmem:$0x1FF40] =	vst v0;
	v0 =	vld.idx.msk [tilespmem:v9+s15+$0x0], $0xffff  }
.Ltmp1:
0x2e5: {  	v47 =	vld.idx.msk [tilespmem:v46+s15+$0x0], $0xffff;
	(pc) =	sbr.rel @p0 .LBB2_4-.Ltmp1, $4  }
0x2e6: {  	v49 =	vld.idx.msk [tilespmem:v48+s15+$0x0], $0xffff  }
0x2e7: {  	v51 =	vld.idx.msk [tilespmem:v50+s15+$0x0], $0xffff  }
0x2e8: {  	v56 =	vor.u32 $0x4, v44;
	v53 =	vld.idx.msk [tilespmem:v52+s15+$0x0], $0xffff  }
0x2e9: {  	s17 =	sadd.s32 $0x10, s17;
	v57 =	vor.u32 $0x3, v44;
	v58 =	vor.u32 $0x2, v44;
	v59 =	vor.u32 $0x1, v44;
	v55 =	vld.idx.msk [tilespmem:v54+s15+$0x0], $0xffff;
	[tilespmem:$0x1FF50] =	vst v0  }
0x2ea: {  	_ =	sdelay $0x3  }
0x2eb: {  	v0 =	vld.idx.msk [tilespmem:v58+s15+$0x0], $0xffff  }
0x2ec: {  	v2 =	vld.idx.msk [tilespmem:v59+s15+$0x0], $0xffff  }
0x2ed: {  	v4 =	vld.idx.msk [tilespmem:v59+s14+$0x0], $0xffff  }
0x2ee: {  	v6 =	vld.idx.msk [tilespmem:v44+s15+$0x0], $0xffff  }
0x2ef: {  	v8 =	vld.idx.msk [tilespmem:v44+s14+$0x0], $0xffff  }
0x2f0: {  	v10 =	vld.idx.msk [tilespmem:v59+s16+$0x0], $0xffff  }
0x2f1: {  	v44 =	vld.idx.msk [tilespmem:v44+s16+$0x0], $0xffff  }
0x2f2: {  	v59 =	vld.idx.msk [tilespmem:v58+s14+$0x0], $0xffff  }
0x2f3: {  	v58 =	vld.idx.msk [tilespmem:v58+s16+$0x0], $0xffff  }
0x2f4: {  	v60 =	vld.idx.msk [tilespmem:v57+s15+$0x0], $0xffff  }
0x2f5: {  	v61 =	vld.idx.msk [tilespmem:v57+s14+$0x0], $0xffff  }
0x2f6: {  	v62 =	vld.idx.msk [tilespmem:v56+s15+$0x0], $0xffff  }
0x2f7: {  	v6 =	vadd.f32 v6, v8;
	v2 =	vadd.f32 v2, v4;
	v4 =	vld.idx.msk [tilespmem:v56+s14+$0x0], $0xffff  }
0x2f8: {  	v0 =	vadd.f32 v0, v59;
	v8 =	vld.idx.msk [tilespmem:v57+s16+$0x0], $0xffff  }
0x2f9: {  	v6 =	vsub.f32 v6, v44;
	v2 =	vsub.f32 v2, v10;
	v10 =	vld.idx.msk [tilespmem:v54+s14+$0x0], $0xffff  }
0x2fa: {  	v56 =	vld.idx.msk [tilespmem:v56+s16+$0x0], $0xffff;
	v44 =	vadd.f32 v60, v61  }
0x2fb: {  	v57 =	vld.idx.msk [tilespmem:v52+s14+$0x0], $0xffff;
	v0 =	vsub.f32 v0, v58;
	v6 =	vmul.f32 v6, v6;
	v2 =	vmul.f32 v2, v2  }
0x2fc: {  	v60 =	vld.idx.msk [tilespmem:v54+s16+$0x0], $0xffff;
	v4 =	vadd.f32 v62, v4  }
0x2fd: {  	v61 =	vld.idx.msk [tilespmem:v50+s14+$0x0], $0xffff;
	v0 =	vmul.f32 v0, v0;
	v2 =	vadd.f32 v2, v6;
	v6 =	vsub.f32 v44, v8  }
0x2fe: {  	v8 =	vld.idx.msk [tilespmem:v52+s16+$0x0], $0xffff;
	v10 =	vadd.f32 v55, v10  }
0x2ff: {  	v62 =	vld.idx.msk [tilespmem:v48+s14+$0x0], $0xffff;
	v4 =	vsub.f32 v4, v56;
	v0 =	vadd.f32 v0, v2;
	v2 =	vmul.f32 v6, v6  }
0x300: {  	v56 =	vadd.f32 v53, v57;
	v6 =	vld.idx.msk [tilespmem:v50+s16+$0x0], $0xffff  }
0x301: {  	v57 =	vld.idx.msk [tilespmem:v46+s14+$0x0], $0xffff;
	v0 =	vadd.f32 v2, v0;
	v2 =	vmul.f32 v4, v4;
	v4 =	vsub.f32 v10, v60  }
0x302: {  	v58 =	vadd.f32 v51, v61;
	v10 =	vld.idx.msk [tilespmem:v48+s16+$0x0], $0xffff  }
0x303: {  	v59 =	vld.idx.msk [tilespmem:v43+s14+$0x0], $0xffff;
	v0 =	vadd.f32 v2, v0;
	v2 =	vmul.f32 v4, v4;
	v4 =	vsub.f32 v56, v8  }
0x304: {  	v44 =	vadd.f32 v49, v62;
	v8 =	vld.idx.msk [tilespmem:v46+s16+$0x0], $0xffff  }
0x305: {  	v60 =	vld.idx.msk [tilespmem:v41+s14+$0x0], $0xffff;
	v0 =	vadd.f32 v2, v0;
	v2 =	vmul.f32 v4, v4;
	v4 =	vsub.f32 v58, v6  }
0x306: {  	v61 =	vadd.f32 v47, v57;
	v6 =	vld.idx.msk [tilespmem:v43+s16+$0x0], $0xffff  }
0x307: {  	v62 =	vld.idx.msk [tilespmem:v39+s14+$0x0], $0xffff;
	v0 =	vadd.f32 v2, v0;
	v2 =	vmul.f32 v4, v4;
	v4 =	vsub.f32 v44, v10  }
0x308: {  	v48 =	vadd.f32 v45, v59;
	v10 =	vld.idx.msk [tilespmem:v41+s16+$0x0], $0xffff  }
0x309: {  	v49 =	vld.idx.msk [tilespmem:v37+s14+$0x0], $0xffff;
	v0 =	vadd.f32 v2, v0;
	v2 =	vmul.f32 v4, v4;
	v4 =	vsub.f32 v61, v8  }
0x30a: {  	v50 =	vadd.f32 v42, v60;
	v8 =	vld.idx.msk [tilespmem:v39+s16+$0x0], $0xffff  }
0x30b: {  	v51 =	vld.idx.msk [tilespmem:v35+s14+$0x0], $0xffff;
	v0 =	vadd.f32 v2, v0;
	v2 =	vmul.f32 v4, v4;
	v4 =	vsub.f32 v48, v6  }
0x30c: {  	v52 =	vadd.f32 v40, v62;
	v6 =	vld.idx.msk [tilespmem:v37+s16+$0x0], $0xffff  }
0x30d: {  	v53 =	vld.idx.msk [tilespmem:v33+s14+$0x0], $0xffff;
	v0 =	vadd.f32 v2, v0;
	v2 =	vmul.f32 v4, v4;
	v4 =	vsub.f32 v50, v10  }
0x30e: {  	v54 =	vadd.f32 v38, v49;
	v10 =	vld.idx.msk [tilespmem:v35+s16+$0x0], $0xffff  }
0x30f: {  	v55 =	vld.idx.msk [tilespmem:v31+s14+$0x0], $0xffff;
	v0 =	vadd.f32 v2, v0;
	v2 =	vmul.f32 v4, v4;
	v4 =	vsub.f32 v52, v8  }
0x310: {  	v56 =	vadd.f32 v36, v51;
	v8 =	vld.idx.msk [tilespmem:v33+s16+$0x0], $0xffff  }
0x311: {  	v57 =	vld.idx.msk [tilespmem:v29+s14+$0x0], $0xffff;
	v0 =	vadd.f32 v2, v0;
	v2 =	vmul.f32 v4, v4;
	v4 =	vsub.f32 v54, v6  }
0x312: {  	v6 =	vld.idx.msk [tilespmem:v31+s16+$0x0], $0xffff;
	v31 =	vadd.f32 v34, v53  }
0x313: {  	v58 =	vld.idx.msk [tilespmem:v27+s14+$0x0], $0xffff;
	v0 =	vadd.f32 v2, v0;
	v2 =	vmul.f32 v4, v4;
	v4 =	vsub.f32 v56, v10  }
0x314: {  	v10 =	vld.idx.msk [tilespmem:v29+s16+$0x0], $0xffff;
	v29 =	vadd.f32 v32, v55  }
0x315: {  	v59 =	vld.idx.msk [tilespmem:v25+s14+$0x0], $0xffff;
	v0 =	vadd.f32 v2, v0;
	v2 =	vmul.f32 v4, v4;
	v4 =	vsub.f32 v31, v8  }
0x316: {  	v8 =	vld.idx.msk [tilespmem:v27+s16+$0x0], $0xffff;
	v27 =	vadd.f32 v30, v57  }
0x317: {  	v30 =	vld.idx.msk [tilespmem:v23+s14+$0x0], $0xffff;
	v0 =	vadd.f32 v2, v0;
	v2 =	vmul.f32 v4, v4;
	v4 =	vsub.f32 v29, v6  }
0x318: {  	v6 =	vld.idx.msk [tilespmem:v25+s16+$0x0], $0xffff;
	v25 =	vadd.f32 v28, v58  }
0x319: {  	v28 =	vld.idx.msk [tilespmem:v21+s14+$0x0], $0xffff;
	v0 =	vadd.f32 v2, v0;
	v2 =	vmul.f32 v4, v4;
	v4 =	vsub.f32 v27, v10  }
0x31a: {  	v10 =	vld.idx.msk [tilespmem:v23+s16+$0x0], $0xffff;
	v23 =	vadd.f32 v26, v59  }
0x31b: {  	v26 =	vld.idx.msk [tilespmem:v19+s14+$0x0], $0xffff;
	v0 =	vadd.f32 v2, v0;
	v2 =	vmul.f32 v4, v4;
	v4 =	vsub.f32 v25, v8  }
0x31c: {  	v8 =	vld.idx.msk [tilespmem:v21+s16+$0x0], $0xffff;
	v21 =	vadd.f32 v24, v30  }
0x31d: {  	v24 =	vld.idx.msk [tilespmem:v17+s14+$0x0], $0xffff;
	v0 =	vadd.f32 v2, v0;
	v2 =	vmul.f32 v4, v4;
	v4 =	vsub.f32 v23, v6  }
0x31e: {  	v6 =	vld.idx.msk [tilespmem:v19+s16+$0x0], $0xffff;
	v19 =	vadd.f32 v22, v28  }
0x31f: {  	v22 =	vld.idx.msk [tilespmem:v15+s14+$0x0], $0xffff;
	v0 =	vadd.f32 v2, v0;
	v2 =	vmul.f32 v4, v4;
	v4 =	vsub.f32 v21, v10  }
0x320: {  	v10 =	vld.idx.msk [tilespmem:v17+s16+$0x0], $0xffff;
	v17 =	vadd.f32 v20, v26  }
0x321: {  	v20 =	vld.idx.msk [tilespmem:v13+s14+$0x0], $0xffff;
	v0 =	vadd.f32 v2, v0;
	v2 =	vmul.f32 v4, v4;
	v4 =	vsub.f32 v19, v8  }
0x322: {  	v8 =	vld.idx.msk [tilespmem:v15+s16+$0x0], $0xffff;
	v15 =	vadd.f32 v18, v24  }
0x323: {  	v18 =	vld.idx.msk [tilespmem:v11+s14+$0x0], $0xffff;
	v0 =	vadd.f32 v2, v0;
	v2 =	vmul.f32 v4, v4;
	v4 =	vsub.f32 v17, v6  }
0x324: {  	v6 =	vld.idx.msk [tilespmem:v13+s16+$0x0], $0xffff;
	v13 =	vadd.f32 v16, v22  }
0x325: {  	v16 =	vld.idx.msk [tilespmem:v9+s14+$0x0], $0xffff;
	v0 =	vadd.f32 v2, v0;
	v2 =	vmul.f32 v4, v4;
	v4 =	vsub.f32 v15, v10  }
0x326: {  	v10 =	vld.idx.msk [tilespmem:v11+s16+$0x0], $0xffff;
	v11 =	vadd.f32 v14, v20  }
0x327: {  	v14 =	vld.idx.msk [tilespmem:v7+s14+$0x0], $0xffff;
	v0 =	vadd.f32 v2, v0;
	v2 =	vmul.f32 v4, v4;
	v4 =	vsub.f32 v13, v8  }
0x328: {  	v8 =	vld.idx.msk [tilespmem:v9+s16+$0x0], $0xffff  }
0x329: {  	v0 =	vadd.f32 v2, v0;
	v2 =	vmul.f32 v4, v4;
	v4 =	vsub.f32 v11, v6;
	v6 =	vld.idx.msk [tilespmem:v7+s16+$0x0], $0xffff  }
0x32a: {  	v9 =	vadd.f32 v12, v18;
	v7 =	vld [tilespmem:$0x1FF50];
	_ =	sdelay $0x1  }
0x32b: {  	v0 =	vadd.f32 v2, v0;
	v2 =	vmul.f32 v4, v4;
	v4 =	vsub.f32 v9, v10;
	v9 =	vld [tilespmem:$0x1FF40];
	_ =	sdelay $0x2  }
0x32c: {  	v12 =	vld.idx.msk [tilespmem:v5+s14+$0x0], $0xffff;
	v7 =	vadd.f32 v7, v16  }
0x32d: {  	v5 =	vld.idx.msk [tilespmem:v5+s16+$0x0], $0xffff;
	v0 =	vadd.f32 v2, v0  }
0x32e: {  	v2 =	vmul.f32 v4, v4;
	v9 =	vadd.f32 v9, v14;
	v4 =	vsub.f32 v7, v8;
	v7 =	vld [tilespmem:$0x1FF30]  }
0x32f: {  	v11 =	vld.idx.msk [tilespmem:v3+s14+$0x0], $0xffff  }
0x330: {  	v0 =	vadd.f32 v2, v0;
	v2 =	vmul.f32 v4, v4;
	v4 =	vsub.f32 v9, v6;
	v6 =	vld [tilespmem:$0x1FF20]  }
0x331: {  	v3 =	vld.idx.msk [tilespmem:v3+s16+$0x0], $0xffff  }
0x332: {  	v10 =	vld.idx.msk [tilespmem:v1+s14+$0x0], $0xffff  }
0x333: {  	v7 =	vadd.f32 v7, v12  }
0x334: {  	v1 =	vld.idx.msk [tilespmem:v1+s16+$0x0], $0xffff;
	v0 =	vadd.f32 v2, v0;
	v2 =	vmul.f32 v4, v4  }
0x335: {  	v6 =	vadd.f32 v6, v11;
	v4 =	vsub.f32 v7, v5  }
0x336: {  	v0 =	vadd.f32 v2, v0  }
0x337: {  	v5 =	vadd.f32 v63, v10;
	v2 =	vmul.f32 v4, v4;
	v3 =	vsub.f32 v6, v3;
	_ =	sdelay $0x1  }
0x338: {  	v1 =	vsub.f32 v5, v1;
	v0 =	vadd.f32 v2, v0;
	v2 =	vmul.f32 v3, v3;
	_ =	sdelay $0x1  }
0x339: {  	v1 =	vmul.f32 v1, v1;
	v0 =	vadd.f32 v2, v0;
	_ =	sdelay $0x1  }
0x33a: {  	v0 =	vadd.f32 v1, v0;
	_ =	sdelay $0x1  }
0x33b: {  	v1 =	vshra.s32 v0, $0x1;
	v2 =	vmul.f32 $5.000000000e-01, v0  }
0x33c: {  	v1 =	vsub.s32 $0x5F3759DF, v1  }
0x33d: {  	v3 =	vmul.f32 v1, v2;
	_ =	sdelay $0x1  }
0x33e: {  	v3 =	vmul.f32 v1, v3;
	_ =	sdelay $0x1  }
0x33f: {  	v3 =	vsub.f32 $1.500000000e+00, v3;
	_ =	sdelay $0x1  }
0x340: {  	v1 =	vmul.f32 v1, v3;
	_ =	sdelay $0x1  }
0x341: {  	v3 =	vmul.f32 v1, v2;
	_ =	sdelay $0x1  }
0x342: {  	v3 =	vmul.f32 v3, v1;
	_ =	sdelay $0x1  }
0x343: {  	v3 =	vsub.f32 $1.500000000e+00, v3;
	_ =	sdelay $0x1  }
0x344: {  	v1 =	vmul.f32 v3, v1;
	_ =	sdelay $0x1  }
0x345: {  	v2 =	vmul.f32 v1, v2;
	_ =	sdelay $0x1  }
0x346: {  	v2 =	vmul.f32 v2, v1;
	_ =	sdelay $0x1  }
0x347: {  	v2 =	vsub.f32 $1.500000000e+00, v2;
	_ =	sdelay $0x1  }
0x348: {  	v1 =	vmul.f32 v2, v1;
	_ =	sdelay $0x1  }
0x349: {  	v0 =	vmul.f32 v1, v0  }
0x34a: {  	s1 =	sadd.s32 $0x10, s1  }
0x34b: {  	[tilespmem:s1+$0x0] =	vst v0  }
0x34c: {  	_ =	swait.ge [sflag:s24], $0x1000  }
0x34d: {  	[sflag:s24] =	ssyncset.done $0x0  }
0x34e: {  	[sflag:s24] =	ssyncadd.s32 $0xFFFFF000  }
0x34f: {  	_ =	swait.ge [sflag:s25], $0x1000  }
0x350: {  	v1 =	vld [tilespmem:$0x1FFF0];
	_ =	sdelay $0x1  }
0x351: {  	s17 =	simm.s32 $0x100  }
0x352: {  	v0 =	vmov s17  }
0x353: {  	v0 =	vshll.u32 v0, $0x5  }
0x354: {  	[sflag:s25] =	ssyncset.done $0x0;
	v0 =	vor.u32 v1, v0  }
0x355: {  	[sflag:s25] =	ssyncadd.s32 $0xFFFFF000  }
0x356: {  	_ =	swait.ge [sflag:s26], $0x1000  }
0x357: {  	[sflag:s26] =	ssyncset.done $0x0;
	v6 =	vor.u32 $0x1F, v0  }
0x358: {  	[sflag:s26] =	ssyncadd.s32 $0xFFFFF000;
	v9 =	vor.u32 $0x1B, v0  }
0x359: {  	v11 =	vor.u32 $0x1A, v0;
	v57 =	vld.idx.msk [tilespmem:v0+s15+$0x0], $0xffff  }
0x35a: {  	v13 =	vor.u32 $0x19, v0;
	v58 =	vld.idx.msk [tilespmem:v0+s14+$0x0], $0xffff  }
0x35b: {  	v15 =	vor.u32 $0x18, v0;
	v61 =	vld.idx.msk [tilespmem:v0+s16+$0x0], $0xffff  }
0x35c: {  	v17 =	vor.u32 $0x17, v0;
	v1 =	vld.idx.msk [tilespmem:v6+s15+$0x0], $0xffff  }
0x35d: {  	v19 =	vor.u32 $0x16, v0;
	v10 =	vld.idx.msk [tilespmem:v9+s15+$0x0], $0xffff  }
0x35e: {  	v21 =	vor.u32 $0x15, v0;
	v12 =	vld.idx.msk [tilespmem:v11+s15+$0x0], $0xffff  }
0x35f: {  	v23 =	vor.u32 $0x14, v0;
	v14 =	vld.idx.msk [tilespmem:v13+s15+$0x0], $0xffff  }
0x360: {  	v25 =	vor.u32 $0x13, v0;
	v16 =	vld.idx.msk [tilespmem:v15+s15+$0x0], $0xffff  }
0x361: {  	v27 =	vor.u32 $0x12, v0;
	v18 =	vld.idx.msk [tilespmem:v17+s15+$0x0], $0xffff  }
0x362: {  	v29 =	vor.u32 $0x11, v0;
	v20 =	vld.idx.msk [tilespmem:v19+s15+$0x0], $0xffff  }
0x363: {  	v31 =	vor.u32 $0x10, v0;
	v22 =	vld.idx.msk [tilespmem:v21+s15+$0x0], $0xffff  }
0x364: {  	v32 =	vor.u32 $0xF, v0;
	v24 =	vld.idx.msk [tilespmem:v23+s15+$0x0], $0xffff  }
0x365: {  	v33 =	vor.u32 $0xE, v0;
	v26 =	vld.idx.msk [tilespmem:v25+s15+$0x0], $0xffff  }
0x366: {  	v34 =	vor.u32 $0xD, v0;
	v28 =	vld.idx.msk [tilespmem:v27+s15+$0x0], $0xffff  }
0x367: {  	v35 =	vor.u32 $0xC, v0;
	v30 =	vld.idx.msk [tilespmem:v29+s15+$0x0], $0xffff  }
0x368: {  	v36 =	vor.u32 $0xB, v0;
	v37 =	vld.idx.msk [tilespmem:v31+s15+$0x0], $0xffff  }
0x369: {  	v38 =	vor.u32 $0xA, v0;
	v39 =	vld.idx.msk [tilespmem:v32+s15+$0x0], $0xffff  }
0x36a: {  	v40 =	vor.u32 $0x9, v0;
	v41 =	vld.idx.msk [tilespmem:v33+s15+$0x0], $0xffff  }
0x36b: {  	v42 =	vor.u32 $0x8, v0;
	v43 =	vld.idx.msk [tilespmem:v34+s15+$0x0], $0xffff  }
0x36c: {  	v45 =	vor.u32 $0x3, v0;
	v44 =	vld.idx.msk [tilespmem:v35+s15+$0x0], $0xffff  }
0x36d: {  	v47 =	vor.u32 $0x2, v0;
	v46 =	vld.idx.msk [tilespmem:v36+s15+$0x0], $0xffff  }
0x36e: {  	v48 =	vld.idx.msk [tilespmem:v38+s15+$0x0], $0xffff  }
0x36f: {  	v60 =	vor.u32 $0x1, v0;
	v49 =	vld.idx.msk [tilespmem:v40+s15+$0x0], $0xffff  }
0x370: {  	v51 =	vld.idx.msk [tilespmem:v42+s15+$0x0], $0xffff  }
0x371: {  	v4 =	vor.u32 $0x1E, v0;
	v52 =	vld.idx.msk [tilespmem:v45+s15+$0x0], $0xffff  }
0x372: {  	v53 =	vld.idx.msk [tilespmem:v47+s15+$0x0], $0xffff  }
0x373: {  	v54 =	vld.idx.msk [tilespmem:v47+s14+$0x0], $0xffff  }
0x374: {  	v55 =	vld.idx.msk [tilespmem:v60+s15+$0x0], $0xffff  }
0x375: {  	v56 =	vld.idx.msk [tilespmem:v60+s14+$0x0], $0xffff  }
0x376: {  	v5 =	vor.u32 $0x1D, v0;
	[tilespmem:$0x1FE90] =	vst v1;
	v1 =	vld.idx.msk [tilespmem:v4+s15+$0x0], $0xffff  }
0x377: {  	v59 =	vor.u32 $0x7, v0;
	v50 =	vld.idx.msk [tilespmem:v60+s16+$0x0], $0xffff  }
0x378: {  	v62 =	vor.u32 $0x4, v0;
	v63 =	vld.idx.msk [tilespmem:v45+s14+$0x0], $0xffff  }
0x379: {  	v47 =	vld.idx.msk [tilespmem:v47+s16+$0x0], $0xffff  }
0x37a: {  	v7 =	vor.u32 $0x1C, v0;
	v60 =	vor.u32 $0x6, v0;
	v0 =	vor.u32 $0x5, v0;
	v45 =	vld.idx.msk [tilespmem:v45+s16+$0x0], $0xffff  }
0x37b: {  	[tilespmem:$0x1FE80] =	vst v1;
	v1 =	vld.idx.msk [tilespmem:v5+s15+$0x0], $0xffff  }
0x37c: {  	v3 =	vld.idx.msk [tilespmem:v59+s15+$0x0], $0xffff  }
0x37d: {  	v57 =	vadd.f32 v57, v58;
	v58 =	vld.idx.msk [tilespmem:v62+s16+$0x0], $0xffff  }
0x37e: {  	v55 =	vadd.f32 v55, v56;
	v56 =	vld.idx.msk [tilespmem:v62+s14+$0x0], $0xffff  }
0x37f: {  	v53 =	vadd.f32 v53, v54;
	v54 =	vld.idx.msk [tilespmem:v0+s15+$0x0], $0xffff  }
0x380: {  	[tilespmem:$0x1FE70] =	vst v1;
	v1 =	vld.idx.msk [tilespmem:v62+s15+$0x0], $0xffff  }
0x381: {  	v57 =	vsub.f32 v57, v61;
	v50 =	vsub.f32 v55, v50;
	v55 =	vld.idx.msk [tilespmem:v0+s14+$0x0], $0xffff  }
0x382: {  	v2 =	vld.idx.msk [tilespmem:v60+s15+$0x0], $0xffff;
	v52 =	vadd.f32 v52, v63  }
0x383: {  	v61 =	vld.idx.msk [tilespmem:v60+s14+$0x0], $0xffff;
	v47 =	vsub.f32 v53, v47;
	v57 =	vmul.f32 v57, v57;
	v50 =	vmul.f32 v50, v50  }
0x384: {  	v0 =	vld.idx.msk [tilespmem:v0+s16+$0x0], $0xffff;
	v45 =	vsub.f32 v52, v45  }
0x385: {  	v63 =	vld.idx.msk [tilespmem:v60+s16+$0x0], $0xffff;
	v47 =	vmul.f32 v47, v47;
	v50 =	vadd.f32 v50, v57;
	v1 =	vadd.f32 v1, v56  }
0x386: {  	v54 =	vadd.f32 v54, v55;
	v62 =	vld.idx.msk [tilespmem:v59+s14+$0x0], $0xffff  }
0x387: {  	v45 =	vmul.f32 v45, v45;
	v57 =	vld.idx.msk [tilespmem:v42+s14+$0x0], $0xffff;
	v47 =	vadd.f32 v47, v50;
	v1 =	vsub.f32 v1, v58  }
0x388: {  	v2 =	vadd.f32 v2, v61;
	v58 =	vld.idx.msk [tilespmem:v59+s16+$0x0], $0xffff  }
0x389: {  	v0 =	vsub.f32 v54, v0;
	v45 =	vadd.f32 v45, v47;
	v59 =	vld.idx.msk [tilespmem:v40+s14+$0x0], $0xffff;
	v1 =	vmul.f32 v1, v1  }
0x38a: {  	v42 =	vld.idx.msk [tilespmem:v42+s16+$0x0], $0xffff;
	v2 =	vsub.f32 v2, v63  }
0x38b: {  	v60 =	vld.idx.msk [tilespmem:v38+s14+$0x0], $0xffff;
	v0 =	vmul.f32 v0, v0;
	v3 =	vadd.f32 v3, v62;
	v1 =	vadd.f32 v1, v45  }
0x38c: {  	v61 =	vadd.f32 v51, v57;
	v40 =	vld.idx.msk [tilespmem:v40+s16+$0x0], $0xffff  }
0x38d: {  	v62 =	vld.idx.msk [tilespmem:v36+s14+$0x0], $0xffff;
	v0 =	vadd.f32 v0, v1;
	v1 =	vmul.f32 v2, v2;
	v2 =	vsub.f32 v3, v58  }
0x38e: {  	v63 =	vadd.f32 v49, v59;
	v3 =	vld.idx.msk [tilespmem:v38+s16+$0x0], $0xffff  }
0x38f: {  	v49 =	vld.idx.msk [tilespmem:v35+s14+$0x0], $0xffff;
	v0 =	vadd.f32 v1, v0;
	v1 =	vmul.f32 v2, v2;
	v2 =	vsub.f32 v61, v42  }
0x390: {  	v51 =	vadd.f32 v48, v60;
	v36 =	vld.idx.msk [tilespmem:v36+s16+$0x0], $0xffff  }
0x391: {  	v52 =	vld.idx.msk [tilespmem:v34+s14+$0x0], $0xffff;
	v0 =	vadd.f32 v1, v0;
	v1 =	vmul.f32 v2, v2;
	v2 =	vsub.f32 v63, v40  }
0x392: {  	v53 =	vadd.f32 v46, v62;
	v35 =	vld.idx.msk [tilespmem:v35+s16+$0x0], $0xffff  }
0x393: {  	v54 =	vld.idx.msk [tilespmem:v33+s14+$0x0], $0xffff;
	v0 =	vadd.f32 v1, v0;
	v1 =	vmul.f32 v2, v2;
	v2 =	vsub.f32 v51, v3  }
0x394: {  	v55 =	vadd.f32 v44, v49;
	v3 =	vld.idx.msk [tilespmem:v34+s16+$0x0], $0xffff  }
0x395: {  	v56 =	vld.idx.msk [tilespmem:v32+s14+$0x0], $0xffff;
	v0 =	vadd.f32 v1, v0;
	v1 =	vmul.f32 v2, v2;
	v2 =	vsub.f32 v53, v36  }
0x396: {  	v33 =	vld.idx.msk [tilespmem:v33+s16+$0x0], $0xffff;
	v57 =	vadd.f32 v43, v52  }
0x397: {  	v58 =	vld.idx.msk [tilespmem:v31+s14+$0x0], $0xffff;
	v0 =	vadd.f32 v1, v0;
	v1 =	vmul.f32 v2, v2;
	v2 =	vsub.f32 v55, v35  }
0x398: {  	v32 =	vld.idx.msk [tilespmem:v32+s16+$0x0], $0xffff;
	v59 =	vadd.f32 v41, v54  }
0x399: {  	v60 =	vld.idx.msk [tilespmem:v29+s14+$0x0], $0xffff;
	v0 =	vadd.f32 v1, v0;
	v1 =	vmul.f32 v2, v2;
	v2 =	vsub.f32 v57, v3  }
0x39a: {  	v3 =	vld.idx.msk [tilespmem:v31+s16+$0x0], $0xffff;
	v31 =	vadd.f32 v39, v56  }
0x39b: {  	v61 =	vld.idx.msk [tilespmem:v27+s14+$0x0], $0xffff;
	v0 =	vadd.f32 v1, v0;
	v1 =	vmul.f32 v2, v2;
	v2 =	vsub.f32 v59, v33  }
0x39c: {  	v29 =	vld.idx.msk [tilespmem:v29+s16+$0x0], $0xffff;
	v62 =	vadd.f32 v37, v58  }
0x39d: {  	v63 =	vld.idx.msk [tilespmem:v25+s14+$0x0], $0xffff;
	v0 =	vadd.f32 v1, v0;
	v1 =	vmul.f32 v2, v2;
	v2 =	vsub.f32 v31, v32  }
0x39e: {  	v30 =	vadd.f32 v30, v60;
	v27 =	vld.idx.msk [tilespmem:v27+s16+$0x0], $0xffff  }
0x39f: {  	v31 =	vld.idx.msk [tilespmem:v23+s14+$0x0], $0xffff;
	v0 =	vadd.f32 v1, v0;
	v1 =	vmul.f32 v2, v2;
	v2 =	vsub.f32 v62, v3  }
0x3a0: {  	v3 =	vld.idx.msk [tilespmem:v25+s16+$0x0], $0xffff;
	v25 =	vadd.f32 v28, v61  }
0x3a1: {  	v28 =	vld.idx.msk [tilespmem:v21+s14+$0x0], $0xffff;
	v0 =	vadd.f32 v1, v0;
	v1 =	vmul.f32 v2, v2;
	v2 =	vsub.f32 v30, v29  }
0x3a2: {  	v26 =	vadd.f32 v26, v63;
	v23 =	vld.idx.msk [tilespmem:v23+s16+$0x0], $0xffff  }
0x3a3: {  	v29 =	vld.idx.msk [tilespmem:v19+s14+$0x0], $0xffff;
	v0 =	vadd.f32 v1, v0;
	v1 =	vmul.f32 v2, v2;
	v2 =	vsub.f32 v25, v27  }
0x3a4: {  	v21 =	vld.idx.msk [tilespmem:v21+s16+$0x0], $0xffff;
	v24 =	vadd.f32 v24, v31  }
0x3a5: {  	v25 =	vld.idx.msk [tilespmem:v17+s14+$0x0], $0xffff;
	v0 =	vadd.f32 v1, v0;
	v1 =	vmul.f32 v2, v2;
	v2 =	vsub.f32 v26, v3  }
0x3a6: {  	v3 =	vld.idx.msk [tilespmem:v19+s16+$0x0], $0xffff;
	v19 =	vadd.f32 v22, v28  }
0x3a7: {  	v22 =	vld.idx.msk [tilespmem:v15+s14+$0x0], $0xffff;
	v0 =	vadd.f32 v1, v0;
	v1 =	vmul.f32 v2, v2;
	v2 =	vsub.f32 v24, v23  }
0x3a8: {  	v17 =	vld.idx.msk [tilespmem:v17+s16+$0x0], $0xffff;
	v20 =	vadd.f32 v20, v29  }
0x3a9: {  	v23 =	vld.idx.msk [tilespmem:v13+s14+$0x0], $0xffff;
	v0 =	vadd.f32 v1, v0;
	v1 =	vmul.f32 v2, v2;
	v2 =	vsub.f32 v19, v21  }
0x3aa: {  	v15 =	vld.idx.msk [tilespmem:v15+s16+$0x0], $0xffff;
	v18 =	vadd.f32 v18, v25  }
0x3ab: {  	v19 =	vld.idx.msk [tilespmem:v11+s14+$0x0], $0xffff;
	v0 =	vadd.f32 v1, v0;
	v1 =	vmul.f32 v2, v2;
	v2 =	vsub.f32 v20, v3  }
0x3ac: {  	v3 =	vld.idx.msk [tilespmem:v13+s16+$0x0], $0xffff;
	v13 =	vadd.f32 v16, v22  }
0x3ad: {  	v16 =	vld.idx.msk [tilespmem:v9+s14+$0x0], $0xffff;
	v0 =	vadd.f32 v1, v0;
	v1 =	vmul.f32 v2, v2;
	v2 =	vsub.f32 v18, v17  }
0x3ae: {  	v11 =	vld.idx.msk [tilespmem:v11+s16+$0x0], $0xffff;
	v14 =	vadd.f32 v14, v23  }
0x3af: {  	v8 =	vld.idx.msk [tilespmem:v7+s15+$0x0], $0xffff;
	v0 =	vadd.f32 v1, v0;
	v1 =	vmul.f32 v2, v2;
	v2 =	vsub.f32 v13, v15  }
0x3b0: {  	v9 =	vld.idx.msk [tilespmem:v9+s16+$0x0], $0xffff;
	v12 =	vadd.f32 v12, v19  }
0x3b1: {  	v17 =	vld.idx.msk [tilespmem:v7+s14+$0x0], $0xffff;
	v0 =	vadd.f32 v1, v0;
	v1 =	vmul.f32 v2, v2;
	v2 =	vsub.f32 v14, v3  }
0x3b2: {  	v3 =	vld.idx.msk [tilespmem:v7+s16+$0x0], $0xffff;
	v7 =	vadd.f32 v10, v16  }
0x3b3: {  	v0 =	vadd.f32 v1, v0;
	v1 =	vmul.f32 v2, v2;
	v2 =	vsub.f32 v12, v11  }
0x3b4: {  	v13 =	vld.idx.msk [tilespmem:v5+s14+$0x0], $0xffff  }
0x3b5: {  	v0 =	vadd.f32 v1, v0;
	v1 =	vmul.f32 v2, v2;
	v2 =	vsub.f32 v7, v9;
	v7 =	vld [tilespmem:$0x1FE70]  }
0x3b6: {  	v5 =	vld.idx.msk [tilespmem:v5+s16+$0x0], $0xffff  }
0x3b7: {  	v10 =	vld.idx.msk [tilespmem:v4+s14+$0x0], $0xffff;
	v8 =	vadd.f32 v8, v17  }
0x3b8: {  	v11 =	vld.idx.msk [tilespmem:v6+s14+$0x0], $0xffff  }
0x3b9: {  	v0 =	vadd.f32 v1, v0;
	v1 =	vmul.f32 v2, v2;
	v2 =	vsub.f32 v8, v3;
	v3 =	vld.idx.msk [tilespmem:v6+s16+$0x0], $0xffff  }
0x3ba: {  	v6 =	vld [tilespmem:$0x1FE80];
	v7 =	vadd.f32 v7, v13  }
0x3bb: {  	v4 =	vld.idx.msk [tilespmem:v4+s16+$0x0], $0xffff  }
0x3bc: {  	v0 =	vadd.f32 v1, v0;
	v1 =	vmul.f32 v2, v2;
	v2 =	vsub.f32 v7, v5;
	v5 =	vld [tilespmem:$0x1FE90];
	_ =	sdelay $0x2  }
0x3bd: {  	v6 =	vadd.f32 v6, v10  }
0x3be: {  	v0 =	vadd.f32 v1, v0  }
0x3bf: {  	v1 =	vmul.f32 v2, v2;
	v2 =	vsub.f32 v6, v4;
	v5 =	vadd.f32 v5, v11;
	_ =	sdelay $0x1  }
0x3c0: {  	v0 =	vadd.f32 v1, v0;
	v1 =	vmul.f32 v2, v2;
	v2 =	vsub.f32 v5, v3;
	_ =	sdelay $0x1  }
0x3c1: {  	v0 =	vadd.f32 v1, v0;
	v1 =	vmul.f32 v2, v2;
	_ =	sdelay $0x1  }
0x3c2: {  	v0 =	vadd.f32 v1, v0;
	_ =	sdelay $0x1  }
0x3c3: {  	v1 =	vshra.s32 v0, $0x1;
	v2 =	vmul.f32 $5.000000000e-01, v0  }
0x3c4: {  	v1 =	vsub.s32 $0x5F3759DF, v1  }
0x3c5: {  	v3 =	vmul.f32 v1, v2;
	_ =	sdelay $0x1  }
0x3c6: {  	v3 =	vmul.f32 v1, v3;
	_ =	sdelay $0x1  }
0x3c7: {  	v3 =	vsub.f32 $1.500000000e+00, v3;
	_ =	sdelay $0x1  }
0x3c8: {  	v1 =	vmul.f32 v1, v3;
	_ =	sdelay $0x1  }
0x3c9: {  	v3 =	vmul.f32 v1, v2;
	_ =	sdelay $0x1  }
0x3ca: {  	v3 =	vmul.f32 v3, v1;
	_ =	sdelay $0x1  }
0x3cb: {  	v3 =	vsub.f32 $1.500000000e+00, v3;
	_ =	sdelay $0x1  }
0x3cc: {  	v3 =	vmul.f32 v3, v1;
	_ =	sdelay $0x1  }
0x3cd: {  	v1 =	vmul.f32 v3, v2;
	_ =	sdelay $0x1  }
0x3ce: {  	v1 =	vmul.f32 v1, v3;
	_ =	sdelay $0x1  }
0x3cf: {  	v4 =	vsub.f32 $1.500000000e+00, v1;
	v1 =	vld [tilespmem:$0x1FFF0];
	_ =	sdelay $0x1  }
0x3d0: {  	s17 =	simm.s32 $0x110  }
0x3d1: {  	v2 =	vmov s17  }
0x3d2: {  	v2 =	vshll.u32 v2, $0x5  }
0x3d3: {  	v44 =	vor.u32 v1, v2  }
0x3d4: {  	v2 =	vmul.f32 v4, v3;
	v1 =	vor.u32 $0x1F, v44  }
0x3d5: {  	v3 =	vor.u32 $0x1E, v44  }
0x3d6: {  	v11 =	vor.u32 $0x1A, v44;
	v0 =	vmul.f32 v2, v0  }
0x3d7: {  	s1 =	simm.s32 $0xC700;
	v13 =	vor.u32 $0x19, v44  }
0x3d8: {  	v15 =	vor.u32 $0x18, v44;
	[tilespmem:s1+$0x0] =	vst v0  }
0x3d9: {  	v17 =	vor.u32 $0x17, v44;
	v63 =	vld.idx.msk [tilespmem:v1+s15+$0x0], $0xffff  }
0x3da: {  	v19 =	vor.u32 $0x16, v44;
	v0 =	vld.idx.msk [tilespmem:v3+s15+$0x0], $0xffff  }
0x3db: {  	v21 =	vor.u32 $0x15, v44;
	v12 =	vld.idx.msk [tilespmem:v11+s15+$0x0], $0xffff  }
0x3dc: {  	v23 =	vor.u32 $0x14, v44;
	v14 =	vld.idx.msk [tilespmem:v13+s15+$0x0], $0xffff  }
0x3dd: {  	v25 =	vor.u32 $0x13, v44;
	v16 =	vld.idx.msk [tilespmem:v15+s15+$0x0], $0xffff  }
0x3de: {  	v27 =	vor.u32 $0x12, v44;
	v18 =	vld.idx.msk [tilespmem:v17+s15+$0x0], $0xffff  }
0x3df: {  	v5 =	vor.u32 $0x1D, v44;
	v20 =	vld.idx.msk [tilespmem:v19+s15+$0x0], $0xffff  }
0x3e0: {  	v29 =	vor.u32 $0x11, v44;
	v22 =	vld.idx.msk [tilespmem:v21+s15+$0x0], $0xffff  }
0x3e1: {  	v31 =	vor.u32 $0x10, v44;
	v24 =	vld.idx.msk [tilespmem:v23+s15+$0x0], $0xffff  }
0x3e2: {  	v33 =	vor.u32 $0xF, v44;
	v26 =	vld.idx.msk [tilespmem:v25+s15+$0x0], $0xffff  }
0x3e3: {  	v35 =	vor.u32 $0xE, v44;
	v28 =	vld.idx.msk [tilespmem:v27+s15+$0x0], $0xffff  }
0x3e4: {  	v7 =	vor.u32 $0x1C, v44;
	[tilespmem:$0x1FEA0] =	vst v0;
	v0 =	vld.idx.msk [tilespmem:v5+s15+$0x0], $0xffff  }
0x3e5: {  	v37 =	vor.u32 $0xD, v44;
	v30 =	vld.idx.msk [tilespmem:v29+s15+$0x0], $0xffff  }
0x3e6: {  	v39 =	vor.u32 $0xC, v44;
	v32 =	vld.idx.msk [tilespmem:v31+s15+$0x0], $0xffff  }
0x3e7: {  	v41 =	vor.u32 $0xB, v44;
	v34 =	vld.idx.msk [tilespmem:v33+s15+$0x0], $0xffff  }
0x3e8: {  	v43 =	vor.u32 $0xA, v44;
	v36 =	vld.idx.msk [tilespmem:v35+s15+$0x0], $0xffff  }
0x3e9: {  	v9 =	vor.u32 $0x1B, v44;
	[tilespmem:$0x1FEB0] =	vst v0;
	v0 =	vld.idx.msk [tilespmem:v7+s15+$0x0], $0xffff  }
0x3ea: {  	v46 =	vor.u32 $0x9, v44;
	v38 =	vld.idx.msk [tilespmem:v37+s15+$0x0], $0xffff  }
0x3eb: {  	v48 =	vor.u32 $0x8, v44;
	v40 =	vld.idx.msk [tilespmem:v39+s15+$0x0], $0xffff  }
0x3ec: {  	v50 =	vor.u32 $0x7, v44;
	v42 =	vld.idx.msk [tilespmem:v41+s15+$0x0], $0xffff  }
0x3ed: {  	v52 =	vor.u32 $0x6, v44;
	v45 =	vld.idx.msk [tilespmem:v43+s15+$0x0], $0xffff  }
0x3ee: {  	v54 =	vor.u32 $0x5, v44;
	[tilespmem:$0x1FEC0] =	vst v0;
	v0 =	vld.idx.msk [tilespmem:v9+s15+$0x0], $0xffff  }
0x3ef: {  	v47 =	vld.idx.msk [tilespmem:v46+s15+$0x0], $0xffff  }
0x3f0: {  	v49 =	vld.idx.msk [tilespmem:v48+s15+$0x0], $0xffff  }
0x3f1: {  	v51 =	vld.idx.msk [tilespmem:v50+s15+$0x0], $0xffff  }
0x3f2: {  	v56 =	vor.u32 $0x4, v44;
	v53 =	vld.idx.msk [tilespmem:v52+s15+$0x0], $0xffff  }
0x3f3: {  	s17 =	simm.s32 $0x120;
	v57 =	vor.u32 $0x3, v44;
	v58 =	vor.u32 $0x2, v44;
	v59 =	vor.u32 $0x1, v44;
	v55 =	vld.idx.msk [tilespmem:v54+s15+$0x0], $0xffff;
	[tilespmem:$0x1FED0] =	vst v0  }
.LBB2_6:
0x3f4: {  	_ =	sdelay $0x2  }
0x3f5: {  	v0 =	vld.idx.msk [tilespmem:v56+s15+$0x0], $0xffff  }
0x3f6: {  	v60 =	vld.idx.msk [tilespmem:v57+s15+$0x0], $0xffff  }
0x3f7: {  	v61 =	vld.idx.msk [tilespmem:v58+s15+$0x0], $0xffff  }
0x3f8: {  	v62 =	vld.idx.msk [tilespmem:v58+s14+$0x0], $0xffff  }
0x3f9: {  	v2 =	vld.idx.msk [tilespmem:v59+s14+$0x0], $0xffff  }
0x3fa: {  	v4 =	vld.idx.msk [tilespmem:v44+s15+$0x0], $0xffff  }
0x3fb: {  	v6 =	vld.idx.msk [tilespmem:v44+s14+$0x0], $0xffff  }
0x3fc: {  	[tilespmem:$0x1FE60] =	vst v63;
	v63 =	vld.idx.msk [tilespmem:v59+s15+$0x0], $0xffff  }
0x3fd: {  	v44 =	vld.idx.msk [tilespmem:v44+s16+$0x0], $0xffff  }
0x3fe: {  	v59 =	vld.idx.msk [tilespmem:v59+s16+$0x0], $0xffff  }
0x3ff: {  	v8 =	vld.idx.msk [tilespmem:v57+s14+$0x0], $0xffff  }
0x400: {  	v58 =	vld.idx.msk [tilespmem:v58+s16+$0x0], $0xffff  }
0x401: {  	v10 =	vld.idx.msk [tilespmem:v56+s14+$0x0], $0xffff;
	v4 =	vadd.f32 v4, v6;
	v2 =	vadd.f32 v63, v2  }
0x402: {  	v6 =	vld.idx.msk [tilespmem:v57+s16+$0x0], $0xffff;
	v57 =	vadd.f32 v61, v62  }
0x403: {  	v4 =	vsub.f32 v4, v44;
	v44 =	vld.idx.msk [tilespmem:v56+s16+$0x0], $0xffff;
	v2 =	vsub.f32 v2, v59  }
0x404: {  	v61 =	vld.idx.msk [tilespmem:v54+s14+$0x0], $0xffff;
	v8 =	vadd.f32 v60, v8  }
0x405: {  	v62 =	vld.idx.msk [tilespmem:v52+s14+$0x0], $0xffff;
	v57 =	vsub.f32 v57, v58;
	v4 =	vmul.f32 v4, v4;
	v2 =	vmul.f32 v2, v2  }
0x406: {  	v0 =	vadd.f32 v0, v10;
	v63 =	vld.idx.msk [tilespmem:v54+s16+$0x0], $0xffff  }
0x407: {  	v10 =	vld.idx.msk [tilespmem:v50+s14+$0x0], $0xffff;
	v6 =	vsub.f32 v8, v6;
	v2 =	vadd.f32 v2, v4;
	v4 =	vmul.f32 v57, v57  }
0x408: {  	v8 =	vld.idx.msk [tilespmem:v52+s16+$0x0], $0xffff;
	v0 =	vsub.f32 v0, v44  }
0x409: {  	v58 =	vld.idx.msk [tilespmem:v48+s14+$0x0], $0xffff;
	v57 =	vadd.f32 v55, v61;
	v2 =	vadd.f32 v4, v2;
	v4 =	vmul.f32 v6, v6  }
0x40a: {  	v59 =	vadd.f32 v53, v62;
	v6 =	vld.idx.msk [tilespmem:v50+s16+$0x0], $0xffff  }
0x40b: {  	v60 =	vld.idx.msk [tilespmem:v46+s14+$0x0], $0xffff;
	v0 =	vmul.f32 v0, v0;
	v2 =	vadd.f32 v4, v2;
	v4 =	vsub.f32 v57, v63  }
0x40c: {  	v10 =	vadd.f32 v51, v10;
	v61 =	vld.idx.msk [tilespmem:v48+s16+$0x0], $0xffff  }
0x40d: {  	v62 =	vld.idx.msk [tilespmem:v43+s14+$0x0], $0xffff;
	v0 =	vadd.f32 v0, v2;
	v2 =	vmul.f32 v4, v4;
	v4 =	vsub.f32 v59, v8  }
0x40e: {  	v63 =	vadd.f32 v49, v58;
	v8 =	vld.idx.msk [tilespmem:v46+s16+$0x0], $0xffff  }
0x40f: {  	v49 =	vld.idx.msk [tilespmem:v41+s14+$0x0], $0xffff;
	v0 =	vadd.f32 v2, v0;
	v2 =	vmul.f32 v4, v4;
	v4 =	vsub.f32 v10, v6  }
0x410: {  	v6 =	vld.idx.msk [tilespmem:v43+s16+$0x0], $0xffff;
	v10 =	vadd.f32 v47, v60  }
0x411: {  	v50 =	vld.idx.msk [tilespmem:v39+s14+$0x0], $0xffff;
	v0 =	vadd.f32 v2, v0;
	v2 =	vmul.f32 v4, v4;
	v4 =	vsub.f32 v63, v61  }
0x412: {  	v52 =	vld.idx.msk [tilespmem:v41+s16+$0x0], $0xffff;
	v53 =	vadd.f32 v45, v62  }
0x413: {  	v54 =	vld.idx.msk [tilespmem:v37+s14+$0x0], $0xffff;
	v0 =	vadd.f32 v2, v0;
	v2 =	vmul.f32 v4, v4;
	v4 =	vsub.f32 v10, v8  }
0x414: {  	v8 =	vld.idx.msk [tilespmem:v39+s16+$0x0], $0xffff;
	v10 =	vadd.f32 v42, v49  }
0x415: {  	v55 =	vld.idx.msk [tilespmem:v35+s14+$0x0], $0xffff;
	v0 =	vadd.f32 v2, v0;
	v2 =	vmul.f32 v4, v4;
	v4 =	vsub.f32 v53, v6  }
0x416: {  	v56 =	vadd.f32 v40, v50;
	v6 =	vld.idx.msk [tilespmem:v37+s16+$0x0], $0xffff  }
0x417: {  	v57 =	vld.idx.msk [tilespmem:v33+s14+$0x0], $0xffff;
	v0 =	vadd.f32 v2, v0;
	v2 =	vmul.f32 v4, v4;
	v4 =	vsub.f32 v10, v52  }
0x418: {  	v58 =	vadd.f32 v38, v54;
	v10 =	vld.idx.msk [tilespmem:v35+s16+$0x0], $0xffff  }
0x419: {  	v59 =	vld.idx.msk [tilespmem:v31+s14+$0x0], $0xffff;
	v0 =	vadd.f32 v2, v0;
	v2 =	vmul.f32 v4, v4;
	v4 =	vsub.f32 v56, v8  }
0x41a: {  	v60 =	vadd.f32 v36, v55;
	v8 =	vld.idx.msk [tilespmem:v33+s16+$0x0], $0xffff  }
0x41b: {  	v61 =	vld.idx.msk [tilespmem:v29+s14+$0x0], $0xffff;
	v0 =	vadd.f32 v2, v0;
	v2 =	vmul.f32 v4, v4;
	v4 =	vsub.f32 v58, v6  }
0x41c: {  	v6 =	vld.idx.msk [tilespmem:v31+s16+$0x0], $0xffff;
	v31 =	vadd.f32 v34, v57  }
0x41d: {  	v62 =	vld.idx.msk [tilespmem:v27+s14+$0x0], $0xffff;
	v0 =	vadd.f32 v2, v0;
	v2 =	vmul.f32 v4, v4;
	v4 =	vsub.f32 v60, v10  }
0x41e: {  	v10 =	vld.idx.msk [tilespmem:v29+s16+$0x0], $0xffff;
	v29 =	vadd.f32 v32, v59  }
0x41f: {  	v63 =	vld.idx.msk [tilespmem:v25+s14+$0x0], $0xffff;
	v0 =	vadd.f32 v2, v0;
	v2 =	vmul.f32 v4, v4;
	v4 =	vsub.f32 v31, v8  }
0x420: {  	v8 =	vld.idx.msk [tilespmem:v27+s16+$0x0], $0xffff;
	v27 =	vadd.f32 v30, v61  }
0x421: {  	v30 =	vld.idx.msk [tilespmem:v23+s14+$0x0], $0xffff;
	v0 =	vadd.f32 v2, v0;
	v2 =	vmul.f32 v4, v4;
	v4 =	vsub.f32 v29, v6  }
0x422: {  	v6 =	vld.idx.msk [tilespmem:v25+s16+$0x0], $0xffff;
	v25 =	vadd.f32 v28, v62  }
0x423: {  	v28 =	vld.idx.msk [tilespmem:v21+s14+$0x0], $0xffff;
	v0 =	vadd.f32 v2, v0;
	v2 =	vmul.f32 v4, v4;
	v4 =	vsub.f32 v27, v10  }
0x424: {  	v10 =	vld.idx.msk [tilespmem:v23+s16+$0x0], $0xffff;
	v23 =	vadd.f32 v26, v63  }
0x425: {  	v26 =	vld.idx.msk [tilespmem:v19+s14+$0x0], $0xffff;
	v0 =	vadd.f32 v2, v0;
	v2 =	vmul.f32 v4, v4;
	v4 =	vsub.f32 v25, v8  }
0x426: {  	v8 =	vld.idx.msk [tilespmem:v21+s16+$0x0], $0xffff;
	v21 =	vadd.f32 v24, v30  }
0x427: {  	v24 =	vld.idx.msk [tilespmem:v17+s14+$0x0], $0xffff;
	v0 =	vadd.f32 v2, v0;
	v2 =	vmul.f32 v4, v4;
	v4 =	vsub.f32 v23, v6  }
0x428: {  	v6 =	vld.idx.msk [tilespmem:v19+s16+$0x0], $0xffff;
	v19 =	vadd.f32 v22, v28  }
0x429: {  	v22 =	vld.idx.msk [tilespmem:v15+s14+$0x0], $0xffff;
	v0 =	vadd.f32 v2, v0;
	v2 =	vmul.f32 v4, v4;
	v4 =	vsub.f32 v21, v10  }
0x42a: {  	v10 =	vld.idx.msk [tilespmem:v17+s16+$0x0], $0xffff;
	v17 =	vadd.f32 v20, v26  }
0x42b: {  	v20 =	vld.idx.msk [tilespmem:v13+s14+$0x0], $0xffff;
	v0 =	vadd.f32 v2, v0;
	v2 =	vmul.f32 v4, v4;
	v4 =	vsub.f32 v19, v8  }
0x42c: {  	v8 =	vld.idx.msk [tilespmem:v15+s16+$0x0], $0xffff;
	v15 =	vadd.f32 v18, v24  }
0x42d: {  	v0 =	vadd.f32 v2, v0;
	v2 =	vmul.f32 v4, v4;
	v4 =	vsub.f32 v17, v6  }
0x42e: {  	v6 =	vld.idx.msk [tilespmem:v13+s16+$0x0], $0xffff;
	v13 =	vadd.f32 v16, v22  }
0x42f: {  	v18 =	vld.idx.msk [tilespmem:v11+s14+$0x0], $0xffff;
	v0 =	vadd.f32 v2, v0;
	v2 =	vmul.f32 v4, v4;
	v4 =	vsub.f32 v15, v10  }
0x430: {  	v10 =	vld.idx.msk [tilespmem:v11+s16+$0x0], $0xffff;
	v11 =	vadd.f32 v14, v20  }
0x431: {  	v16 =	vld.idx.msk [tilespmem:v9+s14+$0x0], $0xffff;
	v0 =	vadd.f32 v2, v0;
	v2 =	vmul.f32 v4, v4;
	v4 =	vsub.f32 v13, v8  }
0x432: {  	v14 =	vld.idx.msk [tilespmem:v7+s14+$0x0], $0xffff  }
0x433: {  	v0 =	vadd.f32 v2, v0;
	v2 =	vmul.f32 v4, v4;
	v4 =	vsub.f32 v11, v6;
	v6 =	vld.idx.msk [tilespmem:v7+s16+$0x0], $0xffff  }
0x434: {  	v7 =	vld [tilespmem:$0x1FED0];
	_ =	sdelay $0x1  }
0x435: {  	v8 =	vld.idx.msk [tilespmem:v9+s16+$0x0], $0xffff  }
0x436: {  	v9 =	vadd.f32 v12, v18  }
0x437: {  	v0 =	vadd.f32 v2, v0  }
0x438: {  	v2 =	vmul.f32 v4, v4;
	v4 =	vsub.f32 v9, v10;
	v9 =	vld [tilespmem:$0x1FEC0];
	v7 =	vadd.f32 v7, v16  }
0x439: {  	v12 =	vld.idx.msk [tilespmem:v5+s14+$0x0], $0xffff  }
0x43a: {  	v0 =	vadd.f32 v2, v0;
	v2 =	vmul.f32 v4, v4;
	v4 =	vsub.f32 v7, v8;
	v7 =	vld [tilespmem:$0x1FEB0];
	_ =	sdelay $0x1  }
0x43b: {  	v5 =	vld.idx.msk [tilespmem:v5+s16+$0x0], $0xffff  }
0x43c: {  	v11 =	vld.idx.msk [tilespmem:v3+s14+$0x0], $0xffff;
	v9 =	vadd.f32 v9, v14  }
0x43d: {  	v3 =	vld.idx.msk [tilespmem:v3+s16+$0x0], $0xffff;
	v0 =	vadd.f32 v2, v0  }
0x43e: {  	v2 =	vmul.f32 v4, v4;
	v4 =	vsub.f32 v9, v6;
	v6 =	vld [tilespmem:$0x1FEA0];
	v7 =	vadd.f32 v7, v12  }
0x43f: {  	v10 =	vld.idx.msk [tilespmem:v1+s14+$0x0], $0xffff  }
0x440: {  	v0 =	vadd.f32 v2, v0;
	v2 =	vmul.f32 v4, v4;
	v4 =	vsub.f32 v7, v5;
	v5 =	vld [tilespmem:$0x1FE60];
	_ =	sdelay $0x1  }
0x441: {  	v1 =	vld.idx.msk [tilespmem:v1+s16+$0x0], $0xffff  }
0x442: {  	v6 =	vadd.f32 v6, v11  }
0x443: {  	v0 =	vadd.f32 v2, v0  }
0x444: {  	v2 =	vmul.f32 v4, v4;
	v3 =	vsub.f32 v6, v3;
	v5 =	vadd.f32 v5, v10;
	_ =	sdelay $0x1  }
0x445: {  	v0 =	vadd.f32 v2, v0;
	v2 =	vmul.f32 v3, v3;
	v1 =	vsub.f32 v5, v1;
	_ =	sdelay $0x1  }
0x446: {  	v0 =	vadd.f32 v2, v0;
	v1 =	vmul.f32 v1, v1;
	_ =	sdelay $0x1  }
0x447: {  	v0 =	vadd.f32 v1, v0;
	_ =	sdelay $0x1  }
0x448: {  	v1 =	vshra.s32 v0, $0x1;
	v2 =	vmul.f32 $5.000000000e-01, v0  }
0x449: {  	v1 =	vsub.s32 $0x5F3759DF, v1  }
0x44a: {  	v3 =	vmul.f32 v1, v2;
	_ =	sdelay $0x1  }
0x44b: {  	v3 =	vmul.f32 v1, v3;
	_ =	sdelay $0x1  }
0x44c: {  	v3 =	vsub.f32 $1.500000000e+00, v3;
	_ =	sdelay $0x1  }
0x44d: {  	v1 =	vmul.f32 v1, v3;
	_ =	sdelay $0x1  }
0x44e: {  	v3 =	vmul.f32 v1, v2;
	_ =	sdelay $0x1  }
0x44f: {  	v3 =	vmul.f32 v3, v1;
	_ =	sdelay $0x1  }
0x450: {  	v3 =	vsub.f32 $1.500000000e+00, v3;
	_ =	sdelay $0x1  }
0x451: {  	v3 =	vmul.f32 v3, v1;
	_ =	sdelay $0x1  }
0x452: {  	v1 =	vmul.f32 v3, v2;
	_ =	sdelay $0x1  }
0x453: {  	v1 =	vmul.f32 v1, v3;
	_ =	sdelay $0x1  }
0x454: {  	v4 =	vsub.f32 $1.500000000e+00, v1;
	v1 =	vld [tilespmem:$0x1FFF0];
	_ =	sdelay $0x2  }
0x455: {  	v2 =	vmov s17  }
0x456: {  	v2 =	vshll.u32 v2, $0x5  }
0x457: {  	v44 =	vor.u32 v1, v2  }
0x458: {  	v2 =	vmul.f32 v4, v3;
	v1 =	vor.u32 $0x1F, v44  }
0x459: {  	v3 =	vor.u32 $0x1E, v44  }
0x45a: {  	v11 =	vor.u32 $0x1A, v44;
	v0 =	vmul.f32 v2, v0  }
0x45b: {  	s1 =	sadd.s32 $0x10, s1;
	v13 =	vor.u32 $0x19, v44  }
0x45c: {  	v15 =	vor.u32 $0x18, v44;
	[tilespmem:s1+$0x0] =	vst v0  }
0x45d: {  	v17 =	vor.u32 $0x17, v44;
	v63 =	vld.idx.msk [tilespmem:v1+s15+$0x0], $0xffff  }
0x45e: {  	v19 =	vor.u32 $0x16, v44;
	v0 =	vld.idx.msk [tilespmem:v3+s15+$0x0], $0xffff  }
0x45f: {  	v21 =	vor.u32 $0x15, v44;
	v12 =	vld.idx.msk [tilespmem:v11+s15+$0x0], $0xffff  }
0x460: {  	v23 =	vor.u32 $0x14, v44;
	v14 =	vld.idx.msk [tilespmem:v13+s15+$0x0], $0xffff  }
0x461: {  	v25 =	vor.u32 $0x13, v44;
	v16 =	vld.idx.msk [tilespmem:v15+s15+$0x0], $0xffff  }
0x462: {  	v27 =	vor.u32 $0x12, v44;
	v18 =	vld.idx.msk [tilespmem:v17+s15+$0x0], $0xffff  }
0x463: {  	v5 =	vor.u32 $0x1D, v44;
	v20 =	vld.idx.msk [tilespmem:v19+s15+$0x0], $0xffff  }
0x464: {  	v29 =	vor.u32 $0x11, v44;
	v22 =	vld.idx.msk [tilespmem:v21+s15+$0x0], $0xffff  }
0x465: {  	v31 =	vor.u32 $0x10, v44;
	v24 =	vld.idx.msk [tilespmem:v23+s15+$0x0], $0xffff  }
0x466: {  	v33 =	vor.u32 $0xF, v44;
	v26 =	vld.idx.msk [tilespmem:v25+s15+$0x0], $0xffff  }
0x467: {  	v35 =	vor.u32 $0xE, v44;
	v28 =	vld.idx.msk [tilespmem:v27+s15+$0x0], $0xffff  }
0x468: {  	v7 =	vor.u32 $0x1C, v44;
	[tilespmem:$0x1FEA0] =	vst v0;
	v0 =	vld.idx.msk [tilespmem:v5+s15+$0x0], $0xffff  }
0x469: {  	v37 =	vor.u32 $0xD, v44;
	v30 =	vld.idx.msk [tilespmem:v29+s15+$0x0], $0xffff  }
0x46a: {  	v39 =	vor.u32 $0xC, v44;
	v32 =	vld.idx.msk [tilespmem:v31+s15+$0x0], $0xffff  }
0x46b: {  	v41 =	vor.u32 $0xB, v44;
	v34 =	vld.idx.msk [tilespmem:v33+s15+$0x0], $0xffff  }
0x46c: {  	v43 =	vor.u32 $0xA, v44;
	v36 =	vld.idx.msk [tilespmem:v35+s15+$0x0], $0xffff  }
0x46d: {  	v9 =	vor.u32 $0x1B, v44;
	[tilespmem:$0x1FEB0] =	vst v0;
	v0 =	vld.idx.msk [tilespmem:v7+s15+$0x0], $0xffff  }
0x46e: {  	v46 =	vor.u32 $0x9, v44;
	v38 =	vld.idx.msk [tilespmem:v37+s15+$0x0], $0xffff  }
0x46f: {  	v48 =	vor.u32 $0x8, v44;
	v40 =	vld.idx.msk [tilespmem:v39+s15+$0x0], $0xffff  }
0x470: {  	v50 =	vor.u32 $0x7, v44;
	v42 =	vld.idx.msk [tilespmem:v41+s15+$0x0], $0xffff  }
0x471: {  	v52 =	vor.u32 $0x6, v44;
	v45 =	vld.idx.msk [tilespmem:v43+s15+$0x0], $0xffff  }
0x472: {  	p0 =	sne.s32 s17, $0x170;
	v54 =	vor.u32 $0x5, v44;
	[tilespmem:$0x1FEC0] =	vst v0;
	v0 =	vld.idx.msk [tilespmem:v9+s15+$0x0], $0xffff  }
.Ltmp2:
0x473: {  	v47 =	vld.idx.msk [tilespmem:v46+s15+$0x0], $0xffff;
	(pc) =	sbr.rel @p0 .LBB2_6-.Ltmp2, $4  }
0x474: {  	v49 =	vld.idx.msk [tilespmem:v48+s15+$0x0], $0xffff  }
0x475: {  	v51 =	vld.idx.msk [tilespmem:v50+s15+$0x0], $0xffff  }
0x476: {  	v56 =	vor.u32 $0x4, v44;
	v53 =	vld.idx.msk [tilespmem:v52+s15+$0x0], $0xffff  }
0x477: {  	s17 =	sadd.s32 $0x10, s17;
	v57 =	vor.u32 $0x3, v44;
	v58 =	vor.u32 $0x2, v44;
	v59 =	vor.u32 $0x1, v44;
	v55 =	vld.idx.msk [tilespmem:v54+s15+$0x0], $0xffff;
	[tilespmem:$0x1FED0] =	vst v0  }
0x478: {  	_ =	sdelay $0x3  }
0x479: {  	v0 =	vld.idx.msk [tilespmem:v58+s15+$0x0], $0xffff  }
0x47a: {  	v2 =	vld.idx.msk [tilespmem:v59+s15+$0x0], $0xffff  }
0x47b: {  	v4 =	vld.idx.msk [tilespmem:v59+s14+$0x0], $0xffff  }
0x47c: {  	v6 =	vld.idx.msk [tilespmem:v44+s15+$0x0], $0xffff  }
0x47d: {  	v8 =	vld.idx.msk [tilespmem:v44+s14+$0x0], $0xffff  }
0x47e: {  	v10 =	vld.idx.msk [tilespmem:v59+s16+$0x0], $0xffff  }
0x47f: {  	v44 =	vld.idx.msk [tilespmem:v44+s16+$0x0], $0xffff  }
0x480: {  	v59 =	vld.idx.msk [tilespmem:v58+s14+$0x0], $0xffff  }
0x481: {  	v58 =	vld.idx.msk [tilespmem:v58+s16+$0x0], $0xffff  }
0x482: {  	v60 =	vld.idx.msk [tilespmem:v57+s15+$0x0], $0xffff  }
0x483: {  	v61 =	vld.idx.msk [tilespmem:v57+s14+$0x0], $0xffff  }
0x484: {  	v62 =	vld.idx.msk [tilespmem:v56+s15+$0x0], $0xffff  }
0x485: {  	v6 =	vadd.f32 v6, v8;
	v2 =	vadd.f32 v2, v4;
	v4 =	vld.idx.msk [tilespmem:v56+s14+$0x0], $0xffff  }
0x486: {  	v0 =	vadd.f32 v0, v59;
	v8 =	vld.idx.msk [tilespmem:v57+s16+$0x0], $0xffff  }
0x487: {  	v6 =	vsub.f32 v6, v44;
	v2 =	vsub.f32 v2, v10;
	v10 =	vld.idx.msk [tilespmem:v54+s14+$0x0], $0xffff  }
0x488: {  	v56 =	vld.idx.msk [tilespmem:v56+s16+$0x0], $0xffff;
	v44 =	vadd.f32 v60, v61  }
0x489: {  	v57 =	vld.idx.msk [tilespmem:v52+s14+$0x0], $0xffff;
	v0 =	vsub.f32 v0, v58;
	v6 =	vmul.f32 v6, v6;
	v2 =	vmul.f32 v2, v2  }
0x48a: {  	v60 =	vld.idx.msk [tilespmem:v54+s16+$0x0], $0xffff;
	v4 =	vadd.f32 v62, v4  }
0x48b: {  	v61 =	vld.idx.msk [tilespmem:v50+s14+$0x0], $0xffff;
	v0 =	vmul.f32 v0, v0;
	v2 =	vadd.f32 v2, v6;
	v6 =	vsub.f32 v44, v8  }
0x48c: {  	v8 =	vld.idx.msk [tilespmem:v52+s16+$0x0], $0xffff;
	v10 =	vadd.f32 v55, v10  }
0x48d: {  	v62 =	vld.idx.msk [tilespmem:v48+s14+$0x0], $0xffff;
	v4 =	vsub.f32 v4, v56;
	v0 =	vadd.f32 v0, v2;
	v2 =	vmul.f32 v6, v6  }
0x48e: {  	v56 =	vadd.f32 v53, v57;
	v6 =	vld.idx.msk [tilespmem:v50+s16+$0x0], $0xffff  }
0x48f: {  	v57 =	vld.idx.msk [tilespmem:v46+s14+$0x0], $0xffff;
	v0 =	vadd.f32 v2, v0;
	v2 =	vmul.f32 v4, v4;
	v4 =	vsub.f32 v10, v60  }
0x490: {  	v58 =	vadd.f32 v51, v61;
	v10 =	vld.idx.msk [tilespmem:v48+s16+$0x0], $0xffff  }
0x491: {  	v59 =	vld.idx.msk [tilespmem:v43+s14+$0x0], $0xffff;
	v0 =	vadd.f32 v2, v0;
	v2 =	vmul.f32 v4, v4;
	v4 =	vsub.f32 v56, v8  }
0x492: {  	v44 =	vadd.f32 v49, v62;
	v8 =	vld.idx.msk [tilespmem:v46+s16+$0x0], $0xffff  }
0x493: {  	v60 =	vld.idx.msk [tilespmem:v41+s14+$0x0], $0xffff;
	v0 =	vadd.f32 v2, v0;
	v2 =	vmul.f32 v4, v4;
	v4 =	vsub.f32 v58, v6  }
0x494: {  	v61 =	vadd.f32 v47, v57;
	v6 =	vld.idx.msk [tilespmem:v43+s16+$0x0], $0xffff  }
0x495: {  	v62 =	vld.idx.msk [tilespmem:v39+s14+$0x0], $0xffff;
	v0 =	vadd.f32 v2, v0;
	v2 =	vmul.f32 v4, v4;
	v4 =	vsub.f32 v44, v10  }
0x496: {  	v48 =	vadd.f32 v45, v59;
	v10 =	vld.idx.msk [tilespmem:v41+s16+$0x0], $0xffff  }
0x497: {  	v49 =	vld.idx.msk [tilespmem:v37+s14+$0x0], $0xffff;
	v0 =	vadd.f32 v2, v0;
	v2 =	vmul.f32 v4, v4;
	v4 =	vsub.f32 v61, v8  }
0x498: {  	v50 =	vadd.f32 v42, v60;
	v8 =	vld.idx.msk [tilespmem:v39+s16+$0x0], $0xffff  }
0x499: {  	v51 =	vld.idx.msk [tilespmem:v35+s14+$0x0], $0xffff;
	v0 =	vadd.f32 v2, v0;
	v2 =	vmul.f32 v4, v4;
	v4 =	vsub.f32 v48, v6  }
0x49a: {  	v52 =	vadd.f32 v40, v62;
	v6 =	vld.idx.msk [tilespmem:v37+s16+$0x0], $0xffff  }
0x49b: {  	v53 =	vld.idx.msk [tilespmem:v33+s14+$0x0], $0xffff;
	v0 =	vadd.f32 v2, v0;
	v2 =	vmul.f32 v4, v4;
	v4 =	vsub.f32 v50, v10  }
0x49c: {  	v54 =	vadd.f32 v38, v49;
	v10 =	vld.idx.msk [tilespmem:v35+s16+$0x0], $0xffff  }
0x49d: {  	v55 =	vld.idx.msk [tilespmem:v31+s14+$0x0], $0xffff;
	v0 =	vadd.f32 v2, v0;
	v2 =	vmul.f32 v4, v4;
	v4 =	vsub.f32 v52, v8  }
0x49e: {  	v56 =	vadd.f32 v36, v51;
	v8 =	vld.idx.msk [tilespmem:v33+s16+$0x0], $0xffff  }
0x49f: {  	v57 =	vld.idx.msk [tilespmem:v29+s14+$0x0], $0xffff;
	v0 =	vadd.f32 v2, v0;
	v2 =	vmul.f32 v4, v4;
	v4 =	vsub.f32 v54, v6  }
0x4a0: {  	v6 =	vld.idx.msk [tilespmem:v31+s16+$0x0], $0xffff;
	v31 =	vadd.f32 v34, v53  }
0x4a1: {  	v58 =	vld.idx.msk [tilespmem:v27+s14+$0x0], $0xffff;
	v0 =	vadd.f32 v2, v0;
	v2 =	vmul.f32 v4, v4;
	v4 =	vsub.f32 v56, v10  }
0x4a2: {  	v10 =	vld.idx.msk [tilespmem:v29+s16+$0x0], $0xffff;
	v29 =	vadd.f32 v32, v55  }
0x4a3: {  	v59 =	vld.idx.msk [tilespmem:v25+s14+$0x0], $0xffff;
	v0 =	vadd.f32 v2, v0;
	v2 =	vmul.f32 v4, v4;
	v4 =	vsub.f32 v31, v8  }
0x4a4: {  	v8 =	vld.idx.msk [tilespmem:v27+s16+$0x0], $0xffff;
	v27 =	vadd.f32 v30, v57  }
0x4a5: {  	v30 =	vld.idx.msk [tilespmem:v23+s14+$0x0], $0xffff;
	v0 =	vadd.f32 v2, v0;
	v2 =	vmul.f32 v4, v4;
	v4 =	vsub.f32 v29, v6  }
0x4a6: {  	v6 =	vld.idx.msk [tilespmem:v25+s16+$0x0], $0xffff;
	v25 =	vadd.f32 v28, v58  }
0x4a7: {  	v28 =	vld.idx.msk [tilespmem:v21+s14+$0x0], $0xffff;
	v0 =	vadd.f32 v2, v0;
	v2 =	vmul.f32 v4, v4;
	v4 =	vsub.f32 v27, v10  }
0x4a8: {  	v10 =	vld.idx.msk [tilespmem:v23+s16+$0x0], $0xffff;
	v23 =	vadd.f32 v26, v59  }
0x4a9: {  	v26 =	vld.idx.msk [tilespmem:v19+s14+$0x0], $0xffff;
	v0 =	vadd.f32 v2, v0;
	v2 =	vmul.f32 v4, v4;
	v4 =	vsub.f32 v25, v8  }
0x4aa: {  	v8 =	vld.idx.msk [tilespmem:v21+s16+$0x0], $0xffff;
	v21 =	vadd.f32 v24, v30  }
0x4ab: {  	v24 =	vld.idx.msk [tilespmem:v17+s14+$0x0], $0xffff;
	v0 =	vadd.f32 v2, v0;
	v2 =	vmul.f32 v4, v4;
	v4 =	vsub.f32 v23, v6  }
0x4ac: {  	v6 =	vld.idx.msk [tilespmem:v19+s16+$0x0], $0xffff;
	v19 =	vadd.f32 v22, v28  }
0x4ad: {  	v22 =	vld.idx.msk [tilespmem:v15+s14+$0x0], $0xffff;
	v0 =	vadd.f32 v2, v0;
	v2 =	vmul.f32 v4, v4;
	v4 =	vsub.f32 v21, v10  }
0x4ae: {  	v10 =	vld.idx.msk [tilespmem:v17+s16+$0x0], $0xffff;
	v17 =	vadd.f32 v20, v26  }
0x4af: {  	v20 =	vld.idx.msk [tilespmem:v13+s14+$0x0], $0xffff;
	v0 =	vadd.f32 v2, v0;
	v2 =	vmul.f32 v4, v4;
	v4 =	vsub.f32 v19, v8  }
0x4b0: {  	v8 =	vld.idx.msk [tilespmem:v15+s16+$0x0], $0xffff;
	v15 =	vadd.f32 v18, v24  }
0x4b1: {  	v18 =	vld.idx.msk [tilespmem:v11+s14+$0x0], $0xffff;
	v0 =	vadd.f32 v2, v0;
	v2 =	vmul.f32 v4, v4;
	v4 =	vsub.f32 v17, v6  }
0x4b2: {  	v6 =	vld.idx.msk [tilespmem:v13+s16+$0x0], $0xffff;
	v13 =	vadd.f32 v16, v22  }
0x4b3: {  	v16 =	vld.idx.msk [tilespmem:v9+s14+$0x0], $0xffff;
	v0 =	vadd.f32 v2, v0;
	v2 =	vmul.f32 v4, v4;
	v4 =	vsub.f32 v15, v10  }
0x4b4: {  	v10 =	vld.idx.msk [tilespmem:v11+s16+$0x0], $0xffff;
	v11 =	vadd.f32 v14, v20  }
0x4b5: {  	v14 =	vld.idx.msk [tilespmem:v7+s14+$0x0], $0xffff;
	v0 =	vadd.f32 v2, v0;
	v2 =	vmul.f32 v4, v4;
	v4 =	vsub.f32 v13, v8  }
0x4b6: {  	v8 =	vld.idx.msk [tilespmem:v9+s16+$0x0], $0xffff  }
0x4b7: {  	v0 =	vadd.f32 v2, v0;
	v2 =	vmul.f32 v4, v4;
	v4 =	vsub.f32 v11, v6;
	v6 =	vld.idx.msk [tilespmem:v7+s16+$0x0], $0xffff  }
0x4b8: {  	v9 =	vadd.f32 v12, v18;
	v7 =	vld [tilespmem:$0x1FED0];
	_ =	sdelay $0x1  }
0x4b9: {  	v0 =	vadd.f32 v2, v0;
	v2 =	vmul.f32 v4, v4;
	v4 =	vsub.f32 v9, v10;
	v9 =	vld [tilespmem:$0x1FEC0];
	_ =	sdelay $0x2  }
0x4ba: {  	v12 =	vld.idx.msk [tilespmem:v5+s14+$0x0], $0xffff;
	v7 =	vadd.f32 v7, v16  }
0x4bb: {  	v5 =	vld.idx.msk [tilespmem:v5+s16+$0x0], $0xffff;
	v0 =	vadd.f32 v2, v0  }
0x4bc: {  	v2 =	vmul.f32 v4, v4;
	v9 =	vadd.f32 v9, v14;
	v4 =	vsub.f32 v7, v8;
	v7 =	vld [tilespmem:$0x1FEB0]  }
0x4bd: {  	v11 =	vld.idx.msk [tilespmem:v3+s14+$0x0], $0xffff  }
0x4be: {  	v0 =	vadd.f32 v2, v0;
	v2 =	vmul.f32 v4, v4;
	v4 =	vsub.f32 v9, v6;
	v6 =	vld [tilespmem:$0x1FEA0]  }
0x4bf: {  	v3 =	vld.idx.msk [tilespmem:v3+s16+$0x0], $0xffff  }
0x4c0: {  	v10 =	vld.idx.msk [tilespmem:v1+s14+$0x0], $0xffff  }
0x4c1: {  	v7 =	vadd.f32 v7, v12  }
0x4c2: {  	v1 =	vld.idx.msk [tilespmem:v1+s16+$0x0], $0xffff;
	v0 =	vadd.f32 v2, v0;
	v2 =	vmul.f32 v4, v4  }
0x4c3: {  	v6 =	vadd.f32 v6, v11;
	v4 =	vsub.f32 v7, v5  }
0x4c4: {  	v0 =	vadd.f32 v2, v0  }
0x4c5: {  	v5 =	vadd.f32 v63, v10;
	v2 =	vmul.f32 v4, v4;
	v3 =	vsub.f32 v6, v3;
	_ =	sdelay $0x1  }
0x4c6: {  	v1 =	vsub.f32 v5, v1;
	v0 =	vadd.f32 v2, v0;
	v2 =	vmul.f32 v3, v3;
	_ =	sdelay $0x1  }
0x4c7: {  	v1 =	vmul.f32 v1, v1;
	v0 =	vadd.f32 v2, v0;
	_ =	sdelay $0x1  }
0x4c8: {  	v0 =	vadd.f32 v1, v0;
	_ =	sdelay $0x1  }
0x4c9: {  	v1 =	vshra.s32 v0, $0x1;
	v2 =	vmul.f32 $5.000000000e-01, v0  }
0x4ca: {  	v1 =	vsub.s32 $0x5F3759DF, v1  }
0x4cb: {  	v3 =	vmul.f32 v1, v2;
	_ =	sdelay $0x1  }
0x4cc: {  	v3 =	vmul.f32 v1, v3;
	_ =	sdelay $0x1  }
0x4cd: {  	v3 =	vsub.f32 $1.500000000e+00, v3;
	_ =	sdelay $0x1  }
0x4ce: {  	v1 =	vmul.f32 v1, v3;
	_ =	sdelay $0x1  }
0x4cf: {  	v3 =	vmul.f32 v1, v2;
	_ =	sdelay $0x1  }
0x4d0: {  	v3 =	vmul.f32 v3, v1;
	_ =	sdelay $0x1  }
0x4d1: {  	v3 =	vsub.f32 $1.500000000e+00, v3;
	_ =	sdelay $0x1  }
0x4d2: {  	v1 =	vmul.f32 v3, v1;
	_ =	sdelay $0x1  }
0x4d3: {  	v2 =	vmul.f32 v1, v2;
	_ =	sdelay $0x1  }
0x4d4: {  	v2 =	vmul.f32 v2, v1;
	_ =	sdelay $0x1  }
0x4d5: {  	v2 =	vsub.f32 $1.500000000e+00, v2;
	_ =	sdelay $0x1  }
0x4d6: {  	v1 =	vmul.f32 v2, v1;
	_ =	sdelay $0x1  }
0x4d7: {  	v0 =	vmul.f32 v1, v0  }
0x4d8: {  	s1 =	sadd.s32 $0x10, s1  }
0x4d9: {  	[tilespmem:s1+$0x0] =	vst v0  }
0x4da: {  	_ =	swait.ge [sflag:s28], $0x1000  }
0x4db: {  	[sflag:s28] =	ssyncset.done $0x0  }
0x4dc: {  	[sflag:s28] =	ssyncadd.s32 $0xFFFFF000  }
0x4dd: {  	_ =	swait.ge [sflag:s29], $0x1000  }
0x4de: {  	v1 =	vld [tilespmem:$0x1FFF0];
	_ =	sdelay $0x1  }
0x4df: {  	s17 =	simm.s32 $0x180  }
0x4e0: {  	v0 =	vmov s17  }
0x4e1: {  	v0 =	vshll.u32 v0, $0x5  }
0x4e2: {  	[sflag:s29] =	ssyncset.done $0x0;
	v0 =	vor.u32 v1, v0  }
0x4e3: {  	[sflag:s29] =	ssyncadd.s32 $0xFFFFF000  }
0x4e4: {  	_ =	swait.ge [sflag:s30], $0x1000  }
0x4e5: {  	[sflag:s30] =	ssyncset.done $0x0;
	v6 =	vor.u32 $0x1F, v0  }
0x4e6: {  	[sflag:s30] =	ssyncadd.s32 $0xFFFFF000;
	v9 =	vor.u32 $0x1B, v0  }
0x4e7: {  	v11 =	vor.u32 $0x1A, v0;
	v57 =	vld.idx.msk [tilespmem:v0+s15+$0x0], $0xffff  }
0x4e8: {  	v13 =	vor.u32 $0x19, v0;
	v58 =	vld.idx.msk [tilespmem:v0+s14+$0x0], $0xffff  }
0x4e9: {  	v15 =	vor.u32 $0x18, v0;
	v61 =	vld.idx.msk [tilespmem:v0+s16+$0x0], $0xffff  }
0x4ea: {  	v17 =	vor.u32 $0x17, v0;
	v1 =	vld.idx.msk [tilespmem:v6+s15+$0x0], $0xffff  }
0x4eb: {  	v19 =	vor.u32 $0x16, v0;
	v10 =	vld.idx.msk [tilespmem:v9+s15+$0x0], $0xffff  }
0x4ec: {  	v21 =	vor.u32 $0x15, v0;
	v12 =	vld.idx.msk [tilespmem:v11+s15+$0x0], $0xffff  }
0x4ed: {  	v23 =	vor.u32 $0x14, v0;
	v14 =	vld.idx.msk [tilespmem:v13+s15+$0x0], $0xffff  }
0x4ee: {  	v25 =	vor.u32 $0x13, v0;
	v16 =	vld.idx.msk [tilespmem:v15+s15+$0x0], $0xffff  }
0x4ef: {  	v27 =	vor.u32 $0x12, v0;
	v18 =	vld.idx.msk [tilespmem:v17+s15+$0x0], $0xffff  }
0x4f0: {  	v29 =	vor.u32 $0x11, v0;
	v20 =	vld.idx.msk [tilespmem:v19+s15+$0x0], $0xffff  }
0x4f1: {  	v31 =	vor.u32 $0x10, v0;
	v22 =	vld.idx.msk [tilespmem:v21+s15+$0x0], $0xffff  }
0x4f2: {  	v32 =	vor.u32 $0xF, v0;
	v24 =	vld.idx.msk [tilespmem:v23+s15+$0x0], $0xffff  }
0x4f3: {  	v33 =	vor.u32 $0xE, v0;
	v26 =	vld.idx.msk [tilespmem:v25+s15+$0x0], $0xffff  }
0x4f4: {  	v34 =	vor.u32 $0xD, v0;
	v28 =	vld.idx.msk [tilespmem:v27+s15+$0x0], $0xffff  }
0x4f5: {  	v35 =	vor.u32 $0xC, v0;
	v30 =	vld.idx.msk [tilespmem:v29+s15+$0x0], $0xffff  }
0x4f6: {  	v36 =	vor.u32 $0xB, v0;
	v37 =	vld.idx.msk [tilespmem:v31+s15+$0x0], $0xffff  }
0x4f7: {  	v38 =	vor.u32 $0xA, v0;
	v39 =	vld.idx.msk [tilespmem:v32+s15+$0x0], $0xffff  }
0x4f8: {  	v40 =	vor.u32 $0x9, v0;
	v41 =	vld.idx.msk [tilespmem:v33+s15+$0x0], $0xffff  }
0x4f9: {  	v42 =	vor.u32 $0x8, v0;
	v43 =	vld.idx.msk [tilespmem:v34+s15+$0x0], $0xffff  }
0x4fa: {  	v45 =	vor.u32 $0x3, v0;
	v44 =	vld.idx.msk [tilespmem:v35+s15+$0x0], $0xffff  }
0x4fb: {  	v47 =	vor.u32 $0x2, v0;
	v46 =	vld.idx.msk [tilespmem:v36+s15+$0x0], $0xffff  }
0x4fc: {  	v48 =	vld.idx.msk [tilespmem:v38+s15+$0x0], $0xffff  }
0x4fd: {  	v60 =	vor.u32 $0x1, v0;
	v49 =	vld.idx.msk [tilespmem:v40+s15+$0x0], $0xffff  }
0x4fe: {  	v51 =	vld.idx.msk [tilespmem:v42+s15+$0x0], $0xffff  }
0x4ff: {  	v4 =	vor.u32 $0x1E, v0;
	v52 =	vld.idx.msk [tilespmem:v45+s15+$0x0], $0xffff  }
0x500: {  	v53 =	vld.idx.msk [tilespmem:v47+s15+$0x0], $0xffff  }
0x501: {  	v54 =	vld.idx.msk [tilespmem:v47+s14+$0x0], $0xffff  }
0x502: {  	v55 =	vld.idx.msk [tilespmem:v60+s15+$0x0], $0xffff  }
0x503: {  	v56 =	vld.idx.msk [tilespmem:v60+s14+$0x0], $0xffff  }
0x504: {  	v5 =	vor.u32 $0x1D, v0;
	[tilespmem:$0x1FE10] =	vst v1;
	v1 =	vld.idx.msk [tilespmem:v4+s15+$0x0], $0xffff  }
0x505: {  	v59 =	vor.u32 $0x7, v0;
	v50 =	vld.idx.msk [tilespmem:v60+s16+$0x0], $0xffff  }
0x506: {  	v62 =	vor.u32 $0x4, v0;
	v63 =	vld.idx.msk [tilespmem:v45+s14+$0x0], $0xffff  }
0x507: {  	v47 =	vld.idx.msk [tilespmem:v47+s16+$0x0], $0xffff  }
0x508: {  	v7 =	vor.u32 $0x1C, v0;
	v60 =	vor.u32 $0x6, v0;
	v0 =	vor.u32 $0x5, v0;
	v45 =	vld.idx.msk [tilespmem:v45+s16+$0x0], $0xffff  }
0x509: {  	[tilespmem:$0x1FE00] =	vst v1;
	v1 =	vld.idx.msk [tilespmem:v5+s15+$0x0], $0xffff  }
0x50a: {  	v3 =	vld.idx.msk [tilespmem:v59+s15+$0x0], $0xffff  }
0x50b: {  	v57 =	vadd.f32 v57, v58;
	v58 =	vld.idx.msk [tilespmem:v62+s16+$0x0], $0xffff  }
0x50c: {  	v55 =	vadd.f32 v55, v56;
	v56 =	vld.idx.msk [tilespmem:v62+s14+$0x0], $0xffff  }
0x50d: {  	v53 =	vadd.f32 v53, v54;
	v54 =	vld.idx.msk [tilespmem:v0+s15+$0x0], $0xffff  }
0x50e: {  	[tilespmem:$0x1FDF0] =	vst v1;
	v1 =	vld.idx.msk [tilespmem:v62+s15+$0x0], $0xffff  }
0x50f: {  	v57 =	vsub.f32 v57, v61;
	v50 =	vsub.f32 v55, v50;
	v55 =	vld.idx.msk [tilespmem:v0+s14+$0x0], $0xffff  }
0x510: {  	v2 =	vld.idx.msk [tilespmem:v60+s15+$0x0], $0xffff;
	v52 =	vadd.f32 v52, v63  }
0x511: {  	v61 =	vld.idx.msk [tilespmem:v60+s14+$0x0], $0xffff;
	v47 =	vsub.f32 v53, v47;
	v57 =	vmul.f32 v57, v57;
	v50 =	vmul.f32 v50, v50  }
0x512: {  	v0 =	vld.idx.msk [tilespmem:v0+s16+$0x0], $0xffff;
	v45 =	vsub.f32 v52, v45  }
0x513: {  	v63 =	vld.idx.msk [tilespmem:v60+s16+$0x0], $0xffff;
	v47 =	vmul.f32 v47, v47;
	v50 =	vadd.f32 v50, v57;
	v1 =	vadd.f32 v1, v56  }
0x514: {  	v54 =	vadd.f32 v54, v55;
	v62 =	vld.idx.msk [tilespmem:v59+s14+$0x0], $0xffff  }
0x515: {  	v45 =	vmul.f32 v45, v45;
	v57 =	vld.idx.msk [tilespmem:v42+s14+$0x0], $0xffff;
	v47 =	vadd.f32 v47, v50;
	v1 =	vsub.f32 v1, v58  }
0x516: {  	v2 =	vadd.f32 v2, v61;
	v58 =	vld.idx.msk [tilespmem:v59+s16+$0x0], $0xffff  }
0x517: {  	v0 =	vsub.f32 v54, v0;
	v45 =	vadd.f32 v45, v47;
	v59 =	vld.idx.msk [tilespmem:v40+s14+$0x0], $0xffff;
	v1 =	vmul.f32 v1, v1  }
0x518: {  	v42 =	vld.idx.msk [tilespmem:v42+s16+$0x0], $0xffff;
	v2 =	vsub.f32 v2, v63  }
0x519: {  	v60 =	vld.idx.msk [tilespmem:v38+s14+$0x0], $0xffff;
	v0 =	vmul.f32 v0, v0;
	v3 =	vadd.f32 v3, v62;
	v1 =	vadd.f32 v1, v45  }
0x51a: {  	v61 =	vadd.f32 v51, v57;
	v40 =	vld.idx.msk [tilespmem:v40+s16+$0x0], $0xffff  }
0x51b: {  	v62 =	vld.idx.msk [tilespmem:v36+s14+$0x0], $0xffff;
	v0 =	vadd.f32 v0, v1;
	v1 =	vmul.f32 v2, v2;
	v2 =	vsub.f32 v3, v58  }
0x51c: {  	v63 =	vadd.f32 v49, v59;
	v3 =	vld.idx.msk [tilespmem:v38+s16+$0x0], $0xffff  }
0x51d: {  	v49 =	vld.idx.msk [tilespmem:v35+s14+$0x0], $0xffff;
	v0 =	vadd.f32 v1, v0;
	v1 =	vmul.f32 v2, v2;
	v2 =	vsub.f32 v61, v42  }
0x51e: {  	v51 =	vadd.f32 v48, v60;
	v36 =	vld.idx.msk [tilespmem:v36+s16+$0x0], $0xffff  }
0x51f: {  	v52 =	vld.idx.msk [tilespmem:v34+s14+$0x0], $0xffff;
	v0 =	vadd.f32 v1, v0;
	v1 =	vmul.f32 v2, v2;
	v2 =	vsub.f32 v63, v40  }
0x520: {  	v53 =	vadd.f32 v46, v62;
	v35 =	vld.idx.msk [tilespmem:v35+s16+$0x0], $0xffff  }
0x521: {  	v54 =	vld.idx.msk [tilespmem:v33+s14+$0x0], $0xffff;
	v0 =	vadd.f32 v1, v0;
	v1 =	vmul.f32 v2, v2;
	v2 =	vsub.f32 v51, v3  }
0x522: {  	v55 =	vadd.f32 v44, v49;
	v3 =	vld.idx.msk [tilespmem:v34+s16+$0x0], $0xffff  }
0x523: {  	v56 =	vld.idx.msk [tilespmem:v32+s14+$0x0], $0xffff;
	v0 =	vadd.f32 v1, v0;
	v1 =	vmul.f32 v2, v2;
	v2 =	vsub.f32 v53, v36  }
0x524: {  	v33 =	vld.idx.msk [tilespmem:v33+s16+$0x0], $0xffff;
	v57 =	vadd.f32 v43, v52  }
0x525: {  	v58 =	vld.idx.msk [tilespmem:v31+s14+$0x0], $0xffff;
	v0 =	vadd.f32 v1, v0;
	v1 =	vmul.f32 v2, v2;
	v2 =	vsub.f32 v55, v35  }
0x526: {  	v32 =	vld.idx.msk [tilespmem:v32+s16+$0x0], $0xffff;
	v59 =	vadd.f32 v41, v54  }
0x527: {  	v60 =	vld.idx.msk [tilespmem:v29+s14+$0x0], $0xffff;
	v0 =	vadd.f32 v1, v0;
	v1 =	vmul.f32 v2, v2;
	v2 =	vsub.f32 v57, v3  }
0x528: {  	v3 =	vld.idx.msk [tilespmem:v31+s16+$0x0], $0xffff;
	v31 =	vadd.f32 v39, v56  }
0x529: {  	v61 =	vld.idx.msk [tilespmem:v27+s14+$0x0], $0xffff;
	v0 =	vadd.f32 v1, v0;
	v1 =	vmul.f32 v2, v2;
	v2 =	vsub.f32 v59, v33  }
0x52a: {  	v29 =	vld.idx.msk [tilespmem:v29+s16+$0x0], $0xffff;
	v62 =	vadd.f32 v37, v58  }
0x52b: {  	v63 =	vld.idx.msk [tilespmem:v25+s14+$0x0], $0xffff;
	v0 =	vadd.f32 v1, v0;
	v1 =	vmul.f32 v2, v2;
	v2 =	vsub.f32 v31, v32  }
0x52c: {  	v30 =	vadd.f32 v30, v60;
	v27 =	vld.idx.msk [tilespmem:v27+s16+$0x0], $0xffff  }
0x52d: {  	v31 =	vld.idx.msk [tilespmem:v23+s14+$0x0], $0xffff;
	v0 =	vadd.f32 v1, v0;
	v1 =	vmul.f32 v2, v2;
	v2 =	vsub.f32 v62, v3  }
0x52e: {  	v3 =	vld.idx.msk [tilespmem:v25+s16+$0x0], $0xffff;
	v25 =	vadd.f32 v28, v61  }
0x52f: {  	v28 =	vld.idx.msk [tilespmem:v21+s14+$0x0], $0xffff;
	v0 =	vadd.f32 v1, v0;
	v1 =	vmul.f32 v2, v2;
	v2 =	vsub.f32 v30, v29  }
0x530: {  	v26 =	vadd.f32 v26, v63;
	v23 =	vld.idx.msk [tilespmem:v23+s16+$0x0], $0xffff  }
0x531: {  	v29 =	vld.idx.msk [tilespmem:v19+s14+$0x0], $0xffff;
	v0 =	vadd.f32 v1, v0;
	v1 =	vmul.f32 v2, v2;
	v2 =	vsub.f32 v25, v27  }
0x532: {  	v21 =	vld.idx.msk [tilespmem:v21+s16+$0x0], $0xffff;
	v24 =	vadd.f32 v24, v31  }
0x533: {  	v25 =	vld.idx.msk [tilespmem:v17+s14+$0x0], $0xffff;
	v0 =	vadd.f32 v1, v0;
	v1 =	vmul.f32 v2, v2;
	v2 =	vsub.f32 v26, v3  }
0x534: {  	v3 =	vld.idx.msk [tilespmem:v19+s16+$0x0], $0xffff;
	v19 =	vadd.f32 v22, v28  }
0x535: {  	v22 =	vld.idx.msk [tilespmem:v15+s14+$0x0], $0xffff;
	v0 =	vadd.f32 v1, v0;
	v1 =	vmul.f32 v2, v2;
	v2 =	vsub.f32 v24, v23  }
0x536: {  	v17 =	vld.idx.msk [tilespmem:v17+s16+$0x0], $0xffff;
	v20 =	vadd.f32 v20, v29  }
0x537: {  	v23 =	vld.idx.msk [tilespmem:v13+s14+$0x0], $0xffff;
	v0 =	vadd.f32 v1, v0;
	v1 =	vmul.f32 v2, v2;
	v2 =	vsub.f32 v19, v21  }
0x538: {  	v15 =	vld.idx.msk [tilespmem:v15+s16+$0x0], $0xffff;
	v18 =	vadd.f32 v18, v25  }
0x539: {  	v19 =	vld.idx.msk [tilespmem:v11+s14+$0x0], $0xffff;
	v0 =	vadd.f32 v1, v0;
	v1 =	vmul.f32 v2, v2;
	v2 =	vsub.f32 v20, v3  }
0x53a: {  	v3 =	vld.idx.msk [tilespmem:v13+s16+$0x0], $0xffff;
	v13 =	vadd.f32 v16, v22  }
0x53b: {  	v16 =	vld.idx.msk [tilespmem:v9+s14+$0x0], $0xffff;
	v0 =	vadd.f32 v1, v0;
	v1 =	vmul.f32 v2, v2;
	v2 =	vsub.f32 v18, v17  }
0x53c: {  	v11 =	vld.idx.msk [tilespmem:v11+s16+$0x0], $0xffff;
	v14 =	vadd.f32 v14, v23  }
0x53d: {  	v8 =	vld.idx.msk [tilespmem:v7+s15+$0x0], $0xffff;
	v0 =	vadd.f32 v1, v0;
	v1 =	vmul.f32 v2, v2;
	v2 =	vsub.f32 v13, v15  }
0x53e: {  	v9 =	vld.idx.msk [tilespmem:v9+s16+$0x0], $0xffff;
	v12 =	vadd.f32 v12, v19  }
0x53f: {  	v17 =	vld.idx.msk [tilespmem:v7+s14+$0x0], $0xffff;
	v0 =	vadd.f32 v1, v0;
	v1 =	vmul.f32 v2, v2;
	v2 =	vsub.f32 v14, v3  }
0x540: {  	v3 =	vld.idx.msk [tilespmem:v7+s16+$0x0], $0xffff;
	v7 =	vadd.f32 v10, v16  }
0x541: {  	v0 =	vadd.f32 v1, v0;
	v1 =	vmul.f32 v2, v2;
	v2 =	vsub.f32 v12, v11  }
0x542: {  	v13 =	vld.idx.msk [tilespmem:v5+s14+$0x0], $0xffff  }
0x543: {  	v0 =	vadd.f32 v1, v0;
	v1 =	vmul.f32 v2, v2;
	v2 =	vsub.f32 v7, v9;
	v7 =	vld [tilespmem:$0x1FDF0]  }
0x544: {  	v5 =	vld.idx.msk [tilespmem:v5+s16+$0x0], $0xffff  }
0x545: {  	v10 =	vld.idx.msk [tilespmem:v4+s14+$0x0], $0xffff;
	v8 =	vadd.f32 v8, v17  }
0x546: {  	v11 =	vld.idx.msk [tilespmem:v6+s14+$0x0], $0xffff  }
0x547: {  	v0 =	vadd.f32 v1, v0;
	v1 =	vmul.f32 v2, v2;
	v2 =	vsub.f32 v8, v3;
	v3 =	vld.idx.msk [tilespmem:v6+s16+$0x0], $0xffff  }
0x548: {  	v6 =	vld [tilespmem:$0x1FE00];
	v7 =	vadd.f32 v7, v13  }
0x549: {  	v4 =	vld.idx.msk [tilespmem:v4+s16+$0x0], $0xffff  }
0x54a: {  	v0 =	vadd.f32 v1, v0;
	v1 =	vmul.f32 v2, v2;
	v2 =	vsub.f32 v7, v5;
	v5 =	vld [tilespmem:$0x1FE10];
	_ =	sdelay $0x2  }
0x54b: {  	v6 =	vadd.f32 v6, v10  }
0x54c: {  	v0 =	vadd.f32 v1, v0  }
0x54d: {  	v1 =	vmul.f32 v2, v2;
	v2 =	vsub.f32 v6, v4;
	v5 =	vadd.f32 v5, v11;
	_ =	sdelay $0x1  }
0x54e: {  	v0 =	vadd.f32 v1, v0;
	v1 =	vmul.f32 v2, v2;
	v2 =	vsub.f32 v5, v3;
	_ =	sdelay $0x1  }
0x54f: {  	v0 =	vadd.f32 v1, v0;
	v1 =	vmul.f32 v2, v2;
	_ =	sdelay $0x1  }
0x550: {  	v0 =	vadd.f32 v1, v0;
	_ =	sdelay $0x1  }
0x551: {  	v1 =	vshra.s32 v0, $0x1;
	v2 =	vmul.f32 $5.000000000e-01, v0  }
0x552: {  	v1 =	vsub.s32 $0x5F3759DF, v1  }
0x553: {  	v3 =	vmul.f32 v1, v2;
	_ =	sdelay $0x1  }
0x554: {  	v3 =	vmul.f32 v1, v3;
	_ =	sdelay $0x1  }
0x555: {  	v3 =	vsub.f32 $1.500000000e+00, v3;
	_ =	sdelay $0x1  }
0x556: {  	v1 =	vmul.f32 v1, v3;
	_ =	sdelay $0x1  }
0x557: {  	v3 =	vmul.f32 v1, v2;
	_ =	sdelay $0x1  }
0x558: {  	v3 =	vmul.f32 v3, v1;
	_ =	sdelay $0x1  }
0x559: {  	v3 =	vsub.f32 $1.500000000e+00, v3;
	_ =	sdelay $0x1  }
0x55a: {  	v3 =	vmul.f32 v3, v1;
	_ =	sdelay $0x1  }
0x55b: {  	v1 =	vmul.f32 v3, v2;
	_ =	sdelay $0x1  }
0x55c: {  	v1 =	vmul.f32 v1, v3;
	_ =	sdelay $0x1  }
0x55d: {  	v4 =	vsub.f32 $1.500000000e+00, v1;
	v1 =	vld [tilespmem:$0x1FFF0];
	_ =	sdelay $0x1  }
0x55e: {  	s17 =	simm.s32 $0x190  }
0x55f: {  	v2 =	vmov s17  }
0x560: {  	v2 =	vshll.u32 v2, $0x5  }
0x561: {  	v44 =	vor.u32 v1, v2  }
0x562: {  	v2 =	vmul.f32 v4, v3;
	v1 =	vor.u32 $0x1F, v44  }
0x563: {  	v3 =	vor.u32 $0x1E, v44  }
0x564: {  	v11 =	vor.u32 $0x1A, v44;
	v0 =	vmul.f32 v2, v0  }
0x565: {  	s1 =	simm.s32 $0xC780;
	v13 =	vor.u32 $0x19, v44  }
0x566: {  	v15 =	vor.u32 $0x18, v44;
	[tilespmem:s1+$0x0] =	vst v0  }
0x567: {  	v17 =	vor.u32 $0x17, v44;
	v63 =	vld.idx.msk [tilespmem:v1+s15+$0x0], $0xffff  }
0x568: {  	v19 =	vor.u32 $0x16, v44;
	v0 =	vld.idx.msk [tilespmem:v3+s15+$0x0], $0xffff  }
0x569: {  	v21 =	vor.u32 $0x15, v44;
	v12 =	vld.idx.msk [tilespmem:v11+s15+$0x0], $0xffff  }
0x56a: {  	v23 =	vor.u32 $0x14, v44;
	v14 =	vld.idx.msk [tilespmem:v13+s15+$0x0], $0xffff  }
0x56b: {  	v25 =	vor.u32 $0x13, v44;
	v16 =	vld.idx.msk [tilespmem:v15+s15+$0x0], $0xffff  }
0x56c: {  	v27 =	vor.u32 $0x12, v44;
	v18 =	vld.idx.msk [tilespmem:v17+s15+$0x0], $0xffff  }
0x56d: {  	v5 =	vor.u32 $0x1D, v44;
	v20 =	vld.idx.msk [tilespmem:v19+s15+$0x0], $0xffff  }
0x56e: {  	v29 =	vor.u32 $0x11, v44;
	v22 =	vld.idx.msk [tilespmem:v21+s15+$0x0], $0xffff  }
0x56f: {  	v31 =	vor.u32 $0x10, v44;
	v24 =	vld.idx.msk [tilespmem:v23+s15+$0x0], $0xffff  }
0x570: {  	v33 =	vor.u32 $0xF, v44;
	v26 =	vld.idx.msk [tilespmem:v25+s15+$0x0], $0xffff  }
0x571: {  	v35 =	vor.u32 $0xE, v44;
	v28 =	vld.idx.msk [tilespmem:v27+s15+$0x0], $0xffff  }
0x572: {  	v7 =	vor.u32 $0x1C, v44;
	[tilespmem:$0x1FE20] =	vst v0;
	v0 =	vld.idx.msk [tilespmem:v5+s15+$0x0], $0xffff  }
0x573: {  	v37 =	vor.u32 $0xD, v44;
	v30 =	vld.idx.msk [tilespmem:v29+s15+$0x0], $0xffff  }
0x574: {  	v39 =	vor.u32 $0xC, v44;
	v32 =	vld.idx.msk [tilespmem:v31+s15+$0x0], $0xffff  }
0x575: {  	v41 =	vor.u32 $0xB, v44;
	v34 =	vld.idx.msk [tilespmem:v33+s15+$0x0], $0xffff  }
0x576: {  	v43 =	vor.u32 $0xA, v44;
	v36 =	vld.idx.msk [tilespmem:v35+s15+$0x0], $0xffff  }
0x577: {  	v9 =	vor.u32 $0x1B, v44;
	[tilespmem:$0x1FE30] =	vst v0;
	v0 =	vld.idx.msk [tilespmem:v7+s15+$0x0], $0xffff  }
0x578: {  	v46 =	vor.u32 $0x9, v44;
	v38 =	vld.idx.msk [tilespmem:v37+s15+$0x0], $0xffff  }
0x579: {  	v48 =	vor.u32 $0x8, v44;
	v40 =	vld.idx.msk [tilespmem:v39+s15+$0x0], $0xffff  }
0x57a: {  	v50 =	vor.u32 $0x7, v44;
	v42 =	vld.idx.msk [tilespmem:v41+s15+$0x0], $0xffff  }
0x57b: {  	v52 =	vor.u32 $0x6, v44;
	v45 =	vld.idx.msk [tilespmem:v43+s15+$0x0], $0xffff  }
0x57c: {  	v54 =	vor.u32 $0x5, v44;
	[tilespmem:$0x1FE40] =	vst v0;
	v0 =	vld.idx.msk [tilespmem:v9+s15+$0x0], $0xffff  }
0x57d: {  	v47 =	vld.idx.msk [tilespmem:v46+s15+$0x0], $0xffff  }
0x57e: {  	v49 =	vld.idx.msk [tilespmem:v48+s15+$0x0], $0xffff  }
0x57f: {  	v51 =	vld.idx.msk [tilespmem:v50+s15+$0x0], $0xffff  }
0x580: {  	v56 =	vor.u32 $0x4, v44;
	v53 =	vld.idx.msk [tilespmem:v52+s15+$0x0], $0xffff  }
0x581: {  	s17 =	simm.s32 $0x1A0;
	v57 =	vor.u32 $0x3, v44;
	v58 =	vor.u32 $0x2, v44;
	v59 =	vor.u32 $0x1, v44;
	v55 =	vld.idx.msk [tilespmem:v54+s15+$0x0], $0xffff;
	[tilespmem:$0x1FE50] =	vst v0  }
.LBB2_8:
0x582: {  	_ =	sdelay $0x2  }
0x583: {  	v0 =	vld.idx.msk [tilespmem:v56+s15+$0x0], $0xffff  }
0x584: {  	v60 =	vld.idx.msk [tilespmem:v57+s15+$0x0], $0xffff  }
0x585: {  	v61 =	vld.idx.msk [tilespmem:v58+s15+$0x0], $0xffff  }
0x586: {  	v62 =	vld.idx.msk [tilespmem:v58+s14+$0x0], $0xffff  }
0x587: {  	v2 =	vld.idx.msk [tilespmem:v59+s14+$0x0], $0xffff  }
0x588: {  	v4 =	vld.idx.msk [tilespmem:v44+s15+$0x0], $0xffff  }
0x589: {  	v6 =	vld.idx.msk [tilespmem:v44+s14+$0x0], $0xffff  }
0x58a: {  	[tilespmem:$0x1FDE0] =	vst v63;
	v63 =	vld.idx.msk [tilespmem:v59+s15+$0x0], $0xffff  }
0x58b: {  	v44 =	vld.idx.msk [tilespmem:v44+s16+$0x0], $0xffff  }
0x58c: {  	v59 =	vld.idx.msk [tilespmem:v59+s16+$0x0], $0xffff  }
0x58d: {  	v8 =	vld.idx.msk [tilespmem:v57+s14+$0x0], $0xffff  }
0x58e: {  	v58 =	vld.idx.msk [tilespmem:v58+s16+$0x0], $0xffff  }
0x58f: {  	v10 =	vld.idx.msk [tilespmem:v56+s14+$0x0], $0xffff;
	v4 =	vadd.f32 v4, v6;
	v2 =	vadd.f32 v63, v2  }
0x590: {  	v6 =	vld.idx.msk [tilespmem:v57+s16+$0x0], $0xffff;
	v57 =	vadd.f32 v61, v62  }
0x591: {  	v4 =	vsub.f32 v4, v44;
	v44 =	vld.idx.msk [tilespmem:v56+s16+$0x0], $0xffff;
	v2 =	vsub.f32 v2, v59  }
0x592: {  	v61 =	vld.idx.msk [tilespmem:v54+s14+$0x0], $0xffff;
	v8 =	vadd.f32 v60, v8  }
0x593: {  	v62 =	vld.idx.msk [tilespmem:v52+s14+$0x0], $0xffff;
	v57 =	vsub.f32 v57, v58;
	v4 =	vmul.f32 v4, v4;
	v2 =	vmul.f32 v2, v2  }
0x594: {  	v0 =	vadd.f32 v0, v10;
	v63 =	vld.idx.msk [tilespmem:v54+s16+$0x0], $0xffff  }
0x595: {  	v10 =	vld.idx.msk [tilespmem:v50+s14+$0x0], $0xffff;
	v6 =	vsub.f32 v8, v6;
	v2 =	vadd.f32 v2, v4;
	v4 =	vmul.f32 v57, v57  }
0x596: {  	v8 =	vld.idx.msk [tilespmem:v52+s16+$0x0], $0xffff;
	v0 =	vsub.f32 v0, v44  }
0x597: {  	v58 =	vld.idx.msk [tilespmem:v48+s14+$0x0], $0xffff;
	v57 =	vadd.f32 v55, v61;
	v2 =	vadd.f32 v4, v2;
	v4 =	vmul.f32 v6, v6  }
0x598: {  	v59 =	vadd.f32 v53, v62;
	v6 =	vld.idx.msk [tilespmem:v50+s16+$0x0], $0xffff  }
0x599: {  	v60 =	vld.idx.msk [tilespmem:v46+s14+$0x0], $0xffff;
	v0 =	vmul.f32 v0, v0;
	v2 =	vadd.f32 v4, v2;
	v4 =	vsub.f32 v57, v63  }
0x59a: {  	v10 =	vadd.f32 v51, v10;
	v61 =	vld.idx.msk [tilespmem:v48+s16+$0x0], $0xffff  }
0x59b: {  	v62 =	vld.idx.msk [tilespmem:v43+s14+$0x0], $0xffff;
	v0 =	vadd.f32 v0, v2;
	v2 =	vmul.f32 v4, v4;
	v4 =	vsub.f32 v59, v8  }
0x59c: {  	v63 =	vadd.f32 v49, v58;
	v8 =	vld.idx.msk [tilespmem:v46+s16+$0x0], $0xffff  }
0x59d: {  	v49 =	vld.idx.msk [tilespmem:v41+s14+$0x0], $0xffff;
	v0 =	vadd.f32 v2, v0;
	v2 =	vmul.f32 v4, v4;
	v4 =	vsub.f32 v10, v6  }
0x59e: {  	v6 =	vld.idx.msk [tilespmem:v43+s16+$0x0], $0xffff;
	v10 =	vadd.f32 v47, v60  }
0x59f: {  	v50 =	vld.idx.msk [tilespmem:v39+s14+$0x0], $0xffff;
	v0 =	vadd.f32 v2, v0;
	v2 =	vmul.f32 v4, v4;
	v4 =	vsub.f32 v63, v61  }
0x5a0: {  	v52 =	vld.idx.msk [tilespmem:v41+s16+$0x0], $0xffff;
	v53 =	vadd.f32 v45, v62  }
0x5a1: {  	v54 =	vld.idx.msk [tilespmem:v37+s14+$0x0], $0xffff;
	v0 =	vadd.f32 v2, v0;
	v2 =	vmul.f32 v4, v4;
	v4 =	vsub.f32 v10, v8  }
0x5a2: {  	v8 =	vld.idx.msk [tilespmem:v39+s16+$0x0], $0xffff;
	v10 =	vadd.f32 v42, v49  }
0x5a3: {  	v55 =	vld.idx.msk [tilespmem:v35+s14+$0x0], $0xffff;
	v0 =	vadd.f32 v2, v0;
	v2 =	vmul.f32 v4, v4;
	v4 =	vsub.f32 v53, v6  }
0x5a4: {  	v56 =	vadd.f32 v40, v50;
	v6 =	vld.idx.msk [tilespmem:v37+s16+$0x0], $0xffff  }
0x5a5: {  	v57 =	vld.idx.msk [tilespmem:v33+s14+$0x0], $0xffff;
	v0 =	vadd.f32 v2, v0;
	v2 =	vmul.f32 v4, v4;
	v4 =	vsub.f32 v10, v52  }
0x5a6: {  	v58 =	vadd.f32 v38, v54;
	v10 =	vld.idx.msk [tilespmem:v35+s16+$0x0], $0xffff  }
0x5a7: {  	v59 =	vld.idx.msk [tilespmem:v31+s14+$0x0], $0xffff;
	v0 =	vadd.f32 v2, v0;
	v2 =	vmul.f32 v4, v4;
	v4 =	vsub.f32 v56, v8  }
0x5a8: {  	v60 =	vadd.f32 v36, v55;
	v8 =	vld.idx.msk [tilespmem:v33+s16+$0x0], $0xffff  }
0x5a9: {  	v61 =	vld.idx.msk [tilespmem:v29+s14+$0x0], $0xffff;
	v0 =	vadd.f32 v2, v0;
	v2 =	vmul.f32 v4, v4;
	v4 =	vsub.f32 v58, v6  }
0x5aa: {  	v6 =	vld.idx.msk [tilespmem:v31+s16+$0x0], $0xffff;
	v31 =	vadd.f32 v34, v57  }
0x5ab: {  	v62 =	vld.idx.msk [tilespmem:v27+s14+$0x0], $0xffff;
	v0 =	vadd.f32 v2, v0;
	v2 =	vmul.f32 v4, v4;
	v4 =	vsub.f32 v60, v10  }
0x5ac: {  	v10 =	vld.idx.msk [tilespmem:v29+s16+$0x0], $0xffff;
	v29 =	vadd.f32 v32, v59  }
0x5ad: {  	v63 =	vld.idx.msk [tilespmem:v25+s14+$0x0], $0xffff;
	v0 =	vadd.f32 v2, v0;
	v2 =	vmul.f32 v4, v4;
	v4 =	vsub.f32 v31, v8  }
0x5ae: {  	v8 =	vld.idx.msk [tilespmem:v27+s16+$0x0], $0xffff;
	v27 =	vadd.f32 v30, v61  }
0x5af: {  	v30 =	vld.idx.msk [tilespmem:v23+s14+$0x0], $0xffff;
	v0 =	vadd.f32 v2, v0;
	v2 =	vmul.f32 v4, v4;
	v4 =	vsub.f32 v29, v6  }
0x5b0: {  	v6 =	vld.idx.msk [tilespmem:v25+s16+$0x0], $0xffff;
	v25 =	vadd.f32 v28, v62  }
0x5b1: {  	v28 =	vld.idx.msk [tilespmem:v21+s14+$0x0], $0xffff;
	v0 =	vadd.f32 v2, v0;
	v2 =	vmul.f32 v4, v4;
	v4 =	vsub.f32 v27, v10  }
0x5b2: {  	v10 =	vld.idx.msk [tilespmem:v23+s16+$0x0], $0xffff;
	v23 =	vadd.f32 v26, v63  }
0x5b3: {  	v26 =	vld.idx.msk [tilespmem:v19+s14+$0x0], $0xffff;
	v0 =	vadd.f32 v2, v0;
	v2 =	vmul.f32 v4, v4;
	v4 =	vsub.f32 v25, v8  }
0x5b4: {  	v8 =	vld.idx.msk [tilespmem:v21+s16+$0x0], $0xffff;
	v21 =	vadd.f32 v24, v30  }
0x5b5: {  	v24 =	vld.idx.msk [tilespmem:v17+s14+$0x0], $0xffff;
	v0 =	vadd.f32 v2, v0;
	v2 =	vmul.f32 v4, v4;
	v4 =	vsub.f32 v23, v6  }
0x5b6: {  	v6 =	vld.idx.msk [tilespmem:v19+s16+$0x0], $0xffff;
	v19 =	vadd.f32 v22, v28  }
0x5b7: {  	v22 =	vld.idx.msk [tilespmem:v15+s14+$0x0], $0xffff;
	v0 =	vadd.f32 v2, v0;
	v2 =	vmul.f32 v4, v4;
	v4 =	vsub.f32 v21, v10  }
0x5b8: {  	v10 =	vld.idx.msk [tilespmem:v17+s16+$0x0], $0xffff;
	v17 =	vadd.f32 v20, v26  }
0x5b9: {  	v20 =	vld.idx.msk [tilespmem:v13+s14+$0x0], $0xffff;
	v0 =	vadd.f32 v2, v0;
	v2 =	vmul.f32 v4, v4;
	v4 =	vsub.f32 v19, v8  }
0x5ba: {  	v8 =	vld.idx.msk [tilespmem:v15+s16+$0x0], $0xffff;
	v15 =	vadd.f32 v18, v24  }
0x5bb: {  	v0 =	vadd.f32 v2, v0;
	v2 =	vmul.f32 v4, v4;
	v4 =	vsub.f32 v17, v6  }
0x5bc: {  	v6 =	vld.idx.msk [tilespmem:v13+s16+$0x0], $0xffff;
	v13 =	vadd.f32 v16, v22  }
0x5bd: {  	v18 =	vld.idx.msk [tilespmem:v11+s14+$0x0], $0xffff;
	v0 =	vadd.f32 v2, v0;
	v2 =	vmul.f32 v4, v4;
	v4 =	vsub.f32 v15, v10  }
0x5be: {  	v10 =	vld.idx.msk [tilespmem:v11+s16+$0x0], $0xffff;
	v11 =	vadd.f32 v14, v20  }
0x5bf: {  	v16 =	vld.idx.msk [tilespmem:v9+s14+$0x0], $0xffff;
	v0 =	vadd.f32 v2, v0;
	v2 =	vmul.f32 v4, v4;
	v4 =	vsub.f32 v13, v8  }
0x5c0: {  	v14 =	vld.idx.msk [tilespmem:v7+s14+$0x0], $0xffff  }
0x5c1: {  	v0 =	vadd.f32 v2, v0;
	v2 =	vmul.f32 v4, v4;
	v4 =	vsub.f32 v11, v6;
	v6 =	vld.idx.msk [tilespmem:v7+s16+$0x0], $0xffff  }
0x5c2: {  	v7 =	vld [tilespmem:$0x1FE50];
	_ =	sdelay $0x1  }
0x5c3: {  	v8 =	vld.idx.msk [tilespmem:v9+s16+$0x0], $0xffff  }
0x5c4: {  	v9 =	vadd.f32 v12, v18  }
0x5c5: {  	v0 =	vadd.f32 v2, v0  }
0x5c6: {  	v2 =	vmul.f32 v4, v4;
	v4 =	vsub.f32 v9, v10;
	v9 =	vld [tilespmem:$0x1FE40];
	v7 =	vadd.f32 v7, v16  }
0x5c7: {  	v12 =	vld.idx.msk [tilespmem:v5+s14+$0x0], $0xffff  }
0x5c8: {  	v0 =	vadd.f32 v2, v0;
	v2 =	vmul.f32 v4, v4;
	v4 =	vsub.f32 v7, v8;
	v7 =	vld [tilespmem:$0x1FE30];
	_ =	sdelay $0x1  }
0x5c9: {  	v5 =	vld.idx.msk [tilespmem:v5+s16+$0x0], $0xffff  }
0x5ca: {  	v11 =	vld.idx.msk [tilespmem:v3+s14+$0x0], $0xffff;
	v9 =	vadd.f32 v9, v14  }
0x5cb: {  	v3 =	vld.idx.msk [tilespmem:v3+s16+$0x0], $0xffff;
	v0 =	vadd.f32 v2, v0  }
0x5cc: {  	v2 =	vmul.f32 v4, v4;
	v4 =	vsub.f32 v9, v6;
	v6 =	vld [tilespmem:$0x1FE20];
	v7 =	vadd.f32 v7, v12  }
0x5cd: {  	v10 =	vld.idx.msk [tilespmem:v1+s14+$0x0], $0xffff  }
0x5ce: {  	v0 =	vadd.f32 v2, v0;
	v2 =	vmul.f32 v4, v4;
	v4 =	vsub.f32 v7, v5;
	v5 =	vld [tilespmem:$0x1FDE0];
	_ =	sdelay $0x1  }
0x5cf: {  	v1 =	vld.idx.msk [tilespmem:v1+s16+$0x0], $0xffff  }
0x5d0: {  	v6 =	vadd.f32 v6, v11  }
0x5d1: {  	v0 =	vadd.f32 v2, v0  }
0x5d2: {  	v2 =	vmul.f32 v4, v4;
	v3 =	vsub.f32 v6, v3;
	v5 =	vadd.f32 v5, v10;
	_ =	sdelay $0x1  }
0x5d3: {  	v0 =	vadd.f32 v2, v0;
	v2 =	vmul.f32 v3, v3;
	v1 =	vsub.f32 v5, v1;
	_ =	sdelay $0x1  }
0x5d4: {  	v0 =	vadd.f32 v2, v0;
	v1 =	vmul.f32 v1, v1;
	_ =	sdelay $0x1  }
0x5d5: {  	v0 =	vadd.f32 v1, v0;
	_ =	sdelay $0x1  }
0x5d6: {  	v1 =	vshra.s32 v0, $0x1;
	v2 =	vmul.f32 $5.000000000e-01, v0  }
0x5d7: {  	v1 =	vsub.s32 $0x5F3759DF, v1  }
0x5d8: {  	v3 =	vmul.f32 v1, v2;
	_ =	sdelay $0x1  }
0x5d9: {  	v3 =	vmul.f32 v1, v3;
	_ =	sdelay $0x1  }
0x5da: {  	v3 =	vsub.f32 $1.500000000e+00, v3;
	_ =	sdelay $0x1  }
0x5db: {  	v1 =	vmul.f32 v1, v3;
	_ =	sdelay $0x1  }
0x5dc: {  	v3 =	vmul.f32 v1, v2;
	_ =	sdelay $0x1  }
0x5dd: {  	v3 =	vmul.f32 v3, v1;
	_ =	sdelay $0x1  }
0x5de: {  	v3 =	vsub.f32 $1.500000000e+00, v3;
	_ =	sdelay $0x1  }
0x5df: {  	v3 =	vmul.f32 v3, v1;
	_ =	sdelay $0x1  }
0x5e0: {  	v1 =	vmul.f32 v3, v2;
	_ =	sdelay $0x1  }
0x5e1: {  	v1 =	vmul.f32 v1, v3;
	_ =	sdelay $0x1  }
0x5e2: {  	v4 =	vsub.f32 $1.500000000e+00, v1;
	v1 =	vld [tilespmem:$0x1FFF0];
	_ =	sdelay $0x2  }
0x5e3: {  	v2 =	vmov s17  }
0x5e4: {  	v2 =	vshll.u32 v2, $0x5  }
0x5e5: {  	v44 =	vor.u32 v1, v2  }
0x5e6: {  	v2 =	vmul.f32 v4, v3;
	v1 =	vor.u32 $0x1F, v44  }
0x5e7: {  	v3 =	vor.u32 $0x1E, v44  }
0x5e8: {  	v11 =	vor.u32 $0x1A, v44;
	v0 =	vmul.f32 v2, v0  }
0x5e9: {  	s1 =	sadd.s32 $0x10, s1;
	v13 =	vor.u32 $0x19, v44  }
0x5ea: {  	v15 =	vor.u32 $0x18, v44;
	[tilespmem:s1+$0x0] =	vst v0  }
0x5eb: {  	v17 =	vor.u32 $0x17, v44;
	v63 =	vld.idx.msk [tilespmem:v1+s15+$0x0], $0xffff  }
0x5ec: {  	v19 =	vor.u32 $0x16, v44;
	v0 =	vld.idx.msk [tilespmem:v3+s15+$0x0], $0xffff  }
0x5ed: {  	v21 =	vor.u32 $0x15, v44;
	v12 =	vld.idx.msk [tilespmem:v11+s15+$0x0], $0xffff  }
0x5ee: {  	v23 =	vor.u32 $0x14, v44;
	v14 =	vld.idx.msk [tilespmem:v13+s15+$0x0], $0xffff  }
0x5ef: {  	v25 =	vor.u32 $0x13, v44;
	v16 =	vld.idx.msk [tilespmem:v15+s15+$0x0], $0xffff  }
0x5f0: {  	v27 =	vor.u32 $0x12, v44;
	v18 =	vld.idx.msk [tilespmem:v17+s15+$0x0], $0xffff  }
0x5f1: {  	v5 =	vor.u32 $0x1D, v44;
	v20 =	vld.idx.msk [tilespmem:v19+s15+$0x0], $0xffff  }
0x5f2: {  	v29 =	vor.u32 $0x11, v44;
	v22 =	vld.idx.msk [tilespmem:v21+s15+$0x0], $0xffff  }
0x5f3: {  	v31 =	vor.u32 $0x10, v44;
	v24 =	vld.idx.msk [tilespmem:v23+s15+$0x0], $0xffff  }
0x5f4: {  	v33 =	vor.u32 $0xF, v44;
	v26 =	vld.idx.msk [tilespmem:v25+s15+$0x0], $0xffff  }
0x5f5: {  	v35 =	vor.u32 $0xE, v44;
	v28 =	vld.idx.msk [tilespmem:v27+s15+$0x0], $0xffff  }
0x5f6: {  	v7 =	vor.u32 $0x1C, v44;
	[tilespmem:$0x1FE20] =	vst v0;
	v0 =	vld.idx.msk [tilespmem:v5+s15+$0x0], $0xffff  }
0x5f7: {  	v37 =	vor.u32 $0xD, v44;
	v30 =	vld.idx.msk [tilespmem:v29+s15+$0x0], $0xffff  }
0x5f8: {  	v39 =	vor.u32 $0xC, v44;
	v32 =	vld.idx.msk [tilespmem:v31+s15+$0x0], $0xffff  }
0x5f9: {  	v41 =	vor.u32 $0xB, v44;
	v34 =	vld.idx.msk [tilespmem:v33+s15+$0x0], $0xffff  }
0x5fa: {  	v43 =	vor.u32 $0xA, v44;
	v36 =	vld.idx.msk [tilespmem:v35+s15+$0x0], $0xffff  }
0x5fb: {  	v9 =	vor.u32 $0x1B, v44;
	[tilespmem:$0x1FE30] =	vst v0;
	v0 =	vld.idx.msk [tilespmem:v7+s15+$0x0], $0xffff  }
0x5fc: {  	v46 =	vor.u32 $0x9, v44;
	v38 =	vld.idx.msk [tilespmem:v37+s15+$0x0], $0xffff  }
0x5fd: {  	v48 =	vor.u32 $0x8, v44;
	v40 =	vld.idx.msk [tilespmem:v39+s15+$0x0], $0xffff  }
0x5fe: {  	v50 =	vor.u32 $0x7, v44;
	v42 =	vld.idx.msk [tilespmem:v41+s15+$0x0], $0xffff  }
0x5ff: {  	v52 =	vor.u32 $0x6, v44;
	v45 =	vld.idx.msk [tilespmem:v43+s15+$0x0], $0xffff  }
0x600: {  	p0 =	sne.s32 s17, $0x1F0;
	v54 =	vor.u32 $0x5, v44;
	[tilespmem:$0x1FE40] =	vst v0;
	v0 =	vld.idx.msk [tilespmem:v9+s15+$0x0], $0xffff  }
.Ltmp3:
0x601: {  	v47 =	vld.idx.msk [tilespmem:v46+s15+$0x0], $0xffff;
	(pc) =	sbr.rel @p0 .LBB2_8-.Ltmp3, $4  }
0x602: {  	v49 =	vld.idx.msk [tilespmem:v48+s15+$0x0], $0xffff  }
0x603: {  	v51 =	vld.idx.msk [tilespmem:v50+s15+$0x0], $0xffff  }
0x604: {  	v56 =	vor.u32 $0x4, v44;
	v53 =	vld.idx.msk [tilespmem:v52+s15+$0x0], $0xffff  }
0x605: {  	s17 =	sadd.s32 $0x10, s17;
	v57 =	vor.u32 $0x3, v44;
	v58 =	vor.u32 $0x2, v44;
	v59 =	vor.u32 $0x1, v44;
	v55 =	vld.idx.msk [tilespmem:v54+s15+$0x0], $0xffff;
	[tilespmem:$0x1FE50] =	vst v0  }
0x606: {  	_ =	sdelay $0x3  }
0x607: {  	v0 =	vld.idx.msk [tilespmem:v58+s15+$0x0], $0xffff  }
0x608: {  	v2 =	vld.idx.msk [tilespmem:v59+s15+$0x0], $0xffff  }
0x609: {  	v4 =	vld.idx.msk [tilespmem:v59+s14+$0x0], $0xffff  }
0x60a: {  	v6 =	vld.idx.msk [tilespmem:v44+s15+$0x0], $0xffff  }
0x60b: {  	v8 =	vld.idx.msk [tilespmem:v44+s14+$0x0], $0xffff  }
0x60c: {  	v10 =	vld.idx.msk [tilespmem:v59+s16+$0x0], $0xffff  }
0x60d: {  	v44 =	vld.idx.msk [tilespmem:v44+s16+$0x0], $0xffff  }
0x60e: {  	v59 =	vld.idx.msk [tilespmem:v58+s14+$0x0], $0xffff  }
0x60f: {  	v58 =	vld.idx.msk [tilespmem:v58+s16+$0x0], $0xffff  }
0x610: {  	v60 =	vld.idx.msk [tilespmem:v57+s15+$0x0], $0xffff  }
0x611: {  	v61 =	vld.idx.msk [tilespmem:v57+s14+$0x0], $0xffff  }
0x612: {  	v62 =	vld.idx.msk [tilespmem:v56+s15+$0x0], $0xffff  }
0x613: {  	v2 =	vadd.f32 v2, v4;
	v4 =	vld.idx.msk [tilespmem:v56+s14+$0x0], $0xffff  }
0x614: {  	v6 =	vadd.f32 v6, v8;
	v8 =	vld.idx.msk [tilespmem:v57+s16+$0x0], $0xffff  }
0x615: {  	v56 =	vld.idx.msk [tilespmem:v56+s16+$0x0], $0xffff  }
0x616: {  	v57 =	vld.idx.msk [tilespmem:v41+s14+$0x0], $0xffff  }
0x617: {  	v0 =	vadd.f32 v0, v59;
	v2 =	vsub.f32 v2, v10;
	v10 =	vld.idx.msk [tilespmem:v54+s14+$0x0], $0xffff  }
0x618: {  	v6 =	vsub.f32 v6, v44;
	v44 =	vadd.f32 v60, v61;
	v60 =	vld.idx.msk [tilespmem:v52+s14+$0x0], $0xffff  }
0x619: {  	v61 =	vld.idx.msk [tilespmem:v54+s16+$0x0], $0xffff  }
0x61a: {  	v0 =	vsub.f32 v0, v58;
	v58 =	vld.idx.msk [tilespmem:v48+s14+$0x0], $0xffff  }
0x61b: {  	v54 =	vld.idx.msk [tilespmem:v43+s14+$0x0], $0xffff;
	v6 =	vmul.f32 v6, v6;
	v2 =	vmul.f32 v2, v2  }
0x61c: {  	v4 =	vadd.f32 v62, v4;
	v62 =	vsub.f32 v44, v8;
	v8 =	vld.idx.msk [tilespmem:v50+s14+$0x0], $0xffff  }
0x61d: {  	v0 =	vmul.f32 v0, v0;
	v44 =	vld.idx.msk [tilespmem:v52+s16+$0x0], $0xffff;
	v2 =	vadd.f32 v2, v6  }
0x61e: {  	v52 =	vld.idx.msk [tilespmem:v33+s16+$0x0], $0xffff;
	v10 =	vadd.f32 v55, v10;
	v59 =	vadd.f32 v53, v60  }
0x61f: {  	v6 =	vmul.f32 v62, v62;
	v60 =	vld.idx.msk [tilespmem:v50+s16+$0x0], $0xffff;
	v0 =	vadd.f32 v0, v2;
	v2 =	vsub.f32 v4, v56  }
0x620: {  	v62 =	vld.idx.msk [tilespmem:v46+s14+$0x0], $0xffff  }
0x621: {  	v53 =	vld.idx.msk [tilespmem:v48+s16+$0x0], $0xffff;
	v61 =	vsub.f32 v10, v61;
	v0 =	vadd.f32 v6, v0;
	v2 =	vmul.f32 v2, v2  }
0x622: {  	v55 =	vld.idx.msk [tilespmem:v46+s16+$0x0], $0xffff;
	v8 =	vadd.f32 v51, v8  }
0x623: {  	v46 =	vld.idx.msk [tilespmem:v35+s14+$0x0], $0xffff;
	v6 =	vmul.f32 v61, v61;
	v0 =	vadd.f32 v2, v0;
	v2 =	vsub.f32 v59, v44  }
0x624: {  	v50 =	vld.idx.msk [tilespmem:v35+s16+$0x0], $0xffff;
	v4 =	vadd.f32 v49, v58  }
0x625: {  	v58 =	vld.idx.msk [tilespmem:v43+s16+$0x0], $0xffff;
	v56 =	vsub.f32 v8, v60;
	v0 =	vadd.f32 v6, v0;
	v2 =	vmul.f32 v2, v2  }
0x626: {  	v49 =	vld.idx.msk [tilespmem:v33+s14+$0x0], $0xffff;
	v10 =	vadd.f32 v47, v62  }
0x627: {  	v59 =	vld.idx.msk [tilespmem:v39+s14+$0x0], $0xffff;
	v6 =	vmul.f32 v56, v56;
	v0 =	vadd.f32 v2, v0;
	v2 =	vsub.f32 v4, v53  }
0x628: {  	v44 =	vadd.f32 v45, v54;
	v60 =	vld.idx.msk [tilespmem:v41+s16+$0x0], $0xffff  }
0x629: {  	v62 =	vld.idx.msk [tilespmem:v37+s14+$0x0], $0xffff;
	v61 =	vsub.f32 v10, v55;
	v0 =	vadd.f32 v6, v0;
	v2 =	vmul.f32 v2, v2  }
0x62a: {  	v8 =	vadd.f32 v42, v57;
	v45 =	vld.idx.msk [tilespmem:v39+s16+$0x0], $0xffff  }
0x62b: {  	v33 =	vld.idx.msk [tilespmem:v19+s14+$0x0], $0xffff;
	v6 =	vmul.f32 v61, v61;
	v0 =	vadd.f32 v2, v0;
	v2 =	vsub.f32 v44, v58  }
0x62c: {  	v47 =	vld.idx.msk [tilespmem:v37+s16+$0x0], $0xffff;
	v4 =	vadd.f32 v40, v59  }
0x62d: {  	v43 =	vld.idx.msk [tilespmem:v11+s14+$0x0], $0xffff;
	v48 =	vsub.f32 v8, v60;
	v0 =	vadd.f32 v6, v0;
	v2 =	vmul.f32 v2, v2  }
0x62e: {  	v51 =	vld.idx.msk [tilespmem:v31+s14+$0x0], $0xffff;
	v10 =	vadd.f32 v38, v62  }
0x62f: {  	v54 =	vld.idx.msk [tilespmem:v29+s14+$0x0], $0xffff;
	v6 =	vmul.f32 v48, v48;
	v0 =	vadd.f32 v2, v0;
	v2 =	vsub.f32 v4, v45  }
0x630: {  	v36 =	vadd.f32 v36, v46;
	v57 =	vld.idx.msk [tilespmem:v29+s16+$0x0], $0xffff  }
0x631: {  	v37 =	vld.idx.msk [tilespmem:v19+s16+$0x0], $0xffff;
	v53 =	vsub.f32 v10, v47;
	v0 =	vadd.f32 v6, v0;
	v2 =	vmul.f32 v2, v2  }
0x632: {  	v55 =	vld.idx.msk [tilespmem:v31+s16+$0x0], $0xffff;
	v8 =	vadd.f32 v34, v49  }
0x633: {  	v56 =	vld.idx.msk [tilespmem:v27+s14+$0x0], $0xffff;
	v6 =	vmul.f32 v53, v53;
	v0 =	vadd.f32 v2, v0;
	v2 =	vsub.f32 v36, v50  }
0x634: {  	v39 =	vld.idx.msk [tilespmem:v17+s16+$0x0], $0xffff;
	v58 =	vsub.f32 v8, v52  }
0x635: {  	v59 =	vld.idx.msk [tilespmem:v25+s14+$0x0], $0xffff;
	v4 =	vadd.f32 v32, v51;
	v0 =	vadd.f32 v6, v0;
	v2 =	vmul.f32 v2, v2  }
0x636: {  	v60 =	vld.idx.msk [tilespmem:v27+s16+$0x0], $0xffff;
	v10 =	vadd.f32 v30, v54  }
0x637: {  	v62 =	vld.idx.msk [tilespmem:v25+s16+$0x0], $0xffff;
	v6 =	vmul.f32 v58, v58;
	v0 =	vadd.f32 v2, v0;
	v2 =	vsub.f32 v4, v55  }
0x638: {  	v61 =	vld.idx.msk [tilespmem:v23+s14+$0x0], $0xffff;
	v28 =	vadd.f32 v28, v56  }
0x639: {  	v31 =	vld.idx.msk [tilespmem:v21+s14+$0x0], $0xffff;
	v30 =	vsub.f32 v10, v57;
	v0 =	vadd.f32 v6, v0;
	v2 =	vmul.f32 v2, v2  }
0x63a: {  	v8 =	vadd.f32 v26, v59;
	v32 =	vld.idx.msk [tilespmem:v23+s16+$0x0], $0xffff  }
0x63b: {  	v41 =	vld.idx.msk [tilespmem:v13+s14+$0x0], $0xffff;
	v6 =	vmul.f32 v30, v30;
	v0 =	vadd.f32 v2, v0;
	v2 =	vsub.f32 v28, v60  }
0x63c: {  	v34 =	vld.idx.msk [tilespmem:v21+s16+$0x0], $0xffff;
	v35 =	vsub.f32 v8, v62  }
0x63d: {  	v36 =	vld.idx.msk [tilespmem:v17+s14+$0x0], $0xffff;
	v4 =	vadd.f32 v24, v61;
	v0 =	vadd.f32 v6, v0;
	v2 =	vmul.f32 v2, v2  }
0x63e: {  	v42 =	vld.idx.msk [tilespmem:v15+s16+$0x0], $0xffff;
	v10 =	vadd.f32 v22, v31  }
0x63f: {  	v46 =	vld.idx.msk [tilespmem:v9+s14+$0x0], $0xffff;
	v6 =	vmul.f32 v35, v35;
	v0 =	vadd.f32 v2, v0;
	v2 =	vsub.f32 v4, v32  }
0x640: {  	v20 =	vadd.f32 v20, v33;
	v38 =	vld.idx.msk [tilespmem:v15+s14+$0x0], $0xffff  }
0x641: {  	v49 =	vld.idx.msk [tilespmem:v9+s16+$0x0], $0xffff;
	v40 =	vsub.f32 v10, v34;
	v0 =	vadd.f32 v6, v0;
	v2 =	vmul.f32 v2, v2  }
0x642: {  	v47 =	vld.idx.msk [tilespmem:v11+s16+$0x0], $0xffff;
	v8 =	vadd.f32 v18, v36  }
0x643: {  	v54 =	vld.idx.msk [tilespmem:v3+s14+$0x0], $0xffff;
	v6 =	vmul.f32 v40, v40;
	v0 =	vadd.f32 v2, v0;
	v2 =	vsub.f32 v20, v37  }
0x644: {  	v44 =	vld.idx.msk [tilespmem:v13+s16+$0x0], $0xffff;
	v45 =	vsub.f32 v8, v39  }
0x645: {  	v52 =	vld [tilespmem:$0x1FE50];
	v4 =	vadd.f32 v16, v38;
	v0 =	vadd.f32 v6, v0;
	v2 =	vmul.f32 v2, v2  }
0x646: {  	v48 =	vld.idx.msk [tilespmem:v7+s14+$0x0], $0xffff;
	v10 =	vadd.f32 v14, v41  }
0x647: {  	v59 =	vld [tilespmem:$0x1FE30];
	v6 =	vmul.f32 v45, v45;
	v0 =	vadd.f32 v2, v0;
	v2 =	vsub.f32 v4, v42  }
0x648: {  	v12 =	vadd.f32 v12, v43;
	v55 =	vld [tilespmem:$0x1FE40]  }
0x649: {  	v51 =	vld.idx.msk [tilespmem:v5+s14+$0x0], $0xffff;
	v50 =	vsub.f32 v10, v44;
	v0 =	vadd.f32 v6, v0;
	v2 =	vmul.f32 v2, v2  }
0x64a: {  	v53 =	vld.idx.msk [tilespmem:v7+s16+$0x0], $0xffff;
	v8 =	vadd.f32 v52, v46  }
0x64b: {  	v56 =	vld.idx.msk [tilespmem:v5+s16+$0x0], $0xffff;
	v6 =	vmul.f32 v50, v50;
	v0 =	vadd.f32 v2, v0;
	v2 =	vsub.f32 v12, v47  }
0x64c: {  	v61 =	vld [tilespmem:$0x1FE20];
	v57 =	vsub.f32 v8, v49  }
0x64d: {  	v58 =	vld.idx.msk [tilespmem:v1+s14+$0x0], $0xffff;
	v4 =	vadd.f32 v55, v48;
	v0 =	vadd.f32 v6, v0;
	v2 =	vmul.f32 v2, v2  }
0x64e: {  	v3 =	vld.idx.msk [tilespmem:v3+s16+$0x0], $0xffff;
	v9 =	vadd.f32 v59, v51  }
0x64f: {  	v60 =	vmul.f32 v57, v57;
	v0 =	vadd.f32 v2, v0;
	v2 =	vsub.f32 v4, v53  }
0x650: {  	v1 =	vld.idx.msk [tilespmem:v1+s16+$0x0], $0xffff;
	v62 =	vsub.f32 v9, v56  }
0x651: {  	v6 =	vadd.f32 v61, v54;
	v0 =	vadd.f32 v60, v0;
	v2 =	vmul.f32 v2, v2  }
0x652: {  	v63 =	vadd.f32 v63, v58  }
0x653: {  	v0 =	vadd.f32 v2, v0;
	v2 =	vsub.f32 v6, v3;
	v3 =	vmul.f32 v62, v62;
	_ =	sdelay $0x1  }
0x654: {  	v1 =	vsub.f32 v63, v1;
	v0 =	vadd.f32 v3, v0;
	v2 =	vmul.f32 v2, v2;
	_ =	sdelay $0x1  }
0x655: {  	v1 =	vmul.f32 v1, v1;
	v0 =	vadd.f32 v2, v0;
	_ =	sdelay $0x1  }
0x656: {  	v0 =	vadd.f32 v1, v0;
	_ =	sdelay $0x1  }
0x657: {  	v1 =	vshra.s32 v0, $0x1;
	v2 =	vmul.f32 $5.000000000e-01, v0  }
0x658: {  	v1 =	vsub.s32 $0x5F3759DF, v1  }
0x659: {  	v3 =	vmul.f32 v1, v2;
	_ =	sdelay $0x1  }
0x65a: {  	v3 =	vmul.f32 v1, v3;
	_ =	sdelay $0x1  }
0x65b: {  	v3 =	vsub.f32 $1.500000000e+00, v3;
	_ =	sdelay $0x1  }
0x65c: {  	v1 =	vmul.f32 v1, v3;
	_ =	sdelay $0x1  }
0x65d: {  	v3 =	vmul.f32 v1, v2;
	_ =	sdelay $0x1  }
0x65e: {  	v3 =	vmul.f32 v3, v1;
	_ =	sdelay $0x1  }
0x65f: {  	v3 =	vsub.f32 $1.500000000e+00, v3;
	_ =	sdelay $0x1  }
0x660: {  	v1 =	vmul.f32 v3, v1;
	_ =	sdelay $0x1  }
0x661: {  	v2 =	vmul.f32 v1, v2;
	_ =	sdelay $0x1  }
0x662: {  	v2 =	vmul.f32 v2, v1;
	_ =	sdelay $0x1  }
0x663: {  	v2 =	vsub.f32 $1.500000000e+00, v2;
	_ =	sdelay $0x1  }
0x664: {  	v1 =	vmul.f32 v2, v1;
	_ =	sdelay $0x1  }
0x665: {  	s0 =	sadd.s32 $0x1, s0;
	v0 =	vmul.f32 v1, v0  }
0x666: {  	s1 =	sadd.s32 $0x10, s1;
	p0 =	sne.s32 s0, s9  }
.Ltmp4:
0x667: {  	[tilespmem:s1+$0x0] =	vst v0;
	(pc) =	sbr.rel @p0 .LBB2_1-.Ltmp4, $4  }
0x668: {  	[hbm4b:s8+s2] =	stream.linear.scatter [tilespmem:s31], [sflag:$0xD], $0x200, $0x38;
	[tilespmem:$0xC800] =	vst v63  }
0x669: {  	_ =	swait.ge [sflag:s10], $0x200  }
0x66a: {  	[sflag:s10] =	ssyncset.done $0x0  }
0x66b: {  	v0 =	vld [tilespmem:$0x1FFF0];
	[sflag:s10] =	ssyncadd.s32 $0xFFFFFE00  }
0x66c: {  	_ =	sfence.sel $0x180000  }
0x66d: {  	[bflag:$0x0] =	sbarrier.arrive $0xFFFF  }
0x66e: {  	_ =	strace $0x90000047  }
0x66f: {  	s0 =	stileid.u32;
	[bflag:$0x2] =	sbarrier.arrive $0xFFFF  }
0x670: {  	p0 =	sne.s32 s0, $0x0;
	s0 =	rddreg [dreg:$0x5]  }
0x671: {  	s0 =	sadd.s32 @!p0 $0x100000, s0  }
0x672: {  	[sflag:s0] =	ssyncadd.tile.s32 @!p0 $0x1;
	_ =	shalt  }
.Lfunc_end2:
_tile_overlayer_lowered:
.L_overlay_start_2:
0x673: {  	(tag) =	ssettag $0x2  }
0x674: {  	s0 =	rddreg [dreg:$0x0];
	s2 =	stileid.u32  }
0x675: {  	s1 =	rddreg [dreg:$0x1];
	p0 =	sne.s32 s2, $0x0  }
0x676: {  	s3 =	rddreg [dreg:$0x2];
	[bflag:$0x3] =	sbarrier.arrive $0xFFFF;
	s2 =	simm.s32 @!p0 $0x1C0D  }
0x677: {  	[timem:s3], [sflag:s2] =	dma.local @!p0 [hbm:s0], s1  }
0x678: {  	s0 =	simm.s32 @!p0 $0xD  }
0x679: {  	_ =	swait.ge @!p0 [sflag:s0], s1  }
0x67a: {  	s1 =	ssub.s32 @!p0 $0x0, s1;
	[sflag:s0] =	ssyncset.done @!p0 $0x0  }
0x67b: {  	[sflag:s0] =	ssyncadd.s32 @!p0 s1  }
0x67c: {  	[bflag:$0x3] =	sbarrier.arrive $0xFFFF  }
0x67d: {  	_ =	shalt  }

</sc_bundles>
